<compile_context>
chip_gen: v7x
topology: tpu7x:2x2x1
jax: 0.10.2.dev20260603
libtpu: 0.0.44.dev20260713+nightly
codegen_flags: <defaults>
</compile_context>

<pallas_src>
import functools

import jax
import jax.numpy as jnp
from jax import lax
from jax.experimental import pallas as pl
from jax.experimental.pallas import tpu as pltpu
from jax.experimental.pallas import tpu_sc as plsc

_N = 10000
_E = 320000
_D = 128
_H = 128
_O = 64

_NC = 2
_NT = 16
_NW = _NC * _NT

_CHUNK = 128
_N_PAD = 10240
_E_PAD = 327680
_CH_T = _E_PAD // (_NT * _CHUNK)
_SCH = 8
_NSCH = _CH_T // _SCH
_ZR = _N_PAD // _NT
_YR = _N // _NT
_WR = _YR // 5

_RB = 2000


def _make_sc_scatter(half, nbuf, kh0, kh1):
  mesh = plsc.VectorSubcoreMesh(core_axis_name="c", subcore_axis_name="s")

  @functools.partial(
      pl.kernel,
      out_type=(jax.ShapeDtypeStruct((_N, 128), jnp.float32),
                jax.ShapeDtypeStruct((_N, half), jnp.float32),
                jax.ShapeDtypeStruct((_N, half), jnp.float32)),
      mesh=mesh,
      compiler_params=pltpu.CompilerParams(use_tc_tiling_on_sc=False),
      scratch_types=[
          pltpu.VMEM((2, _SCH, _CHUNK), jnp.int32),
          pltpu.VMEM((2, _SCH, _CHUNK), jnp.int32),
          [pltpu.VMEM((_CHUNK, half), jnp.float32) for _ in range(nbuf)],
          pltpu.VMEM_SHARED((_N, half), jnp.float32),
          pltpu.VMEM_SHARED((_N_PAD, half), jnp.float32),
          [pltpu.SemaphoreType.DMA for _ in range(nbuf)],
          [pltpu.SemaphoreType.DMA for _ in range(nbuf)],
      ],
  )
  def scat(y_hbm, src_hbm, dst_hbm, z_hbm, out_hbm, yh0_hbm, yh1_hbm,
           src_v, dst_v, bufs, y_v, acc, gsems, ssems):
    c = lax.axis_index("c")
    s = lax.axis_index("s")
    yh = (yh0_hbm, yh1_hbm)
    with jax.named_scope("stage"):
      for cc in range(_NC):
        @pl.when(c == cc)
        def _(cc=cc):
          pltpu.sync_copy(
              y_hbm.at[pl.ds(s * _YR, _YR), pl.ds(cc * half, half)],
              y_v.at[pl.ds(s * _YR, _YR)])
          pltpu.sync_copy(y_v.at[pl.ds(s * _YR, _YR)],
                          yh[cc].at[pl.ds(s * _YR, _YR)])
      pltpu.sync_copy(z_hbm, bufs[0])
      for k in range(_ZR // _CHUNK):
        pltpu.sync_copy(bufs[0], acc.at[pl.ds(s * _ZR + k * _CHUNK, _CHUNK)])
      pltpu.sync_copy(src_hbm.at[pl.ds(s * _CH_T, _SCH)], src_v.at[0])
      pltpu.sync_copy(dst_hbm.at[pl.ds(s * _CH_T, _SCH)], dst_v.at[0])
      plsc.subcore_barrier()

    kh = jnp.where(c == 0, kh0, kh1)

    def g_fire(p, j, b, use_hbm):
      @pl.when(use_hbm)
      def _():
        for cc in range(_NC):
          @pl.when(c == cc)
          def _(cc=cc):
            pltpu.async_copy(yh[cc].at[src_v.at[p, j]], bufs[b], gsems[b])
      @pl.when(jnp.logical_not(use_hbm))
      def _():
        pltpu.async_copy(y_v.at[src_v.at[p, j]], bufs[b], gsems[b])

    def g_wait(p, j, b):
      pltpu.make_async_copy(y_v.at[src_v.at[p, j]], bufs[b], gsems[b]).wait()

    def s_fire(p, j, b):
      pltpu.async_copy(bufs[b], acc.at[dst_v.at[p, j]], ssems[b], add=True)

    def s_wait(p, j, b):
      pltpu.make_async_copy(bufs[b], acc.at[dst_v.at[p, j]], ssems[b]).wait()

    def outer(g, carry):
      p = lax.rem(g, 2)
      use_hbm = g < kh
      for b in range(nbuf):
        @pl.when(g > 0)
        def _(b=b):
          s_wait(1 - p, nbuf + b, b)
        g_fire(p, b, b, use_hbm)
      @pl.when(g + 1 < _NSCH)
      def _():
        base = s * _CH_T + (g + 1) * _SCH
        pltpu.sync_copy(src_hbm.at[pl.ds(base, _SCH)], src_v.at[1 - p])
        pltpu.sync_copy(dst_hbm.at[pl.ds(base, _SCH)], dst_v.at[1 - p])
      for b in range(nbuf):
        g_wait(p, b, b)
        s_fire(p, b, b)
      for b in range(nbuf):
        s_wait(p, b, b)
        g_fire(p, nbuf + b, b, use_hbm)
      for b in range(nbuf):
        g_wait(p, nbuf + b, b)
        s_fire(p, nbuf + b, b)
      return carry

    with jax.named_scope("edge_loop"):
      lax.fori_loop(0, _NSCH, outer, 0)
      p_last = lax.rem(_NSCH - 1, 2)
      for b in range(nbuf):
        s_wait(p_last, nbuf + b, b)
      plsc.subcore_barrier()
    with jax.named_scope("acc_writeout"):
      for k in range(_YR // _WR):
        r = s * _YR + k * _WR
        for cc in range(_NC):
          @pl.when(c == cc)
          def _(cc=cc, r=r):
            pltpu.sync_copy(acc.at[pl.ds(r, _WR)],
                            out_hbm.at[pl.ds(r, _WR), pl.ds(cc * half, half)])

  return scat


_sc_scatter_h = _make_sc_scatter(_H // 2, nbuf=4, kh0=15, kh1=5)
_sc_scatter_o = _make_sc_scatter(_O // 2, nbuf=4, kh0=15, kh1=5)


def _make_sc_degree():
  mesh = plsc.VectorSubcoreMesh(core_axis_name="c", subcore_axis_name="s")

  _CH_W = _E_PAD // (_NW * _CHUNK)

  @functools.partial(
      pl.kernel,
      out_type=jax.ShapeDtypeStruct((_N, 128), jnp.float32),
      mesh=mesh,
      compiler_params=pltpu.CompilerParams(use_tc_tiling_on_sc=False),
      scratch_types=[
          pltpu.VMEM((_E_PAD // (_NW * _CHUNK), _CHUNK), jnp.int32),
          pltpu.VMEM((_CHUNK, 16), jnp.float32),
          pltpu.VMEM((_CHUNK, 16), jnp.float32),
          pltpu.VMEM_SHARED((_N_PAD, 16), jnp.float32),
      ],
  )
  def degk(dst_hbm, ones_hbm, z_hbm, out_hbm, dst_v, ones_v, z_v, acc):
    c = lax.axis_index("c")
    s = lax.axis_index("s")
    row0 = (c * _NT + s) * _CH_W
    pltpu.sync_copy(dst_hbm.at[pl.ds(row0, _CH_W)], dst_v)
    pltpu.sync_copy(ones_hbm, ones_v)
    pltpu.sync_copy(z_hbm, z_v)
    for k in range(_ZR // _CHUNK):
      pltpu.sync_copy(z_v, acc.at[pl.ds(s * _ZR + k * _CHUNK, _CHUNK)])
    plsc.subcore_barrier()

    def step(j, carry):
      pltpu.sync_copy(ones_v, acc.at[dst_v.at[j]], add=True)
      return carry

    lax.fori_loop(0, _CH_W, step, 0)
    plsc.subcore_barrier()
    for k in range(_YR // _WR):
      r = s * _YR + k * _WR
      for cc in range(_NC):
        @pl.when(c == cc)
        def _(cc=cc, r=r):
          pltpu.sync_copy(acc.at[pl.ds(r, _WR)],
                          out_hbm.at[pl.ds(r, _WR), pl.ds(cc * 16, 16)])

  return degk


_sc_degree = _make_sc_degree()


def _mm_body(x_ref, w_ref, o_ref):
  o_ref[...] = jnp.dot(x_ref[...], w_ref[...],
                       preferred_element_type=jnp.float32)


def _scale1_body(dp_ref, xw_ref, dinv_ref, y_ref):
  dp = dp_ref[...]
  deg = dp[:, 0:1] + dp[:, 16:17] + 1.0
  dinv = lax.rsqrt(deg)
  dinv_ref[...] = dinv
  y_ref[...] = xw_ref[...] * dinv


def _layer2_body(a_ref, xw_ref, dinv_ref, b1_ref, w2_ref, y2_ref):
  dinv = dinv_ref[...]
  h = dinv * a_ref[...] + (dinv * dinv) * xw_ref[...]
  h = jnp.maximum(h + b1_ref[...], 0.0)
  z = jnp.dot(h, w2_ref[...], preferred_element_type=jnp.float32)
  y2_ref[...] = jnp.concatenate([dinv * z, jnp.zeros_like(z)], axis=1)


def _final_body(a_ref, y2_ref, dinv_ref, b2_ref, o_ref):
  o = dinv_ref[...] * (a_ref[...][:, :_O] + y2_ref[...][:, :_O]) + b2_ref[...]
  m = jnp.max(o, axis=1, keepdims=True)
  lse = jnp.log(jnp.sum(jnp.exp(o - m), axis=1, keepdims=True)) + m
  o_ref[...] = o - lse


def _rows(shape):
  return pl.BlockSpec(shape, lambda i: (i, 0))


def kernel(x, edge_index, W1, b1, W2, b2):
  src = edge_index[0].astype(jnp.int32)
  dst = edge_index[1].astype(jnp.int32)
  pad = _E_PAD - _E
  src2d = jnp.concatenate([src, jnp.zeros((pad,), jnp.int32)]).reshape(-1, _CHUNK)
  dst2d = jnp.concatenate([dst, jnp.full((pad,), _N, jnp.int32)]).reshape(-1, _CHUNK)

  z_h = jnp.zeros((_CHUNK, _H // 2), jnp.float32)
  z_o = jnp.zeros((_CHUNK, _O // 2), jnp.float32)
  z16 = jnp.zeros((_CHUNK, 16), jnp.float32)
  ones16 = jnp.ones((_CHUNK, 16), jnp.float32)

  grid = (_N // _RB,)

  degp = _sc_degree(dst2d, ones16, z16)

  xw1 = pl.pallas_call(
      _mm_body, grid=grid,
      in_specs=[_rows((_RB, _D)), pl.BlockSpec((_D, _H), lambda i: (0, 0))],
      out_specs=_rows((_RB, _H)),
      out_shape=jax.ShapeDtypeStruct((_N, _H), jnp.float32),
  )(x, W1)

  dinv, y1 = pl.pallas_call(
      _scale1_body, grid=grid,
      in_specs=[_rows((_RB, 128)), _rows((_RB, _H))],
      out_specs=(_rows((_RB, 1)), _rows((_RB, _H))),
      out_shape=(jax.ShapeDtypeStruct((_N, 1), jnp.float32),
                 jax.ShapeDtypeStruct((_N, _H), jnp.float32)),
  )(degp, xw1)

  acc1, _, _ = _sc_scatter_h(y1, src2d, dst2d, z_h)

  y2buf = pl.pallas_call(
      _layer2_body, grid=grid,
      in_specs=[_rows((_RB, _H)), _rows((_RB, _H)),
                _rows((_RB, 1)), pl.BlockSpec((1, _H), lambda i: (0, 0)),
                pl.BlockSpec((_H, _O), lambda i: (0, 0))],
      out_specs=_rows((_RB, 128)),
      out_shape=jax.ShapeDtypeStruct((_N, 128), jnp.float32),
  )(acc1, xw1, dinv, b1.reshape(1, _H), W2)

  acc2, _, _ = _sc_scatter_o(y2buf, src2d, dst2d, z_o)

  out = pl.pallas_call(
      _final_body, grid=grid,
      in_specs=[_rows((_RB, 128)), _rows((_RB, 128)),
                _rows((_RB, 1)), pl.BlockSpec((1, _O), lambda i: (0, 0))],
      out_specs=_rows((_RB, _O)),
      out_shape=jax.ShapeDtypeStruct((_N, _O), jnp.float32),
  )(acc2, y2buf, dinv, b2.reshape(1, _O))
  return out

# --- scband reference (transcript-rebuilt; emitter-appended) ---
"""Pipeline reference for scband-gnn-86105504350421 (READ-ONLY COPY).

The authoritative reference and input builder live on the scoring server;
editing this copy changes nothing except your own understanding.
"""

import jax, jax.numpy as jnp
import numpy as np

N = 10000
E = 320000
D = 128
H = 128
O = 64


def setup_inputs(seed: int = 0) -> dict:
    key = jax.random.key(seed)
    k1, k2, k3, k4 = jax.random.split(key, 4)
    x = jax.random.normal(k1, (N, D), dtype=jnp.float32)
    edge_index = jax.random.randint(k2, (2, E), 0, N)
    W1 = jax.random.normal(k3, (D, H), dtype=jnp.float32) * 0.05
    b1 = jnp.zeros((H,), dtype=jnp.float32)
    W2 = jax.random.normal(k4, (H, O), dtype=jnp.float32) * 0.05
    b2 = jnp.zeros((O,), dtype=jnp.float32)
    return {"x": x, "edge_index": edge_index, "W1": W1, "b1": b1, "W2": W2, "b2": b2}


def gcn_conv(x, edge_index, W, b):
    # GCNConv: add self-loops, symmetric normalization D^-1/2 (A+I) D^-1/2, then X W + b
    n = x.shape[0]
    loops = jnp.arange(n, dtype=edge_index.dtype)
    src = jnp.concatenate([edge_index[0], loops])
    dst = jnp.concatenate([edge_index[1], loops])
    deg = jnp.zeros((n,), dtype=x.dtype).at[dst].add(1.0)
    dinv = jnp.where(deg > 0, 1.0 / jnp.sqrt(deg), 0.0)
    norm = dinv[src] * dinv[dst]
    xw = x @ W
    msg = xw[src] * norm[:, None]
    out = jnp.zeros((n, W.shape[1]), dtype=x.dtype).at[dst].add(msg)
    return out + b


def reference(x, edge_index, W1, b1, W2, b2):
    h = jax.nn.relu(gcn_conv(x, edge_index, W1, b1))
    # F.dropout with training=False (eval mode) is identity
    out = gcn_conv(h, edge_index, W2, b2)
    return jax.nn.log_softmax(out, axis=1)

if __name__ == "__main__":
    import jax
    _d = setup_inputs()
    print(jax.jit(kernel)(*tuple(_d.values())))

</pallas_src>

<mosaic_0001>
#map = affine_map<(d0, d1) -> (0, 0)>
module attributes {stable_mosaic.version = 14 : i64} {
  func.func @degk(%arg0: i32, %arg1: i32, %arg2: memref<2560x128xi32, #tpu.memory_space<hbm>>, %arg3: memref<128x16xf32, #tpu.memory_space<hbm>>, %arg4: memref<128x16xf32, #tpu.memory_space<hbm>>, %arg5: memref<10000x128xf32, #tpu.memory_space<hbm>>, %arg6: memref<80x128xi32, #tpu.memory_space<vmem>>, %arg7: memref<128x16xf32, #tpu.memory_space<vmem>>, %arg8: memref<128x16xf32, #tpu.memory_space<vmem>>, %arg9: memref<10240x16xf32, #tpu.memory_space<vmem_shared>>) attributes {dimension_semantics = [#tpu.dimension_semantics<core_parallel>, #tpu.dimension_semantics<subcore_parallel>], iteration_bounds = array<i64: 2, 16>, scalar_prefetch = 0 : i64, scratch_operands = 4 : i64, tpu.core_type = #tpu.core_type<sc_vector_subcore>, window_params = [{transform_indices = #map}, {transform_indices = #map}, {transform_indices = #map}, {transform_indices = #map}]} {
    %mul3A = arith.constant 16 : i32
    %mul3A_0 = arith.muli %arg0, %mul3A : i32
    %add3A = arith.addi %mul3A_0, %arg1 : i32
    %mul3A_1 = arith.constant 80 : i32
    %mul3A_2 = arith.muli %add3A, %mul3A_1 : i32
    "tpu.region"() ({
      %run_scoped3A = tpu.sem_alloc : memref<!tpu.dma_semaphore, #tpu.memory_space<semaphore_mem>>
      %dma_start3A = arith.constant 0 : i32
      %dma_start3A_96 = tpu.memref_slice %arg2[%mul3A_2, %dma_start3A] : memref<2560x128xi32, #tpu.memory_space<hbm>> -> memref<80x128xi32, #tpu.memory_space<hbm>>
      %dma_start3A_97 = arith.constant 0 : i32
      %dma_start3A_98 = tpu.memref_slice %arg2[%mul3A_2, %dma_start3A_97] : memref<2560x128xi32, #tpu.memory_space<hbm>> -> memref<80x128xi32, #tpu.memory_space<hbm>>
      tpu.enqueue_dma source(%dma_start3A_98 : memref<80x128xi32, #tpu.memory_space<hbm>>) target(%arg6 : memref<80x128xi32, #tpu.memory_space<vmem>>) target_semaphore(%run_scoped3A : memref<!tpu.dma_semaphore, #tpu.memory_space<semaphore_mem>>)
      %dma_wait3A = arith.constant 0 : i32
      %dma_wait3A_99 = tpu.memref_slice %arg2[%mul3A_2, %dma_wait3A] : memref<2560x128xi32, #tpu.memory_space<hbm>> -> memref<80x128xi32, #tpu.memory_space<hbm>>
      %dma_wait3A_100 = arith.constant 0 : i32
      %dma_wait3A_101 = tpu.memref_slice %arg2[%mul3A_2, %dma_wait3A_100] : memref<2560x128xi32, #tpu.memory_space<hbm>> -> memref<80x128xi32, #tpu.memory_space<hbm>>
      tpu.wait_dma2 semaphore(%run_scoped3A : memref<!tpu.dma_semaphore, #tpu.memory_space<semaphore_mem>>) src(%dma_wait3A_101 : memref<80x128xi32, #tpu.memory_space<hbm>>) dst(%arg6 : memref<80x128xi32, #tpu.memory_space<vmem>>)
      tpu.yield
    }) : () -> ()
    "tpu.region"() ({
      %run_scoped3A = tpu.sem_alloc : memref<!tpu.dma_semaphore, #tpu.memory_space<semaphore_mem>>
      tpu.enqueue_dma source(%arg3 : memref<128x16xf32, #tpu.memory_space<hbm>>) target(%arg7 : memref<128x16xf32, #tpu.memory_space<vmem>>) target_semaphore(%run_scoped3A : memref<!tpu.dma_semaphore, #tpu.memory_space<semaphore_mem>>)
      tpu.wait_dma2 semaphore(%run_scoped3A : memref<!tpu.dma_semaphore, #tpu.memory_space<semaphore_mem>>) src(%arg3 : memref<128x16xf32, #tpu.memory_space<hbm>>) dst(%arg7 : memref<128x16xf32, #tpu.memory_space<vmem>>)
      tpu.yield
    }) : () -> ()
    "tpu.region"() ({
      %run_scoped3A = tpu.sem_alloc : memref<!tpu.dma_semaphore, #tpu.memory_space<semaphore_mem>>
      tpu.enqueue_dma source(%arg4 : memref<128x16xf32, #tpu.memory_space<hbm>>) target(%arg8 : memref<128x16xf32, #tpu.memory_space<vmem>>) target_semaphore(%run_scoped3A : memref<!tpu.dma_semaphore, #tpu.memory_space<semaphore_mem>>)
      tpu.wait_dma2 semaphore(%run_scoped3A : memref<!tpu.dma_semaphore, #tpu.memory_space<semaphore_mem>>) src(%arg4 : memref<128x16xf32, #tpu.memory_space<hbm>>) dst(%arg8 : memref<128x16xf32, #tpu.memory_space<vmem>>)
      tpu.yield
    }) : () -> ()
    %mul3A_3 = arith.constant 640 : i32
    %mul3A_4 = arith.muli %arg1, %mul3A_3 : i32
    %add3A_5 = arith.constant 0 : i32
    %add3A_6 = arith.addi %mul3A_4, %add3A_5 : i32
    "tpu.region"() ({
      %run_scoped3A = tpu.sem_alloc : memref<!tpu.dma_semaphore, #tpu.memory_space<semaphore_mem>>
      %dma_start3A = arith.constant 0 : i32
      %dma_start3A_96 = tpu.memref_slice %arg9[%add3A_6, %dma_start3A] : memref<10240x16xf32, #tpu.memory_space<vmem_shared>> -> memref<128x16xf32, #tpu.memory_space<vmem_shared>>
      %dma_start3A_97 = arith.constant 0 : i32
      %dma_start3A_98 = tpu.memref_slice %arg9[%add3A_6, %dma_start3A_97] : memref<10240x16xf32, #tpu.memory_space<vmem_shared>> -> memref<128x16xf32, #tpu.memory_space<vmem_shared>>
      tpu.enqueue_dma source(%arg8 : memref<128x16xf32, #tpu.memory_space<vmem>>) target(%dma_start3A_98 : memref<128x16xf32, #tpu.memory_space<vmem_shared>>) target_semaphore(%run_scoped3A : memref<!tpu.dma_semaphore, #tpu.memory_space<semaphore_mem>>)
      %dma_wait3A = arith.constant 0 : i32
      %dma_wait3A_99 = tpu.memref_slice %arg9[%add3A_6, %dma_wait3A] : memref<10240x16xf32, #tpu.memory_space<vmem_shared>> -> memref<128x16xf32, #tpu.memory_space<vmem_shared>>
      %dma_wait3A_100 = arith.constant 0 : i32
      %dma_wait3A_101 = tpu.memref_slice %arg9[%add3A_6, %dma_wait3A_100] : memref<10240x16xf32, #tpu.memory_space<vmem_shared>> -> memref<128x16xf32, #tpu.memory_space<vmem_shared>>
      tpu.wait_dma2 semaphore(%run_scoped3A : memref<!tpu.dma_semaphore, #tpu.memory_space<semaphore_mem>>) src(%arg8 : memref<128x16xf32, #tpu.memory_space<vmem>>) dst(%dma_wait3A_101 : memref<128x16xf32, #tpu.memory_space<vmem_shared>>)
      tpu.yield
    }) : () -> ()
    %mul3A_7 = arith.constant 640 : i32
    %mul3A_8 = arith.muli %arg1, %mul3A_7 : i32
    %add3A_9 = arith.constant 128 : i32
    %add3A_10 = arith.addi %mul3A_8, %add3A_9 : i32
    "tpu.region"() ({
      %run_scoped3A = tpu.sem_alloc : memref<!tpu.dma_semaphore, #tpu.memory_space<semaphore_mem>>
      %dma_start3A = arith.constant 0 : i32
      %dma_start3A_96 = tpu.memref_slice %arg9[%add3A_10, %dma_start3A] : memref<10240x16xf32, #tpu.memory_space<vmem_shared>> -> memref<128x16xf32, #tpu.memory_space<vmem_shared>>
      %dma_start3A_97 = arith.constant 0 : i32
      %dma_start3A_98 = tpu.memref_slice %arg9[%add3A_10, %dma_start3A_97] : memref<10240x16xf32, #tpu.memory_space<vmem_shared>> -> memref<128x16xf32, #tpu.memory_space<vmem_shared>>
      tpu.enqueue_dma source(%arg8 : memref<128x16xf32, #tpu.memory_space<vmem>>) target(%dma_start3A_98 : memref<128x16xf32, #tpu.memory_space<vmem_shared>>) target_semaphore(%run_scoped3A : memref<!tpu.dma_semaphore, #tpu.memory_space<semaphore_mem>>)
      %dma_wait3A = arith.constant 0 : i32
      %dma_wait3A_99 = tpu.memref_slice %arg9[%add3A_10, %dma_wait3A] : memref<10240x16xf32, #tpu.memory_space<vmem_shared>> -> memref<128x16xf32, #tpu.memory_space<vmem_shared>>
      %dma_wait3A_100 = arith.constant 0 : i32
      %dma_wait3A_101 = tpu.memref_slice %arg9[%add3A_10, %dma_wait3A_100] : memref<10240x16xf32, #tpu.memory_space<vmem_shared>> -> memref<128x16xf32, #tpu.memory_space<vmem_shared>>
      tpu.wait_dma2 semaphore(%run_scoped3A : memref<!tpu.dma_semaphore, #tpu.memory_space<semaphore_mem>>) src(%arg8 : memref<128x16xf32, #tpu.memory_space<vmem>>) dst(%dma_wait3A_101 : memref<128x16xf32, #tpu.memory_space<vmem_shared>>)
      tpu.yield
    }) : () -> ()
    %mul3A_11 = arith.constant 640 : i32
    %mul3A_12 = arith.muli %arg1, %mul3A_11 : i32
    %add3A_13 = arith.constant 256 : i32
    %add3A_14 = arith.addi %mul3A_12, %add3A_13 : i32
    "tpu.region"() ({
      %run_scoped3A = tpu.sem_alloc : memref<!tpu.dma_semaphore, #tpu.memory_space<semaphore_mem>>
      %dma_start3A = arith.constant 0 : i32
      %dma_start3A_96 = tpu.memref_slice %arg9[%add3A_14, %dma_start3A] : memref<10240x16xf32, #tpu.memory_space<vmem_shared>> -> memref<128x16xf32, #tpu.memory_space<vmem_shared>>
      %dma_start3A_97 = arith.constant 0 : i32
      %dma_start3A_98 = tpu.memref_slice %arg9[%add3A_14, %dma_start3A_97] : memref<10240x16xf32, #tpu.memory_space<vmem_shared>> -> memref<128x16xf32, #tpu.memory_space<vmem_shared>>
      tpu.enqueue_dma source(%arg8 : memref<128x16xf32, #tpu.memory_space<vmem>>) target(%dma_start3A_98 : memref<128x16xf32, #tpu.memory_space<vmem_shared>>) target_semaphore(%run_scoped3A : memref<!tpu.dma_semaphore, #tpu.memory_space<semaphore_mem>>)
      %dma_wait3A = arith.constant 0 : i32
      %dma_wait3A_99 = tpu.memref_slice %arg9[%add3A_14, %dma_wait3A] : memref<10240x16xf32, #tpu.memory_space<vmem_shared>> -> memref<128x16xf32, #tpu.memory_space<vmem_shared>>
      %dma_wait3A_100 = arith.constant 0 : i32
      %dma_wait3A_101 = tpu.memref_slice %arg9[%add3A_14, %dma_wait3A_100] : memref<10240x16xf32, #tpu.memory_space<vmem_shared>> -> memref<128x16xf32, #tpu.memory_space<vmem_shared>>
      tpu.wait_dma2 semaphore(%run_scoped3A : memref<!tpu.dma_semaphore, #tpu.memory_space<semaphore_mem>>) src(%arg8 : memref<128x16xf32, #tpu.memory_space<vmem>>) dst(%dma_wait3A_101 : memref<128x16xf32, #tpu.memory_space<vmem_shared>>)
      tpu.yield
    }) : () -> ()
    %mul3A_15 = arith.constant 640 : i32
    %mul3A_16 = arith.muli %arg1, %mul3A_15 : i32
    %add3A_17 = arith.constant 384 : i32
    %add3A_18 = arith.addi %mul3A_16, %add3A_17 : i32
    "tpu.region"() ({
      %run_scoped3A = tpu.sem_alloc : memref<!tpu.dma_semaphore, #tpu.memory_space<semaphore_mem>>
      %dma_start3A = arith.constant 0 : i32
      %dma_start3A_96 = tpu.memref_slice %arg9[%add3A_18, %dma_start3A] : memref<10240x16xf32, #tpu.memory_space<vmem_shared>> -> memref<128x16xf32, #tpu.memory_space<vmem_shared>>
      %dma_start3A_97 = arith.constant 0 : i32
      %dma_start3A_98 = tpu.memref_slice %arg9[%add3A_18, %dma_start3A_97] : memref<10240x16xf32, #tpu.memory_space<vmem_shared>> -> memref<128x16xf32, #tpu.memory_space<vmem_shared>>
      tpu.enqueue_dma source(%arg8 : memref<128x16xf32, #tpu.memory_space<vmem>>) target(%dma_start3A_98 : memref<128x16xf32, #tpu.memory_space<vmem_shared>>) target_semaphore(%run_scoped3A : memref<!tpu.dma_semaphore, #tpu.memory_space<semaphore_mem>>)
      %dma_wait3A = arith.constant 0 : i32
      %dma_wait3A_99 = tpu.memref_slice %arg9[%add3A_18, %dma_wait3A] : memref<10240x16xf32, #tpu.memory_space<vmem_shared>> -> memref<128x16xf32, #tpu.memory_space<vmem_shared>>
      %dma_wait3A_100 = arith.constant 0 : i32
      %dma_wait3A_101 = tpu.memref_slice %arg9[%add3A_18, %dma_wait3A_100] : memref<10240x16xf32, #tpu.memory_space<vmem_shared>> -> memref<128x16xf32, #tpu.memory_space<vmem_shared>>
      tpu.wait_dma2 semaphore(%run_scoped3A : memref<!tpu.dma_semaphore, #tpu.memory_space<semaphore_mem>>) src(%arg8 : memref<128x16xf32, #tpu.memory_space<vmem>>) dst(%dma_wait3A_101 : memref<128x16xf32, #tpu.memory_space<vmem_shared>>)
      tpu.yield
    }) : () -> ()
    %mul3A_19 = arith.constant 640 : i32
    %mul3A_20 = arith.muli %arg1, %mul3A_19 : i32
    %add3A_21 = arith.constant 512 : i32
    %add3A_22 = arith.addi %mul3A_20, %add3A_21 : i32
    "tpu.region"() ({
      %run_scoped3A = tpu.sem_alloc : memref<!tpu.dma_semaphore, #tpu.memory_space<semaphore_mem>>
      %dma_start3A = arith.constant 0 : i32
      %dma_start3A_96 = tpu.memref_slice %arg9[%add3A_22, %dma_start3A] : memref<10240x16xf32, #tpu.memory_space<vmem_shared>> -> memref<128x16xf32, #tpu.memory_space<vmem_shared>>
      %dma_start3A_97 = arith.constant 0 : i32
      %dma_start3A_98 = tpu.memref_slice %arg9[%add3A_22, %dma_start3A_97] : memref<10240x16xf32, #tpu.memory_space<vmem_shared>> -> memref<128x16xf32, #tpu.memory_space<vmem_shared>>
      tpu.enqueue_dma source(%arg8 : memref<128x16xf32, #tpu.memory_space<vmem>>) target(%dma_start3A_98 : memref<128x16xf32, #tpu.memory_space<vmem_shared>>) target_semaphore(%run_scoped3A : memref<!tpu.dma_semaphore, #tpu.memory_space<semaphore_mem>>)
      %dma_wait3A = arith.constant 0 : i32
      %dma_wait3A_99 = tpu.memref_slice %arg9[%add3A_22, %dma_wait3A] : memref<10240x16xf32, #tpu.memory_space<vmem_shared>> -> memref<128x16xf32, #tpu.memory_space<vmem_shared>>
      %dma_wait3A_100 = arith.constant 0 : i32
      %dma_wait3A_101 = tpu.memref_slice %arg9[%add3A_22, %dma_wait3A_100] : memref<10240x16xf32, #tpu.memory_space<vmem_shared>> -> memref<128x16xf32, #tpu.memory_space<vmem_shared>>
      tpu.wait_dma2 semaphore(%run_scoped3A : memref<!tpu.dma_semaphore, #tpu.memory_space<semaphore_mem>>) src(%arg8 : memref<128x16xf32, #tpu.memory_space<vmem>>) dst(%dma_wait3A_101 : memref<128x16xf32, #tpu.memory_space<vmem_shared>>)
      tpu.yield
    }) : () -> ()
    %barrier3A = arith.constant 0 : index
    tpu.barrier barrier_id(%barrier3A)
    %scan3A = arith.constant 0 : i32
    %scan3A_23 = arith.constant 0 : i32
    %scan3A_24 = arith.constant 80 : i32
    %scan3A_25 = arith.addi %scan3A_23, %scan3A_24 : i32
    %scan3A_26 = arith.constant 1 : i32
    scf.for %scan3A_96 = %scan3A_23 to %scan3A_25 step %scan3A_26  : i32 {
      "tpu.region"() ({
        %run_scoped3A = tpu.sem_alloc : memref<!tpu.dma_semaphore, #tpu.memory_space<semaphore_mem>>
        %dma_start3A = arith.constant 0 : i32
        %dma_start3A_97 = tpu.memref_slice %arg6[%scan3A_96, %dma_start3A] : memref<80x128xi32, #tpu.memory_space<vmem>> -> memref<1x128xi32, #tpu.memory_space<vmem>>
        %dma_start3A_98 = tpu.memref_squeeze %dma_start3A_97 : memref<1x128xi32, #tpu.memory_space<vmem>> -> memref<128xi32, #tpu.memory_space<vmem>>
        %dma_start3A_99 = arith.constant 0 : i32
        %dma_start3A_100 = arith.constant 0 : i32
        %dma_start3A_101 = tpu.memref_slice %arg9[%dma_start3A_99, %dma_start3A_100] : memref<10240x16xf32, #tpu.memory_space<vmem_shared>> -> memref<10240x16xf32, #tpu.memory_space<vmem_shared>>
        tpu.enqueue_indirect_dma source(%arg7 : memref<128x16xf32, #tpu.memory_space<vmem>>) target(%dma_start3A_101 : memref<10240x16xf32, #tpu.memory_space<vmem_shared>>) offsets(%dma_start3A_98 : memref<128xi32, #tpu.memory_space<vmem>>) semaphore(%run_scoped3A : memref<!tpu.dma_semaphore, #tpu.memory_space<semaphore_mem>>) {add = true}
        %dma_wait3A = arith.constant 0 : i32
        %dma_wait3A_102 = tpu.memref_slice %arg6[%scan3A_96, %dma_wait3A] : memref<80x128xi32, #tpu.memory_space<vmem>> -> memref<1x128xi32, #tpu.memory_space<vmem>>
        %dma_wait3A_103 = tpu.memref_squeeze %dma_wait3A_102 : memref<1x128xi32, #tpu.memory_space<vmem>> -> memref<128xi32, #tpu.memory_space<vmem>>
        %dma_wait3A_104 = arith.constant 0 : i32
        %dma_wait3A_105 = arith.constant 0 : i32
        %dma_wait3A_106 = tpu.memref_slice %arg9[%dma_wait3A_104, %dma_wait3A_105] : memref<10240x16xf32, #tpu.memory_space<vmem_shared>> -> memref<10240x16xf32, #tpu.memory_space<vmem_shared>>
        tpu.wait_indirect_dma semaphore(%run_scoped3A : memref<!tpu.dma_semaphore, #tpu.memory_space<semaphore_mem>>) src(%arg7 : memref<128x16xf32, #tpu.memory_space<vmem>>) dst(%dma_wait3A_106 : memref<10240x16xf32, #tpu.memory_space<vmem_shared>>)
        tpu.yield
      }) : () -> ()
    }
    %scan3A_27 = arith.constant 80 : i32
    %barrier3A_28 = arith.constant 0 : index
    tpu.barrier barrier_id(%barrier3A_28)
    %mul3A_29 = arith.constant 625 : i32
    %mul3A_30 = arith.muli %arg1, %mul3A_29 : i32
    %add3A_31 = arith.constant 0 : i32
    %add3A_32 = arith.addi %mul3A_30, %add3A_31 : i32
    %eq3A = arith.constant 0 : i32
    %eq3A_33 = arith.cmpi eq, %arg0, %eq3A : i32
    %convert_element_type3A = arith.extui %eq3A_33 : i1 to i32
    %cond3A = arith.constant 0 : i32
    %cond3A_34 = arith.cmpi ne, %convert_element_type3A, %cond3A : i32
    scf.if %cond3A_34 {
      "tpu.region"() ({
        %run_scoped3A = tpu.sem_alloc : memref<!tpu.dma_semaphore, #tpu.memory_space<semaphore_mem>>
        %dma_start3A = arith.constant 0 : i32
        %dma_start3A_96 = tpu.memref_slice %arg5[%add3A_32, %dma_start3A] : memref<10000x128xf32, #tpu.memory_space<hbm>> -> memref<125x16xf32, #tpu.memory_space<hbm>>
        %dma_start3A_97 = arith.constant 0 : i32
        %dma_start3A_98 = tpu.memref_slice %arg9[%add3A_32, %dma_start3A_97] : memref<10240x16xf32, #tpu.memory_space<vmem_shared>> -> memref<125x16xf32, #tpu.memory_space<vmem_shared>>
        tpu.enqueue_dma source(%dma_start3A_98 : memref<125x16xf32, #tpu.memory_space<vmem_shared>>) target(%dma_start3A_96 : memref<125x16xf32, #tpu.memory_space<hbm>>) target_semaphore(%run_scoped3A : memref<!tpu.dma_semaphore, #tpu.memory_space<semaphore_mem>>)
        %dma_wait3A = arith.constant 0 : i32
        %dma_wait3A_99 = tpu.memref_slice %arg5[%add3A_32, %dma_wait3A] : memref<10000x128xf32, #tpu.memory_space<hbm>> -> memref<125x16xf32, #tpu.memory_space<hbm>>
        %dma_wait3A_100 = arith.constant 0 : i32
        %dma_wait3A_101 = tpu.memref_slice %arg9[%add3A_32, %dma_wait3A_100] : memref<10240x16xf32, #tpu.memory_space<vmem_shared>> -> memref<125x16xf32, #tpu.memory_space<vmem_shared>>
        tpu.wait_dma2 semaphore(%run_scoped3A : memref<!tpu.dma_semaphore, #tpu.memory_space<semaphore_mem>>) src(%dma_wait3A_101 : memref<125x16xf32, #tpu.memory_space<vmem_shared>>) dst(%dma_wait3A_99 : memref<125x16xf32, #tpu.memory_space<hbm>>)
        tpu.yield
      }) : () -> ()
    } else {
    }
    %eq3A_35 = arith.constant 1 : i32
    %eq3A_36 = arith.cmpi eq, %arg0, %eq3A_35 : i32
    %convert_element_type3A_37 = arith.extui %eq3A_36 : i1 to i32
    %cond3A_38 = arith.constant 0 : i32
    %cond3A_39 = arith.cmpi ne, %convert_element_type3A_37, %cond3A_38 : i32
    scf.if %cond3A_39 {
      "tpu.region"() ({
        %run_scoped3A = tpu.sem_alloc : memref<!tpu.dma_semaphore, #tpu.memory_space<semaphore_mem>>
        %dma_start3A = arith.constant 16 : i32
        %dma_start3A_96 = tpu.memref_slice %arg5[%add3A_32, %dma_start3A] : memref<10000x128xf32, #tpu.memory_space<hbm>> -> memref<125x16xf32, #tpu.memory_space<hbm>>
        %dma_start3A_97 = arith.constant 0 : i32
        %dma_start3A_98 = tpu.memref_slice %arg9[%add3A_32, %dma_start3A_97] : memref<10240x16xf32, #tpu.memory_space<vmem_shared>> -> memref<125x16xf32, #tpu.memory_space<vmem_shared>>
        tpu.enqueue_dma source(%dma_start3A_98 : memref<125x16xf32, #tpu.memory_space<vmem_shared>>) target(%dma_start3A_96 : memref<125x16xf32, #tpu.memory_space<hbm>>) target_semaphore(%run_scoped3A : memref<!tpu.dma_semaphore, #tpu.memory_space<semaphore_mem>>)
        %dma_wait3A = arith.constant 16 : i32
        %dma_wait3A_99 = tpu.memref_slice %arg5[%add3A_32, %dma_wait3A] : memref<10000x128xf32, #tpu.memory_space<hbm>> -> memref<125x16xf32, #tpu.memory_space<hbm>>
        %dma_wait3A_100 = arith.constant 0 : i32
        %dma_wait3A_101 = tpu.memref_slice %arg9[%add3A_32, %dma_wait3A_100] : memref<10240x16xf32, #tpu.memory_space<vmem_shared>> -> memref<125x16xf32, #tpu.memory_space<vmem_shared>>
        tpu.wait_dma2 semaphore(%run_scoped3A : memref<!tpu.dma_semaphore, #tpu.memory_space<semaphore_mem>>) src(%dma_wait3A_101 : memref<125x16xf32, #tpu.memory_space<vmem_shared>>) dst(%dma_wait3A_99 : memref<125x16xf32, #tpu.memory_space<hbm>>)
        tpu.yield
      }) : () -> ()
    } else {
    }
    %mul3A_40 = arith.constant 625 : i32
    %mul3A_41 = arith.muli %arg1, %mul3A_40 : i32
    %add3A_42 = arith.constant 125 : i32
    %add3A_43 = arith.addi %mul3A_41, %add3A_42 : i32
    %eq3A_44 = arith.constant 0 : i32
    %eq3A_45 = arith.cmpi eq, %arg0, %eq3A_44 : i32
    %convert_element_type3A_46 = arith.extui %eq3A_45 : i1 to i32
    %cond3A_47 = arith.constant 0 : i32
    %cond3A_48 = arith.cmpi ne, %convert_element_type3A_46, %cond3A_47 : i32
    scf.if %cond3A_48 {
      "tpu.region"() ({
        %run_scoped3A = tpu.sem_alloc : memref<!tpu.dma_semaphore, #tpu.memory_space<semaphore_mem>>
        %dma_start3A = arith.constant 0 : i32
        %dma_start3A_96 = tpu.memref_slice %arg5[%add3A_43, %dma_start3A] : memref<10000x128xf32, #tpu.memory_space<hbm>> -> memref<125x16xf32, #tpu.memory_space<hbm>>
        %dma_start3A_97 = arith.constant 0 : i32
        %dma_start3A_98 = tpu.memref_slice %arg9[%add3A_43, %dma_start3A_97] : memref<10240x16xf32, #tpu.memory_space<vmem_shared>> -> memref<125x16xf32, #tpu.memory_space<vmem_shared>>
        tpu.enqueue_dma source(%dma_start3A_98 : memref<125x16xf32, #tpu.memory_space<vmem_shared>>) target(%dma_start3A_96 : memref<125x16xf32, #tpu.memory_space<hbm>>) target_semaphore(%run_scoped3A : memref<!tpu.dma_semaphore, #tpu.memory_space<semaphore_mem>>)
        %dma_wait3A = arith.constant 0 : i32
        %dma_wait3A_99 = tpu.memref_slice %arg5[%add3A_43, %dma_wait3A] : memref<10000x128xf32, #tpu.memory_space<hbm>> -> memref<125x16xf32, #tpu.memory_space<hbm>>
        %dma_wait3A_100 = arith.constant 0 : i32
        %dma_wait3A_101 = tpu.memref_slice %arg9[%add3A_43, %dma_wait3A_100] : memref<10240x16xf32, #tpu.memory_space<vmem_shared>> -> memref<125x16xf32, #tpu.memory_space<vmem_shared>>
        tpu.wait_dma2 semaphore(%run_scoped3A : memref<!tpu.dma_semaphore, #tpu.memory_space<semaphore_mem>>) src(%dma_wait3A_101 : memref<125x16xf32, #tpu.memory_space<vmem_shared>>) dst(%dma_wait3A_99 : memref<125x16xf32, #tpu.memory_space<hbm>>)
        tpu.yield
      }) : () -> ()
    } else {
    }
    %eq3A_49 = arith.constant 1 : i32
    %eq3A_50 = arith.cmpi eq, %arg0, %eq3A_49 : i32
    %convert_element_type3A_51 = arith.extui %eq3A_50 : i1 to i32
    %cond3A_52 = arith.constant 0 : i32
    %cond3A_53 = arith.cmpi ne, %convert_element_type3A_51, %cond3A_52 : i32
    scf.if %cond3A_53 {
      "tpu.region"() ({
        %run_scoped3A = tpu.sem_alloc : memref<!tpu.dma_semaphore, #tpu.memory_space<semaphore_mem>>
        %dma_start3A = arith.constant 16 : i32
        %dma_start3A_96 = tpu.memref_slice %arg5[%add3A_43, %dma_start3A] : memref<10000x128xf32, #tpu.memory_space<hbm>> -> memref<125x16xf32, #tpu.memory_space<hbm>>
        %dma_start3A_97 = arith.constant 0 : i32
        %dma_start3A_98 = tpu.memref_slice %arg9[%add3A_43, %dma_start3A_97] : memref<10240x16xf32, #tpu.memory_space<vmem_shared>> -> memref<125x16xf32, #tpu.memory_space<vmem_shared>>
        tpu.enqueue_dma source(%dma_start3A_98 : memref<125x16xf32, #tpu.memory_space<vmem_shared>>) target(%dma_start3A_96 : memref<125x16xf32, #tpu.memory_space<hbm>>) target_semaphore(%run_scoped3A : memref<!tpu.dma_semaphore, #tpu.memory_space<semaphore_mem>>)
        %dma_wait3A = arith.constant 16 : i32
        %dma_wait3A_99 = tpu.memref_slice %arg5[%add3A_43, %dma_wait3A] : memref<10000x128xf32, #tpu.memory_space<hbm>> -> memref<125x16xf32, #tpu.memory_space<hbm>>
        %dma_wait3A_100 = arith.constant 0 : i32
        %dma_wait3A_101 = tpu.memref_slice %arg9[%add3A_43, %dma_wait3A_100] : memref<10240x16xf32, #tpu.memory_space<vmem_shared>> -> memref<125x16xf32, #tpu.memory_space<vmem_shared>>
        tpu.wait_dma2 semaphore(%run_scoped3A : memref<!tpu.dma_semaphore, #tpu.memory_space<semaphore_mem>>) src(%dma_wait3A_101 : memref<125x16xf32, #tpu.memory_space<vmem_shared>>) dst(%dma_wait3A_99 : memref<125x16xf32, #tpu.memory_space<hbm>>)
        tpu.yield
      }) : () -> ()
    } else {
    }
    %mul3A_54 = arith.constant 625 : i32
    %mul3A_55 = arith.muli %arg1, %mul3A_54 : i32
    %add3A_56 = arith.constant 250 : i32
    %add3A_57 = arith.addi %mul3A_55, %add3A_56 : i32
    %eq3A_58 = arith.constant 0 : i32
    %eq3A_59 = arith.cmpi eq, %arg0, %eq3A_58 : i32
    %convert_element_type3A_60 = arith.extui %eq3A_59 : i1 to i32
    %cond3A_61 = arith.constant 0 : i32
    %cond3A_62 = arith.cmpi ne, %convert_element_type3A_60, %cond3A_61 : i32
    scf.if %cond3A_62 {
      "tpu.region"() ({
        %run_scoped3A = tpu.sem_alloc : memref<!tpu.dma_semaphore, #tpu.memory_space<semaphore_mem>>
        %dma_start3A = arith.constant 0 : i32
        %dma_start3A_96 = tpu.memref_slice %arg5[%add3A_57, %dma_start3A] : memref<10000x128xf32, #tpu.memory_space<hbm>> -> memref<125x16xf32, #tpu.memory_space<hbm>>
        %dma_start3A_97 = arith.constant 0 : i32
        %dma_start3A_98 = tpu.memref_slice %arg9[%add3A_57, %dma_start3A_97] : memref<10240x16xf32, #tpu.memory_space<vmem_shared>> -> memref<125x16xf32, #tpu.memory_space<vmem_shared>>
        tpu.enqueue_dma source(%dma_start3A_98 : memref<125x16xf32, #tpu.memory_space<vmem_shared>>) target(%dma_start3A_96 : memref<125x16xf32, #tpu.memory_space<hbm>>) target_semaphore(%run_scoped3A : memref<!tpu.dma_semaphore, #tpu.memory_space<semaphore_mem>>)
        %dma_wait3A = arith.constant 0 : i32
        %dma_wait3A_99 = tpu.memref_slice %arg5[%add3A_57, %dma_wait3A] : memref<10000x128xf32, #tpu.memory_space<hbm>> -> memref<125x16xf32, #tpu.memory_space<hbm>>
        %dma_wait3A_100 = arith.constant 0 : i32
        %dma_wait3A_101 = tpu.memref_slice %arg9[%add3A_57, %dma_wait3A_100] : memref<10240x16xf32, #tpu.memory_space<vmem_shared>> -> memref<125x16xf32, #tpu.memory_space<vmem_shared>>
        tpu.wait_dma2 semaphore(%run_scoped3A : memref<!tpu.dma_semaphore, #tpu.memory_space<semaphore_mem>>) src(%dma_wait3A_101 : memref<125x16xf32, #tpu.memory_space<vmem_shared>>) dst(%dma_wait3A_99 : memref<125x16xf32, #tpu.memory_space<hbm>>)
        tpu.yield
      }) : () -> ()
    } else {
    }
    %eq3A_63 = arith.constant 1 : i32
    %eq3A_64 = arith.cmpi eq, %arg0, %eq3A_63 : i32
    %convert_element_type3A_65 = arith.extui %eq3A_64 : i1 to i32
    %cond3A_66 = arith.constant 0 : i32
    %cond3A_67 = arith.cmpi ne, %convert_element_type3A_65, %cond3A_66 : i32
    scf.if %cond3A_67 {
      "tpu.region"() ({
        %run_scoped3A = tpu.sem_alloc : memref<!tpu.dma_semaphore, #tpu.memory_space<semaphore_mem>>
        %dma_start3A = arith.constant 16 : i32
        %dma_start3A_96 = tpu.memref_slice %arg5[%add3A_57, %dma_start3A] : memref<10000x128xf32, #tpu.memory_space<hbm>> -> memref<125x16xf32, #tpu.memory_space<hbm>>
        %dma_start3A_97 = arith.constant 0 : i32
        %dma_start3A_98 = tpu.memref_slice %arg9[%add3A_57, %dma_start3A_97] : memref<10240x16xf32, #tpu.memory_space<vmem_shared>> -> memref<125x16xf32, #tpu.memory_space<vmem_shared>>
        tpu.enqueue_dma source(%dma_start3A_98 : memref<125x16xf32, #tpu.memory_space<vmem_shared>>) target(%dma_start3A_96 : memref<125x16xf32, #tpu.memory_space<hbm>>) target_semaphore(%run_scoped3A : memref<!tpu.dma_semaphore, #tpu.memory_space<semaphore_mem>>)
        %dma_wait3A = arith.constant 16 : i32
        %dma_wait3A_99 = tpu.memref_slice %arg5[%add3A_57, %dma_wait3A] : memref<10000x128xf32, #tpu.memory_space<hbm>> -> memref<125x16xf32, #tpu.memory_space<hbm>>
        %dma_wait3A_100 = arith.constant 0 : i32
        %dma_wait3A_101 = tpu.memref_slice %arg9[%add3A_57, %dma_wait3A_100] : memref<10240x16xf32, #tpu.memory_space<vmem_shared>> -> memref<125x16xf32, #tpu.memory_space<vmem_shared>>
        tpu.wait_dma2 semaphore(%run_scoped3A : memref<!tpu.dma_semaphore, #tpu.memory_space<semaphore_mem>>) src(%dma_wait3A_101 : memref<125x16xf32, #tpu.memory_space<vmem_shared>>) dst(%dma_wait3A_99 : memref<125x16xf32, #tpu.memory_space<hbm>>)
        tpu.yield
      }) : () -> ()
    } else {
    }
    %mul3A_68 = arith.constant 625 : i32
    %mul3A_69 = arith.muli %arg1, %mul3A_68 : i32
    %add3A_70 = arith.constant 375 : i32
    %add3A_71 = arith.addi %mul3A_69, %add3A_70 : i32
    %eq3A_72 = arith.constant 0 : i32
    %eq3A_73 = arith.cmpi eq, %arg0, %eq3A_72 : i32
    %convert_element_type3A_74 = arith.extui %eq3A_73 : i1 to i32
    %cond3A_75 = arith.constant 0 : i32
    %cond3A_76 = arith.cmpi ne, %convert_element_type3A_74, %cond3A_75 : i32
    scf.if %cond3A_76 {
      "tpu.region"() ({
        %run_scoped3A = tpu.sem_alloc : memref<!tpu.dma_semaphore, #tpu.memory_space<semaphore_mem>>
        %dma_start3A = arith.constant 0 : i32
        %dma_start3A_96 = tpu.memref_slice %arg5[%add3A_71, %dma_start3A] : memref<10000x128xf32, #tpu.memory_space<hbm>> -> memref<125x16xf32, #tpu.memory_space<hbm>>
        %dma_start3A_97 = arith.constant 0 : i32
        %dma_start3A_98 = tpu.memref_slice %arg9[%add3A_71, %dma_start3A_97] : memref<10240x16xf32, #tpu.memory_space<vmem_shared>> -> memref<125x16xf32, #tpu.memory_space<vmem_shared>>
        tpu.enqueue_dma source(%dma_start3A_98 : memref<125x16xf32, #tpu.memory_space<vmem_shared>>) target(%dma_start3A_96 : memref<125x16xf32, #tpu.memory_space<hbm>>) target_semaphore(%run_scoped3A : memref<!tpu.dma_semaphore, #tpu.memory_space<semaphore_mem>>)
        %dma_wait3A = arith.constant 0 : i32
        %dma_wait3A_99 = tpu.memref_slice %arg5[%add3A_71, %dma_wait3A] : memref<10000x128xf32, #tpu.memory_space<hbm>> -> memref<125x16xf32, #tpu.memory_space<hbm>>
        %dma_wait3A_100 = arith.constant 0 : i32
        %dma_wait3A_101 = tpu.memref_slice %arg9[%add3A_71, %dma_wait3A_100] : memref<10240x16xf32, #tpu.memory_space<vmem_shared>> -> memref<125x16xf32, #tpu.memory_space<vmem_shared>>
        tpu.wait_dma2 semaphore(%run_scoped3A : memref<!tpu.dma_semaphore, #tpu.memory_space<semaphore_mem>>) src(%dma_wait3A_101 : memref<125x16xf32, #tpu.memory_space<vmem_shared>>) dst(%dma_wait3A_99 : memref<125x16xf32, #tpu.memory_space<hbm>>)
        tpu.yield
      }) : () -> ()
    } else {
    }
    %eq3A_77 = arith.constant 1 : i32
    %eq3A_78 = arith.cmpi eq, %arg0, %eq3A_77 : i32
    %convert_element_type3A_79 = arith.extui %eq3A_78 : i1 to i32
    %cond3A_80 = arith.constant 0 : i32
    %cond3A_81 = arith.cmpi ne, %convert_element_type3A_79, %cond3A_80 : i32
    scf.if %cond3A_81 {
      "tpu.region"() ({
        %run_scoped3A = tpu.sem_alloc : memref<!tpu.dma_semaphore, #tpu.memory_space<semaphore_mem>>
        %dma_start3A = arith.constant 16 : i32
        %dma_start3A_96 = tpu.memref_slice %arg5[%add3A_71, %dma_start3A] : memref<10000x128xf32, #tpu.memory_space<hbm>> -> memref<125x16xf32, #tpu.memory_space<hbm>>
        %dma_start3A_97 = arith.constant 0 : i32
        %dma_start3A_98 = tpu.memref_slice %arg9[%add3A_71, %dma_start3A_97] : memref<10240x16xf32, #tpu.memory_space<vmem_shared>> -> memref<125x16xf32, #tpu.memory_space<vmem_shared>>
        tpu.enqueue_dma source(%dma_start3A_98 : memref<125x16xf32, #tpu.memory_space<vmem_shared>>) target(%dma_start3A_96 : memref<125x16xf32, #tpu.memory_space<hbm>>) target_semaphore(%run_scoped3A : memref<!tpu.dma_semaphore, #tpu.memory_space<semaphore_mem>>)
        %dma_wait3A = arith.constant 16 : i32
        %dma_wait3A_99 = tpu.memref_slice %arg5[%add3A_71, %dma_wait3A] : memref<10000x128xf32, #tpu.memory_space<hbm>> -> memref<125x16xf32, #tpu.memory_space<hbm>>
        %dma_wait3A_100 = arith.constant 0 : i32
        %dma_wait3A_101 = tpu.memref_slice %arg9[%add3A_71, %dma_wait3A_100] : memref<10240x16xf32, #tpu.memory_space<vmem_shared>> -> memref<125x16xf32, #tpu.memory_space<vmem_shared>>
        tpu.wait_dma2 semaphore(%run_scoped3A : memref<!tpu.dma_semaphore, #tpu.memory_space<semaphore_mem>>) src(%dma_wait3A_101 : memref<125x16xf32, #tpu.memory_space<vmem_shared>>) dst(%dma_wait3A_99 : memref<125x16xf32, #tpu.memory_space<hbm>>)
        tpu.yield
      }) : () -> ()
    } else {
    }
    %mul3A_82 = arith.constant 625 : i32
    %mul3A_83 = arith.muli %arg1, %mul3A_82 : i32
    %add3A_84 = arith.constant 500 : i32
    %add3A_85 = arith.addi %mul3A_83, %add3A_84 : i32
    %eq3A_86 = arith.constant 0 : i32
    %eq3A_87 = arith.cmpi eq, %arg0, %eq3A_86 : i32
    %convert_element_type3A_88 = arith.extui %eq3A_87 : i1 to i32
    %cond3A_89 = arith.constant 0 : i32
    %cond3A_90 = arith.cmpi ne, %convert_element_type3A_88, %cond3A_89 : i32
    scf.if %cond3A_90 {
      "tpu.region"() ({
        %run_scoped3A = tpu.sem_alloc : memref<!tpu.dma_semaphore, #tpu.memory_space<semaphore_mem>>
        %dma_start3A = arith.constant 0 : i32
        %dma_start3A_96 = tpu.memref_slice %arg5[%add3A_85, %dma_start3A] : memref<10000x128xf32, #tpu.memory_space<hbm>> -> memref<125x16xf32, #tpu.memory_space<hbm>>
        %dma_start3A_97 = arith.constant 0 : i32
        %dma_start3A_98 = tpu.memref_slice %arg9[%add3A_85, %dma_start3A_97] : memref<10240x16xf32, #tpu.memory_space<vmem_shared>> -> memref<125x16xf32, #tpu.memory_space<vmem_shared>>
        tpu.enqueue_dma source(%dma_start3A_98 : memref<125x16xf32, #tpu.memory_space<vmem_shared>>) target(%dma_start3A_96 : memref<125x16xf32, #tpu.memory_space<hbm>>) target_semaphore(%run_scoped3A : memref<!tpu.dma_semaphore, #tpu.memory_space<semaphore_mem>>)
        %dma_wait3A = arith.constant 0 : i32
        %dma_wait3A_99 = tpu.memref_slice %arg5[%add3A_85, %dma_wait3A] : memref<10000x128xf32, #tpu.memory_space<hbm>> -> memref<125x16xf32, #tpu.memory_space<hbm>>
        %dma_wait3A_100 = arith.constant 0 : i32
        %dma_wait3A_101 = tpu.memref_slice %arg9[%add3A_85, %dma_wait3A_100] : memref<10240x16xf32, #tpu.memory_space<vmem_shared>> -> memref<125x16xf32, #tpu.memory_space<vmem_shared>>
        tpu.wait_dma2 semaphore(%run_scoped3A : memref<!tpu.dma_semaphore, #tpu.memory_space<semaphore_mem>>) src(%dma_wait3A_101 : memref<125x16xf32, #tpu.memory_space<vmem_shared>>) dst(%dma_wait3A_99 : memref<125x16xf32, #tpu.memory_space<hbm>>)
        tpu.yield
      }) : () -> ()
    } else {
    }
    %eq3A_91 = arith.constant 1 : i32
    %eq3A_92 = arith.cmpi eq, %arg0, %eq3A_91 : i32
    %convert_element_type3A_93 = arith.extui %eq3A_92 : i1 to i32
    %cond3A_94 = arith.constant 0 : i32
    %cond3A_95 = arith.cmpi ne, %convert_element_type3A_93, %cond3A_94 : i32
    scf.if %cond3A_95 {
      "tpu.region"() ({
        %run_scoped3A = tpu.sem_alloc : memref<!tpu.dma_semaphore, #tpu.memory_space<semaphore_mem>>
        %dma_start3A = arith.constant 16 : i32
        %dma_start3A_96 = tpu.memref_slice %arg5[%add3A_85, %dma_start3A] : memref<10000x128xf32, #tpu.memory_space<hbm>> -> memref<125x16xf32, #tpu.memory_space<hbm>>
        %dma_start3A_97 = arith.constant 0 : i32
        %dma_start3A_98 = tpu.memref_slice %arg9[%add3A_85, %dma_start3A_97] : memref<10240x16xf32, #tpu.memory_space<vmem_shared>> -> memref<125x16xf32, #tpu.memory_space<vmem_shared>>
        tpu.enqueue_dma source(%dma_start3A_98 : memref<125x16xf32, #tpu.memory_space<vmem_shared>>) target(%dma_start3A_96 : memref<125x16xf32, #tpu.memory_space<hbm>>) target_semaphore(%run_scoped3A : memref<!tpu.dma_semaphore, #tpu.memory_space<semaphore_mem>>)
        %dma_wait3A = arith.constant 16 : i32
        %dma_wait3A_99 = tpu.memref_slice %arg5[%add3A_85, %dma_wait3A] : memref<10000x128xf32, #tpu.memory_space<hbm>> -> memref<125x16xf32, #tpu.memory_space<hbm>>
        %dma_wait3A_100 = arith.constant 0 : i32
        %dma_wait3A_101 = tpu.memref_slice %arg9[%add3A_85, %dma_wait3A_100] : memref<10240x16xf32, #tpu.memory_space<vmem_shared>> -> memref<125x16xf32, #tpu.memory_space<vmem_shared>>
        tpu.wait_dma2 semaphore(%run_scoped3A : memref<!tpu.dma_semaphore, #tpu.memory_space<semaphore_mem>>) src(%dma_wait3A_101 : memref<125x16xf32, #tpu.memory_space<vmem_shared>>) dst(%dma_wait3A_99 : memref<125x16xf32, #tpu.memory_space<hbm>>)
        tpu.yield
      }) : () -> ()
    } else {
    }
    return
  }
}

#map = affine_map<(d0, d1) -> (0, 0)>
module attributes {stable_mosaic.version = 14 : i64} {
  func.func @scat(%arg0: i32, %arg1: i32, %arg2: memref<10000x128xf32, #tpu.memory_space<hbm>>, %arg3: memref<2560x128xi32, #tpu.memory_space<hbm>>, %arg4: memref<2560x128xi32, #tpu.memory_space<hbm>>, %arg5: memref<128x32xf32, #tpu.memory_space<hbm>>, %arg6: memref<10000x128xf32, #tpu.memory_space<hbm>>, %arg7: memref<10000x32xf32, #tpu.memory_space<hbm>>, %arg8: memref<10000x32xf32, #tpu.memory_space<hbm>>, %arg9: memref<2x8x128xi32, #tpu.memory_space<vmem>>, %arg10: memref<2x8x128xi32, #tpu.memory_space<vmem>>, %arg11: memref<128x32xf32, #tpu.memory_space<vmem>>, %arg12: memref<128x32xf32, #tpu.memory_space<vmem>>, %arg13: memref<128x32xf32, #tpu.memory_space<vmem>>, %arg14: memref<128x32xf32, #tpu.memory_space<vmem>>, %arg15: memref<10000x32xf32, #tpu.memory_space<vmem_shared>>, %arg16: memref<10240x32xf32, #tpu.memory_space<vmem_shared>>, %arg17: memref<!tpu.dma_semaphore, #tpu.memory_space<semaphore_mem>>, %arg18: memref<!tpu.dma_semaphore, #tpu.memory_space<semaphore_mem>>, %arg19: memref<!tpu.dma_semaphore, #tpu.memory_space<semaphore_mem>>, %arg20: memref<!tpu.dma_semaphore, #tpu.memory_space<semaphore_mem>>, %arg21: memref<!tpu.dma_semaphore, #tpu.memory_space<semaphore_mem>>, %arg22: memref<!tpu.dma_semaphore, #tpu.memory_space<semaphore_mem>>, %arg23: memref<!tpu.dma_semaphore, #tpu.memory_space<semaphore_mem>>, %arg24: memref<!tpu.dma_semaphore, #tpu.memory_space<semaphore_mem>>) attributes {dimension_semantics = [#tpu.dimension_semantics<core_parallel>, #tpu.dimension_semantics<subcore_parallel>], iteration_bounds = array<i64: 2, 16>, scalar_prefetch = 0 : i64, scratch_operands = 16 : i64, tpu.core_type = #tpu.core_type<sc_vector_subcore>, window_params = [{transform_indices = #map}, {transform_indices = #map}, {transform_indices = #map}, {transform_indices = #map}, {transform_indices = #map}, {transform_indices = #map}, {transform_indices = #map}]} {
    %eq3A = arith.constant 0 : i32
    "tpu.trace_start"() <{level = 10 : i32, message = "stage"}> : () -> ()
    %eq3A_0 = arith.cmpi eq, %arg0, %eq3A : i32
    %convert_element_type3A = arith.extui %eq3A_0 : i1 to i32
    %cond3A = arith.constant 0 : i32
    %cond3A_1 = arith.cmpi ne, %convert_element_type3A, %cond3A : i32
    scf.if %cond3A_1 {
      %mul3A_138 = arith.constant 625 : i32
      %mul3A_139 = arith.muli %arg1, %mul3A_138 : i32
      %mul3A_140 = arith.constant 625 : i32
      %mul3A_141 = arith.muli %arg1, %mul3A_140 : i32
      "tpu.region"() ({
        %run_scoped3A_146 = tpu.sem_alloc : memref<!tpu.dma_semaphore, #tpu.memory_space<semaphore_mem>>
        %dma_start3A = arith.constant 0 : i32
        %dma_start3A_147 = tpu.memref_slice %arg15[%mul3A_141, %dma_start3A] : memref<10000x32xf32, #tpu.memory_space<vmem_shared>> -> memref<625x32xf32, #tpu.memory_space<vmem_shared>>
        %dma_start3A_148 = arith.constant 0 : i32
        %dma_start3A_149 = tpu.memref_slice %arg2[%mul3A_139, %dma_start3A_148] : memref<10000x128xf32, #tpu.memory_space<hbm>> -> memref<625x32xf32, #tpu.memory_space<hbm>>
        tpu.enqueue_dma source(%dma_start3A_149 : memref<625x32xf32, #tpu.memory_space<hbm>>) target(%dma_start3A_147 : memref<625x32xf32, #tpu.memory_space<vmem_shared>>) target_semaphore(%run_scoped3A_146 : memref<!tpu.dma_semaphore, #tpu.memory_space<semaphore_mem>>)
        %dma_wait3A_150 = arith.constant 0 : i32
        %dma_wait3A_151 = tpu.memref_slice %arg15[%mul3A_141, %dma_wait3A_150] : memref<10000x32xf32, #tpu.memory_space<vmem_shared>> -> memref<625x32xf32, #tpu.memory_space<vmem_shared>>
        %dma_wait3A_152 = arith.constant 0 : i32
        %dma_wait3A_153 = tpu.memref_slice %arg2[%mul3A_139, %dma_wait3A_152] : memref<10000x128xf32, #tpu.memory_space<hbm>> -> memref<625x32xf32, #tpu.memory_space<hbm>>
        tpu.wait_dma2 semaphore(%run_scoped3A_146 : memref<!tpu.dma_semaphore, #tpu.memory_space<semaphore_mem>>) src(%dma_wait3A_153 : memref<625x32xf32, #tpu.memory_space<hbm>>) dst(%dma_wait3A_151 : memref<625x32xf32, #tpu.memory_space<vmem_shared>>)
        tpu.yield
      }) : () -> ()
      %mul3A_142 = arith.constant 625 : i32
      %mul3A_143 = arith.muli %arg1, %mul3A_142 : i32
      %mul3A_144 = arith.constant 625 : i32
      %mul3A_145 = arith.muli %arg1, %mul3A_144 : i32
      "tpu.region"() ({
        %run_scoped3A_146 = tpu.sem_alloc : memref<!tpu.dma_semaphore, #tpu.memory_space<semaphore_mem>>
        %dma_start3A = arith.constant 0 : i32
        %dma_start3A_147 = tpu.memref_slice %arg7[%mul3A_145, %dma_start3A] : memref<10000x32xf32, #tpu.memory_space<hbm>> -> memref<625x32xf32, #tpu.memory_space<hbm>>
        %dma_start3A_148 = arith.constant 0 : i32
        %dma_start3A_149 = tpu.memref_slice %arg15[%mul3A_143, %dma_start3A_148] : memref<10000x32xf32, #tpu.memory_space<vmem_shared>> -> memref<625x32xf32, #tpu.memory_space<vmem_shared>>
        tpu.enqueue_dma source(%dma_start3A_149 : memref<625x32xf32, #tpu.memory_space<vmem_shared>>) target(%dma_start3A_147 : memref<625x32xf32, #tpu.memory_space<hbm>>) target_semaphore(%run_scoped3A_146 : memref<!tpu.dma_semaphore, #tpu.memory_space<semaphore_mem>>)
        %dma_wait3A_150 = arith.constant 0 : i32
        %dma_wait3A_151 = tpu.memref_slice %arg7[%mul3A_145, %dma_wait3A_150] : memref<10000x32xf32, #tpu.memory_space<hbm>> -> memref<625x32xf32, #tpu.memory_space<hbm>>
        %dma_wait3A_152 = arith.constant 0 : i32
        %dma_wait3A_153 = tpu.memref_slice %arg15[%mul3A_143, %dma_wait3A_152] : memref<10000x32xf32, #tpu.memory_space<vmem_shared>> -> memref<625x32xf32, #tpu.memory_space<vmem_shared>>
        tpu.wait_dma2 semaphore(%run_scoped3A_146 : memref<!tpu.dma_semaphore, #tpu.memory_space<semaphore_mem>>) src(%dma_wait3A_153 : memref<625x32xf32, #tpu.memory_space<vmem_shared>>) dst(%dma_wait3A_151 : memref<625x32xf32, #tpu.memory_space<hbm>>)
        tpu.yield
      }) : () -> ()
    } else {
    }
    %eq3A_2 = arith.constant 1 : i32
    %eq3A_3 = arith.cmpi eq, %arg0, %eq3A_2 : i32
    %convert_element_type3A_4 = arith.extui %eq3A_3 : i1 to i32
    %cond3A_5 = arith.constant 0 : i32
    %cond3A_6 = arith.cmpi ne, %convert_element_type3A_4, %cond3A_5 : i32
    scf.if %cond3A_6 {
      %mul3A_138 = arith.constant 625 : i32
      %mul3A_139 = arith.muli %arg1, %mul3A_138 : i32
      %mul3A_140 = arith.constant 625 : i32
      %mul3A_141 = arith.muli %arg1, %mul3A_140 : i32
      "tpu.region"() ({
        %run_scoped3A_146 = tpu.sem_alloc : memref<!tpu.dma_semaphore, #tpu.memory_space<semaphore_mem>>
        %dma_start3A = arith.constant 0 : i32
        %dma_start3A_147 = tpu.memref_slice %arg15[%mul3A_141, %dma_start3A] : memref<10000x32xf32, #tpu.memory_space<vmem_shared>> -> memref<625x32xf32, #tpu.memory_space<vmem_shared>>
        %dma_start3A_148 = arith.constant 32 : i32
        %dma_start3A_149 = tpu.memref_slice %arg2[%mul3A_139, %dma_start3A_148] : memref<10000x128xf32, #tpu.memory_space<hbm>> -> memref<625x32xf32, #tpu.memory_space<hbm>>
        tpu.enqueue_dma source(%dma_start3A_149 : memref<625x32xf32, #tpu.memory_space<hbm>>) target(%dma_start3A_147 : memref<625x32xf32, #tpu.memory_space<vmem_shared>>) target_semaphore(%run_scoped3A_146 : memref<!tpu.dma_semaphore, #tpu.memory_space<semaphore_mem>>)
        %dma_wait3A_150 = arith.constant 0 : i32
        %dma_wait3A_151 = tpu.memref_slice %arg15[%mul3A_141, %dma_wait3A_150] : memref<10000x32xf32, #tpu.memory_space<vmem_shared>> -> memref<625x32xf32, #tpu.memory_space<vmem_shared>>
        %dma_wait3A_152 = arith.constant 32 : i32
        %dma_wait3A_153 = tpu.memref_slice %arg2[%mul3A_139, %dma_wait3A_152] : memref<10000x128xf32, #tpu.memory_space<hbm>> -> memref<625x32xf32, #tpu.memory_space<hbm>>
        tpu.wait_dma2 semaphore(%run_scoped3A_146 : memref<!tpu.dma_semaphore, #tpu.memory_space<semaphore_mem>>) src(%dma_wait3A_153 : memref<625x32xf32, #tpu.memory_space<hbm>>) dst(%dma_wait3A_151 : memref<625x32xf32, #tpu.memory_space<vmem_shared>>)
        tpu.yield
      }) : () -> ()
      %mul3A_142 = arith.constant 625 : i32
      %mul3A_143 = arith.muli %arg1, %mul3A_142 : i32
      %mul3A_144 = arith.constant 625 : i32
      %mul3A_145 = arith.muli %arg1, %mul3A_144 : i32
      "tpu.region"() ({
        %run_scoped3A_146 = tpu.sem_alloc : memref<!tpu.dma_semaphore, #tpu.memory_space<semaphore_mem>>
        %dma_start3A = arith.constant 0 : i32
        %dma_start3A_147 = tpu.memref_slice %arg8[%mul3A_145, %dma_start3A] : memref<10000x32xf32, #tpu.memory_space<hbm>> -> memref<625x32xf32, #tpu.memory_space<hbm>>
        %dma_start3A_148 = arith.constant 0 : i32
        %dma_start3A_149 = tpu.memref_slice %arg15[%mul3A_143, %dma_start3A_148] : memref<10000x32xf32, #tpu.memory_space<vmem_shared>> -> memref<625x32xf32, #tpu.memory_space<vmem_shared>>
        tpu.enqueue_dma source(%dma_start3A_149 : memref<625x32xf32, #tpu.memory_space<vmem_shared>>) target(%dma_start3A_147 : memref<625x32xf32, #tpu.memory_space<hbm>>) target_semaphore(%run_scoped3A_146 : memref<!tpu.dma_semaphore, #tpu.memory_space<semaphore_mem>>)
        %dma_wait3A_150 = arith.constant 0 : i32
        %dma_wait3A_151 = tpu.memref_slice %arg8[%mul3A_145, %dma_wait3A_150] : memref<10000x32xf32, #tpu.memory_space<hbm>> -> memref<625x32xf32, #tpu.memory_space<hbm>>
        %dma_wait3A_152 = arith.constant 0 : i32
        %dma_wait3A_153 = tpu.memref_slice %arg15[%mul3A_143, %dma_wait3A_152] : memref<10000x32xf32, #tpu.memory_space<vmem_shared>> -> memref<625x32xf32, #tpu.memory_space<vmem_shared>>
        tpu.wait_dma2 semaphore(%run_scoped3A_146 : memref<!tpu.dma_semaphore, #tpu.memory_space<semaphore_mem>>) src(%dma_wait3A_153 : memref<625x32xf32, #tpu.memory_space<vmem_shared>>) dst(%dma_wait3A_151 : memref<625x32xf32, #tpu.memory_space<hbm>>)
        tpu.yield
      }) : () -> ()
    } else {
    }
    "tpu.region"() ({
      %run_scoped3A_138 = tpu.sem_alloc : memref<!tpu.dma_semaphore, #tpu.memory_space<semaphore_mem>>
      tpu.enqueue_dma source(%arg5 : memref<128x32xf32, #tpu.memory_space<hbm>>) target(%arg11 : memref<128x32xf32, #tpu.memory_space<vmem>>) target_semaphore(%run_scoped3A_138 : memref<!tpu.dma_semaphore, #tpu.memory_space<semaphore_mem>>)
      tpu.wait_dma2 semaphore(%run_scoped3A_138 : memref<!tpu.dma_semaphore, #tpu.memory_space<semaphore_mem>>) src(%arg5 : memref<128x32xf32, #tpu.memory_space<hbm>>) dst(%arg11 : memref<128x32xf32, #tpu.memory_space<vmem>>)
      tpu.yield
    }) : () -> ()
    %mul3A = arith.constant 640 : i32
    %mul3A_7 = arith.muli %arg1, %mul3A : i32
    %add3A = arith.constant 0 : i32
    %add3A_8 = arith.addi %mul3A_7, %add3A : i32
    "tpu.region"() ({
      %run_scoped3A_138 = tpu.sem_alloc : memref<!tpu.dma_semaphore, #tpu.memory_space<semaphore_mem>>
      %dma_start3A = arith.constant 0 : i32
      %dma_start3A_139 = tpu.memref_slice %arg16[%add3A_8, %dma_start3A] : memref<10240x32xf32, #tpu.memory_space<vmem_shared>> -> memref<128x32xf32, #tpu.memory_space<vmem_shared>>
      %dma_start3A_140 = arith.constant 0 : i32
      %dma_start3A_141 = tpu.memref_slice %arg16[%add3A_8, %dma_start3A_140] : memref<10240x32xf32, #tpu.memory_space<vmem_shared>> -> memref<128x32xf32, #tpu.memory_space<vmem_shared>>
      tpu.enqueue_dma source(%arg11 : memref<128x32xf32, #tpu.memory_space<vmem>>) target(%dma_start3A_141 : memref<128x32xf32, #tpu.memory_space<vmem_shared>>) target_semaphore(%run_scoped3A_138 : memref<!tpu.dma_semaphore, #tpu.memory_space<semaphore_mem>>)
      %dma_wait3A_142 = arith.constant 0 : i32
      %dma_wait3A_143 = tpu.memref_slice %arg16[%add3A_8, %dma_wait3A_142] : memref<10240x32xf32, #tpu.memory_space<vmem_shared>> -> memref<128x32xf32, #tpu.memory_space<vmem_shared>>
      %dma_wait3A_144 = arith.constant 0 : i32
      %dma_wait3A_145 = tpu.memref_slice %arg16[%add3A_8, %dma_wait3A_144] : memref<10240x32xf32, #tpu.memory_space<vmem_shared>> -> memref<128x32xf32, #tpu.memory_space<vmem_shared>>
      tpu.wait_dma2 semaphore(%run_scoped3A_138 : memref<!tpu.dma_semaphore, #tpu.memory_space<semaphore_mem>>) src(%arg11 : memref<128x32xf32, #tpu.memory_space<vmem>>) dst(%dma_wait3A_145 : memref<128x32xf32, #tpu.memory_space<vmem_shared>>)
      tpu.yield
    }) : () -> ()
    %mul3A_9 = arith.constant 640 : i32
    %mul3A_10 = arith.muli %arg1, %mul3A_9 : i32
    %add3A_11 = arith.constant 128 : i32
    %add3A_12 = arith.addi %mul3A_10, %add3A_11 : i32
    "tpu.region"() ({
      %run_scoped3A_138 = tpu.sem_alloc : memref<!tpu.dma_semaphore, #tpu.memory_space<semaphore_mem>>
      %dma_start3A = arith.constant 0 : i32
      %dma_start3A_139 = tpu.memref_slice %arg16[%add3A_12, %dma_start3A] : memref<10240x32xf32, #tpu.memory_space<vmem_shared>> -> memref<128x32xf32, #tpu.memory_space<vmem_shared>>
      %dma_start3A_140 = arith.constant 0 : i32
      %dma_start3A_141 = tpu.memref_slice %arg16[%add3A_12, %dma_start3A_140] : memref<10240x32xf32, #tpu.memory_space<vmem_shared>> -> memref<128x32xf32, #tpu.memory_space<vmem_shared>>
      tpu.enqueue_dma source(%arg11 : memref<128x32xf32, #tpu.memory_space<vmem>>) target(%dma_start3A_141 : memref<128x32xf32, #tpu.memory_space<vmem_shared>>) target_semaphore(%run_scoped3A_138 : memref<!tpu.dma_semaphore, #tpu.memory_space<semaphore_mem>>)
      %dma_wait3A_142 = arith.constant 0 : i32
      %dma_wait3A_143 = tpu.memref_slice %arg16[%add3A_12, %dma_wait3A_142] : memref<10240x32xf32, #tpu.memory_space<vmem_shared>> -> memref<128x32xf32, #tpu.memory_space<vmem_shared>>
      %dma_wait3A_144 = arith.constant 0 : i32
      %dma_wait3A_145 = tpu.memref_slice %arg16[%add3A_12, %dma_wait3A_144] : memref<10240x32xf32, #tpu.memory_space<vmem_shared>> -> memref<128x32xf32, #tpu.memory_space<vmem_shared>>
      tpu.wait_dma2 semaphore(%run_scoped3A_138 : memref<!tpu.dma_semaphore, #tpu.memory_space<semaphore_mem>>) src(%arg11 : memref<128x32xf32, #tpu.memory_space<vmem>>) dst(%dma_wait3A_145 : memref<128x32xf32, #tpu.memory_space<vmem_shared>>)
      tpu.yield
    }) : () -> ()
    %mul3A_13 = arith.constant 640 : i32
    %mul3A_14 = arith.muli %arg1, %mul3A_13 : i32
    %add3A_15 = arith.constant 256 : i32
    %add3A_16 = arith.addi %mul3A_14, %add3A_15 : i32
    "tpu.region"() ({
      %run_scoped3A_138 = tpu.sem_alloc : memref<!tpu.dma_semaphore, #tpu.memory_space<semaphore_mem>>
      %dma_start3A = arith.constant 0 : i32
      %dma_start3A_139 = tpu.memref_slice %arg16[%add3A_16, %dma_start3A] : memref<10240x32xf32, #tpu.memory_space<vmem_shared>> -> memref<128x32xf32, #tpu.memory_space<vmem_shared>>
      %dma_start3A_140 = arith.constant 0 : i32
      %dma_start3A_141 = tpu.memref_slice %arg16[%add3A_16, %dma_start3A_140] : memref<10240x32xf32, #tpu.memory_space<vmem_shared>> -> memref<128x32xf32, #tpu.memory_space<vmem_shared>>
      tpu.enqueue_dma source(%arg11 : memref<128x32xf32, #tpu.memory_space<vmem>>) target(%dma_start3A_141 : memref<128x32xf32, #tpu.memory_space<vmem_shared>>) target_semaphore(%run_scoped3A_138 : memref<!tpu.dma_semaphore, #tpu.memory_space<semaphore_mem>>)
      %dma_wait3A_142 = arith.constant 0 : i32
      %dma_wait3A_143 = tpu.memref_slice %arg16[%add3A_16, %dma_wait3A_142] : memref<10240x32xf32, #tpu.memory_space<vmem_shared>> -> memref<128x32xf32, #tpu.memory_space<vmem_shared>>
      %dma_wait3A_144 = arith.constant 0 : i32
      %dma_wait3A_145 = tpu.memref_slice %arg16[%add3A_16, %dma_wait3A_144] : memref<10240x32xf32, #tpu.memory_space<vmem_shared>> -> memref<128x32xf32, #tpu.memory_space<vmem_shared>>
      tpu.wait_dma2 semaphore(%run_scoped3A_138 : memref<!tpu.dma_semaphore, #tpu.memory_space<semaphore_mem>>) src(%arg11 : memref<128x32xf32, #tpu.memory_space<vmem>>) dst(%dma_wait3A_145 : memref<128x32xf32, #tpu.memory_space<vmem_shared>>)
      tpu.yield
    }) : () -> ()
    %mul3A_17 = arith.constant 640 : i32
    %mul3A_18 = arith.muli %arg1, %mul3A_17 : i32
    %add3A_19 = arith.constant 384 : i32
    %add3A_20 = arith.addi %mul3A_18, %add3A_19 : i32
    "tpu.region"() ({
      %run_scoped3A_138 = tpu.sem_alloc : memref<!tpu.dma_semaphore, #tpu.memory_space<semaphore_mem>>
      %dma_start3A = arith.constant 0 : i32
      %dma_start3A_139 = tpu.memref_slice %arg16[%add3A_20, %dma_start3A] : memref<10240x32xf32, #tpu.memory_space<vmem_shared>> -> memref<128x32xf32, #tpu.memory_space<vmem_shared>>
      %dma_start3A_140 = arith.constant 0 : i32
      %dma_start3A_141 = tpu.memref_slice %arg16[%add3A_20, %dma_start3A_140] : memref<10240x32xf32, #tpu.memory_space<vmem_shared>> -> memref<128x32xf32, #tpu.memory_space<vmem_shared>>
      tpu.enqueue_dma source(%arg11 : memref<128x32xf32, #tpu.memory_space<vmem>>) target(%dma_start3A_141 : memref<128x32xf32, #tpu.memory_space<vmem_shared>>) target_semaphore(%run_scoped3A_138 : memref<!tpu.dma_semaphore, #tpu.memory_space<semaphore_mem>>)
      %dma_wait3A_142 = arith.constant 0 : i32
      %dma_wait3A_143 = tpu.memref_slice %arg16[%add3A_20, %dma_wait3A_142] : memref<10240x32xf32, #tpu.memory_space<vmem_shared>> -> memref<128x32xf32, #tpu.memory_space<vmem_shared>>
      %dma_wait3A_144 = arith.constant 0 : i32
      %dma_wait3A_145 = tpu.memref_slice %arg16[%add3A_20, %dma_wait3A_144] : memref<10240x32xf32, #tpu.memory_space<vmem_shared>> -> memref<128x32xf32, #tpu.memory_space<vmem_shared>>
      tpu.wait_dma2 semaphore(%run_scoped3A_138 : memref<!tpu.dma_semaphore, #tpu.memory_space<semaphore_mem>>) src(%arg11 : memref<128x32xf32, #tpu.memory_space<vmem>>) dst(%dma_wait3A_145 : memref<128x32xf32, #tpu.memory_space<vmem_shared>>)
      tpu.yield
    }) : () -> ()
    %mul3A_21 = arith.constant 640 : i32
    %mul3A_22 = arith.muli %arg1, %mul3A_21 : i32
    %add3A_23 = arith.constant 512 : i32
    %add3A_24 = arith.addi %mul3A_22, %add3A_23 : i32
    "tpu.region"() ({
      %run_scoped3A_138 = tpu.sem_alloc : memref<!tpu.dma_semaphore, #tpu.memory_space<semaphore_mem>>
      %dma_start3A = arith.constant 0 : i32
      %dma_start3A_139 = tpu.memref_slice %arg16[%add3A_24, %dma_start3A] : memref<10240x32xf32, #tpu.memory_space<vmem_shared>> -> memref<128x32xf32, #tpu.memory_space<vmem_shared>>
      %dma_start3A_140 = arith.constant 0 : i32
      %dma_start3A_141 = tpu.memref_slice %arg16[%add3A_24, %dma_start3A_140] : memref<10240x32xf32, #tpu.memory_space<vmem_shared>> -> memref<128x32xf32, #tpu.memory_space<vmem_shared>>
      tpu.enqueue_dma source(%arg11 : memref<128x32xf32, #tpu.memory_space<vmem>>) target(%dma_start3A_141 : memref<128x32xf32, #tpu.memory_space<vmem_shared>>) target_semaphore(%run_scoped3A_138 : memref<!tpu.dma_semaphore, #tpu.memory_space<semaphore_mem>>)
      %dma_wait3A_142 = arith.constant 0 : i32
      %dma_wait3A_143 = tpu.memref_slice %arg16[%add3A_24, %dma_wait3A_142] : memref<10240x32xf32, #tpu.memory_space<vmem_shared>> -> memref<128x32xf32, #tpu.memory_space<vmem_shared>>
      %dma_wait3A_144 = arith.constant 0 : i32
      %dma_wait3A_145 = tpu.memref_slice %arg16[%add3A_24, %dma_wait3A_144] : memref<10240x32xf32, #tpu.memory_space<vmem_shared>> -> memref<128x32xf32, #tpu.memory_space<vmem_shared>>
      tpu.wait_dma2 semaphore(%run_scoped3A_138 : memref<!tpu.dma_semaphore, #tpu.memory_space<semaphore_mem>>) src(%arg11 : memref<128x32xf32, #tpu.memory_space<vmem>>) dst(%dma_wait3A_145 : memref<128x32xf32, #tpu.memory_space<vmem_shared>>)
      tpu.yield
    }) : () -> ()
    %mul3A_25 = arith.constant 160 : i32
    %mul3A_26 = arith.muli %arg1, %mul3A_25 : i32
    %run_scoped3A = arith.constant 0 : i32
    "tpu.region"() ({
      %run_scoped3A_138 = tpu.sem_alloc : memref<!tpu.dma_semaphore, #tpu.memory_space<semaphore_mem>>
      %dma_start3A = arith.constant 0 : i32
      %dma_start3A_139 = arith.constant 0 : i32
      %dma_start3A_140 = tpu.memref_slice %arg9[%run_scoped3A, %dma_start3A, %dma_start3A_139] : memref<2x8x128xi32, #tpu.memory_space<vmem>> -> memref<1x8x128xi32, #tpu.memory_space<vmem>>
      %dma_start3A_141 = tpu.memref_squeeze %dma_start3A_140 : memref<1x8x128xi32, #tpu.memory_space<vmem>> -> memref<8x128xi32, #tpu.memory_space<vmem>>
      %dma_start3A_142 = arith.constant 0 : i32
      %dma_start3A_143 = tpu.memref_slice %arg3[%mul3A_26, %dma_start3A_142] : memref<2560x128xi32, #tpu.memory_space<hbm>> -> memref<8x128xi32, #tpu.memory_space<hbm>>
      %dma_start3A_144 = arith.constant 0 : i32
      %dma_start3A_145 = arith.constant 0 : i32
      %dma_start3A_146 = tpu.memref_slice %arg9[%run_scoped3A, %dma_start3A_144, %dma_start3A_145] : memref<2x8x128xi32, #tpu.memory_space<vmem>> -> memref<1x8x128xi32, #tpu.memory_space<vmem>>
      %dma_start3A_147 = tpu.memref_squeeze %dma_start3A_146 : memref<1x8x128xi32, #tpu.memory_space<vmem>> -> memref<8x128xi32, #tpu.memory_space<vmem>>
      %dma_start3A_148 = arith.constant 0 : i32
      %dma_start3A_149 = tpu.memref_slice %arg3[%mul3A_26, %dma_start3A_148] : memref<2560x128xi32, #tpu.memory_space<hbm>> -> memref<8x128xi32, #tpu.memory_space<hbm>>
      tpu.enqueue_dma source(%dma_start3A_149 : memref<8x128xi32, #tpu.memory_space<hbm>>) target(%dma_start3A_147 : memref<8x128xi32, #tpu.memory_space<vmem>>) target_semaphore(%run_scoped3A_138 : memref<!tpu.dma_semaphore, #tpu.memory_space<semaphore_mem>>)
      %dma_wait3A_150 = arith.constant 0 : i32
      %dma_wait3A_151 = arith.constant 0 : i32
      %dma_wait3A_152 = tpu.memref_slice %arg9[%run_scoped3A, %dma_wait3A_150, %dma_wait3A_151] : memref<2x8x128xi32, #tpu.memory_space<vmem>> -> memref<1x8x128xi32, #tpu.memory_space<vmem>>
      %dma_wait3A_153 = tpu.memref_squeeze %dma_wait3A_152 : memref<1x8x128xi32, #tpu.memory_space<vmem>> -> memref<8x128xi32, #tpu.memory_space<vmem>>
      %dma_wait3A_154 = arith.constant 0 : i32
      %dma_wait3A_155 = tpu.memref_slice %arg3[%mul3A_26, %dma_wait3A_154] : memref<2560x128xi32, #tpu.memory_space<hbm>> -> memref<8x128xi32, #tpu.memory_space<hbm>>
      %dma_wait3A_156 = arith.constant 0 : i32
      %dma_wait3A_157 = arith.constant 0 : i32
      %dma_wait3A_158 = tpu.memref_slice %arg9[%run_scoped3A, %dma_wait3A_156, %dma_wait3A_157] : memref<2x8x128xi32, #tpu.memory_space<vmem>> -> memref<1x8x128xi32, #tpu.memory_space<vmem>>
      %dma_wait3A_159 = tpu.memref_squeeze %dma_wait3A_158 : memref<1x8x128xi32, #tpu.memory_space<vmem>> -> memref<8x128xi32, #tpu.memory_space<vmem>>
      %dma_wait3A_160 = arith.constant 0 : i32
      %dma_wait3A_161 = tpu.memref_slice %arg3[%mul3A_26, %dma_wait3A_160] : memref<2560x128xi32, #tpu.memory_space<hbm>> -> memref<8x128xi32, #tpu.memory_space<hbm>>
      tpu.wait_dma2 semaphore(%run_scoped3A_138 : memref<!tpu.dma_semaphore, #tpu.memory_space<semaphore_mem>>) src(%dma_wait3A_161 : memref<8x128xi32, #tpu.memory_space<hbm>>) dst(%dma_wait3A_159 : memref<8x128xi32, #tpu.memory_space<vmem>>)
      tpu.yield
    }) : () -> ()
    %mul3A_27 = arith.constant 160 : i32
    %mul3A_28 = arith.muli %arg1, %mul3A_27 : i32
    %run_scoped3A_29 = arith.constant 0 : i32
    "tpu.region"() ({
      %run_scoped3A_138 = tpu.sem_alloc : memref<!tpu.dma_semaphore, #tpu.memory_space<semaphore_mem>>
      %dma_start3A = arith.constant 0 : i32
      %dma_start3A_139 = arith.constant 0 : i32
      %dma_start3A_140 = tpu.memref_slice %arg10[%run_scoped3A_29, %dma_start3A, %dma_start3A_139] : memref<2x8x128xi32, #tpu.memory_space<vmem>> -> memref<1x8x128xi32, #tpu.memory_space<vmem>>
      %dma_start3A_141 = tpu.memref_squeeze %dma_start3A_140 : memref<1x8x128xi32, #tpu.memory_space<vmem>> -> memref<8x128xi32, #tpu.memory_space<vmem>>
      %dma_start3A_142 = arith.constant 0 : i32
      %dma_start3A_143 = tpu.memref_slice %arg4[%mul3A_28, %dma_start3A_142] : memref<2560x128xi32, #tpu.memory_space<hbm>> -> memref<8x128xi32, #tpu.memory_space<hbm>>
      %dma_start3A_144 = arith.constant 0 : i32
      %dma_start3A_145 = arith.constant 0 : i32
      %dma_start3A_146 = tpu.memref_slice %arg10[%run_scoped3A_29, %dma_start3A_144, %dma_start3A_145] : memref<2x8x128xi32, #tpu.memory_space<vmem>> -> memref<1x8x128xi32, #tpu.memory_space<vmem>>
      %dma_start3A_147 = tpu.memref_squeeze %dma_start3A_146 : memref<1x8x128xi32, #tpu.memory_space<vmem>> -> memref<8x128xi32, #tpu.memory_space<vmem>>
      %dma_start3A_148 = arith.constant 0 : i32
      %dma_start3A_149 = tpu.memref_slice %arg4[%mul3A_28, %dma_start3A_148] : memref<2560x128xi32, #tpu.memory_space<hbm>> -> memref<8x128xi32, #tpu.memory_space<hbm>>
      tpu.enqueue_dma source(%dma_start3A_149 : memref<8x128xi32, #tpu.memory_space<hbm>>) target(%dma_start3A_147 : memref<8x128xi32, #tpu.memory_space<vmem>>) target_semaphore(%run_scoped3A_138 : memref<!tpu.dma_semaphore, #tpu.memory_space<semaphore_mem>>)
      %dma_wait3A_150 = arith.constant 0 : i32
      %dma_wait3A_151 = arith.constant 0 : i32
      %dma_wait3A_152 = tpu.memref_slice %arg10[%run_scoped3A_29, %dma_wait3A_150, %dma_wait3A_151] : memref<2x8x128xi32, #tpu.memory_space<vmem>> -> memref<1x8x128xi32, #tpu.memory_space<vmem>>
      %dma_wait3A_153 = tpu.memref_squeeze %dma_wait3A_152 : memref<1x8x128xi32, #tpu.memory_space<vmem>> -> memref<8x128xi32, #tpu.memory_space<vmem>>
      %dma_wait3A_154 = arith.constant 0 : i32
      %dma_wait3A_155 = tpu.memref_slice %arg4[%mul3A_28, %dma_wait3A_154] : memref<2560x128xi32, #tpu.memory_space<hbm>> -> memref<8x128xi32, #tpu.memory_space<hbm>>
      %dma_wait3A_156 = arith.constant 0 : i32
      %dma_wait3A_157 = arith.constant 0 : i32
      %dma_wait3A_158 = tpu.memref_slice %arg10[%run_scoped3A_29, %dma_wait3A_156, %dma_wait3A_157] : memref<2x8x128xi32, #tpu.memory_space<vmem>> -> memref<1x8x128xi32, #tpu.memory_space<vmem>>
      %dma_wait3A_159 = tpu.memref_squeeze %dma_wait3A_158 : memref<1x8x128xi32, #tpu.memory_space<vmem>> -> memref<8x128xi32, #tpu.memory_space<vmem>>
      %dma_wait3A_160 = arith.constant 0 : i32
      %dma_wait3A_161 = tpu.memref_slice %arg4[%mul3A_28, %dma_wait3A_160] : memref<2560x128xi32, #tpu.memory_space<hbm>> -> memref<8x128xi32, #tpu.memory_space<hbm>>
      tpu.wait_dma2 semaphore(%run_scoped3A_138 : memref<!tpu.dma_semaphore, #tpu.memory_space<semaphore_mem>>) src(%dma_wait3A_161 : memref<8x128xi32, #tpu.memory_space<hbm>>) dst(%dma_wait3A_159 : memref<8x128xi32, #tpu.memory_space<vmem>>)
      tpu.yield
    }) : () -> ()
    %barrier3A = arith.constant 0 : index
    tpu.barrier barrier_id(%barrier3A)
    %eq3A_30 = arith.constant 0 : i32
    "tpu.trace_stop"() : () -> ()
    %eq3A_31 = arith.cmpi eq, %arg0, %eq3A_30 : i32
    %jit3A = arith.constant 15 : i32
    %jit3A_32 = arith.constant 5 : i32
    %select_n3A = arith.select %eq3A_31, %jit3A, %jit3A_32 : i32
    "tpu.trace_start"() <{level = 10 : i32, message = "edge_loop"}> : () -> ()
    %scan3A = arith.constant 0 : i32
    %scan3A_33 = arith.constant 0 : i32
    %scan3A_34 = arith.constant 20 : i32
    %scan3A_35 = arith.addi %scan3A_33, %scan3A_34 : i32
    %scan3A_36 = arith.constant 1 : i32
    scf.for %scan3A_138 = %scan3A_33 to %scan3A_35 step %scan3A_36  : i32 {
      %rem3A_139 = arith.constant 2 : i32
      %rem3A_140 = arith.remsi %scan3A_138, %rem3A_139 : i32
      %lt3A = arith.cmpi slt, %scan3A_138, %select_n3A : i32
      %gt3A = arith.constant 0 : i32
      %gt3A_141 = arith.cmpi sgt, %scan3A_138, %gt3A : i32
      %convert_element_type3A_142 = arith.extui %gt3A_141 : i1 to i32
      %cond3A_143 = arith.constant 0 : i32
      %cond3A_144 = arith.cmpi ne, %convert_element_type3A_142, %cond3A_143 : i32
      scf.if %cond3A_144 {
        %sub3A = arith.constant 1 : i32
        %sub3A_369 = arith.subi %sub3A, %rem3A_140 : i32
        %dma_wait3A_370 = arith.constant 4 : i32
        %dma_wait3A_371 = arith.constant 0 : i32
        %dma_wait3A_372 = tpu.memref_slice %arg10[%sub3A_369, %dma_wait3A_370, %dma_wait3A_371] : memref<2x8x128xi32, #tpu.memory_space<vmem>> -> memref<1x1x128xi32, #tpu.memory_space<vmem>>
        %dma_wait3A_373 = tpu.memref_squeeze %dma_wait3A_372 : memref<1x1x128xi32, #tpu.memory_space<vmem>> -> memref<128xi32, #tpu.memory_space<vmem>>
        %dma_wait3A_374 = arith.constant 0 : i32
        %dma_wait3A_375 = arith.constant 0 : i32
        %dma_wait3A_376 = tpu.memref_slice %arg16[%dma_wait3A_374, %dma_wait3A_375] : memref<10240x32xf32, #tpu.memory_space<vmem_shared>> -> memref<10240x32xf32, #tpu.memory_space<vmem_shared>>
        tpu.wait_indirect_dma semaphore(%arg21 : memref<!tpu.dma_semaphore, #tpu.memory_space<semaphore_mem>>) src(%arg11 : memref<128x32xf32, #tpu.memory_space<vmem>>) dst(%dma_wait3A_376 : memref<10240x32xf32, #tpu.memory_space<vmem_shared>>)
      } else {
      }
      %convert_element_type3A_145 = arith.extui %lt3A : i1 to i32
      %cond3A_146 = arith.constant 0 : i32
      %cond3A_147 = arith.cmpi ne, %convert_element_type3A_145, %cond3A_146 : i32
      scf.if %cond3A_147 {
        %eq3A_369 = arith.constant 0 : i32
        %eq3A_370 = arith.cmpi eq, %arg0, %eq3A_369 : i32
        %convert_element_type3A_371 = arith.extui %eq3A_370 : i1 to i32
        %cond3A_372 = arith.constant 0 : i32
        %cond3A_373 = arith.cmpi ne, %convert_element_type3A_371, %cond3A_372 : i32
        scf.if %cond3A_373 {
          %dma_start3A_379 = arith.constant 0 : i32
          %dma_start3A_380 = arith.constant 0 : i32
          %dma_start3A_381 = tpu.memref_slice %arg9[%rem3A_140, %dma_start3A_379, %dma_start3A_380] : memref<2x8x128xi32, #tpu.memory_space<vmem>> -> memref<1x1x128xi32, #tpu.memory_space<vmem>>
          %dma_start3A_382 = tpu.memref_squeeze %dma_start3A_381 : memref<1x1x128xi32, #tpu.memory_space<vmem>> -> memref<128xi32, #tpu.memory_space<vmem>>
          %dma_start3A_383 = arith.constant 0 : i32
          %dma_start3A_384 = arith.constant 0 : i32
          %dma_start3A_385 = tpu.memref_slice %arg7[%dma_start3A_383, %dma_start3A_384] : memref<10000x32xf32, #tpu.memory_space<hbm>> -> memref<10000x32xf32, #tpu.memory_space<hbm>>
          tpu.enqueue_indirect_dma source(%dma_start3A_385 : memref<10000x32xf32, #tpu.memory_space<hbm>>) target(%arg11 : memref<128x32xf32, #tpu.memory_space<vmem>>) offsets(%dma_start3A_382 : memref<128xi32, #tpu.memory_space<vmem>>) semaphore(%arg17 : memref<!tpu.dma_semaphore, #tpu.memory_space<semaphore_mem>>)
        } else {
        }
        %eq3A_374 = arith.constant 1 : i32
        %eq3A_375 = arith.cmpi eq, %arg0, %eq3A_374 : i32
        %convert_element_type3A_376 = arith.extui %eq3A_375 : i1 to i32
        %cond3A_377 = arith.constant 0 : i32
        %cond3A_378 = arith.cmpi ne, %convert_element_type3A_376, %cond3A_377 : i32
        scf.if %cond3A_378 {
          %dma_start3A_379 = arith.constant 0 : i32
          %dma_start3A_380 = arith.constant 0 : i32
          %dma_start3A_381 = tpu.memref_slice %arg9[%rem3A_140, %dma_start3A_379, %dma_start3A_380] : memref<2x8x128xi32, #tpu.memory_space<vmem>> -> memref<1x1x128xi32, #tpu.memory_space<vmem>>
          %dma_start3A_382 = tpu.memref_squeeze %dma_start3A_381 : memref<1x1x128xi32, #tpu.memory_space<vmem>> -> memref<128xi32, #tpu.memory_space<vmem>>
          %dma_start3A_383 = arith.constant 0 : i32
          %dma_start3A_384 = arith.constant 0 : i32
          %dma_start3A_385 = tpu.memref_slice %arg8[%dma_start3A_383, %dma_start3A_384] : memref<10000x32xf32, #tpu.memory_space<hbm>> -> memref<10000x32xf32, #tpu.memory_space<hbm>>
          tpu.enqueue_indirect_dma source(%dma_start3A_385 : memref<10000x32xf32, #tpu.memory_space<hbm>>) target(%arg11 : memref<128x32xf32, #tpu.memory_space<vmem>>) offsets(%dma_start3A_382 : memref<128xi32, #tpu.memory_space<vmem>>) semaphore(%arg17 : memref<!tpu.dma_semaphore, #tpu.memory_space<semaphore_mem>>)
        } else {
        }
      } else {
      }
      %not3A = arith.constant true
      %not3A_148 = arith.xori %lt3A, %not3A : i1
      %convert_element_type3A_149 = arith.extui %not3A_148 : i1 to i32
      %cond3A_150 = arith.constant 0 : i32
      %cond3A_151 = arith.cmpi ne, %convert_element_type3A_149, %cond3A_150 : i32
      scf.if %cond3A_151 {
        %dma_start3A_369 = arith.constant 0 : i32
        %dma_start3A_370 = arith.constant 0 : i32
        %dma_start3A_371 = tpu.memref_slice %arg9[%rem3A_140, %dma_start3A_369, %dma_start3A_370] : memref<2x8x128xi32, #tpu.memory_space<vmem>> -> memref<1x1x128xi32, #tpu.memory_space<vmem>>
        %dma_start3A_372 = tpu.memref_squeeze %dma_start3A_371 : memref<1x1x128xi32, #tpu.memory_space<vmem>> -> memref<128xi32, #tpu.memory_space<vmem>>
        %dma_start3A_373 = arith.constant 0 : i32
        %dma_start3A_374 = arith.constant 0 : i32
        %dma_start3A_375 = tpu.memref_slice %arg15[%dma_start3A_373, %dma_start3A_374] : memref<10000x32xf32, #tpu.memory_space<vmem_shared>> -> memref<10000x32xf32, #tpu.memory_space<vmem_shared>>
        tpu.enqueue_indirect_dma source(%dma_start3A_375 : memref<10000x32xf32, #tpu.memory_space<vmem_shared>>) target(%arg11 : memref<128x32xf32, #tpu.memory_space<vmem>>) offsets(%dma_start3A_372 : memref<128xi32, #tpu.memory_space<vmem>>) semaphore(%arg17 : memref<!tpu.dma_semaphore, #tpu.memory_space<semaphore_mem>>)
      } else {
      }
      %gt3A_152 = arith.constant 0 : i32
      %gt3A_153 = arith.cmpi sgt, %scan3A_138, %gt3A_152 : i32
      %convert_element_type3A_154 = arith.extui %gt3A_153 : i1 to i32
      %cond3A_155 = arith.constant 0 : i32
      %cond3A_156 = arith.cmpi ne, %convert_element_type3A_154, %cond3A_155 : i32
      scf.if %cond3A_156 {
        %sub3A = arith.constant 1 : i32
        %sub3A_369 = arith.subi %sub3A, %rem3A_140 : i32
        %dma_wait3A_370 = arith.constant 5 : i32
        %dma_wait3A_371 = arith.constant 0 : i32
        %dma_wait3A_372 = tpu.memref_slice %arg10[%sub3A_369, %dma_wait3A_370, %dma_wait3A_371] : memref<2x8x128xi32, #tpu.memory_space<vmem>> -> memref<1x1x128xi32, #tpu.memory_space<vmem>>
        %dma_wait3A_373 = tpu.memref_squeeze %dma_wait3A_372 : memref<1x1x128xi32, #tpu.memory_space<vmem>> -> memref<128xi32, #tpu.memory_space<vmem>>
        %dma_wait3A_374 = arith.constant 0 : i32
        %dma_wait3A_375 = arith.constant 0 : i32
        %dma_wait3A_376 = tpu.memref_slice %arg16[%dma_wait3A_374, %dma_wait3A_375] : memref<10240x32xf32, #tpu.memory_space<vmem_shared>> -> memref<10240x32xf32, #tpu.memory_space<vmem_shared>>
        tpu.wait_indirect_dma semaphore(%arg22 : memref<!tpu.dma_semaphore, #tpu.memory_space<semaphore_mem>>) src(%arg12 : memref<128x32xf32, #tpu.memory_space<vmem>>) dst(%dma_wait3A_376 : memref<10240x32xf32, #tpu.memory_space<vmem_shared>>)
      } else {
      }
      %convert_element_type3A_157 = arith.extui %lt3A : i1 to i32
      %cond3A_158 = arith.constant 0 : i32
      %cond3A_159 = arith.cmpi ne, %convert_element_type3A_157, %cond3A_158 : i32
      scf.if %cond3A_159 {
        %eq3A_369 = arith.constant 0 : i32
        %eq3A_370 = arith.cmpi eq, %arg0, %eq3A_369 : i32
        %convert_element_type3A_371 = arith.extui %eq3A_370 : i1 to i32
        %cond3A_372 = arith.constant 0 : i32
        %cond3A_373 = arith.cmpi ne, %convert_element_type3A_371, %cond3A_372 : i32
        scf.if %cond3A_373 {
          %dma_start3A_379 = arith.constant 1 : i32
          %dma_start3A_380 = arith.constant 0 : i32
          %dma_start3A_381 = tpu.memref_slice %arg9[%rem3A_140, %dma_start3A_379, %dma_start3A_380] : memref<2x8x128xi32, #tpu.memory_space<vmem>> -> memref<1x1x128xi32, #tpu.memory_space<vmem>>
          %dma_start3A_382 = tpu.memref_squeeze %dma_start3A_381 : memref<1x1x128xi32, #tpu.memory_space<vmem>> -> memref<128xi32, #tpu.memory_space<vmem>>
          %dma_start3A_383 = arith.constant 0 : i32
          %dma_start3A_384 = arith.constant 0 : i32
          %dma_start3A_385 = tpu.memref_slice %arg7[%dma_start3A_383, %dma_start3A_384] : memref<10000x32xf32, #tpu.memory_space<hbm>> -> memref<10000x32xf32, #tpu.memory_space<hbm>>
          tpu.enqueue_indirect_dma source(%dma_start3A_385 : memref<10000x32xf32, #tpu.memory_space<hbm>>) target(%arg12 : memref<128x32xf32, #tpu.memory_space<vmem>>) offsets(%dma_start3A_382 : memref<128xi32, #tpu.memory_space<vmem>>) semaphore(%arg18 : memref<!tpu.dma_semaphore, #tpu.memory_space<semaphore_mem>>)
        } else {
        }
        %eq3A_374 = arith.constant 1 : i32
        %eq3A_375 = arith.cmpi eq, %arg0, %eq3A_374 : i32
        %convert_element_type3A_376 = arith.extui %eq3A_375 : i1 to i32
        %cond3A_377 = arith.constant 0 : i32
        %cond3A_378 = arith.cmpi ne, %convert_element_type3A_376, %cond3A_377 : i32
        scf.if %cond3A_378 {
          %dma_start3A_379 = arith.constant 1 : i32
          %dma_start3A_380 = arith.constant 0 : i32
          %dma_start3A_381 = tpu.memref_slice %arg9[%rem3A_140, %dma_start3A_379, %dma_start3A_380] : memref<2x8x128xi32, #tpu.memory_space<vmem>> -> memref<1x1x128xi32, #tpu.memory_space<vmem>>
          %dma_start3A_382 = tpu.memref_squeeze %dma_start3A_381 : memref<1x1x128xi32, #tpu.memory_space<vmem>> -> memref<128xi32, #tpu.memory_space<vmem>>
          %dma_start3A_383 = arith.constant 0 : i32
          %dma_start3A_384 = arith.constant 0 : i32
          %dma_start3A_385 = tpu.memref_slice %arg8[%dma_start3A_383, %dma_start3A_384] : memref<10000x32xf32, #tpu.memory_space<hbm>> -> memref<10000x32xf32, #tpu.memory_space<hbm>>
          tpu.enqueue_indirect_dma source(%dma_start3A_385 : memref<10000x32xf32, #tpu.memory_space<hbm>>) target(%arg12 : memref<128x32xf32, #tpu.memory_space<vmem>>) offsets(%dma_start3A_382 : memref<128xi32, #tpu.memory_space<vmem>>) semaphore(%arg18 : memref<!tpu.dma_semaphore, #tpu.memory_space<semaphore_mem>>)
        } else {
        }
      } else {
      }
      %not3A_160 = arith.constant true
      %not3A_161 = arith.xori %lt3A, %not3A_160 : i1
      %convert_element_type3A_162 = arith.extui %not3A_161 : i1 to i32
      %cond3A_163 = arith.constant 0 : i32
      %cond3A_164 = arith.cmpi ne, %convert_element_type3A_162, %cond3A_163 : i32
      scf.if %cond3A_164 {
        %dma_start3A_369 = arith.constant 1 : i32
        %dma_start3A_370 = arith.constant 0 : i32
        %dma_start3A_371 = tpu.memref_slice %arg9[%rem3A_140, %dma_start3A_369, %dma_start3A_370] : memref<2x8x128xi32, #tpu.memory_space<vmem>> -> memref<1x1x128xi32, #tpu.memory_space<vmem>>
        %dma_start3A_372 = tpu.memref_squeeze %dma_start3A_371 : memref<1x1x128xi32, #tpu.memory_space<vmem>> -> memref<128xi32, #tpu.memory_space<vmem>>
        %dma_start3A_373 = arith.constant 0 : i32
        %dma_start3A_374 = arith.constant 0 : i32
        %dma_start3A_375 = tpu.memref_slice %arg15[%dma_start3A_373, %dma_start3A_374] : memref<10000x32xf32, #tpu.memory_space<vmem_shared>> -> memref<10000x32xf32, #tpu.memory_space<vmem_shared>>
        tpu.enqueue_indirect_dma source(%dma_start3A_375 : memref<10000x32xf32, #tpu.memory_space<vmem_shared>>) target(%arg12 : memref<128x32xf32, #tpu.memory_space<vmem>>) offsets(%dma_start3A_372 : memref<128xi32, #tpu.memory_space<vmem>>) semaphore(%arg18 : memref<!tpu.dma_semaphore, #tpu.memory_space<semaphore_mem>>)
      } else {
      }
      %gt3A_165 = arith.constant 0 : i32
      %gt3A_166 = arith.cmpi sgt, %scan3A_138, %gt3A_165 : i32
      %convert_element_type3A_167 = arith.extui %gt3A_166 : i1 to i32
      %cond3A_168 = arith.constant 0 : i32
      %cond3A_169 = arith.cmpi ne, %convert_element_type3A_167, %cond3A_168 : i32
      scf.if %cond3A_169 {
        %sub3A = arith.constant 1 : i32
        %sub3A_369 = arith.subi %sub3A, %rem3A_140 : i32
        %dma_wait3A_370 = arith.constant 6 : i32
        %dma_wait3A_371 = arith.constant 0 : i32
        %dma_wait3A_372 = tpu.memref_slice %arg10[%sub3A_369, %dma_wait3A_370, %dma_wait3A_371] : memref<2x8x128xi32, #tpu.memory_space<vmem>> -> memref<1x1x128xi32, #tpu.memory_space<vmem>>
        %dma_wait3A_373 = tpu.memref_squeeze %dma_wait3A_372 : memref<1x1x128xi32, #tpu.memory_space<vmem>> -> memref<128xi32, #tpu.memory_space<vmem>>
        %dma_wait3A_374 = arith.constant 0 : i32
        %dma_wait3A_375 = arith.constant 0 : i32
        %dma_wait3A_376 = tpu.memref_slice %arg16[%dma_wait3A_374, %dma_wait3A_375] : memref<10240x32xf32, #tpu.memory_space<vmem_shared>> -> memref<10240x32xf32, #tpu.memory_space<vmem_shared>>
        tpu.wait_indirect_dma semaphore(%arg23 : memref<!tpu.dma_semaphore, #tpu.memory_space<semaphore_mem>>) src(%arg13 : memref<128x32xf32, #tpu.memory_space<vmem>>) dst(%dma_wait3A_376 : memref<10240x32xf32, #tpu.memory_space<vmem_shared>>)
      } else {
      }
      %convert_element_type3A_170 = arith.extui %lt3A : i1 to i32
      %cond3A_171 = arith.constant 0 : i32
      %cond3A_172 = arith.cmpi ne, %convert_element_type3A_170, %cond3A_171 : i32
      scf.if %cond3A_172 {
        %eq3A_369 = arith.constant 0 : i32
        %eq3A_370 = arith.cmpi eq, %arg0, %eq3A_369 : i32
        %convert_element_type3A_371 = arith.extui %eq3A_370 : i1 to i32
        %cond3A_372 = arith.constant 0 : i32
        %cond3A_373 = arith.cmpi ne, %convert_element_type3A_371, %cond3A_372 : i32
        scf.if %cond3A_373 {
          %dma_start3A_379 = arith.constant 2 : i32
          %dma_start3A_380 = arith.constant 0 : i32
          %dma_start3A_381 = tpu.memref_slice %arg9[%rem3A_140, %dma_start3A_379, %dma_start3A_380] : memref<2x8x128xi32, #tpu.memory_space<vmem>> -> memref<1x1x128xi32, #tpu.memory_space<vmem>>
          %dma_start3A_382 = tpu.memref_squeeze %dma_start3A_381 : memref<1x1x128xi32, #tpu.memory_space<vmem>> -> memref<128xi32, #tpu.memory_space<vmem>>
          %dma_start3A_383 = arith.constant 0 : i32
          %dma_start3A_384 = arith.constant 0 : i32
          %dma_start3A_385 = tpu.memref_slice %arg7[%dma_start3A_383, %dma_start3A_384] : memref<10000x32xf32, #tpu.memory_space<hbm>> -> memref<10000x32xf32, #tpu.memory_space<hbm>>
          tpu.enqueue_indirect_dma source(%dma_start3A_385 : memref<10000x32xf32, #tpu.memory_space<hbm>>) target(%arg13 : memref<128x32xf32, #tpu.memory_space<vmem>>) offsets(%dma_start3A_382 : memref<128xi32, #tpu.memory_space<vmem>>) semaphore(%arg19 : memref<!tpu.dma_semaphore, #tpu.memory_space<semaphore_mem>>)
        } else {
        }
        %eq3A_374 = arith.constant 1 : i32
        %eq3A_375 = arith.cmpi eq, %arg0, %eq3A_374 : i32
        %convert_element_type3A_376 = arith.extui %eq3A_375 : i1 to i32
        %cond3A_377 = arith.constant 0 : i32
        %cond3A_378 = arith.cmpi ne, %convert_element_type3A_376, %cond3A_377 : i32
        scf.if %cond3A_378 {
          %dma_start3A_379 = arith.constant 2 : i32
          %dma_start3A_380 = arith.constant 0 : i32
          %dma_start3A_381 = tpu.memref_slice %arg9[%rem3A_140, %dma_start3A_379, %dma_start3A_380] : memref<2x8x128xi32, #tpu.memory_space<vmem>> -> memref<1x1x128xi32, #tpu.memory_space<vmem>>
          %dma_start3A_382 = tpu.memref_squeeze %dma_start3A_381 : memref<1x1x128xi32, #tpu.memory_space<vmem>> -> memref<128xi32, #tpu.memory_space<vmem>>
          %dma_start3A_383 = arith.constant 0 : i32
          %dma_start3A_384 = arith.constant 0 : i32
          %dma_start3A_385 = tpu.memref_slice %arg8[%dma_start3A_383, %dma_start3A_384] : memref<10000x32xf32, #tpu.memory_space<hbm>> -> memref<10000x32xf32, #tpu.memory_space<hbm>>
          tpu.enqueue_indirect_dma source(%dma_start3A_385 : memref<10000x32xf32, #tpu.memory_space<hbm>>) target(%arg13 : memref<128x32xf32, #tpu.memory_space<vmem>>) offsets(%dma_start3A_382 : memref<128xi32, #tpu.memory_space<vmem>>) semaphore(%arg19 : memref<!tpu.dma_semaphore, #tpu.memory_space<semaphore_mem>>)
        } else {
        }
      } else {
      }
      %not3A_173 = arith.constant true
      %not3A_174 = arith.xori %lt3A, %not3A_173 : i1
      %convert_element_type3A_175 = arith.extui %not3A_174 : i1 to i32
      %cond3A_176 = arith.constant 0 : i32
      %cond3A_177 = arith.cmpi ne, %convert_element_type3A_175, %cond3A_176 : i32
      scf.if %cond3A_177 {
        %dma_start3A_369 = arith.constant 2 : i32
        %dma_start3A_370 = arith.constant 0 : i32
        %dma_start3A_371 = tpu.memref_slice %arg9[%rem3A_140, %dma_start3A_369, %dma_start3A_370] : memref<2x8x128xi32, #tpu.memory_space<vmem>> -> memref<1x1x128xi32, #tpu.memory_space<vmem>>
        %dma_start3A_372 = tpu.memref_squeeze %dma_start3A_371 : memref<1x1x128xi32, #tpu.memory_space<vmem>> -> memref<128xi32, #tpu.memory_space<vmem>>
        %dma_start3A_373 = arith.constant 0 : i32
        %dma_start3A_374 = arith.constant 0 : i32
        %dma_start3A_375 = tpu.memref_slice %arg15[%dma_start3A_373, %dma_start3A_374] : memref<10000x32xf32, #tpu.memory_space<vmem_shared>> -> memref<10000x32xf32, #tpu.memory_space<vmem_shared>>
        tpu.enqueue_indirect_dma source(%dma_start3A_375 : memref<10000x32xf32, #tpu.memory_space<vmem_shared>>) target(%arg13 : memref<128x32xf32, #tpu.memory_space<vmem>>) offsets(%dma_start3A_372 : memref<128xi32, #tpu.memory_space<vmem>>) semaphore(%arg19 : memref<!tpu.dma_semaphore, #tpu.memory_space<semaphore_mem>>)
      } else {
      }
      %gt3A_178 = arith.constant 0 : i32
      %gt3A_179 = arith.cmpi sgt, %scan3A_138, %gt3A_178 : i32
      %convert_element_type3A_180 = arith.extui %gt3A_179 : i1 to i32
      %cond3A_181 = arith.constant 0 : i32
      %cond3A_182 = arith.cmpi ne, %convert_element_type3A_180, %cond3A_181 : i32
      scf.if %cond3A_182 {
        %sub3A = arith.constant 1 : i32
        %sub3A_369 = arith.subi %sub3A, %rem3A_140 : i32
        %dma_wait3A_370 = arith.constant 7 : i32
        %dma_wait3A_371 = arith.constant 0 : i32
        %dma_wait3A_372 = tpu.memref_slice %arg10[%sub3A_369, %dma_wait3A_370, %dma_wait3A_371] : memref<2x8x128xi32, #tpu.memory_space<vmem>> -> memref<1x1x128xi32, #tpu.memory_space<vmem>>
        %dma_wait3A_373 = tpu.memref_squeeze %dma_wait3A_372 : memref<1x1x128xi32, #tpu.memory_space<vmem>> -> memref<128xi32, #tpu.memory_space<vmem>>
        %dma_wait3A_374 = arith.constant 0 : i32
        %dma_wait3A_375 = arith.constant 0 : i32
        %dma_wait3A_376 = tpu.memref_slice %arg16[%dma_wait3A_374, %dma_wait3A_375] : memref<10240x32xf32, #tpu.memory_space<vmem_shared>> -> memref<10240x32xf32, #tpu.memory_space<vmem_shared>>
        tpu.wait_indirect_dma semaphore(%arg24 : memref<!tpu.dma_semaphore, #tpu.memory_space<semaphore_mem>>) src(%arg14 : memref<128x32xf32, #tpu.memory_space<vmem>>) dst(%dma_wait3A_376 : memref<10240x32xf32, #tpu.memory_space<vmem_shared>>)
      } else {
      }
      %convert_element_type3A_183 = arith.extui %lt3A : i1 to i32
      %cond3A_184 = arith.constant 0 : i32
      %cond3A_185 = arith.cmpi ne, %convert_element_type3A_183, %cond3A_184 : i32
      scf.if %cond3A_185 {
        %eq3A_369 = arith.constant 0 : i32
        %eq3A_370 = arith.cmpi eq, %arg0, %eq3A_369 : i32
        %convert_element_type3A_371 = arith.extui %eq3A_370 : i1 to i32
        %cond3A_372 = arith.constant 0 : i32
        %cond3A_373 = arith.cmpi ne, %convert_element_type3A_371, %cond3A_372 : i32
        scf.if %cond3A_373 {
          %dma_start3A_379 = arith.constant 3 : i32
          %dma_start3A_380 = arith.constant 0 : i32
          %dma_start3A_381 = tpu.memref_slice %arg9[%rem3A_140, %dma_start3A_379, %dma_start3A_380] : memref<2x8x128xi32, #tpu.memory_space<vmem>> -> memref<1x1x128xi32, #tpu.memory_space<vmem>>
          %dma_start3A_382 = tpu.memref_squeeze %dma_start3A_381 : memref<1x1x128xi32, #tpu.memory_space<vmem>> -> memref<128xi32, #tpu.memory_space<vmem>>
          %dma_start3A_383 = arith.constant 0 : i32
          %dma_start3A_384 = arith.constant 0 : i32
          %dma_start3A_385 = tpu.memref_slice %arg7[%dma_start3A_383, %dma_start3A_384] : memref<10000x32xf32, #tpu.memory_space<hbm>> -> memref<10000x32xf32, #tpu.memory_space<hbm>>
          tpu.enqueue_indirect_dma source(%dma_start3A_385 : memref<10000x32xf32, #tpu.memory_space<hbm>>) target(%arg14 : memref<128x32xf32, #tpu.memory_space<vmem>>) offsets(%dma_start3A_382 : memref<128xi32, #tpu.memory_space<vmem>>) semaphore(%arg20 : memref<!tpu.dma_semaphore, #tpu.memory_space<semaphore_mem>>)
        } else {
        }
        %eq3A_374 = arith.constant 1 : i32
        %eq3A_375 = arith.cmpi eq, %arg0, %eq3A_374 : i32
        %convert_element_type3A_376 = arith.extui %eq3A_375 : i1 to i32
        %cond3A_377 = arith.constant 0 : i32
        %cond3A_378 = arith.cmpi ne, %convert_element_type3A_376, %cond3A_377 : i32
        scf.if %cond3A_378 {
          %dma_start3A_379 = arith.constant 3 : i32
          %dma_start3A_380 = arith.constant 0 : i32
          %dma_start3A_381 = tpu.memref_slice %arg9[%rem3A_140, %dma_start3A_379, %dma_start3A_380] : memref<2x8x128xi32, #tpu.memory_space<vmem>> -> memref<1x1x128xi32, #tpu.memory_space<vmem>>
          %dma_start3A_382 = tpu.memref_squeeze %dma_start3A_381 : memref<1x1x128xi32, #tpu.memory_space<vmem>> -> memref<128xi32, #tpu.memory_space<vmem>>
          %dma_start3A_383 = arith.constant 0 : i32
          %dma_start3A_384 = arith.constant 0 : i32
          %dma_start3A_385 = tpu.memref_slice %arg8[%dma_start3A_383, %dma_start3A_384] : memref<10000x32xf32, #tpu.memory_space<hbm>> -> memref<10000x32xf32, #tpu.memory_space<hbm>>
          tpu.enqueue_indirect_dma source(%dma_start3A_385 : memref<10000x32xf32, #tpu.memory_space<hbm>>) target(%arg14 : memref<128x32xf32, #tpu.memory_space<vmem>>) offsets(%dma_start3A_382 : memref<128xi32, #tpu.memory_space<vmem>>) semaphore(%arg20 : memref<!tpu.dma_semaphore, #tpu.memory_space<semaphore_mem>>)
        } else {
        }
      } else {
      }
      %not3A_186 = arith.constant true
      %not3A_187 = arith.xori %lt3A, %not3A_186 : i1
      %convert_element_type3A_188 = arith.extui %not3A_187 : i1 to i32
      %cond3A_189 = arith.constant 0 : i32
      %cond3A_190 = arith.cmpi ne, %convert_element_type3A_188, %cond3A_189 : i32
      scf.if %cond3A_190 {
        %dma_start3A_369 = arith.constant 3 : i32
        %dma_start3A_370 = arith.constant 0 : i32
        %dma_start3A_371 = tpu.memref_slice %arg9[%rem3A_140, %dma_start3A_369, %dma_start3A_370] : memref<2x8x128xi32, #tpu.memory_space<vmem>> -> memref<1x1x128xi32, #tpu.memory_space<vmem>>
        %dma_start3A_372 = tpu.memref_squeeze %dma_start3A_371 : memref<1x1x128xi32, #tpu.memory_space<vmem>> -> memref<128xi32, #tpu.memory_space<vmem>>
        %dma_start3A_373 = arith.constant 0 : i32
        %dma_start3A_374 = arith.constant 0 : i32
        %dma_start3A_375 = tpu.memref_slice %arg15[%dma_start3A_373, %dma_start3A_374] : memref<10000x32xf32, #tpu.memory_space<vmem_shared>> -> memref<10000x32xf32, #tpu.memory_space<vmem_shared>>
        tpu.enqueue_indirect_dma source(%dma_start3A_375 : memref<10000x32xf32, #tpu.memory_space<vmem_shared>>) target(%arg14 : memref<128x32xf32, #tpu.memory_space<vmem>>) offsets(%dma_start3A_372 : memref<128xi32, #tpu.memory_space<vmem>>) semaphore(%arg20 : memref<!tpu.dma_semaphore, #tpu.memory_space<semaphore_mem>>)
      } else {
      }
      %add3A_191 = arith.constant 1 : i32
      %add3A_192 = arith.addi %scan3A_138, %add3A_191 : i32
      %lt3A_193 = arith.constant 20 : i32
      %lt3A_194 = arith.cmpi slt, %add3A_192, %lt3A_193 : i32
      %convert_element_type3A_195 = arith.extui %lt3A_194 : i1 to i32
      %cond3A_196 = arith.constant 0 : i32
      %cond3A_197 = arith.cmpi ne, %convert_element_type3A_195, %cond3A_196 : i32
      scf.if %cond3A_197 {
        %mul3A_369 = arith.constant 160 : i32
        %mul3A_370 = arith.muli %arg1, %mul3A_369 : i32
        %add3A_371 = arith.constant 1 : i32
        %add3A_372 = arith.addi %scan3A_138, %add3A_371 : i32
        %mul3A_373 = arith.constant 8 : i32
        %mul3A_374 = arith.muli %add3A_372, %mul3A_373 : i32
        %add3A_375 = arith.addi %mul3A_370, %mul3A_374 : i32
        %sub3A = arith.constant 1 : i32
        %sub3A_376 = arith.subi %sub3A, %rem3A_140 : i32
        "tpu.region"() ({
          %run_scoped3A_379 = tpu.sem_alloc : memref<!tpu.dma_semaphore, #tpu.memory_space<semaphore_mem>>
          %dma_start3A_380 = arith.constant 0 : i32
          %dma_start3A_381 = arith.constant 0 : i32
          %dma_start3A_382 = tpu.memref_slice %arg9[%sub3A_376, %dma_start3A_380, %dma_start3A_381] : memref<2x8x128xi32, #tpu.memory_space<vmem>> -> memref<1x8x128xi32, #tpu.memory_space<vmem>>
          %dma_start3A_383 = tpu.memref_squeeze %dma_start3A_382 : memref<1x8x128xi32, #tpu.memory_space<vmem>> -> memref<8x128xi32, #tpu.memory_space<vmem>>
          %dma_start3A_384 = arith.constant 0 : i32
          %dma_start3A_385 = tpu.memref_slice %arg3[%add3A_375, %dma_start3A_384] : memref<2560x128xi32, #tpu.memory_space<hbm>> -> memref<8x128xi32, #tpu.memory_space<hbm>>
          %dma_start3A_386 = arith.constant 0 : i32
          %dma_start3A_387 = arith.constant 0 : i32
          %dma_start3A_388 = tpu.memref_slice %arg9[%sub3A_376, %dma_start3A_386, %dma_start3A_387] : memref<2x8x128xi32, #tpu.memory_space<vmem>> -> memref<1x8x128xi32, #tpu.memory_space<vmem>>
          %dma_start3A_389 = tpu.memref_squeeze %dma_start3A_388 : memref<1x8x128xi32, #tpu.memory_space<vmem>> -> memref<8x128xi32, #tpu.memory_space<vmem>>
          %dma_start3A_390 = arith.constant 0 : i32
          %dma_start3A_391 = tpu.memref_slice %arg3[%add3A_375, %dma_start3A_390] : memref<2560x128xi32, #tpu.memory_space<hbm>> -> memref<8x128xi32, #tpu.memory_space<hbm>>
          tpu.enqueue_dma source(%dma_start3A_391 : memref<8x128xi32, #tpu.memory_space<hbm>>) target(%dma_start3A_389 : memref<8x128xi32, #tpu.memory_space<vmem>>) target_semaphore(%run_scoped3A_379 : memref<!tpu.dma_semaphore, #tpu.memory_space<semaphore_mem>>)
          %dma_wait3A_392 = arith.constant 0 : i32
          %dma_wait3A_393 = arith.constant 0 : i32
          %dma_wait3A_394 = tpu.memref_slice %arg9[%sub3A_376, %dma_wait3A_392, %dma_wait3A_393] : memref<2x8x128xi32, #tpu.memory_space<vmem>> -> memref<1x8x128xi32, #tpu.memory_space<vmem>>
          %dma_wait3A_395 = tpu.memref_squeeze %dma_wait3A_394 : memref<1x8x128xi32, #tpu.memory_space<vmem>> -> memref<8x128xi32, #tpu.memory_space<vmem>>
          %dma_wait3A_396 = arith.constant 0 : i32
          %dma_wait3A_397 = tpu.memref_slice %arg3[%add3A_375, %dma_wait3A_396] : memref<2560x128xi32, #tpu.memory_space<hbm>> -> memref<8x128xi32, #tpu.memory_space<hbm>>
          %dma_wait3A_398 = arith.constant 0 : i32
          %dma_wait3A_399 = arith.constant 0 : i32
          %dma_wait3A_400 = tpu.memref_slice %arg9[%sub3A_376, %dma_wait3A_398, %dma_wait3A_399] : memref<2x8x128xi32, #tpu.memory_space<vmem>> -> memref<1x8x128xi32, #tpu.memory_space<vmem>>
          %dma_wait3A_401 = tpu.memref_squeeze %dma_wait3A_400 : memref<1x8x128xi32, #tpu.memory_space<vmem>> -> memref<8x128xi32, #tpu.memory_space<vmem>>
          %dma_wait3A_402 = arith.constant 0 : i32
          %dma_wait3A_403 = tpu.memref_slice %arg3[%add3A_375, %dma_wait3A_402] : memref<2560x128xi32, #tpu.memory_space<hbm>> -> memref<8x128xi32, #tpu.memory_space<hbm>>
          tpu.wait_dma2 semaphore(%run_scoped3A_379 : memref<!tpu.dma_semaphore, #tpu.memory_space<semaphore_mem>>) src(%dma_wait3A_403 : memref<8x128xi32, #tpu.memory_space<hbm>>) dst(%dma_wait3A_401 : memref<8x128xi32, #tpu.memory_space<vmem>>)
          tpu.yield
        }) : () -> ()
        %sub3A_377 = arith.constant 1 : i32
        %sub3A_378 = arith.subi %sub3A_377, %rem3A_140 : i32
        "tpu.region"() ({
          %run_scoped3A_379 = tpu.sem_alloc : memref<!tpu.dma_semaphore, #tpu.memory_space<semaphore_mem>>
          %dma_start3A_380 = arith.constant 0 : i32
          %dma_start3A_381 = arith.constant 0 : i32
          %dma_start3A_382 = tpu.memref_slice %arg10[%sub3A_378, %dma_start3A_380, %dma_start3A_381] : memref<2x8x128xi32, #tpu.memory_space<vmem>> -> memref<1x8x128xi32, #tpu.memory_space<vmem>>
          %dma_start3A_383 = tpu.memref_squeeze %dma_start3A_382 : memref<1x8x128xi32, #tpu.memory_space<vmem>> -> memref<8x128xi32, #tpu.memory_space<vmem>>
          %dma_start3A_384 = arith.constant 0 : i32
          %dma_start3A_385 = tpu.memref_slice %arg4[%add3A_375, %dma_start3A_384] : memref<2560x128xi32, #tpu.memory_space<hbm>> -> memref<8x128xi32, #tpu.memory_space<hbm>>
          %dma_start3A_386 = arith.constant 0 : i32
          %dma_start3A_387 = arith.constant 0 : i32
          %dma_start3A_388 = tpu.memref_slice %arg10[%sub3A_378, %dma_start3A_386, %dma_start3A_387] : memref<2x8x128xi32, #tpu.memory_space<vmem>> -> memref<1x8x128xi32, #tpu.memory_space<vmem>>
          %dma_start3A_389 = tpu.memref_squeeze %dma_start3A_388 : memref<1x8x128xi32, #tpu.memory_space<vmem>> -> memref<8x128xi32, #tpu.memory_space<vmem>>
          %dma_start3A_390 = arith.constant 0 : i32
          %dma_start3A_391 = tpu.memref_slice %arg4[%add3A_375, %dma_start3A_390] : memref<2560x128xi32, #tpu.memory_space<hbm>> -> memref<8x128xi32, #tpu.memory_space<hbm>>
          tpu.enqueue_dma source(%dma_start3A_391 : memref<8x128xi32, #tpu.memory_space<hbm>>) target(%dma_start3A_389 : memref<8x128xi32, #tpu.memory_space<vmem>>) target_semaphore(%run_scoped3A_379 : memref<!tpu.dma_semaphore, #tpu.memory_space<semaphore_mem>>)
          %dma_wait3A_392 = arith.constant 0 : i32
          %dma_wait3A_393 = arith.constant 0 : i32
          %dma_wait3A_394 = tpu.memref_slice %arg10[%sub3A_378, %dma_wait3A_392, %dma_wait3A_393] : memref<2x8x128xi32, #tpu.memory_space<vmem>> -> memref<1x8x128xi32, #tpu.memory_space<vmem>>
          %dma_wait3A_395 = tpu.memref_squeeze %dma_wait3A_394 : memref<1x8x128xi32, #tpu.memory_space<vmem>> -> memref<8x128xi32, #tpu.memory_space<vmem>>
          %dma_wait3A_396 = arith.constant 0 : i32
          %dma_wait3A_397 = tpu.memref_slice %arg4[%add3A_375, %dma_wait3A_396] : memref<2560x128xi32, #tpu.memory_space<hbm>> -> memref<8x128xi32, #tpu.memory_space<hbm>>
          %dma_wait3A_398 = arith.constant 0 : i32
          %dma_wait3A_399 = arith.constant 0 : i32
          %dma_wait3A_400 = tpu.memref_slice %arg10[%sub3A_378, %dma_wait3A_398, %dma_wait3A_399] : memref<2x8x128xi32, #tpu.memory_space<vmem>> -> memref<1x8x128xi32, #tpu.memory_space<vmem>>
          %dma_wait3A_401 = tpu.memref_squeeze %dma_wait3A_400 : memref<1x8x128xi32, #tpu.memory_space<vmem>> -> memref<8x128xi32, #tpu.memory_space<vmem>>
          %dma_wait3A_402 = arith.constant 0 : i32
          %dma_wait3A_403 = tpu.memref_slice %arg4[%add3A_375, %dma_wait3A_402] : memref<2560x128xi32, #tpu.memory_space<hbm>> -> memref<8x128xi32, #tpu.memory_space<hbm>>
          tpu.wait_dma2 semaphore(%run_scoped3A_379 : memref<!tpu.dma_semaphore, #tpu.memory_space<semaphore_mem>>) src(%dma_wait3A_403 : memref<8x128xi32, #tpu.memory_space<hbm>>) dst(%dma_wait3A_401 : memref<8x128xi32, #tpu.memory_space<vmem>>)
          tpu.yield
        }) : () -> ()
      } else {
      }
      %dma_wait3A_198 = arith.constant 0 : i32
      %dma_wait3A_199 = arith.constant 0 : i32
      %dma_wait3A_200 = tpu.memref_slice %arg9[%rem3A_140, %dma_wait3A_198, %dma_wait3A_199] : memref<2x8x128xi32, #tpu.memory_space<vmem>> -> memref<1x1x128xi32, #tpu.memory_space<vmem>>
      %dma_wait3A_201 = tpu.memref_squeeze %dma_wait3A_200 : memref<1x1x128xi32, #tpu.memory_space<vmem>> -> memref<128xi32, #tpu.memory_space<vmem>>
      %dma_wait3A_202 = arith.constant 0 : i32
      %dma_wait3A_203 = arith.constant 0 : i32
      %dma_wait3A_204 = tpu.memref_slice %arg15[%dma_wait3A_202, %dma_wait3A_203] : memref<10000x32xf32, #tpu.memory_space<vmem_shared>> -> memref<10000x32xf32, #tpu.memory_space<vmem_shared>>
      tpu.wait_indirect_dma semaphore(%arg17 : memref<!tpu.dma_semaphore, #tpu.memory_space<semaphore_mem>>) src(%dma_wait3A_204 : memref<10000x32xf32, #tpu.memory_space<vmem_shared>>) dst(%arg11 : memref<128x32xf32, #tpu.memory_space<vmem>>)
      %dma_start3A = arith.constant 0 : i32
      %dma_start3A_205 = arith.constant 0 : i32
      %dma_start3A_206 = tpu.memref_slice %arg10[%rem3A_140, %dma_start3A, %dma_start3A_205] : memref<2x8x128xi32, #tpu.memory_space<vmem>> -> memref<1x1x128xi32, #tpu.memory_space<vmem>>
      %dma_start3A_207 = tpu.memref_squeeze %dma_start3A_206 : memref<1x1x128xi32, #tpu.memory_space<vmem>> -> memref<128xi32, #tpu.memory_space<vmem>>
      %dma_start3A_208 = arith.constant 0 : i32
      %dma_start3A_209 = arith.constant 0 : i32
      %dma_start3A_210 = tpu.memref_slice %arg16[%dma_start3A_208, %dma_start3A_209] : memref<10240x32xf32, #tpu.memory_space<vmem_shared>> -> memref<10240x32xf32, #tpu.memory_space<vmem_shared>>
      tpu.enqueue_indirect_dma source(%arg11 : memref<128x32xf32, #tpu.memory_space<vmem>>) target(%dma_start3A_210 : memref<10240x32xf32, #tpu.memory_space<vmem_shared>>) offsets(%dma_start3A_207 : memref<128xi32, #tpu.memory_space<vmem>>) semaphore(%arg21 : memref<!tpu.dma_semaphore, #tpu.memory_space<semaphore_mem>>) {add = true}
      %dma_wait3A_211 = arith.constant 1 : i32
      %dma_wait3A_212 = arith.constant 0 : i32
      %dma_wait3A_213 = tpu.memref_slice %arg9[%rem3A_140, %dma_wait3A_211, %dma_wait3A_212] : memref<2x8x128xi32, #tpu.memory_space<vmem>> -> memref<1x1x128xi32, #tpu.memory_space<vmem>>
      %dma_wait3A_214 = tpu.memref_squeeze %dma_wait3A_213 : memref<1x1x128xi32, #tpu.memory_space<vmem>> -> memref<128xi32, #tpu.memory_space<vmem>>
      %dma_wait3A_215 = arith.constant 0 : i32
      %dma_wait3A_216 = arith.constant 0 : i32
      %dma_wait3A_217 = tpu.memref_slice %arg15[%dma_wait3A_215, %dma_wait3A_216] : memref<10000x32xf32, #tpu.memory_space<vmem_shared>> -> memref<10000x32xf32, #tpu.memory_space<vmem_shared>>
      tpu.wait_indirect_dma semaphore(%arg18 : memref<!tpu.dma_semaphore, #tpu.memory_space<semaphore_mem>>) src(%dma_wait3A_217 : memref<10000x32xf32, #tpu.memory_space<vmem_shared>>) dst(%arg12 : memref<128x32xf32, #tpu.memory_space<vmem>>)
      %dma_start3A_218 = arith.constant 1 : i32
      %dma_start3A_219 = arith.constant 0 : i32
      %dma_start3A_220 = tpu.memref_slice %arg10[%rem3A_140, %dma_start3A_218, %dma_start3A_219] : memref<2x8x128xi32, #tpu.memory_space<vmem>> -> memref<1x1x128xi32, #tpu.memory_space<vmem>>
      %dma_start3A_221 = tpu.memref_squeeze %dma_start3A_220 : memref<1x1x128xi32, #tpu.memory_space<vmem>> -> memref<128xi32, #tpu.memory_space<vmem>>
      %dma_start3A_222 = arith.constant 0 : i32
      %dma_start3A_223 = arith.constant 0 : i32
      %dma_start3A_224 = tpu.memref_slice %arg16[%dma_start3A_222, %dma_start3A_223] : memref<10240x32xf32, #tpu.memory_space<vmem_shared>> -> memref<10240x32xf32, #tpu.memory_space<vmem_shared>>
      tpu.enqueue_indirect_dma source(%arg12 : memref<128x32xf32, #tpu.memory_space<vmem>>) target(%dma_start3A_224 : memref<10240x32xf32, #tpu.memory_space<vmem_shared>>) offsets(%dma_start3A_221 : memref<128xi32, #tpu.memory_space<vmem>>) semaphore(%arg22 : memref<!tpu.dma_semaphore, #tpu.memory_space<semaphore_mem>>) {add = true}
      %dma_wait3A_225 = arith.constant 2 : i32
      %dma_wait3A_226 = arith.constant 0 : i32
      %dma_wait3A_227 = tpu.memref_slice %arg9[%rem3A_140, %dma_wait3A_225, %dma_wait3A_226] : memref<2x8x128xi32, #tpu.memory_space<vmem>> -> memref<1x1x128xi32, #tpu.memory_space<vmem>>
      %dma_wait3A_228 = tpu.memref_squeeze %dma_wait3A_227 : memref<1x1x128xi32, #tpu.memory_space<vmem>> -> memref<128xi32, #tpu.memory_space<vmem>>
      %dma_wait3A_229 = arith.constant 0 : i32
      %dma_wait3A_230 = arith.constant 0 : i32
      %dma_wait3A_231 = tpu.memref_slice %arg15[%dma_wait3A_229, %dma_wait3A_230] : memref<10000x32xf32, #tpu.memory_space<vmem_shared>> -> memref<10000x32xf32, #tpu.memory_space<vmem_shared>>
      tpu.wait_indirect_dma semaphore(%arg19 : memref<!tpu.dma_semaphore, #tpu.memory_space<semaphore_mem>>) src(%dma_wait3A_231 : memref<10000x32xf32, #tpu.memory_space<vmem_shared>>) dst(%arg13 : memref<128x32xf32, #tpu.memory_space<vmem>>)
      %dma_start3A_232 = arith.constant 2 : i32
      %dma_start3A_233 = arith.constant 0 : i32
      %dma_start3A_234 = tpu.memref_slice %arg10[%rem3A_140, %dma_start3A_232, %dma_start3A_233] : memref<2x8x128xi32, #tpu.memory_space<vmem>> -> memref<1x1x128xi32, #tpu.memory_space<vmem>>
      %dma_start3A_235 = tpu.memref_squeeze %dma_start3A_234 : memref<1x1x128xi32, #tpu.memory_space<vmem>> -> memref<128xi32, #tpu.memory_space<vmem>>
      %dma_start3A_236 = arith.constant 0 : i32
      %dma_start3A_237 = arith.constant 0 : i32
      %dma_start3A_238 = tpu.memref_slice %arg16[%dma_start3A_236, %dma_start3A_237] : memref<10240x32xf32, #tpu.memory_space<vmem_shared>> -> memref<10240x32xf32, #tpu.memory_space<vmem_shared>>
      tpu.enqueue_indirect_dma source(%arg13 : memref<128x32xf32, #tpu.memory_space<vmem>>) target(%dma_start3A_238 : memref<10240x32xf32, #tpu.memory_space<vmem_shared>>) offsets(%dma_start3A_235 : memref<128xi32, #tpu.memory_space<vmem>>) semaphore(%arg23 : memref<!tpu.dma_semaphore, #tpu.memory_space<semaphore_mem>>) {add = true}
      %dma_wait3A_239 = arith.constant 3 : i32
      %dma_wait3A_240 = arith.constant 0 : i32
      %dma_wait3A_241 = tpu.memref_slice %arg9[%rem3A_140, %dma_wait3A_239, %dma_wait3A_240] : memref<2x8x128xi32, #tpu.memory_space<vmem>> -> memref<1x1x128xi32, #tpu.memory_space<vmem>>
      %dma_wait3A_242 = tpu.memref_squeeze %dma_wait3A_241 : memref<1x1x128xi32, #tpu.memory_space<vmem>> -> memref<128xi32, #tpu.memory_space<vmem>>
      %dma_wait3A_243 = arith.constant 0 : i32
      %dma_wait3A_244 = arith.constant 0 : i32
      %dma_wait3A_245 = tpu.memref_slice %arg15[%dma_wait3A_243, %dma_wait3A_244] : memref<10000x32xf32, #tpu.memory_space<vmem_shared>> -> memref<10000x32xf32, #tpu.memory_space<vmem_shared>>
      tpu.wait_indirect_dma semaphore(%arg20 : memref<!tpu.dma_semaphore, #tpu.memory_space<semaphore_mem>>) src(%dma_wait3A_245 : memref<10000x32xf32, #tpu.memory_space<vmem_shared>>) dst(%arg14 : memref<128x32xf32, #tpu.memory_space<vmem>>)
      %dma_start3A_246 = arith.constant 3 : i32
      %dma_start3A_247 = arith.constant 0 : i32
      %dma_start3A_248 = tpu.memref_slice %arg10[%rem3A_140, %dma_start3A_246, %dma_start3A_247] : memref<2x8x128xi32, #tpu.memory_space<vmem>> -> memref<1x1x128xi32, #tpu.memory_space<vmem>>
      %dma_start3A_249 = tpu.memref_squeeze %dma_start3A_248 : memref<1x1x128xi32, #tpu.memory_space<vmem>> -> memref<128xi32, #tpu.memory_space<vmem>>
      %dma_start3A_250 = arith.constant 0 : i32
      %dma_start3A_251 = arith.constant 0 : i32
      %dma_start3A_252 = tpu.memref_slice %arg16[%dma_start3A_250, %dma_start3A_251] : memref<10240x32xf32, #tpu.memory_space<vmem_shared>> -> memref<10240x32xf32, #tpu.memory_space<vmem_shared>>
      tpu.enqueue_indirect_dma source(%arg14 : memref<128x32xf32, #tpu.memory_space<vmem>>) target(%dma_start3A_252 : memref<10240x32xf32, #tpu.memory_space<vmem_shared>>) offsets(%dma_start3A_249 : memref<128xi32, #tpu.memory_space<vmem>>) semaphore(%arg24 : memref<!tpu.dma_semaphore, #tpu.memory_space<semaphore_mem>>) {add = true}
      %dma_wait3A_253 = arith.constant 0 : i32
      %dma_wait3A_254 = arith.constant 0 : i32
      %dma_wait3A_255 = tpu.memref_slice %arg10[%rem3A_140, %dma_wait3A_253, %dma_wait3A_254] : memref<2x8x128xi32, #tpu.memory_space<vmem>> -> memref<1x1x128xi32, #tpu.memory_space<vmem>>
      %dma_wait3A_256 = tpu.memref_squeeze %dma_wait3A_255 : memref<1x1x128xi32, #tpu.memory_space<vmem>> -> memref<128xi32, #tpu.memory_space<vmem>>
      %dma_wait3A_257 = arith.constant 0 : i32
      %dma_wait3A_258 = arith.constant 0 : i32
      %dma_wait3A_259 = tpu.memref_slice %arg16[%dma_wait3A_257, %dma_wait3A_258] : memref<10240x32xf32, #tpu.memory_space<vmem_shared>> -> memref<10240x32xf32, #tpu.memory_space<vmem_shared>>
      tpu.wait_indirect_dma semaphore(%arg21 : memref<!tpu.dma_semaphore, #tpu.memory_space<semaphore_mem>>) src(%arg11 : memref<128x32xf32, #tpu.memory_space<vmem>>) dst(%dma_wait3A_259 : memref<10240x32xf32, #tpu.memory_space<vmem_shared>>)
      %convert_element_type3A_260 = arith.extui %lt3A : i1 to i32
      %cond3A_261 = arith.constant 0 : i32
      %cond3A_262 = arith.cmpi ne, %convert_element_type3A_260, %cond3A_261 : i32
      scf.if %cond3A_262 {
        %eq3A_369 = arith.constant 0 : i32
        %eq3A_370 = arith.cmpi eq, %arg0, %eq3A_369 : i32
        %convert_element_type3A_371 = arith.extui %eq3A_370 : i1 to i32
        %cond3A_372 = arith.constant 0 : i32
        %cond3A_373 = arith.cmpi ne, %convert_element_type3A_371, %cond3A_372 : i32
        scf.if %cond3A_373 {
          %dma_start3A_379 = arith.constant 4 : i32
          %dma_start3A_380 = arith.constant 0 : i32
          %dma_start3A_381 = tpu.memref_slice %arg9[%rem3A_140, %dma_start3A_379, %dma_start3A_380] : memref<2x8x128xi32, #tpu.memory_space<vmem>> -> memref<1x1x128xi32, #tpu.memory_space<vmem>>
          %dma_start3A_382 = tpu.memref_squeeze %dma_start3A_381 : memref<1x1x128xi32, #tpu.memory_space<vmem>> -> memref<128xi32, #tpu.memory_space<vmem>>
          %dma_start3A_383 = arith.constant 0 : i32
          %dma_start3A_384 = arith.constant 0 : i32
          %dma_start3A_385 = tpu.memref_slice %arg7[%dma_start3A_383, %dma_start3A_384] : memref<10000x32xf32, #tpu.memory_space<hbm>> -> memref<10000x32xf32, #tpu.memory_space<hbm>>
          tpu.enqueue_indirect_dma source(%dma_start3A_385 : memref<10000x32xf32, #tpu.memory_space<hbm>>) target(%arg11 : memref<128x32xf32, #tpu.memory_space<vmem>>) offsets(%dma_start3A_382 : memref<128xi32, #tpu.memory_space<vmem>>) semaphore(%arg17 : memref<!tpu.dma_semaphore, #tpu.memory_space<semaphore_mem>>)
        } else {
        }
        %eq3A_374 = arith.constant 1 : i32
        %eq3A_375 = arith.cmpi eq, %arg0, %eq3A_374 : i32
        %convert_element_type3A_376 = arith.extui %eq3A_375 : i1 to i32
        %cond3A_377 = arith.constant 0 : i32
        %cond3A_378 = arith.cmpi ne, %convert_element_type3A_376, %cond3A_377 : i32
        scf.if %cond3A_378 {
          %dma_start3A_379 = arith.constant 4 : i32
          %dma_start3A_380 = arith.constant 0 : i32
          %dma_start3A_381 = tpu.memref_slice %arg9[%rem3A_140, %dma_start3A_379, %dma_start3A_380] : memref<2x8x128xi32, #tpu.memory_space<vmem>> -> memref<1x1x128xi32, #tpu.memory_space<vmem>>
          %dma_start3A_382 = tpu.memref_squeeze %dma_start3A_381 : memref<1x1x128xi32, #tpu.memory_space<vmem>> -> memref<128xi32, #tpu.memory_space<vmem>>
          %dma_start3A_383 = arith.constant 0 : i32
          %dma_start3A_384 = arith.constant 0 : i32
          %dma_start3A_385 = tpu.memref_slice %arg8[%dma_start3A_383, %dma_start3A_384] : memref<10000x32xf32, #tpu.memory_space<hbm>> -> memref<10000x32xf32, #tpu.memory_space<hbm>>
          tpu.enqueue_indirect_dma source(%dma_start3A_385 : memref<10000x32xf32, #tpu.memory_space<hbm>>) target(%arg11 : memref<128x32xf32, #tpu.memory_space<vmem>>) offsets(%dma_start3A_382 : memref<128xi32, #tpu.memory_space<vmem>>) semaphore(%arg17 : memref<!tpu.dma_semaphore, #tpu.memory_space<semaphore_mem>>)
        } else {
        }
      } else {
      }
      %not3A_263 = arith.constant true
      %not3A_264 = arith.xori %lt3A, %not3A_263 : i1
      %convert_element_type3A_265 = arith.extui %not3A_264 : i1 to i32
      %cond3A_266 = arith.constant 0 : i32
      %cond3A_267 = arith.cmpi ne, %convert_element_type3A_265, %cond3A_266 : i32
      scf.if %cond3A_267 {
        %dma_start3A_369 = arith.constant 4 : i32
        %dma_start3A_370 = arith.constant 0 : i32
        %dma_start3A_371 = tpu.memref_slice %arg9[%rem3A_140, %dma_start3A_369, %dma_start3A_370] : memref<2x8x128xi32, #tpu.memory_space<vmem>> -> memref<1x1x128xi32, #tpu.memory_space<vmem>>
        %dma_start3A_372 = tpu.memref_squeeze %dma_start3A_371 : memref<1x1x128xi32, #tpu.memory_space<vmem>> -> memref<128xi32, #tpu.memory_space<vmem>>
        %dma_start3A_373 = arith.constant 0 : i32
        %dma_start3A_374 = arith.constant 0 : i32
        %dma_start3A_375 = tpu.memref_slice %arg15[%dma_start3A_373, %dma_start3A_374] : memref<10000x32xf32, #tpu.memory_space<vmem_shared>> -> memref<10000x32xf32, #tpu.memory_space<vmem_shared>>
        tpu.enqueue_indirect_dma source(%dma_start3A_375 : memref<10000x32xf32, #tpu.memory_space<vmem_shared>>) target(%arg11 : memref<128x32xf32, #tpu.memory_space<vmem>>) offsets(%dma_start3A_372 : memref<128xi32, #tpu.memory_space<vmem>>) semaphore(%arg17 : memref<!tpu.dma_semaphore, #tpu.memory_space<semaphore_mem>>)
      } else {
      }
      %dma_wait3A_268 = arith.constant 1 : i32
      %dma_wait3A_269 = arith.constant 0 : i32
      %dma_wait3A_270 = tpu.memref_slice %arg10[%rem3A_140, %dma_wait3A_268, %dma_wait3A_269] : memref<2x8x128xi32, #tpu.memory_space<vmem>> -> memref<1x1x128xi32, #tpu.memory_space<vmem>>
      %dma_wait3A_271 = tpu.memref_squeeze %dma_wait3A_270 : memref<1x1x128xi32, #tpu.memory_space<vmem>> -> memref<128xi32, #tpu.memory_space<vmem>>
      %dma_wait3A_272 = arith.constant 0 : i32
      %dma_wait3A_273 = arith.constant 0 : i32
      %dma_wait3A_274 = tpu.memref_slice %arg16[%dma_wait3A_272, %dma_wait3A_273] : memref<10240x32xf32, #tpu.memory_space<vmem_shared>> -> memref<10240x32xf32, #tpu.memory_space<vmem_shared>>
      tpu.wait_indirect_dma semaphore(%arg22 : memref<!tpu.dma_semaphore, #tpu.memory_space<semaphore_mem>>) src(%arg12 : memref<128x32xf32, #tpu.memory_space<vmem>>) dst(%dma_wait3A_274 : memref<10240x32xf32, #tpu.memory_space<vmem_shared>>)
      %convert_element_type3A_275 = arith.extui %lt3A : i1 to i32
      %cond3A_276 = arith.constant 0 : i32
      %cond3A_277 = arith.cmpi ne, %convert_element_type3A_275, %cond3A_276 : i32
      scf.if %cond3A_277 {
        %eq3A_369 = arith.constant 0 : i32
        %eq3A_370 = arith.cmpi eq, %arg0, %eq3A_369 : i32
        %convert_element_type3A_371 = arith.extui %eq3A_370 : i1 to i32
        %cond3A_372 = arith.constant 0 : i32
        %cond3A_373 = arith.cmpi ne, %convert_element_type3A_371, %cond3A_372 : i32
        scf.if %cond3A_373 {
          %dma_start3A_379 = arith.constant 5 : i32
          %dma_start3A_380 = arith.constant 0 : i32
          %dma_start3A_381 = tpu.memref_slice %arg9[%rem3A_140, %dma_start3A_379, %dma_start3A_380] : memref<2x8x128xi32, #tpu.memory_space<vmem>> -> memref<1x1x128xi32, #tpu.memory_space<vmem>>
          %dma_start3A_382 = tpu.memref_squeeze %dma_start3A_381 : memref<1x1x128xi32, #tpu.memory_space<vmem>> -> memref<128xi32, #tpu.memory_space<vmem>>
          %dma_start3A_383 = arith.constant 0 : i32
          %dma_start3A_384 = arith.constant 0 : i32
          %dma_start3A_385 = tpu.memref_slice %arg7[%dma_start3A_383, %dma_start3A_384] : memref<10000x32xf32, #tpu.memory_space<hbm>> -> memref<10000x32xf32, #tpu.memory_space<hbm>>
          tpu.enqueue_indirect_dma source(%dma_start3A_385 : memref<10000x32xf32, #tpu.memory_space<hbm>>) target(%arg12 : memref<128x32xf32, #tpu.memory_space<vmem>>) offsets(%dma_start3A_382 : memref<128xi32, #tpu.memory_space<vmem>>) semaphore(%arg18 : memref<!tpu.dma_semaphore, #tpu.memory_space<semaphore_mem>>)
        } else {
        }
        %eq3A_374 = arith.constant 1 : i32
        %eq3A_375 = arith.cmpi eq, %arg0, %eq3A_374 : i32
        %convert_element_type3A_376 = arith.extui %eq3A_375 : i1 to i32
        %cond3A_377 = arith.constant 0 : i32
        %cond3A_378 = arith.cmpi ne, %convert_element_type3A_376, %cond3A_377 : i32
        scf.if %cond3A_378 {
          %dma_start3A_379 = arith.constant 5 : i32
          %dma_start3A_380 = arith.constant 0 : i32
          %dma_start3A_381 = tpu.memref_slice %arg9[%rem3A_140, %dma_start3A_379, %dma_start3A_380] : memref<2x8x128xi32, #tpu.memory_space<vmem>> -> memref<1x1x128xi32, #tpu.memory_space<vmem>>
          %dma_start3A_382 = tpu.memref_squeeze %dma_start3A_381 : memref<1x1x128xi32, #tpu.memory_space<vmem>> -> memref<128xi32, #tpu.memory_space<vmem>>
          %dma_start3A_383 = arith.constant 0 : i32
          %dma_start3A_384 = arith.constant 0 : i32
          %dma_start3A_385 = tpu.memref_slice %arg8[%dma_start3A_383, %dma_start3A_384] : memref<10000x32xf32, #tpu.memory_space<hbm>> -> memref<10000x32xf32, #tpu.memory_space<hbm>>
          tpu.enqueue_indirect_dma source(%dma_start3A_385 : memref<10000x32xf32, #tpu.memory_space<hbm>>) target(%arg12 : memref<128x32xf32, #tpu.memory_space<vmem>>) offsets(%dma_start3A_382 : memref<128xi32, #tpu.memory_space<vmem>>) semaphore(%arg18 : memref<!tpu.dma_semaphore, #tpu.memory_space<semaphore_mem>>)
        } else {
        }
      } else {
      }
      %not3A_278 = arith.constant true
      %not3A_279 = arith.xori %lt3A, %not3A_278 : i1
      %convert_element_type3A_280 = arith.extui %not3A_279 : i1 to i32
      %cond3A_281 = arith.constant 0 : i32
      %cond3A_282 = arith.cmpi ne, %convert_element_type3A_280, %cond3A_281 : i32
      scf.if %cond3A_282 {
        %dma_start3A_369 = arith.constant 5 : i32
        %dma_start3A_370 = arith.constant 0 : i32
        %dma_start3A_371 = tpu.memref_slice %arg9[%rem3A_140, %dma_start3A_369, %dma_start3A_370] : memref<2x8x128xi32, #tpu.memory_space<vmem>> -> memref<1x1x128xi32, #tpu.memory_space<vmem>>
        %dma_start3A_372 = tpu.memref_squeeze %dma_start3A_371 : memref<1x1x128xi32, #tpu.memory_space<vmem>> -> memref<128xi32, #tpu.memory_space<vmem>>
        %dma_start3A_373 = arith.constant 0 : i32
        %dma_start3A_374 = arith.constant 0 : i32
        %dma_start3A_375 = tpu.memref_slice %arg15[%dma_start3A_373, %dma_start3A_374] : memref<10000x32xf32, #tpu.memory_space<vmem_shared>> -> memref<10000x32xf32, #tpu.memory_space<vmem_shared>>
        tpu.enqueue_indirect_dma source(%dma_start3A_375 : memref<10000x32xf32, #tpu.memory_space<vmem_shared>>) target(%arg12 : memref<128x32xf32, #tpu.memory_space<vmem>>) offsets(%dma_start3A_372 : memref<128xi32, #tpu.memory_space<vmem>>) semaphore(%arg18 : memref<!tpu.dma_semaphore, #tpu.memory_space<semaphore_mem>>)
      } else {
      }
      %dma_wait3A_283 = arith.constant 2 : i32
      %dma_wait3A_284 = arith.constant 0 : i32
      %dma_wait3A_285 = tpu.memref_slice %arg10[%rem3A_140, %dma_wait3A_283, %dma_wait3A_284] : memref<2x8x128xi32, #tpu.memory_space<vmem>> -> memref<1x1x128xi32, #tpu.memory_space<vmem>>
      %dma_wait3A_286 = tpu.memref_squeeze %dma_wait3A_285 : memref<1x1x128xi32, #tpu.memory_space<vmem>> -> memref<128xi32, #tpu.memory_space<vmem>>
      %dma_wait3A_287 = arith.constant 0 : i32
      %dma_wait3A_288 = arith.constant 0 : i32
      %dma_wait3A_289 = tpu.memref_slice %arg16[%dma_wait3A_287, %dma_wait3A_288] : memref<10240x32xf32, #tpu.memory_space<vmem_shared>> -> memref<10240x32xf32, #tpu.memory_space<vmem_shared>>
      tpu.wait_indirect_dma semaphore(%arg23 : memref<!tpu.dma_semaphore, #tpu.memory_space<semaphore_mem>>) src(%arg13 : memref<128x32xf32, #tpu.memory_space<vmem>>) dst(%dma_wait3A_289 : memref<10240x32xf32, #tpu.memory_space<vmem_shared>>)
      %convert_element_type3A_290 = arith.extui %lt3A : i1 to i32
      %cond3A_291 = arith.constant 0 : i32
      %cond3A_292 = arith.cmpi ne, %convert_element_type3A_290, %cond3A_291 : i32
      scf.if %cond3A_292 {
        %eq3A_369 = arith.constant 0 : i32
        %eq3A_370 = arith.cmpi eq, %arg0, %eq3A_369 : i32
        %convert_element_type3A_371 = arith.extui %eq3A_370 : i1 to i32
        %cond3A_372 = arith.constant 0 : i32
        %cond3A_373 = arith.cmpi ne, %convert_element_type3A_371, %cond3A_372 : i32
        scf.if %cond3A_373 {
          %dma_start3A_379 = arith.constant 6 : i32
          %dma_start3A_380 = arith.constant 0 : i32
          %dma_start3A_381 = tpu.memref_slice %arg9[%rem3A_140, %dma_start3A_379, %dma_start3A_380] : memref<2x8x128xi32, #tpu.memory_space<vmem>> -> memref<1x1x128xi32, #tpu.memory_space<vmem>>
          %dma_start3A_382 = tpu.memref_squeeze %dma_start3A_381 : memref<1x1x128xi32, #tpu.memory_space<vmem>> -> memref<128xi32, #tpu.memory_space<vmem>>
          %dma_start3A_383 = arith.constant 0 : i32
          %dma_start3A_384 = arith.constant 0 : i32
          %dma_start3A_385 = tpu.memref_slice %arg7[%dma_start3A_383, %dma_start3A_384] : memref<10000x32xf32, #tpu.memory_space<hbm>> -> memref<10000x32xf32, #tpu.memory_space<hbm>>
          tpu.enqueue_indirect_dma source(%dma_start3A_385 : memref<10000x32xf32, #tpu.memory_space<hbm>>) target(%arg13 : memref<128x32xf32, #tpu.memory_space<vmem>>) offsets(%dma_start3A_382 : memref<128xi32, #tpu.memory_space<vmem>>) semaphore(%arg19 : memref<!tpu.dma_semaphore, #tpu.memory_space<semaphore_mem>>)
        } else {
        }
        %eq3A_374 = arith.constant 1 : i32
        %eq3A_375 = arith.cmpi eq, %arg0, %eq3A_374 : i32
        %convert_element_type3A_376 = arith.extui %eq3A_375 : i1 to i32
        %cond3A_377 = arith.constant 0 : i32
        %cond3A_378 = arith.cmpi ne, %convert_element_type3A_376, %cond3A_377 : i32
        scf.if %cond3A_378 {
          %dma_start3A_379 = arith.constant 6 : i32
          %dma_start3A_380 = arith.constant 0 : i32
          %dma_start3A_381 = tpu.memref_slice %arg9[%rem3A_140, %dma_start3A_379, %dma_start3A_380] : memref<2x8x128xi32, #tpu.memory_space<vmem>> -> memref<1x1x128xi32, #tpu.memory_space<vmem>>
          %dma_start3A_382 = tpu.memref_squeeze %dma_start3A_381 : memref<1x1x128xi32, #tpu.memory_space<vmem>> -> memref<128xi32, #tpu.memory_space<vmem>>
          %dma_start3A_383 = arith.constant 0 : i32
          %dma_start3A_384 = arith.constant 0 : i32
          %dma_start3A_385 = tpu.memref_slice %arg8[%dma_start3A_383, %dma_start3A_384] : memref<10000x32xf32, #tpu.memory_space<hbm>> -> memref<10000x32xf32, #tpu.memory_space<hbm>>
          tpu.enqueue_indirect_dma source(%dma_start3A_385 : memref<10000x32xf32, #tpu.memory_space<hbm>>) target(%arg13 : memref<128x32xf32, #tpu.memory_space<vmem>>) offsets(%dma_start3A_382 : memref<128xi32, #tpu.memory_space<vmem>>) semaphore(%arg19 : memref<!tpu.dma_semaphore, #tpu.memory_space<semaphore_mem>>)
        } else {
        }
      } else {
      }
      %not3A_293 = arith.constant true
      %not3A_294 = arith.xori %lt3A, %not3A_293 : i1
      %convert_element_type3A_295 = arith.extui %not3A_294 : i1 to i32
      %cond3A_296 = arith.constant 0 : i32
      %cond3A_297 = arith.cmpi ne, %convert_element_type3A_295, %cond3A_296 : i32
      scf.if %cond3A_297 {
        %dma_start3A_369 = arith.constant 6 : i32
        %dma_start3A_370 = arith.constant 0 : i32
        %dma_start3A_371 = tpu.memref_slice %arg9[%rem3A_140, %dma_start3A_369, %dma_start3A_370] : memref<2x8x128xi32, #tpu.memory_space<vmem>> -> memref<1x1x128xi32, #tpu.memory_space<vmem>>
        %dma_start3A_372 = tpu.memref_squeeze %dma_start3A_371 : memref<1x1x128xi32, #tpu.memory_space<vmem>> -> memref<128xi32, #tpu.memory_space<vmem>>
        %dma_start3A_373 = arith.constant 0 : i32
        %dma_start3A_374 = arith.constant 0 : i32
        %dma_start3A_375 = tpu.memref_slice %arg15[%dma_start3A_373, %dma_start3A_374] : memref<10000x32xf32, #tpu.memory_space<vmem_shared>> -> memref<10000x32xf32, #tpu.memory_space<vmem_shared>>
        tpu.enqueue_indirect_dma source(%dma_start3A_375 : memref<10000x32xf32, #tpu.memory_space<vmem_shared>>) target(%arg13 : memref<128x32xf32, #tpu.memory_space<vmem>>) offsets(%dma_start3A_372 : memref<128xi32, #tpu.memory_space<vmem>>) semaphore(%arg19 : memref<!tpu.dma_semaphore, #tpu.memory_space<semaphore_mem>>)
      } else {
      }
      %dma_wait3A_298 = arith.constant 3 : i32
      %dma_wait3A_299 = arith.constant 0 : i32
      %dma_wait3A_300 = tpu.memref_slice %arg10[%rem3A_140, %dma_wait3A_298, %dma_wait3A_299] : memref<2x8x128xi32, #tpu.memory_space<vmem>> -> memref<1x1x128xi32, #tpu.memory_space<vmem>>
      %dma_wait3A_301 = tpu.memref_squeeze %dma_wait3A_300 : memref<1x1x128xi32, #tpu.memory_space<vmem>> -> memref<128xi32, #tpu.memory_space<vmem>>
      %dma_wait3A_302 = arith.constant 0 : i32
      %dma_wait3A_303 = arith.constant 0 : i32
      %dma_wait3A_304 = tpu.memref_slice %arg16[%dma_wait3A_302, %dma_wait3A_303] : memref<10240x32xf32, #tpu.memory_space<vmem_shared>> -> memref<10240x32xf32, #tpu.memory_space<vmem_shared>>
      tpu.wait_indirect_dma semaphore(%arg24 : memref<!tpu.dma_semaphore, #tpu.memory_space<semaphore_mem>>) src(%arg14 : memref<128x32xf32, #tpu.memory_space<vmem>>) dst(%dma_wait3A_304 : memref<10240x32xf32, #tpu.memory_space<vmem_shared>>)
      %convert_element_type3A_305 = arith.extui %lt3A : i1 to i32
      %cond3A_306 = arith.constant 0 : i32
      %cond3A_307 = arith.cmpi ne, %convert_element_type3A_305, %cond3A_306 : i32
      scf.if %cond3A_307 {
        %eq3A_369 = arith.constant 0 : i32
        %eq3A_370 = arith.cmpi eq, %arg0, %eq3A_369 : i32
        %convert_element_type3A_371 = arith.extui %eq3A_370 : i1 to i32
        %cond3A_372 = arith.constant 0 : i32
        %cond3A_373 = arith.cmpi ne, %convert_element_type3A_371, %cond3A_372 : i32
        scf.if %cond3A_373 {
          %dma_start3A_379 = arith.constant 7 : i32
          %dma_start3A_380 = arith.constant 0 : i32
          %dma_start3A_381 = tpu.memref_slice %arg9[%rem3A_140, %dma_start3A_379, %dma_start3A_380] : memref<2x8x128xi32, #tpu.memory_space<vmem>> -> memref<1x1x128xi32, #tpu.memory_space<vmem>>
          %dma_start3A_382 = tpu.memref_squeeze %dma_start3A_381 : memref<1x1x128xi32, #tpu.memory_space<vmem>> -> memref<128xi32, #tpu.memory_space<vmem>>
          %dma_start3A_383 = arith.constant 0 : i32
          %dma_start3A_384 = arith.constant 0 : i32
          %dma_start3A_385 = tpu.memref_slice %arg7[%dma_start3A_383, %dma_start3A_384] : memref<10000x32xf32, #tpu.memory_space<hbm>> -> memref<10000x32xf32, #tpu.memory_space<hbm>>
          tpu.enqueue_indirect_dma source(%dma_start3A_385 : memref<10000x32xf32, #tpu.memory_space<hbm>>) target(%arg14 : memref<128x32xf32, #tpu.memory_space<vmem>>) offsets(%dma_start3A_382 : memref<128xi32, #tpu.memory_space<vmem>>) semaphore(%arg20 : memref<!tpu.dma_semaphore, #tpu.memory_space<semaphore_mem>>)
        } else {
        }
        %eq3A_374 = arith.constant 1 : i32
        %eq3A_375 = arith.cmpi eq, %arg0, %eq3A_374 : i32
        %convert_element_type3A_376 = arith.extui %eq3A_375 : i1 to i32
        %cond3A_377 = arith.constant 0 : i32
        %cond3A_378 = arith.cmpi ne, %convert_element_type3A_376, %cond3A_377 : i32
        scf.if %cond3A_378 {
          %dma_start3A_379 = arith.constant 7 : i32
          %dma_start3A_380 = arith.constant 0 : i32
          %dma_start3A_381 = tpu.memref_slice %arg9[%rem3A_140, %dma_start3A_379, %dma_start3A_380] : memref<2x8x128xi32, #tpu.memory_space<vmem>> -> memref<1x1x128xi32, #tpu.memory_space<vmem>>
          %dma_start3A_382 = tpu.memref_squeeze %dma_start3A_381 : memref<1x1x128xi32, #tpu.memory_space<vmem>> -> memref<128xi32, #tpu.memory_space<vmem>>
          %dma_start3A_383 = arith.constant 0 : i32
          %dma_start3A_384 = arith.constant 0 : i32
          %dma_start3A_385 = tpu.memref_slice %arg8[%dma_start3A_383, %dma_start3A_384] : memref<10000x32xf32, #tpu.memory_space<hbm>> -> memref<10000x32xf32, #tpu.memory_space<hbm>>
          tpu.enqueue_indirect_dma source(%dma_start3A_385 : memref<10000x32xf32, #tpu.memory_space<hbm>>) target(%arg14 : memref<128x32xf32, #tpu.memory_space<vmem>>) offsets(%dma_start3A_382 : memref<128xi32, #tpu.memory_space<vmem>>) semaphore(%arg20 : memref<!tpu.dma_semaphore, #tpu.memory_space<semaphore_mem>>)
        } else {
        }
      } else {
      }
      %not3A_308 = arith.constant true
      %not3A_309 = arith.xori %lt3A, %not3A_308 : i1
      %convert_element_type3A_310 = arith.extui %not3A_309 : i1 to i32
      %cond3A_311 = arith.constant 0 : i32
      %cond3A_312 = arith.cmpi ne, %convert_element_type3A_310, %cond3A_311 : i32
      scf.if %cond3A_312 {
        %dma_start3A_369 = arith.constant 7 : i32
        %dma_start3A_370 = arith.constant 0 : i32
        %dma_start3A_371 = tpu.memref_slice %arg9[%rem3A_140, %dma_start3A_369, %dma_start3A_370] : memref<2x8x128xi32, #tpu.memory_space<vmem>> -> memref<1x1x128xi32, #tpu.memory_space<vmem>>
        %dma_start3A_372 = tpu.memref_squeeze %dma_start3A_371 : memref<1x1x128xi32, #tpu.memory_space<vmem>> -> memref<128xi32, #tpu.memory_space<vmem>>
        %dma_start3A_373 = arith.constant 0 : i32
        %dma_start3A_374 = arith.constant 0 : i32
        %dma_start3A_375 = tpu.memref_slice %arg15[%dma_start3A_373, %dma_start3A_374] : memref<10000x32xf32, #tpu.memory_space<vmem_shared>> -> memref<10000x32xf32, #tpu.memory_space<vmem_shared>>
        tpu.enqueue_indirect_dma source(%dma_start3A_375 : memref<10000x32xf32, #tpu.memory_space<vmem_shared>>) target(%arg14 : memref<128x32xf32, #tpu.memory_space<vmem>>) offsets(%dma_start3A_372 : memref<128xi32, #tpu.memory_space<vmem>>) semaphore(%arg20 : memref<!tpu.dma_semaphore, #tpu.memory_space<semaphore_mem>>)
      } else {
      }
      %dma_wait3A_313 = arith.constant 4 : i32
      %dma_wait3A_314 = arith.constant 0 : i32
      %dma_wait3A_315 = tpu.memref_slice %arg9[%rem3A_140, %dma_wait3A_313, %dma_wait3A_314] : memref<2x8x128xi32, #tpu.memory_space<vmem>> -> memref<1x1x128xi32, #tpu.memory_space<vmem>>
      %dma_wait3A_316 = tpu.memref_squeeze %dma_wait3A_315 : memref<1x1x128xi32, #tpu.memory_space<vmem>> -> memref<128xi32, #tpu.memory_space<vmem>>
      %dma_wait3A_317 = arith.constant 0 : i32
      %dma_wait3A_318 = arith.constant 0 : i32
      %dma_wait3A_319 = tpu.memref_slice %arg15[%dma_wait3A_317, %dma_wait3A_318] : memref<10000x32xf32, #tpu.memory_space<vmem_shared>> -> memref<10000x32xf32, #tpu.memory_space<vmem_shared>>
      tpu.wait_indirect_dma semaphore(%arg17 : memref<!tpu.dma_semaphore, #tpu.memory_space<semaphore_mem>>) src(%dma_wait3A_319 : memref<10000x32xf32, #tpu.memory_space<vmem_shared>>) dst(%arg11 : memref<128x32xf32, #tpu.memory_space<vmem>>)
      %dma_start3A_320 = arith.constant 4 : i32
      %dma_start3A_321 = arith.constant 0 : i32
      %dma_start3A_322 = tpu.memref_slice %arg10[%rem3A_140, %dma_start3A_320, %dma_start3A_321] : memref<2x8x128xi32, #tpu.memory_space<vmem>> -> memref<1x1x128xi32, #tpu.memory_space<vmem>>
      %dma_start3A_323 = tpu.memref_squeeze %dma_start3A_322 : memref<1x1x128xi32, #tpu.memory_space<vmem>> -> memref<128xi32, #tpu.memory_space<vmem>>
      %dma_start3A_324 = arith.constant 0 : i32
      %dma_start3A_325 = arith.constant 0 : i32
      %dma_start3A_326 = tpu.memref_slice %arg16[%dma_start3A_324, %dma_start3A_325] : memref<10240x32xf32, #tpu.memory_space<vmem_shared>> -> memref<10240x32xf32, #tpu.memory_space<vmem_shared>>
      tpu.enqueue_indirect_dma source(%arg11 : memref<128x32xf32, #tpu.memory_space<vmem>>) target(%dma_start3A_326 : memref<10240x32xf32, #tpu.memory_space<vmem_shared>>) offsets(%dma_start3A_323 : memref<128xi32, #tpu.memory_space<vmem>>) semaphore(%arg21 : memref<!tpu.dma_semaphore, #tpu.memory_space<semaphore_mem>>) {add = true}
      %dma_wait3A_327 = arith.constant 5 : i32
      %dma_wait3A_328 = arith.constant 0 : i32
      %dma_wait3A_329 = tpu.memref_slice %arg9[%rem3A_140, %dma_wait3A_327, %dma_wait3A_328] : memref<2x8x128xi32, #tpu.memory_space<vmem>> -> memref<1x1x128xi32, #tpu.memory_space<vmem>>
      %dma_wait3A_330 = tpu.memref_squeeze %dma_wait3A_329 : memref<1x1x128xi32, #tpu.memory_space<vmem>> -> memref<128xi32, #tpu.memory_space<vmem>>
      %dma_wait3A_331 = arith.constant 0 : i32
      %dma_wait3A_332 = arith.constant 0 : i32
      %dma_wait3A_333 = tpu.memref_slice %arg15[%dma_wait3A_331, %dma_wait3A_332] : memref<10000x32xf32, #tpu.memory_space<vmem_shared>> -> memref<10000x32xf32, #tpu.memory_space<vmem_shared>>
      tpu.wait_indirect_dma semaphore(%arg18 : memref<!tpu.dma_semaphore, #tpu.memory_space<semaphore_mem>>) src(%dma_wait3A_333 : memref<10000x32xf32, #tpu.memory_space<vmem_shared>>) dst(%arg12 : memref<128x32xf32, #tpu.memory_space<vmem>>)
      %dma_start3A_334 = arith.constant 5 : i32
      %dma_start3A_335 = arith.constant 0 : i32
      %dma_start3A_336 = tpu.memref_slice %arg10[%rem3A_140, %dma_start3A_334, %dma_start3A_335] : memref<2x8x128xi32, #tpu.memory_space<vmem>> -> memref<1x1x128xi32, #tpu.memory_space<vmem>>
      %dma_start3A_337 = tpu.memref_squeeze %dma_start3A_336 : memref<1x1x128xi32, #tpu.memory_space<vmem>> -> memref<128xi32, #tpu.memory_space<vmem>>
      %dma_start3A_338 = arith.constant 0 : i32
      %dma_start3A_339 = arith.constant 0 : i32
      %dma_start3A_340 = tpu.memref_slice %arg16[%dma_start3A_338, %dma_start3A_339] : memref<10240x32xf32, #tpu.memory_space<vmem_shared>> -> memref<10240x32xf32, #tpu.memory_space<vmem_shared>>
      tpu.enqueue_indirect_dma source(%arg12 : memref<128x32xf32, #tpu.memory_space<vmem>>) target(%dma_start3A_340 : memref<10240x32xf32, #tpu.memory_space<vmem_shared>>) offsets(%dma_start3A_337 : memref<128xi32, #tpu.memory_space<vmem>>) semaphore(%arg22 : memref<!tpu.dma_semaphore, #tpu.memory_space<semaphore_mem>>) {add = true}
      %dma_wait3A_341 = arith.constant 6 : i32
      %dma_wait3A_342 = arith.constant 0 : i32
      %dma_wait3A_343 = tpu.memref_slice %arg9[%rem3A_140, %dma_wait3A_341, %dma_wait3A_342] : memref<2x8x128xi32, #tpu.memory_space<vmem>> -> memref<1x1x128xi32, #tpu.memory_space<vmem>>
      %dma_wait3A_344 = tpu.memref_squeeze %dma_wait3A_343 : memref<1x1x128xi32, #tpu.memory_space<vmem>> -> memref<128xi32, #tpu.memory_space<vmem>>
      %dma_wait3A_345 = arith.constant 0 : i32
      %dma_wait3A_346 = arith.constant 0 : i32
      %dma_wait3A_347 = tpu.memref_slice %arg15[%dma_wait3A_345, %dma_wait3A_346] : memref<10000x32xf32, #tpu.memory_space<vmem_shared>> -> memref<10000x32xf32, #tpu.memory_space<vmem_shared>>
      tpu.wait_indirect_dma semaphore(%arg19 : memref<!tpu.dma_semaphore, #tpu.memory_space<semaphore_mem>>) src(%dma_wait3A_347 : memref<10000x32xf32, #tpu.memory_space<vmem_shared>>) dst(%arg13 : memref<128x32xf32, #tpu.memory_space<vmem>>)
      %dma_start3A_348 = arith.constant 6 : i32
      %dma_start3A_349 = arith.constant 0 : i32
      %dma_start3A_350 = tpu.memref_slice %arg10[%rem3A_140, %dma_start3A_348, %dma_start3A_349] : memref<2x8x128xi32, #tpu.memory_space<vmem>> -> memref<1x1x128xi32, #tpu.memory_space<vmem>>
      %dma_start3A_351 = tpu.memref_squeeze %dma_start3A_350 : memref<1x1x128xi32, #tpu.memory_space<vmem>> -> memref<128xi32, #tpu.memory_space<vmem>>
      %dma_start3A_352 = arith.constant 0 : i32
      %dma_start3A_353 = arith.constant 0 : i32
      %dma_start3A_354 = tpu.memref_slice %arg16[%dma_start3A_352, %dma_start3A_353] : memref<10240x32xf32, #tpu.memory_space<vmem_shared>> -> memref<10240x32xf32, #tpu.memory_space<vmem_shared>>
      tpu.enqueue_indirect_dma source(%arg13 : memref<128x32xf32, #tpu.memory_space<vmem>>) target(%dma_start3A_354 : memref<10240x32xf32, #tpu.memory_space<vmem_shared>>) offsets(%dma_start3A_351 : memref<128xi32, #tpu.memory_space<vmem>>) semaphore(%arg23 : memref<!tpu.dma_semaphore, #tpu.memory_space<semaphore_mem>>) {add = true}
      %dma_wait3A_355 = arith.constant 7 : i32
      %dma_wait3A_356 = arith.constant 0 : i32
      %dma_wait3A_357 = tpu.memref_slice %arg9[%rem3A_140, %dma_wait3A_355, %dma_wait3A_356] : memref<2x8x128xi32, #tpu.memory_space<vmem>> -> memref<1x1x128xi32, #tpu.memory_space<vmem>>
      %dma_wait3A_358 = tpu.memref_squeeze %dma_wait3A_357 : memref<1x1x128xi32, #tpu.memory_space<vmem>> -> memref<128xi32, #tpu.memory_space<vmem>>
      %dma_wait3A_359 = arith.constant 0 : i32
      %dma_wait3A_360 = arith.constant 0 : i32
      %dma_wait3A_361 = tpu.memref_slice %arg15[%dma_wait3A_359, %dma_wait3A_360] : memref<10000x32xf32, #tpu.memory_space<vmem_shared>> -> memref<10000x32xf32, #tpu.memory_space<vmem_shared>>
      tpu.wait_indirect_dma semaphore(%arg20 : memref<!tpu.dma_semaphore, #tpu.memory_space<semaphore_mem>>) src(%dma_wait3A_361 : memref<10000x32xf32, #tpu.memory_space<vmem_shared>>) dst(%arg14 : memref<128x32xf32, #tpu.memory_space<vmem>>)
      %dma_start3A_362 = arith.constant 7 : i32
      %dma_start3A_363 = arith.constant 0 : i32
      %dma_start3A_364 = tpu.memref_slice %arg10[%rem3A_140, %dma_start3A_362, %dma_start3A_363] : memref<2x8x128xi32, #tpu.memory_space<vmem>> -> memref<1x1x128xi32, #tpu.memory_space<vmem>>
      %dma_start3A_365 = tpu.memref_squeeze %dma_start3A_364 : memref<1x1x128xi32, #tpu.memory_space<vmem>> -> memref<128xi32, #tpu.memory_space<vmem>>
      %dma_start3A_366 = arith.constant 0 : i32
      %dma_start3A_367 = arith.constant 0 : i32
      %dma_start3A_368 = tpu.memref_slice %arg16[%dma_start3A_366, %dma_start3A_367] : memref<10240x32xf32, #tpu.memory_space<vmem_shared>> -> memref<10240x32xf32, #tpu.memory_space<vmem_shared>>
      tpu.enqueue_indirect_dma source(%arg14 : memref<128x32xf32, #tpu.memory_space<vmem>>) target(%dma_start3A_368 : memref<10240x32xf32, #tpu.memory_space<vmem_shared>>) offsets(%dma_start3A_365 : memref<128xi32, #tpu.memory_space<vmem>>) semaphore(%arg24 : memref<!tpu.dma_semaphore, #tpu.memory_space<semaphore_mem>>) {add = true}
    }
    %scan3A_37 = arith.constant 20 : i32
    %rem3A = arith.constant 19 : i32
    %rem3A_38 = arith.constant 2 : i32
    %rem3A_39 = arith.remsi %rem3A, %rem3A_38 : i32
    %dma_wait3A = arith.constant 4 : i32
    %dma_wait3A_40 = arith.constant 0 : i32
    %dma_wait3A_41 = tpu.memref_slice %arg10[%rem3A_39, %dma_wait3A, %dma_wait3A_40] : memref<2x8x128xi32, #tpu.memory_space<vmem>> -> memref<1x1x128xi32, #tpu.memory_space<vmem>>
    %dma_wait3A_42 = tpu.memref_squeeze %dma_wait3A_41 : memref<1x1x128xi32, #tpu.memory_space<vmem>> -> memref<128xi32, #tpu.memory_space<vmem>>
    %dma_wait3A_43 = arith.constant 0 : i32
    %dma_wait3A_44 = arith.constant 0 : i32
    %dma_wait3A_45 = tpu.memref_slice %arg16[%dma_wait3A_43, %dma_wait3A_44] : memref<10240x32xf32, #tpu.memory_space<vmem_shared>> -> memref<10240x32xf32, #tpu.memory_space<vmem_shared>>
    tpu.wait_indirect_dma semaphore(%arg21 : memref<!tpu.dma_semaphore, #tpu.memory_space<semaphore_mem>>) src(%arg11 : memref<128x32xf32, #tpu.memory_space<vmem>>) dst(%dma_wait3A_45 : memref<10240x32xf32, #tpu.memory_space<vmem_shared>>)
    %dma_wait3A_46 = arith.constant 5 : i32
    %dma_wait3A_47 = arith.constant 0 : i32
    %dma_wait3A_48 = tpu.memref_slice %arg10[%rem3A_39, %dma_wait3A_46, %dma_wait3A_47] : memref<2x8x128xi32, #tpu.memory_space<vmem>> -> memref<1x1x128xi32, #tpu.memory_space<vmem>>
    %dma_wait3A_49 = tpu.memref_squeeze %dma_wait3A_48 : memref<1x1x128xi32, #tpu.memory_space<vmem>> -> memref<128xi32, #tpu.memory_space<vmem>>
    %dma_wait3A_50 = arith.constant 0 : i32
    %dma_wait3A_51 = arith.constant 0 : i32
    %dma_wait3A_52 = tpu.memref_slice %arg16[%dma_wait3A_50, %dma_wait3A_51] : memref<10240x32xf32, #tpu.memory_space<vmem_shared>> -> memref<10240x32xf32, #tpu.memory_space<vmem_shared>>
    tpu.wait_indirect_dma semaphore(%arg22 : memref<!tpu.dma_semaphore, #tpu.memory_space<semaphore_mem>>) src(%arg12 : memref<128x32xf32, #tpu.memory_space<vmem>>) dst(%dma_wait3A_52 : memref<10240x32xf32, #tpu.memory_space<vmem_shared>>)
    %dma_wait3A_53 = arith.constant 6 : i32
    %dma_wait3A_54 = arith.constant 0 : i32
    %dma_wait3A_55 = tpu.memref_slice %arg10[%rem3A_39, %dma_wait3A_53, %dma_wait3A_54] : memref<2x8x128xi32, #tpu.memory_space<vmem>> -> memref<1x1x128xi32, #tpu.memory_space<vmem>>
    %dma_wait3A_56 = tpu.memref_squeeze %dma_wait3A_55 : memref<1x1x128xi32, #tpu.memory_space<vmem>> -> memref<128xi32, #tpu.memory_space<vmem>>
    %dma_wait3A_57 = arith.constant 0 : i32
    %dma_wait3A_58 = arith.constant 0 : i32
    %dma_wait3A_59 = tpu.memref_slice %arg16[%dma_wait3A_57, %dma_wait3A_58] : memref<10240x32xf32, #tpu.memory_space<vmem_shared>> -> memref<10240x32xf32, #tpu.memory_space<vmem_shared>>
    tpu.wait_indirect_dma semaphore(%arg23 : memref<!tpu.dma_semaphore, #tpu.memory_space<semaphore_mem>>) src(%arg13 : memref<128x32xf32, #tpu.memory_space<vmem>>) dst(%dma_wait3A_59 : memref<10240x32xf32, #tpu.memory_space<vmem_shared>>)
    %dma_wait3A_60 = arith.constant 7 : i32
    %dma_wait3A_61 = arith.constant 0 : i32
    %dma_wait3A_62 = tpu.memref_slice %arg10[%rem3A_39, %dma_wait3A_60, %dma_wait3A_61] : memref<2x8x128xi32, #tpu.memory_space<vmem>> -> memref<1x1x128xi32, #tpu.memory_space<vmem>>
    %dma_wait3A_63 = tpu.memref_squeeze %dma_wait3A_62 : memref<1x1x128xi32, #tpu.memory_space<vmem>> -> memref<128xi32, #tpu.memory_space<vmem>>
    %dma_wait3A_64 = arith.constant 0 : i32
    %dma_wait3A_65 = arith.constant 0 : i32
    %dma_wait3A_66 = tpu.memref_slice %arg16[%dma_wait3A_64, %dma_wait3A_65] : memref<10240x32xf32, #tpu.memory_space<vmem_shared>> -> memref<10240x32xf32, #tpu.memory_space<vmem_shared>>
    tpu.wait_indirect_dma semaphore(%arg24 : memref<!tpu.dma_semaphore, #tpu.memory_space<semaphore_mem>>) src(%arg14 : memref<128x32xf32, #tpu.memory_space<vmem>>) dst(%dma_wait3A_66 : memref<10240x32xf32, #tpu.memory_space<vmem_shared>>)
    %barrier3A_67 = arith.constant 0 : index
    tpu.barrier barrier_id(%barrier3A_67)
    "tpu.trace_stop"() : () -> ()
    "tpu.trace_start"() <{level = 10 : i32, message = "acc_writeout"}> : () -> ()
    %mul3A_68 = arith.constant 625 : i32
    %mul3A_69 = arith.muli %arg1, %mul3A_68 : i32
    %add3A_70 = arith.constant 0 : i32
    %add3A_71 = arith.addi %mul3A_69, %add3A_70 : i32
    %eq3A_72 = arith.constant 0 : i32
    %eq3A_73 = arith.cmpi eq, %arg0, %eq3A_72 : i32
    %convert_element_type3A_74 = arith.extui %eq3A_73 : i1 to i32
    %cond3A_75 = arith.constant 0 : i32
    %cond3A_76 = arith.cmpi ne, %convert_element_type3A_74, %cond3A_75 : i32
    scf.if %cond3A_76 {
      "tpu.region"() ({
        %run_scoped3A_138 = tpu.sem_alloc : memref<!tpu.dma_semaphore, #tpu.memory_space<semaphore_mem>>
        %dma_start3A = arith.constant 0 : i32
        %dma_start3A_139 = tpu.memref_slice %arg6[%add3A_71, %dma_start3A] : memref<10000x128xf32, #tpu.memory_space<hbm>> -> memref<125x32xf32, #tpu.memory_space<hbm>>
        %dma_start3A_140 = arith.constant 0 : i32
        %dma_start3A_141 = tpu.memref_slice %arg16[%add3A_71, %dma_start3A_140] : memref<10240x32xf32, #tpu.memory_space<vmem_shared>> -> memref<125x32xf32, #tpu.memory_space<vmem_shared>>
        tpu.enqueue_dma source(%dma_start3A_141 : memref<125x32xf32, #tpu.memory_space<vmem_shared>>) target(%dma_start3A_139 : memref<125x32xf32, #tpu.memory_space<hbm>>) target_semaphore(%run_scoped3A_138 : memref<!tpu.dma_semaphore, #tpu.memory_space<semaphore_mem>>)
        %dma_wait3A_142 = arith.constant 0 : i32
        %dma_wait3A_143 = tpu.memref_slice %arg6[%add3A_71, %dma_wait3A_142] : memref<10000x128xf32, #tpu.memory_space<hbm>> -> memref<125x32xf32, #tpu.memory_space<hbm>>
        %dma_wait3A_144 = arith.constant 0 : i32
        %dma_wait3A_145 = tpu.memref_slice %arg16[%add3A_71, %dma_wait3A_144] : memref<10240x32xf32, #tpu.memory_space<vmem_shared>> -> memref<125x32xf32, #tpu.memory_space<vmem_shared>>
        tpu.wait_dma2 semaphore(%run_scoped3A_138 : memref<!tpu.dma_semaphore, #tpu.memory_space<semaphore_mem>>) src(%dma_wait3A_145 : memref<125x32xf32, #tpu.memory_space<vmem_shared>>) dst(%dma_wait3A_143 : memref<125x32xf32, #tpu.memory_space<hbm>>)
        tpu.yield
      }) : () -> ()
    } else {
    }
    %eq3A_77 = arith.constant 1 : i32
    %eq3A_78 = arith.cmpi eq, %arg0, %eq3A_77 : i32
    %convert_element_type3A_79 = arith.extui %eq3A_78 : i1 to i32
    %cond3A_80 = arith.constant 0 : i32
    %cond3A_81 = arith.cmpi ne, %convert_element_type3A_79, %cond3A_80 : i32
    scf.if %cond3A_81 {
      "tpu.region"() ({
        %run_scoped3A_138 = tpu.sem_alloc : memref<!tpu.dma_semaphore, #tpu.memory_space<semaphore_mem>>
        %dma_start3A = arith.constant 32 : i32
        %dma_start3A_139 = tpu.memref_slice %arg6[%add3A_71, %dma_start3A] : memref<10000x128xf32, #tpu.memory_space<hbm>> -> memref<125x32xf32, #tpu.memory_space<hbm>>
        %dma_start3A_140 = arith.constant 0 : i32
        %dma_start3A_141 = tpu.memref_slice %arg16[%add3A_71, %dma_start3A_140] : memref<10240x32xf32, #tpu.memory_space<vmem_shared>> -> memref<125x32xf32, #tpu.memory_space<vmem_shared>>
        tpu.enqueue_dma source(%dma_start3A_141 : memref<125x32xf32, #tpu.memory_space<vmem_shared>>) target(%dma_start3A_139 : memref<125x32xf32, #tpu.memory_space<hbm>>) target_semaphore(%run_scoped3A_138 : memref<!tpu.dma_semaphore, #tpu.memory_space<semaphore_mem>>)
        %dma_wait3A_142 = arith.constant 32 : i32
        %dma_wait3A_143 = tpu.memref_slice %arg6[%add3A_71, %dma_wait3A_142] : memref<10000x128xf32, #tpu.memory_space<hbm>> -> memref<125x32xf32, #tpu.memory_space<hbm>>
        %dma_wait3A_144 = arith.constant 0 : i32
        %dma_wait3A_145 = tpu.memref_slice %arg16[%add3A_71, %dma_wait3A_144] : memref<10240x32xf32, #tpu.memory_space<vmem_shared>> -> memref<125x32xf32, #tpu.memory_space<vmem_shared>>
        tpu.wait_dma2 semaphore(%run_scoped3A_138 : memref<!tpu.dma_semaphore, #tpu.memory_space<semaphore_mem>>) src(%dma_wait3A_145 : memref<125x32xf32, #tpu.memory_space<vmem_shared>>) dst(%dma_wait3A_143 : memref<125x32xf32, #tpu.memory_space<hbm>>)
        tpu.yield
      }) : () -> ()
    } else {
    }
    %mul3A_82 = arith.constant 625 : i32
    %mul3A_83 = arith.muli %arg1, %mul3A_82 : i32
    %add3A_84 = arith.constant 125 : i32
    %add3A_85 = arith.addi %mul3A_83, %add3A_84 : i32
    %eq3A_86 = arith.constant 0 : i32
    %eq3A_87 = arith.cmpi eq, %arg0, %eq3A_86 : i32
    %convert_element_type3A_88 = arith.extui %eq3A_87 : i1 to i32
    %cond3A_89 = arith.constant 0 : i32
    %cond3A_90 = arith.cmpi ne, %convert_element_type3A_88, %cond3A_89 : i32
    scf.if %cond3A_90 {
      "tpu.region"() ({
        %run_scoped3A_138 = tpu.sem_alloc : memref<!tpu.dma_semaphore, #tpu.memory_space<semaphore_mem>>
        %dma_start3A = arith.constant 0 : i32
        %dma_start3A_139 = tpu.memref_slice %arg6[%add3A_85, %dma_start3A] : memref<10000x128xf32, #tpu.memory_space<hbm>> -> memref<125x32xf32, #tpu.memory_space<hbm>>
        %dma_start3A_140 = arith.constant 0 : i32
        %dma_start3A_141 = tpu.memref_slice %arg16[%add3A_85, %dma_start3A_140] : memref<10240x32xf32, #tpu.memory_space<vmem_shared>> -> memref<125x32xf32, #tpu.memory_space<vmem_shared>>
        tpu.enqueue_dma source(%dma_start3A_141 : memref<125x32xf32, #tpu.memory_space<vmem_shared>>) target(%dma_start3A_139 : memref<125x32xf32, #tpu.memory_space<hbm>>) target_semaphore(%run_scoped3A_138 : memref<!tpu.dma_semaphore, #tpu.memory_space<semaphore_mem>>)
        %dma_wait3A_142 = arith.constant 0 : i32
        %dma_wait3A_143 = tpu.memref_slice %arg6[%add3A_85, %dma_wait3A_142] : memref<10000x128xf32, #tpu.memory_space<hbm>> -> memref<125x32xf32, #tpu.memory_space<hbm>>
        %dma_wait3A_144 = arith.constant 0 : i32
        %dma_wait3A_145 = tpu.memref_slice %arg16[%add3A_85, %dma_wait3A_144] : memref<10240x32xf32, #tpu.memory_space<vmem_shared>> -> memref<125x32xf32, #tpu.memory_space<vmem_shared>>
        tpu.wait_dma2 semaphore(%run_scoped3A_138 : memref<!tpu.dma_semaphore, #tpu.memory_space<semaphore_mem>>) src(%dma_wait3A_145 : memref<125x32xf32, #tpu.memory_space<vmem_shared>>) dst(%dma_wait3A_143 : memref<125x32xf32, #tpu.memory_space<hbm>>)
        tpu.yield
      }) : () -> ()
    } else {
    }
    %eq3A_91 = arith.constant 1 : i32
    %eq3A_92 = arith.cmpi eq, %arg0, %eq3A_91 : i32
    %convert_element_type3A_93 = arith.extui %eq3A_92 : i1 to i32
    %cond3A_94 = arith.constant 0 : i32
    %cond3A_95 = arith.cmpi ne, %convert_element_type3A_93, %cond3A_94 : i32
    scf.if %cond3A_95 {
      "tpu.region"() ({
        %run_scoped3A_138 = tpu.sem_alloc : memref<!tpu.dma_semaphore, #tpu.memory_space<semaphore_mem>>
        %dma_start3A = arith.constant 32 : i32
        %dma_start3A_139 = tpu.memref_slice %arg6[%add3A_85, %dma_start3A] : memref<10000x128xf32, #tpu.memory_space<hbm>> -> memref<125x32xf32, #tpu.memory_space<hbm>>
        %dma_start3A_140 = arith.constant 0 : i32
        %dma_start3A_141 = tpu.memref_slice %arg16[%add3A_85, %dma_start3A_140] : memref<10240x32xf32, #tpu.memory_space<vmem_shared>> -> memref<125x32xf32, #tpu.memory_space<vmem_shared>>
        tpu.enqueue_dma source(%dma_start3A_141 : memref<125x32xf32, #tpu.memory_space<vmem_shared>>) target(%dma_start3A_139 : memref<125x32xf32, #tpu.memory_space<hbm>>) target_semaphore(%run_scoped3A_138 : memref<!tpu.dma_semaphore, #tpu.memory_space<semaphore_mem>>)
        %dma_wait3A_142 = arith.constant 32 : i32
        %dma_wait3A_143 = tpu.memref_slice %arg6[%add3A_85, %dma_wait3A_142] : memref<10000x128xf32, #tpu.memory_space<hbm>> -> memref<125x32xf32, #tpu.memory_space<hbm>>
        %dma_wait3A_144 = arith.constant 0 : i32
        %dma_wait3A_145 = tpu.memref_slice %arg16[%add3A_85, %dma_wait3A_144] : memref<10240x32xf32, #tpu.memory_space<vmem_shared>> -> memref<125x32xf32, #tpu.memory_space<vmem_shared>>
        tpu.wait_dma2 semaphore(%run_scoped3A_138 : memref<!tpu.dma_semaphore, #tpu.memory_space<semaphore_mem>>) src(%dma_wait3A_145 : memref<125x32xf32, #tpu.memory_space<vmem_shared>>) dst(%dma_wait3A_143 : memref<125x32xf32, #tpu.memory_space<hbm>>)
        tpu.yield
      }) : () -> ()
    } else {
    }
    %mul3A_96 = arith.constant 625 : i32
    %mul3A_97 = arith.muli %arg1, %mul3A_96 : i32
    %add3A_98 = arith.constant 250 : i32
    %add3A_99 = arith.addi %mul3A_97, %add3A_98 : i32
    %eq3A_100 = arith.constant 0 : i32
    %eq3A_101 = arith.cmpi eq, %arg0, %eq3A_100 : i32
    %convert_element_type3A_102 = arith.extui %eq3A_101 : i1 to i32
    %cond3A_103 = arith.constant 0 : i32
    %cond3A_104 = arith.cmpi ne, %convert_element_type3A_102, %cond3A_103 : i32
    scf.if %cond3A_104 {
      "tpu.region"() ({
        %run_scoped3A_138 = tpu.sem_alloc : memref<!tpu.dma_semaphore, #tpu.memory_space<semaphore_mem>>
        %dma_start3A = arith.constant 0 : i32
        %dma_start3A_139 = tpu.memref_slice %arg6[%add3A_99, %dma_start3A] : memref<10000x128xf32, #tpu.memory_space<hbm>> -> memref<125x32xf32, #tpu.memory_space<hbm>>
        %dma_start3A_140 = arith.constant 0 : i32
        %dma_start3A_141 = tpu.memref_slice %arg16[%add3A_99, %dma_start3A_140] : memref<10240x32xf32, #tpu.memory_space<vmem_shared>> -> memref<125x32xf32, #tpu.memory_space<vmem_shared>>
        tpu.enqueue_dma source(%dma_start3A_141 : memref<125x32xf32, #tpu.memory_space<vmem_shared>>) target(%dma_start3A_139 : memref<125x32xf32, #tpu.memory_space<hbm>>) target_semaphore(%run_scoped3A_138 : memref<!tpu.dma_semaphore, #tpu.memory_space<semaphore_mem>>)
        %dma_wait3A_142 = arith.constant 0 : i32
        %dma_wait3A_143 = tpu.memref_slice %arg6[%add3A_99, %dma_wait3A_142] : memref<10000x128xf32, #tpu.memory_space<hbm>> -> memref<125x32xf32, #tpu.memory_space<hbm>>
        %dma_wait3A_144 = arith.constant 0 : i32
        %dma_wait3A_145 = tpu.memref_slice %arg16[%add3A_99, %dma_wait3A_144] : memref<10240x32xf32, #tpu.memory_space<vmem_shared>> -> memref<125x32xf32, #tpu.memory_space<vmem_shared>>
        tpu.wait_dma2 semaphore(%run_scoped3A_138 : memref<!tpu.dma_semaphore, #tpu.memory_space<semaphore_mem>>) src(%dma_wait3A_145 : memref<125x32xf32, #tpu.memory_space<vmem_shared>>) dst(%dma_wait3A_143 : memref<125x32xf32, #tpu.memory_space<hbm>>)
        tpu.yield
      }) : () -> ()
    } else {
    }
    %eq3A_105 = arith.constant 1 : i32
    %eq3A_106 = arith.cmpi eq, %arg0, %eq3A_105 : i32
    %convert_element_type3A_107 = arith.extui %eq3A_106 : i1 to i32
    %cond3A_108 = arith.constant 0 : i32
    %cond3A_109 = arith.cmpi ne, %convert_element_type3A_107, %cond3A_108 : i32
    scf.if %cond3A_109 {
      "tpu.region"() ({
        %run_scoped3A_138 = tpu.sem_alloc : memref<!tpu.dma_semaphore, #tpu.memory_space<semaphore_mem>>
        %dma_start3A = arith.constant 32 : i32
        %dma_start3A_139 = tpu.memref_slice %arg6[%add3A_99, %dma_start3A] : memref<10000x128xf32, #tpu.memory_space<hbm>> -> memref<125x32xf32, #tpu.memory_space<hbm>>
        %dma_start3A_140 = arith.constant 0 : i32
        %dma_start3A_141 = tpu.memref_slice %arg16[%add3A_99, %dma_start3A_140] : memref<10240x32xf32, #tpu.memory_space<vmem_shared>> -> memref<125x32xf32, #tpu.memory_space<vmem_shared>>
        tpu.enqueue_dma source(%dma_start3A_141 : memref<125x32xf32, #tpu.memory_space<vmem_shared>>) target(%dma_start3A_139 : memref<125x32xf32, #tpu.memory_space<hbm>>) target_semaphore(%run_scoped3A_138 : memref<!tpu.dma_semaphore, #tpu.memory_space<semaphore_mem>>)
        %dma_wait3A_142 = arith.constant 32 : i32
        %dma_wait3A_143 = tpu.memref_slice %arg6[%add3A_99, %dma_wait3A_142] : memref<10000x128xf32, #tpu.memory_space<hbm>> -> memref<125x32xf32, #tpu.memory_space<hbm>>
        %dma_wait3A_144 = arith.constant 0 : i32
        %dma_wait3A_145 = tpu.memref_slice %arg16[%add3A_99, %dma_wait3A_144] : memref<10240x32xf32, #tpu.memory_space<vmem_shared>> -> memref<125x32xf32, #tpu.memory_space<vmem_shared>>
        tpu.wait_dma2 semaphore(%run_scoped3A_138 : memref<!tpu.dma_semaphore, #tpu.memory_space<semaphore_mem>>) src(%dma_wait3A_145 : memref<125x32xf32, #tpu.memory_space<vmem_shared>>) dst(%dma_wait3A_143 : memref<125x32xf32, #tpu.memory_space<hbm>>)
        tpu.yield
      }) : () -> ()
    } else {
    }
    %mul3A_110 = arith.constant 625 : i32
    %mul3A_111 = arith.muli %arg1, %mul3A_110 : i32
    %add3A_112 = arith.constant 375 : i32
    %add3A_113 = arith.addi %mul3A_111, %add3A_112 : i32
    %eq3A_114 = arith.constant 0 : i32
    %eq3A_115 = arith.cmpi eq, %arg0, %eq3A_114 : i32
    %convert_element_type3A_116 = arith.extui %eq3A_115 : i1 to i32
    %cond3A_117 = arith.constant 0 : i32
    %cond3A_118 = arith.cmpi ne, %convert_element_type3A_116, %cond3A_117 : i32
    scf.if %cond3A_118 {
      "tpu.region"() ({
        %run_scoped3A_138 = tpu.sem_alloc : memref<!tpu.dma_semaphore, #tpu.memory_space<semaphore_mem>>
        %dma_start3A = arith.constant 0 : i32
        %dma_start3A_139 = tpu.memref_slice %arg6[%add3A_113, %dma_start3A] : memref<10000x128xf32, #tpu.memory_space<hbm>> -> memref<125x32xf32, #tpu.memory_space<hbm>>
        %dma_start3A_140 = arith.constant 0 : i32
        %dma_start3A_141 = tpu.memref_slice %arg16[%add3A_113, %dma_start3A_140] : memref<10240x32xf32, #tpu.memory_space<vmem_shared>> -> memref<125x32xf32, #tpu.memory_space<vmem_shared>>
        tpu.enqueue_dma source(%dma_start3A_141 : memref<125x32xf32, #tpu.memory_space<vmem_shared>>) target(%dma_start3A_139 : memref<125x32xf32, #tpu.memory_space<hbm>>) target_semaphore(%run_scoped3A_138 : memref<!tpu.dma_semaphore, #tpu.memory_space<semaphore_mem>>)
        %dma_wait3A_142 = arith.constant 0 : i32
        %dma_wait3A_143 = tpu.memref_slice %arg6[%add3A_113, %dma_wait3A_142] : memref<10000x128xf32, #tpu.memory_space<hbm>> -> memref<125x32xf32, #tpu.memory_space<hbm>>
        %dma_wait3A_144 = arith.constant 0 : i32
        %dma_wait3A_145 = tpu.memref_slice %arg16[%add3A_113, %dma_wait3A_144] : memref<10240x32xf32, #tpu.memory_space<vmem_shared>> -> memref<125x32xf32, #tpu.memory_space<vmem_shared>>
        tpu.wait_dma2 semaphore(%run_scoped3A_138 : memref<!tpu.dma_semaphore, #tpu.memory_space<semaphore_mem>>) src(%dma_wait3A_145 : memref<125x32xf32, #tpu.memory_space<vmem_shared>>) dst(%dma_wait3A_143 : memref<125x32xf32, #tpu.memory_space<hbm>>)
        tpu.yield
      }) : () -> ()
    } else {
    }
    %eq3A_119 = arith.constant 1 : i32
    %eq3A_120 = arith.cmpi eq, %arg0, %eq3A_119 : i32
    %convert_element_type3A_121 = arith.extui %eq3A_120 : i1 to i32
    %cond3A_122 = arith.constant 0 : i32
    %cond3A_123 = arith.cmpi ne, %convert_element_type3A_121, %cond3A_122 : i32
    scf.if %cond3A_123 {
      "tpu.region"() ({
        %run_scoped3A_138 = tpu.sem_alloc : memref<!tpu.dma_semaphore, #tpu.memory_space<semaphore_mem>>
        %dma_start3A = arith.constant 32 : i32
        %dma_start3A_139 = tpu.memref_slice %arg6[%add3A_113, %dma_start3A] : memref<10000x128xf32, #tpu.memory_space<hbm>> -> memref<125x32xf32, #tpu.memory_space<hbm>>
        %dma_start3A_140 = arith.constant 0 : i32
        %dma_start3A_141 = tpu.memref_slice %arg16[%add3A_113, %dma_start3A_140] : memref<10240x32xf32, #tpu.memory_space<vmem_shared>> -> memref<125x32xf32, #tpu.memory_space<vmem_shared>>
        tpu.enqueue_dma source(%dma_start3A_141 : memref<125x32xf32, #tpu.memory_space<vmem_shared>>) target(%dma_start3A_139 : memref<125x32xf32, #tpu.memory_space<hbm>>) target_semaphore(%run_scoped3A_138 : memref<!tpu.dma_semaphore, #tpu.memory_space<semaphore_mem>>)
        %dma_wait3A_142 = arith.constant 32 : i32
        %dma_wait3A_143 = tpu.memref_slice %arg6[%add3A_113, %dma_wait3A_142] : memref<10000x128xf32, #tpu.memory_space<hbm>> -> memref<125x32xf32, #tpu.memory_space<hbm>>
        %dma_wait3A_144 = arith.constant 0 : i32
        %dma_wait3A_145 = tpu.memref_slice %arg16[%add3A_113, %dma_wait3A_144] : memref<10240x32xf32, #tpu.memory_space<vmem_shared>> -> memref<125x32xf32, #tpu.memory_space<vmem_shared>>
        tpu.wait_dma2 semaphore(%run_scoped3A_138 : memref<!tpu.dma_semaphore, #tpu.memory_space<semaphore_mem>>) src(%dma_wait3A_145 : memref<125x32xf32, #tpu.memory_space<vmem_shared>>) dst(%dma_wait3A_143 : memref<125x32xf32, #tpu.memory_space<hbm>>)
        tpu.yield
      }) : () -> ()
    } else {
    }
    %mul3A_124 = arith.constant 625 : i32
    %mul3A_125 = arith.muli %arg1, %mul3A_124 : i32
    %add3A_126 = arith.constant 500 : i32
    %add3A_127 = arith.addi %mul3A_125, %add3A_126 : i32
    %eq3A_128 = arith.constant 0 : i32
    %eq3A_129 = arith.cmpi eq, %arg0, %eq3A_128 : i32
    %convert_element_type3A_130 = arith.extui %eq3A_129 : i1 to i32
    %cond3A_131 = arith.constant 0 : i32
    %cond3A_132 = arith.cmpi ne, %convert_element_type3A_130, %cond3A_131 : i32
    scf.if %cond3A_132 {
      "tpu.region"() ({
        %run_scoped3A_138 = tpu.sem_alloc : memref<!tpu.dma_semaphore, #tpu.memory_space<semaphore_mem>>
        %dma_start3A = arith.constant 0 : i32
        %dma_start3A_139 = tpu.memref_slice %arg6[%add3A_127, %dma_start3A] : memref<10000x128xf32, #tpu.memory_space<hbm>> -> memref<125x32xf32, #tpu.memory_space<hbm>>
        %dma_start3A_140 = arith.constant 0 : i32
        %dma_start3A_141 = tpu.memref_slice %arg16[%add3A_127, %dma_start3A_140] : memref<10240x32xf32, #tpu.memory_space<vmem_shared>> -> memref<125x32xf32, #tpu.memory_space<vmem_shared>>
        tpu.enqueue_dma source(%dma_start3A_141 : memref<125x32xf32, #tpu.memory_space<vmem_shared>>) target(%dma_start3A_139 : memref<125x32xf32, #tpu.memory_space<hbm>>) target_semaphore(%run_scoped3A_138 : memref<!tpu.dma_semaphore, #tpu.memory_space<semaphore_mem>>)
        %dma_wait3A_142 = arith.constant 0 : i32
        %dma_wait3A_143 = tpu.memref_slice %arg6[%add3A_127, %dma_wait3A_142] : memref<10000x128xf32, #tpu.memory_space<hbm>> -> memref<125x32xf32, #tpu.memory_space<hbm>>
        %dma_wait3A_144 = arith.constant 0 : i32
        %dma_wait3A_145 = tpu.memref_slice %arg16[%add3A_127, %dma_wait3A_144] : memref<10240x32xf32, #tpu.memory_space<vmem_shared>> -> memref<125x32xf32, #tpu.memory_space<vmem_shared>>
        tpu.wait_dma2 semaphore(%run_scoped3A_138 : memref<!tpu.dma_semaphore, #tpu.memory_space<semaphore_mem>>) src(%dma_wait3A_145 : memref<125x32xf32, #tpu.memory_space<vmem_shared>>) dst(%dma_wait3A_143 : memref<125x32xf32, #tpu.memory_space<hbm>>)
        tpu.yield
      }) : () -> ()
    } else {
    }
    %eq3A_133 = arith.constant 1 : i32
    %eq3A_134 = arith.cmpi eq, %arg0, %eq3A_133 : i32
    %convert_element_type3A_135 = arith.extui %eq3A_134 : i1 to i32
    %cond3A_136 = arith.constant 0 : i32
    %cond3A_137 = arith.cmpi ne, %convert_element_type3A_135, %cond3A_136 : i32
    scf.if %cond3A_137 {
      "tpu.region"() ({
        %run_scoped3A_138 = tpu.sem_alloc : memref<!tpu.dma_semaphore, #tpu.memory_space<semaphore_mem>>
        %dma_start3A = arith.constant 32 : i32
        %dma_start3A_139 = tpu.memref_slice %arg6[%add3A_127, %dma_start3A] : memref<10000x128xf32, #tpu.memory_space<hbm>> -> memref<125x32xf32, #tpu.memory_space<hbm>>
        %dma_start3A_140 = arith.constant 0 : i32
        %dma_start3A_141 = tpu.memref_slice %arg16[%add3A_127, %dma_start3A_140] : memref<10240x32xf32, #tpu.memory_space<vmem_shared>> -> memref<125x32xf32, #tpu.memory_space<vmem_shared>>
        tpu.enqueue_dma source(%dma_start3A_141 : memref<125x32xf32, #tpu.memory_space<vmem_shared>>) target(%dma_start3A_139 : memref<125x32xf32, #tpu.memory_space<hbm>>) target_semaphore(%run_scoped3A_138 : memref<!tpu.dma_semaphore, #tpu.memory_space<semaphore_mem>>)
        %dma_wait3A_142 = arith.constant 32 : i32
        %dma_wait3A_143 = tpu.memref_slice %arg6[%add3A_127, %dma_wait3A_142] : memref<10000x128xf32, #tpu.memory_space<hbm>> -> memref<125x32xf32, #tpu.memory_space<hbm>>
        %dma_wait3A_144 = arith.constant 0 : i32
        %dma_wait3A_145 = tpu.memref_slice %arg16[%add3A_127, %dma_wait3A_144] : memref<10240x32xf32, #tpu.memory_space<vmem_shared>> -> memref<125x32xf32, #tpu.memory_space<vmem_shared>>
        tpu.wait_dma2 semaphore(%run_scoped3A_138 : memref<!tpu.dma_semaphore, #tpu.memory_space<semaphore_mem>>) src(%dma_wait3A_145 : memref<125x32xf32, #tpu.memory_space<vmem_shared>>) dst(%dma_wait3A_143 : memref<125x32xf32, #tpu.memory_space<hbm>>)
        tpu.yield
      }) : () -> ()
    } else {
    }
    "tpu.trace_stop"() : () -> ()
    return
  }
}

#map = affine_map<(d0, d1) -> (0, 0)>
module attributes {stable_mosaic.version = 14 : i64} {
  func.func @scat(%arg0: i32, %arg1: i32, %arg2: memref<10000x128xf32, #tpu.memory_space<hbm>>, %arg3: memref<2560x128xi32, #tpu.memory_space<hbm>>, %arg4: memref<2560x128xi32, #tpu.memory_space<hbm>>, %arg5: memref<128x64xf32, #tpu.memory_space<hbm>>, %arg6: memref<10000x128xf32, #tpu.memory_space<hbm>>, %arg7: memref<10000x64xf32, #tpu.memory_space<hbm>>, %arg8: memref<10000x64xf32, #tpu.memory_space<hbm>>, %arg9: memref<2x8x128xi32, #tpu.memory_space<vmem>>, %arg10: memref<2x8x128xi32, #tpu.memory_space<vmem>>, %arg11: memref<128x64xf32, #tpu.memory_space<vmem>>, %arg12: memref<128x64xf32, #tpu.memory_space<vmem>>, %arg13: memref<128x64xf32, #tpu.memory_space<vmem>>, %arg14: memref<128x64xf32, #tpu.memory_space<vmem>>, %arg15: memref<10000x64xf32, #tpu.memory_space<vmem_shared>>, %arg16: memref<10240x64xf32, #tpu.memory_space<vmem_shared>>, %arg17: memref<!tpu.dma_semaphore, #tpu.memory_space<semaphore_mem>>, %arg18: memref<!tpu.dma_semaphore, #tpu.memory_space<semaphore_mem>>, %arg19: memref<!tpu.dma_semaphore, #tpu.memory_space<semaphore_mem>>, %arg20: memref<!tpu.dma_semaphore, #tpu.memory_space<semaphore_mem>>, %arg21: memref<!tpu.dma_semaphore, #tpu.memory_space<semaphore_mem>>, %arg22: memref<!tpu.dma_semaphore, #tpu.memory_space<semaphore_mem>>, %arg23: memref<!tpu.dma_semaphore, #tpu.memory_space<semaphore_mem>>, %arg24: memref<!tpu.dma_semaphore, #tpu.memory_space<semaphore_mem>>) attributes {dimension_semantics = [#tpu.dimension_semantics<core_parallel>, #tpu.dimension_semantics<subcore_parallel>], iteration_bounds = array<i64: 2, 16>, scalar_prefetch = 0 : i64, scratch_operands = 16 : i64, tpu.core_type = #tpu.core_type<sc_vector_subcore>, window_params = [{transform_indices = #map}, {transform_indices = #map}, {transform_indices = #map}, {transform_indices = #map}, {transform_indices = #map}, {transform_indices = #map}, {transform_indices = #map}]} {
    %eq3A = arith.constant 0 : i32
    "tpu.trace_start"() <{level = 10 : i32, message = "stage"}> : () -> ()
    %eq3A_0 = arith.cmpi eq, %arg0, %eq3A : i32
    %convert_element_type3A = arith.extui %eq3A_0 : i1 to i32
    %cond3A = arith.constant 0 : i32
    %cond3A_1 = arith.cmpi ne, %convert_element_type3A, %cond3A : i32
    scf.if %cond3A_1 {
      %mul3A_138 = arith.constant 625 : i32
      %mul3A_139 = arith.muli %arg1, %mul3A_138 : i32
      %mul3A_140 = arith.constant 625 : i32
      %mul3A_141 = arith.muli %arg1, %mul3A_140 : i32
      "tpu.region"() ({
        %run_scoped3A_146 = tpu.sem_alloc : memref<!tpu.dma_semaphore, #tpu.memory_space<semaphore_mem>>
        %dma_start3A = arith.constant 0 : i32
        %dma_start3A_147 = tpu.memref_slice %arg15[%mul3A_141, %dma_start3A] : memref<10000x64xf32, #tpu.memory_space<vmem_shared>> -> memref<625x64xf32, #tpu.memory_space<vmem_shared>>
        %dma_start3A_148 = arith.constant 0 : i32
        %dma_start3A_149 = tpu.memref_slice %arg2[%mul3A_139, %dma_start3A_148] : memref<10000x128xf32, #tpu.memory_space<hbm>> -> memref<625x64xf32, #tpu.memory_space<hbm>>
        tpu.enqueue_dma source(%dma_start3A_149 : memref<625x64xf32, #tpu.memory_space<hbm>>) target(%dma_start3A_147 : memref<625x64xf32, #tpu.memory_space<vmem_shared>>) target_semaphore(%run_scoped3A_146 : memref<!tpu.dma_semaphore, #tpu.memory_space<semaphore_mem>>)
        %dma_wait3A_150 = arith.constant 0 : i32
        %dma_wait3A_151 = tpu.memref_slice %arg15[%mul3A_141, %dma_wait3A_150] : memref<10000x64xf32, #tpu.memory_space<vmem_shared>> -> memref<625x64xf32, #tpu.memory_space<vmem_shared>>
        %dma_wait3A_152 = arith.constant 0 : i32
        %dma_wait3A_153 = tpu.memref_slice %arg2[%mul3A_139, %dma_wait3A_152] : memref<10000x128xf32, #tpu.memory_space<hbm>> -> memref<625x64xf32, #tpu.memory_space<hbm>>
        tpu.wait_dma2 semaphore(%run_scoped3A_146 : memref<!tpu.dma_semaphore, #tpu.memory_space<semaphore_mem>>) src(%dma_wait3A_153 : memref<625x64xf32, #tpu.memory_space<hbm>>) dst(%dma_wait3A_151 : memref<625x64xf32, #tpu.memory_space<vmem_shared>>)
        tpu.yield
      }) : () -> ()
      %mul3A_142 = arith.constant 625 : i32
      %mul3A_143 = arith.muli %arg1, %mul3A_142 : i32
      %mul3A_144 = arith.constant 625 : i32
      %mul3A_145 = arith.muli %arg1, %mul3A_144 : i32
      "tpu.region"() ({
        %run_scoped3A_146 = tpu.sem_alloc : memref<!tpu.dma_semaphore, #tpu.memory_space<semaphore_mem>>
        %dma_start3A = arith.constant 0 : i32
        %dma_start3A_147 = tpu.memref_slice %arg7[%mul3A_145, %dma_start3A] : memref<10000x64xf32, #tpu.memory_space<hbm>> -> memref<625x64xf32, #tpu.memory_space<hbm>>
        %dma_start3A_148 = arith.constant 0 : i32
        %dma_start3A_149 = tpu.memref_slice %arg15[%mul3A_143, %dma_start3A_148] : memref<10000x64xf32, #tpu.memory_space<vmem_shared>> -> memref<625x64xf32, #tpu.memory_space<vmem_shared>>
        tpu.enqueue_dma source(%dma_start3A_149 : memref<625x64xf32, #tpu.memory_space<vmem_shared>>) target(%dma_start3A_147 : memref<625x64xf32, #tpu.memory_space<hbm>>) target_semaphore(%run_scoped3A_146 : memref<!tpu.dma_semaphore, #tpu.memory_space<semaphore_mem>>)
        %dma_wait3A_150 = arith.constant 0 : i32
        %dma_wait3A_151 = tpu.memref_slice %arg7[%mul3A_145, %dma_wait3A_150] : memref<10000x64xf32, #tpu.memory_space<hbm>> -> memref<625x64xf32, #tpu.memory_space<hbm>>
        %dma_wait3A_152 = arith.constant 0 : i32
        %dma_wait3A_153 = tpu.memref_slice %arg15[%mul3A_143, %dma_wait3A_152] : memref<10000x64xf32, #tpu.memory_space<vmem_shared>> -> memref<625x64xf32, #tpu.memory_space<vmem_shared>>
        tpu.wait_dma2 semaphore(%run_scoped3A_146 : memref<!tpu.dma_semaphore, #tpu.memory_space<semaphore_mem>>) src(%dma_wait3A_153 : memref<625x64xf32, #tpu.memory_space<vmem_shared>>) dst(%dma_wait3A_151 : memref<625x64xf32, #tpu.memory_space<hbm>>)
        tpu.yield
      }) : () -> ()
    } else {
    }
    %eq3A_2 = arith.constant 1 : i32
    %eq3A_3 = arith.cmpi eq, %arg0, %eq3A_2 : i32
    %convert_element_type3A_4 = arith.extui %eq3A_3 : i1 to i32
    %cond3A_5 = arith.constant 0 : i32
    %cond3A_6 = arith.cmpi ne, %convert_element_type3A_4, %cond3A_5 : i32
    scf.if %cond3A_6 {
      %mul3A_138 = arith.constant 625 : i32
      %mul3A_139 = arith.muli %arg1, %mul3A_138 : i32
      %mul3A_140 = arith.constant 625 : i32
      %mul3A_141 = arith.muli %arg1, %mul3A_140 : i32
      "tpu.region"() ({
        %run_scoped3A_146 = tpu.sem_alloc : memref<!tpu.dma_semaphore, #tpu.memory_space<semaphore_mem>>
        %dma_start3A = arith.constant 0 : i32
        %dma_start3A_147 = tpu.memref_slice %arg15[%mul3A_141, %dma_start3A] : memref<10000x64xf32, #tpu.memory_space<vmem_shared>> -> memref<625x64xf32, #tpu.memory_space<vmem_shared>>
        %dma_start3A_148 = arith.constant 64 : i32
        %dma_start3A_149 = tpu.memref_slice %arg2[%mul3A_139, %dma_start3A_148] : memref<10000x128xf32, #tpu.memory_space<hbm>> -> memref<625x64xf32, #tpu.memory_space<hbm>>
        tpu.enqueue_dma source(%dma_start3A_149 : memref<625x64xf32, #tpu.memory_space<hbm>>) target(%dma_start3A_147 : memref<625x64xf32, #tpu.memory_space<vmem_shared>>) target_semaphore(%run_scoped3A_146 : memref<!tpu.dma_semaphore, #tpu.memory_space<semaphore_mem>>)
        %dma_wait3A_150 = arith.constant 0 : i32
        %dma_wait3A_151 = tpu.memref_slice %arg15[%mul3A_141, %dma_wait3A_150] : memref<10000x64xf32, #tpu.memory_space<vmem_shared>> -> memref<625x64xf32, #tpu.memory_space<vmem_shared>>
        %dma_wait3A_152 = arith.constant 64 : i32
        %dma_wait3A_153 = tpu.memref_slice %arg2[%mul3A_139, %dma_wait3A_152] : memref<10000x128xf32, #tpu.memory_space<hbm>> -> memref<625x64xf32, #tpu.memory_space<hbm>>
        tpu.wait_dma2 semaphore(%run_scoped3A_146 : memref<!tpu.dma_semaphore, #tpu.memory_space<semaphore_mem>>) src(%dma_wait3A_153 : memref<625x64xf32, #tpu.memory_space<hbm>>) dst(%dma_wait3A_151 : memref<625x64xf32, #tpu.memory_space<vmem_shared>>)
        tpu.yield
      }) : () -> ()
      %mul3A_142 = arith.constant 625 : i32
      %mul3A_143 = arith.muli %arg1, %mul3A_142 : i32
      %mul3A_144 = arith.constant 625 : i32
      %mul3A_145 = arith.muli %arg1, %mul3A_144 : i32
      "tpu.region"() ({
        %run_scoped3A_146 = tpu.sem_alloc : memref<!tpu.dma_semaphore, #tpu.memory_space<semaphore_mem>>
        %dma_start3A = arith.constant 0 : i32
        %dma_start3A_147 = tpu.memref_slice %arg8[%mul3A_145, %dma_start3A] : memref<10000x64xf32, #tpu.memory_space<hbm>> -> memref<625x64xf32, #tpu.memory_space<hbm>>
        %dma_start3A_148 = arith.constant 0 : i32
        %dma_start3A_149 = tpu.memref_slice %arg15[%mul3A_143, %dma_start3A_148] : memref<10000x64xf32, #tpu.memory_space<vmem_shared>> -> memref<625x64xf32, #tpu.memory_space<vmem_shared>>
        tpu.enqueue_dma source(%dma_start3A_149 : memref<625x64xf32, #tpu.memory_space<vmem_shared>>) target(%dma_start3A_147 : memref<625x64xf32, #tpu.memory_space<hbm>>) target_semaphore(%run_scoped3A_146 : memref<!tpu.dma_semaphore, #tpu.memory_space<semaphore_mem>>)
        %dma_wait3A_150 = arith.constant 0 : i32
        %dma_wait3A_151 = tpu.memref_slice %arg8[%mul3A_145, %dma_wait3A_150] : memref<10000x64xf32, #tpu.memory_space<hbm>> -> memref<625x64xf32, #tpu.memory_space<hbm>>
        %dma_wait3A_152 = arith.constant 0 : i32
        %dma_wait3A_153 = tpu.memref_slice %arg15[%mul3A_143, %dma_wait3A_152] : memref<10000x64xf32, #tpu.memory_space<vmem_shared>> -> memref<625x64xf32, #tpu.memory_space<vmem_shared>>
        tpu.wait_dma2 semaphore(%run_scoped3A_146 : memref<!tpu.dma_semaphore, #tpu.memory_space<semaphore_mem>>) src(%dma_wait3A_153 : memref<625x64xf32, #tpu.memory_space<vmem_shared>>) dst(%dma_wait3A_151 : memref<625x64xf32, #tpu.memory_space<hbm>>)
        tpu.yield
      }) : () -> ()
    } else {
    }
    "tpu.region"() ({
      %run_scoped3A_138 = tpu.sem_alloc : memref<!tpu.dma_semaphore, #tpu.memory_space<semaphore_mem>>
      tpu.enqueue_dma source(%arg5 : memref<128x64xf32, #tpu.memory_space<hbm>>) target(%arg11 : memref<128x64xf32, #tpu.memory_space<vmem>>) target_semaphore(%run_scoped3A_138 : memref<!tpu.dma_semaphore, #tpu.memory_space<semaphore_mem>>)
      tpu.wait_dma2 semaphore(%run_scoped3A_138 : memref<!tpu.dma_semaphore, #tpu.memory_space<semaphore_mem>>) src(%arg5 : memref<128x64xf32, #tpu.memory_space<hbm>>) dst(%arg11 : memref<128x64xf32, #tpu.memory_space<vmem>>)
      tpu.yield
    }) : () -> ()
    %mul3A = arith.constant 640 : i32
    %mul3A_7 = arith.muli %arg1, %mul3A : i32
    %add3A = arith.constant 0 : i32
    %add3A_8 = arith.addi %mul3A_7, %add3A : i32
    "tpu.region"() ({
      %run_scoped3A_138 = tpu.sem_alloc : memref<!tpu.dma_semaphore, #tpu.memory_space<semaphore_mem>>
      %dma_start3A = arith.constant 0 : i32
      %dma_start3A_139 = tpu.memref_slice %arg16[%add3A_8, %dma_start3A] : memref<10240x64xf32, #tpu.memory_space<vmem_shared>> -> memref<128x64xf32, #tpu.memory_space<vmem_shared>>
      %dma_start3A_140 = arith.constant 0 : i32
      %dma_start3A_141 = tpu.memref_slice %arg16[%add3A_8, %dma_start3A_140] : memref<10240x64xf32, #tpu.memory_space<vmem_shared>> -> memref<128x64xf32, #tpu.memory_space<vmem_shared>>
      tpu.enqueue_dma source(%arg11 : memref<128x64xf32, #tpu.memory_space<vmem>>) target(%dma_start3A_141 : memref<128x64xf32, #tpu.memory_space<vmem_shared>>) target_semaphore(%run_scoped3A_138 : memref<!tpu.dma_semaphore, #tpu.memory_space<semaphore_mem>>)
      %dma_wait3A_142 = arith.constant 0 : i32
      %dma_wait3A_143 = tpu.memref_slice %arg16[%add3A_8, %dma_wait3A_142] : memref<10240x64xf32, #tpu.memory_space<vmem_shared>> -> memref<128x64xf32, #tpu.memory_space<vmem_shared>>
      %dma_wait3A_144 = arith.constant 0 : i32
      %dma_wait3A_145 = tpu.memref_slice %arg16[%add3A_8, %dma_wait3A_144] : memref<10240x64xf32, #tpu.memory_space<vmem_shared>> -> memref<128x64xf32, #tpu.memory_space<vmem_shared>>
      tpu.wait_dma2 semaphore(%run_scoped3A_138 : memref<!tpu.dma_semaphore, #tpu.memory_space<semaphore_mem>>) src(%arg11 : memref<128x64xf32, #tpu.memory_space<vmem>>) dst(%dma_wait3A_145 : memref<128x64xf32, #tpu.memory_space<vmem_shared>>)
      tpu.yield
    }) : () -> ()
    %mul3A_9 = arith.constant 640 : i32
    %mul3A_10 = arith.muli %arg1, %mul3A_9 : i32
    %add3A_11 = arith.constant 128 : i32
    %add3A_12 = arith.addi %mul3A_10, %add3A_11 : i32
    "tpu.region"() ({
      %run_scoped3A_138 = tpu.sem_alloc : memref<!tpu.dma_semaphore, #tpu.memory_space<semaphore_mem>>
      %dma_start3A = arith.constant 0 : i32
      %dma_start3A_139 = tpu.memref_slice %arg16[%add3A_12, %dma_start3A] : memref<10240x64xf32, #tpu.memory_space<vmem_shared>> -> memref<128x64xf32, #tpu.memory_space<vmem_shared>>
      %dma_start3A_140 = arith.constant 0 : i32
      %dma_start3A_141 = tpu.memref_slice %arg16[%add3A_12, %dma_start3A_140] : memref<10240x64xf32, #tpu.memory_space<vmem_shared>> -> memref<128x64xf32, #tpu.memory_space<vmem_shared>>
      tpu.enqueue_dma source(%arg11 : memref<128x64xf32, #tpu.memory_space<vmem>>) target(%dma_start3A_141 : memref<128x64xf32, #tpu.memory_space<vmem_shared>>) target_semaphore(%run_scoped3A_138 : memref<!tpu.dma_semaphore, #tpu.memory_space<semaphore_mem>>)
      %dma_wait3A_142 = arith.constant 0 : i32
      %dma_wait3A_143 = tpu.memref_slice %arg16[%add3A_12, %dma_wait3A_142] : memref<10240x64xf32, #tpu.memory_space<vmem_shared>> -> memref<128x64xf32, #tpu.memory_space<vmem_shared>>
      %dma_wait3A_144 = arith.constant 0 : i32
      %dma_wait3A_145 = tpu.memref_slice %arg16[%add3A_12, %dma_wait3A_144] : memref<10240x64xf32, #tpu.memory_space<vmem_shared>> -> memref<128x64xf32, #tpu.memory_space<vmem_shared>>
      tpu.wait_dma2 semaphore(%run_scoped3A_138 : memref<!tpu.dma_semaphore, #tpu.memory_space<semaphore_mem>>) src(%arg11 : memref<128x64xf32, #tpu.memory_space<vmem>>) dst(%dma_wait3A_145 : memref<128x64xf32, #tpu.memory_space<vmem_shared>>)
      tpu.yield
    }) : () -> ()
    %mul3A_13 = arith.constant 640 : i32
    %mul3A_14 = arith.muli %arg1, %mul3A_13 : i32
    %add3A_15 = arith.constant 256 : i32
    %add3A_16 = arith.addi %mul3A_14, %add3A_15 : i32
    "tpu.region"() ({
      %run_scoped3A_138 = tpu.sem_alloc : memref<!tpu.dma_semaphore, #tpu.memory_space<semaphore_mem>>
      %dma_start3A = arith.constant 0 : i32
      %dma_start3A_139 = tpu.memref_slice %arg16[%add3A_16, %dma_start3A] : memref<10240x64xf32, #tpu.memory_space<vmem_shared>> -> memref<128x64xf32, #tpu.memory_space<vmem_shared>>
      %dma_start3A_140 = arith.constant 0 : i32
      %dma_start3A_141 = tpu.memref_slice %arg16[%add3A_16, %dma_start3A_140] : memref<10240x64xf32, #tpu.memory_space<vmem_shared>> -> memref<128x64xf32, #tpu.memory_space<vmem_shared>>
      tpu.enqueue_dma source(%arg11 : memref<128x64xf32, #tpu.memory_space<vmem>>) target(%dma_start3A_141 : memref<128x64xf32, #tpu.memory_space<vmem_shared>>) target_semaphore(%run_scoped3A_138 : memref<!tpu.dma_semaphore, #tpu.memory_space<semaphore_mem>>)
      %dma_wait3A_142 = arith.constant 0 : i32
      %dma_wait3A_143 = tpu.memref_slice %arg16[%add3A_16, %dma_wait3A_142] : memref<10240x64xf32, #tpu.memory_space<vmem_shared>> -> memref<128x64xf32, #tpu.memory_space<vmem_shared>>
      %dma_wait3A_144 = arith.constant 0 : i32
      %dma_wait3A_145 = tpu.memref_slice %arg16[%add3A_16, %dma_wait3A_144] : memref<10240x64xf32, #tpu.memory_space<vmem_shared>> -> memref<128x64xf32, #tpu.memory_space<vmem_shared>>
      tpu.wait_dma2 semaphore(%run_scoped3A_138 : memref<!tpu.dma_semaphore, #tpu.memory_space<semaphore_mem>>) src(%arg11 : memref<128x64xf32, #tpu.memory_space<vmem>>) dst(%dma_wait3A_145 : memref<128x64xf32, #tpu.memory_space<vmem_shared>>)
      tpu.yield
    }) : () -> ()
    %mul3A_17 = arith.constant 640 : i32
    %mul3A_18 = arith.muli %arg1, %mul3A_17 : i32
    %add3A_19 = arith.constant 384 : i32
    %add3A_20 = arith.addi %mul3A_18, %add3A_19 : i32
    "tpu.region"() ({
      %run_scoped3A_138 = tpu.sem_alloc : memref<!tpu.dma_semaphore, #tpu.memory_space<semaphore_mem>>
      %dma_start3A = arith.constant 0 : i32
      %dma_start3A_139 = tpu.memref_slice %arg16[%add3A_20, %dma_start3A] : memref<10240x64xf32, #tpu.memory_space<vmem_shared>> -> memref<128x64xf32, #tpu.memory_space<vmem_shared>>
      %dma_start3A_140 = arith.constant 0 : i32
      %dma_start3A_141 = tpu.memref_slice %arg16[%add3A_20, %dma_start3A_140] : memref<10240x64xf32, #tpu.memory_space<vmem_shared>> -> memref<128x64xf32, #tpu.memory_space<vmem_shared>>
      tpu.enqueue_dma source(%arg11 : memref<128x64xf32, #tpu.memory_space<vmem>>) target(%dma_start3A_141 : memref<128x64xf32, #tpu.memory_space<vmem_shared>>) target_semaphore(%run_scoped3A_138 : memref<!tpu.dma_semaphore, #tpu.memory_space<semaphore_mem>>)
      %dma_wait3A_142 = arith.constant 0 : i32
      %dma_wait3A_143 = tpu.memref_slice %arg16[%add3A_20, %dma_wait3A_142] : memref<10240x64xf32, #tpu.memory_space<vmem_shared>> -> memref<128x64xf32, #tpu.memory_space<vmem_shared>>
      %dma_wait3A_144 = arith.constant 0 : i32
      %dma_wait3A_145 = tpu.memref_slice %arg16[%add3A_20, %dma_wait3A_144] : memref<10240x64xf32, #tpu.memory_space<vmem_shared>> -> memref<128x64xf32, #tpu.memory_space<vmem_shared>>
      tpu.wait_dma2 semaphore(%run_scoped3A_138 : memref<!tpu.dma_semaphore, #tpu.memory_space<semaphore_mem>>) src(%arg11 : memref<128x64xf32, #tpu.memory_space<vmem>>) dst(%dma_wait3A_145 : memref<128x64xf32, #tpu.memory_space<vmem_shared>>)
      tpu.yield
    }) : () -> ()
    %mul3A_21 = arith.constant 640 : i32
    %mul3A_22 = arith.muli %arg1, %mul3A_21 : i32
    %add3A_23 = arith.constant 512 : i32
    %add3A_24 = arith.addi %mul3A_22, %add3A_23 : i32
    "tpu.region"() ({
      %run_scoped3A_138 = tpu.sem_alloc : memref<!tpu.dma_semaphore, #tpu.memory_space<semaphore_mem>>
      %dma_start3A = arith.constant 0 : i32
      %dma_start3A_139 = tpu.memref_slice %arg16[%add3A_24, %dma_start3A] : memref<10240x64xf32, #tpu.memory_space<vmem_shared>> -> memref<128x64xf32, #tpu.memory_space<vmem_shared>>
      %dma_start3A_140 = arith.constant 0 : i32
      %dma_start3A_141 = tpu.memref_slice %arg16[%add3A_24, %dma_start3A_140] : memref<10240x64xf32, #tpu.memory_space<vmem_shared>> -> memref<128x64xf32, #tpu.memory_space<vmem_shared>>
      tpu.enqueue_dma source(%arg11 : memref<128x64xf32, #tpu.memory_space<vmem>>) target(%dma_start3A_141 : memref<128x64xf32, #tpu.memory_space<vmem_shared>>) target_semaphore(%run_scoped3A_138 : memref<!tpu.dma_semaphore, #tpu.memory_space<semaphore_mem>>)
      %dma_wait3A_142 = arith.constant 0 : i32
      %dma_wait3A_143 = tpu.memref_slice %arg16[%add3A_24, %dma_wait3A_142] : memref<10240x64xf32, #tpu.memory_space<vmem_shared>> -> memref<128x64xf32, #tpu.memory_space<vmem_shared>>
      %dma_wait3A_144 = arith.constant 0 : i32
      %dma_wait3A_145 = tpu.memref_slice %arg16[%add3A_24, %dma_wait3A_144] : memref<10240x64xf32, #tpu.memory_space<vmem_shared>> -> memref<128x64xf32, #tpu.memory_space<vmem_shared>>
      tpu.wait_dma2 semaphore(%run_scoped3A_138 : memref<!tpu.dma_semaphore, #tpu.memory_space<semaphore_mem>>) src(%arg11 : memref<128x64xf32, #tpu.memory_space<vmem>>) dst(%dma_wait3A_145 : memref<128x64xf32, #tpu.memory_space<vmem_shared>>)
      tpu.yield
    }) : () -> ()
    %mul3A_25 = arith.constant 160 : i32
    %mul3A_26 = arith.muli %arg1, %mul3A_25 : i32
    %run_scoped3A = arith.constant 0 : i32
    "tpu.region"() ({
      %run_scoped3A_138 = tpu.sem_alloc : memref<!tpu.dma_semaphore, #tpu.memory_space<semaphore_mem>>
      %dma_start3A = arith.constant 0 : i32
      %dma_start3A_139 = arith.constant 0 : i32
      %dma_start3A_140 = tpu.memref_slice %arg9[%run_scoped3A, %dma_start3A, %dma_start3A_139] : memref<2x8x128xi32, #tpu.memory_space<vmem>> -> memref<1x8x128xi32, #tpu.memory_space<vmem>>
      %dma_start3A_141 = tpu.memref_squeeze %dma_start3A_140 : memref<1x8x128xi32, #tpu.memory_space<vmem>> -> memref<8x128xi32, #tpu.memory_space<vmem>>
      %dma_start3A_142 = arith.constant 0 : i32
      %dma_start3A_143 = tpu.memref_slice %arg3[%mul3A_26, %dma_start3A_142] : memref<2560x128xi32, #tpu.memory_space<hbm>> -> memref<8x128xi32, #tpu.memory_space<hbm>>
      %dma_start3A_144 = arith.constant 0 : i32
      %dma_start3A_145 = arith.constant 0 : i32
      %dma_start3A_146 = tpu.memref_slice %arg9[%run_scoped3A, %dma_start3A_144, %dma_start3A_145] : memref<2x8x128xi32, #tpu.memory_space<vmem>> -> memref<1x8x128xi32, #tpu.memory_space<vmem>>
      %dma_start3A_147 = tpu.memref_squeeze %dma_start3A_146 : memref<1x8x128xi32, #tpu.memory_space<vmem>> -> memref<8x128xi32, #tpu.memory_space<vmem>>
      %dma_start3A_148 = arith.constant 0 : i32
      %dma_start3A_149 = tpu.memref_slice %arg3[%mul3A_26, %dma_start3A_148] : memref<2560x128xi32, #tpu.memory_space<hbm>> -> memref<8x128xi32, #tpu.memory_space<hbm>>
      tpu.enqueue_dma source(%dma_start3A_149 : memref<8x128xi32, #tpu.memory_space<hbm>>) target(%dma_start3A_147 : memref<8x128xi32, #tpu.memory_space<vmem>>) target_semaphore(%run_scoped3A_138 : memref<!tpu.dma_semaphore, #tpu.memory_space<semaphore_mem>>)
      %dma_wait3A_150 = arith.constant 0 : i32
      %dma_wait3A_151 = arith.constant 0 : i32
      %dma_wait3A_152 = tpu.memref_slice %arg9[%run_scoped3A, %dma_wait3A_150, %dma_wait3A_151] : memref<2x8x128xi32, #tpu.memory_space<vmem>> -> memref<1x8x128xi32, #tpu.memory_space<vmem>>
      %dma_wait3A_153 = tpu.memref_squeeze %dma_wait3A_152 : memref<1x8x128xi32, #tpu.memory_space<vmem>> -> memref<8x128xi32, #tpu.memory_space<vmem>>
      %dma_wait3A_154 = arith.constant 0 : i32
      %dma_wait3A_155 = tpu.memref_slice %arg3[%mul3A_26, %dma_wait3A_154] : memref<2560x128xi32, #tpu.memory_space<hbm>> -> memref<8x128xi32, #tpu.memory_space<hbm>>
      %dma_wait3A_156 = arith.constant 0 : i32
      %dma_wait3A_157 = arith.constant 0 : i32
      %dma_wait3A_158 = tpu.memref_slice %arg9[%run_scoped3A, %dma_wait3A_156, %dma_wait3A_157] : memref<2x8x128xi32, #tpu.memory_space<vmem>> -> memref<1x8x128xi32, #tpu.memory_space<vmem>>
      %dma_wait3A_159 = tpu.memref_squeeze %dma_wait3A_158 : memref<1x8x128xi32, #tpu.memory_space<vmem>> -> memref<8x128xi32, #tpu.memory_space<vmem>>
      %dma_wait3A_160 = arith.constant 0 : i32
      %dma_wait3A_161 = tpu.memref_slice %arg3[%mul3A_26, %dma_wait3A_160] : memref<2560x128xi32, #tpu.memory_space<hbm>> -> memref<8x128xi32, #tpu.memory_space<hbm>>
      tpu.wait_dma2 semaphore(%run_scoped3A_138 : memref<!tpu.dma_semaphore, #tpu.memory_space<semaphore_mem>>) src(%dma_wait3A_161 : memref<8x128xi32, #tpu.memory_space<hbm>>) dst(%dma_wait3A_159 : memref<8x128xi32, #tpu.memory_space<vmem>>)
      tpu.yield
    }) : () -> ()
    %mul3A_27 = arith.constant 160 : i32
    %mul3A_28 = arith.muli %arg1, %mul3A_27 : i32
    %run_scoped3A_29 = arith.constant 0 : i32
    "tpu.region"() ({
      %run_scoped3A_138 = tpu.sem_alloc : memref<!tpu.dma_semaphore, #tpu.memory_space<semaphore_mem>>
      %dma_start3A = arith.constant 0 : i32
      %dma_start3A_139 = arith.constant 0 : i32
      %dma_start3A_140 = tpu.memref_slice %arg10[%run_scoped3A_29, %dma_start3A, %dma_start3A_139] : memref<2x8x128xi32, #tpu.memory_space<vmem>> -> memref<1x8x128xi32, #tpu.memory_space<vmem>>
      %dma_start3A_141 = tpu.memref_squeeze %dma_start3A_140 : memref<1x8x128xi32, #tpu.memory_space<vmem>> -> memref<8x128xi32, #tpu.memory_space<vmem>>
      %dma_start3A_142 = arith.constant 0 : i32
      %dma_start3A_143 = tpu.memref_slice %arg4[%mul3A_28, %dma_start3A_142] : memref<2560x128xi32, #tpu.memory_space<hbm>> -> memref<8x128xi32, #tpu.memory_space<hbm>>
      %dma_start3A_144 = arith.constant 0 : i32
      %dma_start3A_145 = arith.constant 0 : i32
      %dma_start3A_146 = tpu.memref_slice %arg10[%run_scoped3A_29, %dma_start3A_144, %dma_start3A_145] : memref<2x8x128xi32, #tpu.memory_space<vmem>> -> memref<1x8x128xi32, #tpu.memory_space<vmem>>
      %dma_start3A_147 = tpu.memref_squeeze %dma_start3A_146 : memref<1x8x128xi32, #tpu.memory_space<vmem>> -> memref<8x128xi32, #tpu.memory_space<vmem>>
      %dma_start3A_148 = arith.constant 0 : i32
      %dma_start3A_149 = tpu.memref_slice %arg4[%mul3A_28, %dma_start3A_148] : memref<2560x128xi32, #tpu.memory_space<hbm>> -> memref<8x128xi32, #tpu.memory_space<hbm>>
      tpu.enqueue_dma source(%dma_start3A_149 : memref<8x128xi32, #tpu.memory_space<hbm>>) target(%dma_start3A_147 : memref<8x128xi32, #tpu.memory_space<vmem>>) target_semaphore(%run_scoped3A_138 : memref<!tpu.dma_semaphore, #tpu.memory_space<semaphore_mem>>)
      %dma_wait3A_150 = arith.constant 0 : i32
      %dma_wait3A_151 = arith.constant 0 : i32
      %dma_wait3A_152 = tpu.memref_slice %arg10[%run_scoped3A_29, %dma_wait3A_150, %dma_wait3A_151] : memref<2x8x128xi32, #tpu.memory_space<vmem>> -> memref<1x8x128xi32, #tpu.memory_space<vmem>>
      %dma_wait3A_153 = tpu.memref_squeeze %dma_wait3A_152 : memref<1x8x128xi32, #tpu.memory_space<vmem>> -> memref<8x128xi32, #tpu.memory_space<vmem>>
      %dma_wait3A_154 = arith.constant 0 : i32
      %dma_wait3A_155 = tpu.memref_slice %arg4[%mul3A_28, %dma_wait3A_154] : memref<2560x128xi32, #tpu.memory_space<hbm>> -> memref<8x128xi32, #tpu.memory_space<hbm>>
      %dma_wait3A_156 = arith.constant 0 : i32
      %dma_wait3A_157 = arith.constant 0 : i32
      %dma_wait3A_158 = tpu.memref_slice %arg10[%run_scoped3A_29, %dma_wait3A_156, %dma_wait3A_157] : memref<2x8x128xi32, #tpu.memory_space<vmem>> -> memref<1x8x128xi32, #tpu.memory_space<vmem>>
      %dma_wait3A_159 = tpu.memref_squeeze %dma_wait3A_158 : memref<1x8x128xi32, #tpu.memory_space<vmem>> -> memref<8x128xi32, #tpu.memory_space<vmem>>
      %dma_wait3A_160 = arith.constant 0 : i32
      %dma_wait3A_161 = tpu.memref_slice %arg4[%mul3A_28, %dma_wait3A_160] : memref<2560x128xi32, #tpu.memory_space<hbm>> -> memref<8x128xi32, #tpu.memory_space<hbm>>
      tpu.wait_dma2 semaphore(%run_scoped3A_138 : memref<!tpu.dma_semaphore, #tpu.memory_space<semaphore_mem>>) src(%dma_wait3A_161 : memref<8x128xi32, #tpu.memory_space<hbm>>) dst(%dma_wait3A_159 : memref<8x128xi32, #tpu.memory_space<vmem>>)
      tpu.yield
    }) : () -> ()
    %barrier3A = arith.constant 0 : index
    tpu.barrier barrier_id(%barrier3A)
    %eq3A_30 = arith.constant 0 : i32
    "tpu.trace_stop"() : () -> ()
    %eq3A_31 = arith.cmpi eq, %arg0, %eq3A_30 : i32
    %jit3A = arith.constant 15 : i32
    %jit3A_32 = arith.constant 5 : i32
    %select_n3A = arith.select %eq3A_31, %jit3A, %jit3A_32 : i32
    "tpu.trace_start"() <{level = 10 : i32, message = "edge_loop"}> : () -> ()
    %scan3A = arith.constant 0 : i32
    %scan3A_33 = arith.constant 0 : i32
    %scan3A_34 = arith.constant 20 : i32
    %scan3A_35 = arith.addi %scan3A_33, %scan3A_34 : i32
    %scan3A_36 = arith.constant 1 : i32
    scf.for %scan3A_138 = %scan3A_33 to %scan3A_35 step %scan3A_36  : i32 {
      %rem3A_139 = arith.constant 2 : i32
      %rem3A_140 = arith.remsi %scan3A_138, %rem3A_139 : i32
      %lt3A = arith.cmpi slt, %scan3A_138, %select_n3A : i32
      %gt3A = arith.constant 0 : i32
      %gt3A_141 = arith.cmpi sgt, %scan3A_138, %gt3A : i32
      %convert_element_type3A_142 = arith.extui %gt3A_141 : i1 to i32
      %cond3A_143 = arith.constant 0 : i32
      %cond3A_144 = arith.cmpi ne, %convert_element_type3A_142, %cond3A_143 : i32
      scf.if %cond3A_144 {
        %sub3A = arith.constant 1 : i32
        %sub3A_369 = arith.subi %sub3A, %rem3A_140 : i32
        %dma_wait3A_370 = arith.constant 4 : i32
        %dma_wait3A_371 = arith.constant 0 : i32
        %dma_wait3A_372 = tpu.memref_slice %arg10[%sub3A_369, %dma_wait3A_370, %dma_wait3A_371] : memref<2x8x128xi32, #tpu.memory_space<vmem>> -> memref<1x1x128xi32, #tpu.memory_space<vmem>>
        %dma_wait3A_373 = tpu.memref_squeeze %dma_wait3A_372 : memref<1x1x128xi32, #tpu.memory_space<vmem>> -> memref<128xi32, #tpu.memory_space<vmem>>
        %dma_wait3A_374 = arith.constant 0 : i32
        %dma_wait3A_375 = arith.constant 0 : i32
        %dma_wait3A_376 = tpu.memref_slice %arg16[%dma_wait3A_374, %dma_wait3A_375] : memref<10240x64xf32, #tpu.memory_space<vmem_shared>> -> memref<10240x64xf32, #tpu.memory_space<vmem_shared>>
        tpu.wait_indirect_dma semaphore(%arg21 : memref<!tpu.dma_semaphore, #tpu.memory_space<semaphore_mem>>) src(%arg11 : memref<128x64xf32, #tpu.memory_space<vmem>>) dst(%dma_wait3A_376 : memref<10240x64xf32, #tpu.memory_space<vmem_shared>>)
      } else {
      }
      %convert_element_type3A_145 = arith.extui %lt3A : i1 to i32
      %cond3A_146 = arith.constant 0 : i32
      %cond3A_147 = arith.cmpi ne, %convert_element_type3A_145, %cond3A_146 : i32
      scf.if %cond3A_147 {
        %eq3A_369 = arith.constant 0 : i32
        %eq3A_370 = arith.cmpi eq, %arg0, %eq3A_369 : i32
        %convert_element_type3A_371 = arith.extui %eq3A_370 : i1 to i32
        %cond3A_372 = arith.constant 0 : i32
        %cond3A_373 = arith.cmpi ne, %convert_element_type3A_371, %cond3A_372 : i32
        scf.if %cond3A_373 {
          %dma_start3A_379 = arith.constant 0 : i32
          %dma_start3A_380 = arith.constant 0 : i32
          %dma_start3A_381 = tpu.memref_slice %arg9[%rem3A_140, %dma_start3A_379, %dma_start3A_380] : memref<2x8x128xi32, #tpu.memory_space<vmem>> -> memref<1x1x128xi32, #tpu.memory_space<vmem>>
          %dma_start3A_382 = tpu.memref_squeeze %dma_start3A_381 : memref<1x1x128xi32, #tpu.memory_space<vmem>> -> memref<128xi32, #tpu.memory_space<vmem>>
          %dma_start3A_383 = arith.constant 0 : i32
          %dma_start3A_384 = arith.constant 0 : i32
          %dma_start3A_385 = tpu.memref_slice %arg7[%dma_start3A_383, %dma_start3A_384] : memref<10000x64xf32, #tpu.memory_space<hbm>> -> memref<10000x64xf32, #tpu.memory_space<hbm>>
          tpu.enqueue_indirect_dma source(%dma_start3A_385 : memref<10000x64xf32, #tpu.memory_space<hbm>>) target(%arg11 : memref<128x64xf32, #tpu.memory_space<vmem>>) offsets(%dma_start3A_382 : memref<128xi32, #tpu.memory_space<vmem>>) semaphore(%arg17 : memref<!tpu.dma_semaphore, #tpu.memory_space<semaphore_mem>>)
        } else {
        }
        %eq3A_374 = arith.constant 1 : i32
        %eq3A_375 = arith.cmpi eq, %arg0, %eq3A_374 : i32
        %convert_element_type3A_376 = arith.extui %eq3A_375 : i1 to i32
        %cond3A_377 = arith.constant 0 : i32
        %cond3A_378 = arith.cmpi ne, %convert_element_type3A_376, %cond3A_377 : i32
        scf.if %cond3A_378 {
          %dma_start3A_379 = arith.constant 0 : i32
          %dma_start3A_380 = arith.constant 0 : i32
          %dma_start3A_381 = tpu.memref_slice %arg9[%rem3A_140, %dma_start3A_379, %dma_start3A_380] : memref<2x8x128xi32, #tpu.memory_space<vmem>> -> memref<1x1x128xi32, #tpu.memory_space<vmem>>
          %dma_start3A_382 = tpu.memref_squeeze %dma_start3A_381 : memref<1x1x128xi32, #tpu.memory_space<vmem>> -> memref<128xi32, #tpu.memory_space<vmem>>
          %dma_start3A_383 = arith.constant 0 : i32
          %dma_start3A_384 = arith.constant 0 : i32
          %dma_start3A_385 = tpu.memref_slice %arg8[%dma_start3A_383, %dma_start3A_384] : memref<10000x64xf32, #tpu.memory_space<hbm>> -> memref<10000x64xf32, #tpu.memory_space<hbm>>
          tpu.enqueue_indirect_dma source(%dma_start3A_385 : memref<10000x64xf32, #tpu.memory_space<hbm>>) target(%arg11 : memref<128x64xf32, #tpu.memory_space<vmem>>) offsets(%dma_start3A_382 : memref<128xi32, #tpu.memory_space<vmem>>) semaphore(%arg17 : memref<!tpu.dma_semaphore, #tpu.memory_space<semaphore_mem>>)
        } else {
        }
      } else {
      }
      %not3A = arith.constant true
      %not3A_148 = arith.xori %lt3A, %not3A : i1
      %convert_element_type3A_149 = arith.extui %not3A_148 : i1 to i32
      %cond3A_150 = arith.constant 0 : i32
      %cond3A_151 = arith.cmpi ne, %convert_element_type3A_149, %cond3A_150 : i32
      scf.if %cond3A_151 {
        %dma_start3A_369 = arith.constant 0 : i32
        %dma_start3A_370 = arith.constant 0 : i32
        %dma_start3A_371 = tpu.memref_slice %arg9[%rem3A_140, %dma_start3A_369, %dma_start3A_370] : memref<2x8x128xi32, #tpu.memory_space<vmem>> -> memref<1x1x128xi32, #tpu.memory_space<vmem>>
        %dma_start3A_372 = tpu.memref_squeeze %dma_start3A_371 : memref<1x1x128xi32, #tpu.memory_space<vmem>> -> memref<128xi32, #tpu.memory_space<vmem>>
        %dma_start3A_373 = arith.constant 0 : i32
        %dma_start3A_374 = arith.constant 0 : i32
        %dma_start3A_375 = tpu.memref_slice %arg15[%dma_start3A_373, %dma_start3A_374] : memref<10000x64xf32, #tpu.memory_space<vmem_shared>> -> memref<10000x64xf32, #tpu.memory_space<vmem_shared>>
        tpu.enqueue_indirect_dma source(%dma_start3A_375 : memref<10000x64xf32, #tpu.memory_space<vmem_shared>>) target(%arg11 : memref<128x64xf32, #tpu.memory_space<vmem>>) offsets(%dma_start3A_372 : memref<128xi32, #tpu.memory_space<vmem>>) semaphore(%arg17 : memref<!tpu.dma_semaphore, #tpu.memory_space<semaphore_mem>>)
      } else {
      }
      %gt3A_152 = arith.constant 0 : i32
      %gt3A_153 = arith.cmpi sgt, %scan3A_138, %gt3A_152 : i32
      %convert_element_type3A_154 = arith.extui %gt3A_153 : i1 to i32
      %cond3A_155 = arith.constant 0 : i32
      %cond3A_156 = arith.cmpi ne, %convert_element_type3A_154, %cond3A_155 : i32
      scf.if %cond3A_156 {
        %sub3A = arith.constant 1 : i32
        %sub3A_369 = arith.subi %sub3A, %rem3A_140 : i32
        %dma_wait3A_370 = arith.constant 5 : i32
        %dma_wait3A_371 = arith.constant 0 : i32
        %dma_wait3A_372 = tpu.memref_slice %arg10[%sub3A_369, %dma_wait3A_370, %dma_wait3A_371] : memref<2x8x128xi32, #tpu.memory_space<vmem>> -> memref<1x1x128xi32, #tpu.memory_space<vmem>>
        %dma_wait3A_373 = tpu.memref_squeeze %dma_wait3A_372 : memref<1x1x128xi32, #tpu.memory_space<vmem>> -> memref<128xi32, #tpu.memory_space<vmem>>
        %dma_wait3A_374 = arith.constant 0 : i32
        %dma_wait3A_375 = arith.constant 0 : i32
        %dma_wait3A_376 = tpu.memref_slice %arg16[%dma_wait3A_374, %dma_wait3A_375] : memref<10240x64xf32, #tpu.memory_space<vmem_shared>> -> memref<10240x64xf32, #tpu.memory_space<vmem_shared>>
        tpu.wait_indirect_dma semaphore(%arg22 : memref<!tpu.dma_semaphore, #tpu.memory_space<semaphore_mem>>) src(%arg12 : memref<128x64xf32, #tpu.memory_space<vmem>>) dst(%dma_wait3A_376 : memref<10240x64xf32, #tpu.memory_space<vmem_shared>>)
      } else {
      }
      %convert_element_type3A_157 = arith.extui %lt3A : i1 to i32
      %cond3A_158 = arith.constant 0 : i32
      %cond3A_159 = arith.cmpi ne, %convert_element_type3A_157, %cond3A_158 : i32
      scf.if %cond3A_159 {
        %eq3A_369 = arith.constant 0 : i32
        %eq3A_370 = arith.cmpi eq, %arg0, %eq3A_369 : i32
        %convert_element_type3A_371 = arith.extui %eq3A_370 : i1 to i32
        %cond3A_372 = arith.constant 0 : i32
        %cond3A_373 = arith.cmpi ne, %convert_element_type3A_371, %cond3A_372 : i32
        scf.if %cond3A_373 {
          %dma_start3A_379 = arith.constant 1 : i32
          %dma_start3A_380 = arith.constant 0 : i32
          %dma_start3A_381 = tpu.memref_slice %arg9[%rem3A_140, %dma_start3A_379, %dma_start3A_380] : memref<2x8x128xi32, #tpu.memory_space<vmem>> -> memref<1x1x128xi32, #tpu.memory_space<vmem>>
          %dma_start3A_382 = tpu.memref_squeeze %dma_start3A_381 : memref<1x1x128xi32, #tpu.memory_space<vmem>> -> memref<128xi32, #tpu.memory_space<vmem>>
          %dma_start3A_383 = arith.constant 0 : i32
          %dma_start3A_384 = arith.constant 0 : i32
          %dma_start3A_385 = tpu.memref_slice %arg7[%dma_start3A_383, %dma_start3A_384] : memref<10000x64xf32, #tpu.memory_space<hbm>> -> memref<10000x64xf32, #tpu.memory_space<hbm>>
          tpu.enqueue_indirect_dma source(%dma_start3A_385 : memref<10000x64xf32, #tpu.memory_space<hbm>>) target(%arg12 : memref<128x64xf32, #tpu.memory_space<vmem>>) offsets(%dma_start3A_382 : memref<128xi32, #tpu.memory_space<vmem>>) semaphore(%arg18 : memref<!tpu.dma_semaphore, #tpu.memory_space<semaphore_mem>>)
        } else {
        }
        %eq3A_374 = arith.constant 1 : i32
        %eq3A_375 = arith.cmpi eq, %arg0, %eq3A_374 : i32
        %convert_element_type3A_376 = arith.extui %eq3A_375 : i1 to i32
        %cond3A_377 = arith.constant 0 : i32
        %cond3A_378 = arith.cmpi ne, %convert_element_type3A_376, %cond3A_377 : i32
        scf.if %cond3A_378 {
          %dma_start3A_379 = arith.constant 1 : i32
          %dma_start3A_380 = arith.constant 0 : i32
          %dma_start3A_381 = tpu.memref_slice %arg9[%rem3A_140, %dma_start3A_379, %dma_start3A_380] : memref<2x8x128xi32, #tpu.memory_space<vmem>> -> memref<1x1x128xi32, #tpu.memory_space<vmem>>
          %dma_start3A_382 = tpu.memref_squeeze %dma_start3A_381 : memref<1x1x128xi32, #tpu.memory_space<vmem>> -> memref<128xi32, #tpu.memory_space<vmem>>
          %dma_start3A_383 = arith.constant 0 : i32
          %dma_start3A_384 = arith.constant 0 : i32
          %dma_start3A_385 = tpu.memref_slice %arg8[%dma_start3A_383, %dma_start3A_384] : memref<10000x64xf32, #tpu.memory_space<hbm>> -> memref<10000x64xf32, #tpu.memory_space<hbm>>
          tpu.enqueue_indirect_dma source(%dma_start3A_385 : memref<10000x64xf32, #tpu.memory_space<hbm>>) target(%arg12 : memref<128x64xf32, #tpu.memory_space<vmem>>) offsets(%dma_start3A_382 : memref<128xi32, #tpu.memory_space<vmem>>) semaphore(%arg18 : memref<!tpu.dma_semaphore, #tpu.memory_space<semaphore_mem>>)
        } else {
        }
      } else {
      }
      %not3A_160 = arith.constant true
      %not3A_161 = arith.xori %lt3A, %not3A_160 : i1
      %convert_element_type3A_162 = arith.extui %not3A_161 : i1 to i32
      %cond3A_163 = arith.constant 0 : i32
      %cond3A_164 = arith.cmpi ne, %convert_element_type3A_162, %cond3A_163 : i32
      scf.if %cond3A_164 {
        %dma_start3A_369 = arith.constant 1 : i32
        %dma_start3A_370 = arith.constant 0 : i32
        %dma_start3A_371 = tpu.memref_slice %arg9[%rem3A_140, %dma_start3A_369, %dma_start3A_370] : memref<2x8x128xi32, #tpu.memory_space<vmem>> -> memref<1x1x128xi32, #tpu.memory_space<vmem>>
        %dma_start3A_372 = tpu.memref_squeeze %dma_start3A_371 : memref<1x1x128xi32, #tpu.memory_space<vmem>> -> memref<128xi32, #tpu.memory_space<vmem>>
        %dma_start3A_373 = arith.constant 0 : i32
        %dma_start3A_374 = arith.constant 0 : i32
        %dma_start3A_375 = tpu.memref_slice %arg15[%dma_start3A_373, %dma_start3A_374] : memref<10000x64xf32, #tpu.memory_space<vmem_shared>> -> memref<10000x64xf32, #tpu.memory_space<vmem_shared>>
        tpu.enqueue_indirect_dma source(%dma_start3A_375 : memref<10000x64xf32, #tpu.memory_space<vmem_shared>>) target(%arg12 : memref<128x64xf32, #tpu.memory_space<vmem>>) offsets(%dma_start3A_372 : memref<128xi32, #tpu.memory_space<vmem>>) semaphore(%arg18 : memref<!tpu.dma_semaphore, #tpu.memory_space<semaphore_mem>>)
      } else {
      }
      %gt3A_165 = arith.constant 0 : i32
      %gt3A_166 = arith.cmpi sgt, %scan3A_138, %gt3A_165 : i32
      %convert_element_type3A_167 = arith.extui %gt3A_166 : i1 to i32
      %cond3A_168 = arith.constant 0 : i32
      %cond3A_169 = arith.cmpi ne, %convert_element_type3A_167, %cond3A_168 : i32
      scf.if %cond3A_169 {
        %sub3A = arith.constant 1 : i32
        %sub3A_369 = arith.subi %sub3A, %rem3A_140 : i32
        %dma_wait3A_370 = arith.constant 6 : i32
        %dma_wait3A_371 = arith.constant 0 : i32
        %dma_wait3A_372 = tpu.memref_slice %arg10[%sub3A_369, %dma_wait3A_370, %dma_wait3A_371] : memref<2x8x128xi32, #tpu.memory_space<vmem>> -> memref<1x1x128xi32, #tpu.memory_space<vmem>>
        %dma_wait3A_373 = tpu.memref_squeeze %dma_wait3A_372 : memref<1x1x128xi32, #tpu.memory_space<vmem>> -> memref<128xi32, #tpu.memory_space<vmem>>
        %dma_wait3A_374 = arith.constant 0 : i32
        %dma_wait3A_375 = arith.constant 0 : i32
        %dma_wait3A_376 = tpu.memref_slice %arg16[%dma_wait3A_374, %dma_wait3A_375] : memref<10240x64xf32, #tpu.memory_space<vmem_shared>> -> memref<10240x64xf32, #tpu.memory_space<vmem_shared>>
        tpu.wait_indirect_dma semaphore(%arg23 : memref<!tpu.dma_semaphore, #tpu.memory_space<semaphore_mem>>) src(%arg13 : memref<128x64xf32, #tpu.memory_space<vmem>>) dst(%dma_wait3A_376 : memref<10240x64xf32, #tpu.memory_space<vmem_shared>>)
      } else {
      }
      %convert_element_type3A_170 = arith.extui %lt3A : i1 to i32
      %cond3A_171 = arith.constant 0 : i32
      %cond3A_172 = arith.cmpi ne, %convert_element_type3A_170, %cond3A_171 : i32
      scf.if %cond3A_172 {
        %eq3A_369 = arith.constant 0 : i32
        %eq3A_370 = arith.cmpi eq, %arg0, %eq3A_369 : i32
        %convert_element_type3A_371 = arith.extui %eq3A_370 : i1 to i32
        %cond3A_372 = arith.constant 0 : i32
        %cond3A_373 = arith.cmpi ne, %convert_element_type3A_371, %cond3A_372 : i32
        scf.if %cond3A_373 {
          %dma_start3A_379 = arith.constant 2 : i32
          %dma_start3A_380 = arith.constant 0 : i32
          %dma_start3A_381 = tpu.memref_slice %arg9[%rem3A_140, %dma_start3A_379, %dma_start3A_380] : memref<2x8x128xi32, #tpu.memory_space<vmem>> -> memref<1x1x128xi32, #tpu.memory_space<vmem>>
          %dma_start3A_382 = tpu.memref_squeeze %dma_start3A_381 : memref<1x1x128xi32, #tpu.memory_space<vmem>> -> memref<128xi32, #tpu.memory_space<vmem>>
          %dma_start3A_383 = arith.constant 0 : i32
          %dma_start3A_384 = arith.constant 0 : i32
          %dma_start3A_385 = tpu.memref_slice %arg7[%dma_start3A_383, %dma_start3A_384] : memref<10000x64xf32, #tpu.memory_space<hbm>> -> memref<10000x64xf32, #tpu.memory_space<hbm>>
          tpu.enqueue_indirect_dma source(%dma_start3A_385 : memref<10000x64xf32, #tpu.memory_space<hbm>>) target(%arg13 : memref<128x64xf32, #tpu.memory_space<vmem>>) offsets(%dma_start3A_382 : memref<128xi32, #tpu.memory_space<vmem>>) semaphore(%arg19 : memref<!tpu.dma_semaphore, #tpu.memory_space<semaphore_mem>>)
        } else {
        }
        %eq3A_374 = arith.constant 1 : i32
        %eq3A_375 = arith.cmpi eq, %arg0, %eq3A_374 : i32
        %convert_element_type3A_376 = arith.extui %eq3A_375 : i1 to i32
        %cond3A_377 = arith.constant 0 : i32
        %cond3A_378 = arith.cmpi ne, %convert_element_type3A_376, %cond3A_377 : i32
        scf.if %cond3A_378 {
          %dma_start3A_379 = arith.constant 2 : i32
          %dma_start3A_380 = arith.constant 0 : i32
          %dma_start3A_381 = tpu.memref_slice %arg9[%rem3A_140, %dma_start3A_379, %dma_start3A_380] : memref<2x8x128xi32, #tpu.memory_space<vmem>> -> memref<1x1x128xi32, #tpu.memory_space<vmem>>
          %dma_start3A_382 = tpu.memref_squeeze %dma_start3A_381 : memref<1x1x128xi32, #tpu.memory_space<vmem>> -> memref<128xi32, #tpu.memory_space<vmem>>
          %dma_start3A_383 = arith.constant 0 : i32
          %dma_start3A_384 = arith.constant 0 : i32
          %dma_start3A_385 = tpu.memref_slice %arg8[%dma_start3A_383, %dma_start3A_384] : memref<10000x64xf32, #tpu.memory_space<hbm>> -> memref<10000x64xf32, #tpu.memory_space<hbm>>
          tpu.enqueue_indirect_dma source(%dma_start3A_385 : memref<10000x64xf32, #tpu.memory_space<hbm>>) target(%arg13 : memref<128x64xf32, #tpu.memory_space<vmem>>) offsets(%dma_start3A_382 : memref<128xi32, #tpu.memory_space<vmem>>) semaphore(%arg19 : memref<!tpu.dma_semaphore, #tpu.memory_space<semaphore_mem>>)
        } else {
        }
      } else {
      }
      %not3A_173 = arith.constant true
      %not3A_174 = arith.xori %lt3A, %not3A_173 : i1
      %convert_element_type3A_175 = arith.extui %not3A_174 : i1 to i32
      %cond3A_176 = arith.constant 0 : i32
      %cond3A_177 = arith.cmpi ne, %convert_element_type3A_175, %cond3A_176 : i32
      scf.if %cond3A_177 {
        %dma_start3A_369 = arith.constant 2 : i32
        %dma_start3A_370 = arith.constant 0 : i32
        %dma_start3A_371 = tpu.memref_slice %arg9[%rem3A_140, %dma_start3A_369, %dma_start3A_370] : memref<2x8x128xi32, #tpu.memory_space<vmem>> -> memref<1x1x128xi32, #tpu.memory_space<vmem>>
        %dma_start3A_372 = tpu.memref_squeeze %dma_start3A_371 : memref<1x1x128xi32, #tpu.memory_space<vmem>> -> memref<128xi32, #tpu.memory_space<vmem>>
        %dma_start3A_373 = arith.constant 0 : i32
        %dma_start3A_374 = arith.constant 0 : i32
        %dma_start3A_375 = tpu.memref_slice %arg15[%dma_start3A_373, %dma_start3A_374] : memref<10000x64xf32, #tpu.memory_space<vmem_shared>> -> memref<10000x64xf32, #tpu.memory_space<vmem_shared>>
        tpu.enqueue_indirect_dma source(%dma_start3A_375 : memref<10000x64xf32, #tpu.memory_space<vmem_shared>>) target(%arg13 : memref<128x64xf32, #tpu.memory_space<vmem>>) offsets(%dma_start3A_372 : memref<128xi32, #tpu.memory_space<vmem>>) semaphore(%arg19 : memref<!tpu.dma_semaphore, #tpu.memory_space<semaphore_mem>>)
      } else {
      }
      %gt3A_178 = arith.constant 0 : i32
      %gt3A_179 = arith.cmpi sgt, %scan3A_138, %gt3A_178 : i32
      %convert_element_type3A_180 = arith.extui %gt3A_179 : i1 to i32
      %cond3A_181 = arith.constant 0 : i32
      %cond3A_182 = arith.cmpi ne, %convert_element_type3A_180, %cond3A_181 : i32
      scf.if %cond3A_182 {
        %sub3A = arith.constant 1 : i32
        %sub3A_369 = arith.subi %sub3A, %rem3A_140 : i32
        %dma_wait3A_370 = arith.constant 7 : i32
        %dma_wait3A_371 = arith.constant 0 : i32
        %dma_wait3A_372 = tpu.memref_slice %arg10[%sub3A_369, %dma_wait3A_370, %dma_wait3A_371] : memref<2x8x128xi32, #tpu.memory_space<vmem>> -> memref<1x1x128xi32, #tpu.memory_space<vmem>>
        %dma_wait3A_373 = tpu.memref_squeeze %dma_wait3A_372 : memref<1x1x128xi32, #tpu.memory_space<vmem>> -> memref<128xi32, #tpu.memory_space<vmem>>
        %dma_wait3A_374 = arith.constant 0 : i32
        %dma_wait3A_375 = arith.constant 0 : i32
        %dma_wait3A_376 = tpu.memref_slice %arg16[%dma_wait3A_374, %dma_wait3A_375] : memref<10240x64xf32, #tpu.memory_space<vmem_shared>> -> memref<10240x64xf32, #tpu.memory_space<vmem_shared>>
        tpu.wait_indirect_dma semaphore(%arg24 : memref<!tpu.dma_semaphore, #tpu.memory_space<semaphore_mem>>) src(%arg14 : memref<128x64xf32, #tpu.memory_space<vmem>>) dst(%dma_wait3A_376 : memref<10240x64xf32, #tpu.memory_space<vmem_shared>>)
      } else {
      }
      %convert_element_type3A_183 = arith.extui %lt3A : i1 to i32
      %cond3A_184 = arith.constant 0 : i32
      %cond3A_185 = arith.cmpi ne, %convert_element_type3A_183, %cond3A_184 : i32
      scf.if %cond3A_185 {
        %eq3A_369 = arith.constant 0 : i32
        %eq3A_370 = arith.cmpi eq, %arg0, %eq3A_369 : i32
        %convert_element_type3A_371 = arith.extui %eq3A_370 : i1 to i32
        %cond3A_372 = arith.constant 0 : i32
        %cond3A_373 = arith.cmpi ne, %convert_element_type3A_371, %cond3A_372 : i32
        scf.if %cond3A_373 {
          %dma_start3A_379 = arith.constant 3 : i32
          %dma_start3A_380 = arith.constant 0 : i32
          %dma_start3A_381 = tpu.memref_slice %arg9[%rem3A_140, %dma_start3A_379, %dma_start3A_380] : memref<2x8x128xi32, #tpu.memory_space<vmem>> -> memref<1x1x128xi32, #tpu.memory_space<vmem>>
          %dma_start3A_382 = tpu.memref_squeeze %dma_start3A_381 : memref<1x1x128xi32, #tpu.memory_space<vmem>> -> memref<128xi32, #tpu.memory_space<vmem>>
          %dma_start3A_383 = arith.constant 0 : i32
          %dma_start3A_384 = arith.constant 0 : i32
          %dma_start3A_385 = tpu.memref_slice %arg7[%dma_start3A_383, %dma_start3A_384] : memref<10000x64xf32, #tpu.memory_space<hbm>> -> memref<10000x64xf32, #tpu.memory_space<hbm>>
          tpu.enqueue_indirect_dma source(%dma_start3A_385 : memref<10000x64xf32, #tpu.memory_space<hbm>>) target(%arg14 : memref<128x64xf32, #tpu.memory_space<vmem>>) offsets(%dma_start3A_382 : memref<128xi32, #tpu.memory_space<vmem>>) semaphore(%arg20 : memref<!tpu.dma_semaphore, #tpu.memory_space<semaphore_mem>>)
        } else {
        }
        %eq3A_374 = arith.constant 1 : i32
        %eq3A_375 = arith.cmpi eq, %arg0, %eq3A_374 : i32
        %convert_element_type3A_376 = arith.extui %eq3A_375 : i1 to i32
        %cond3A_377 = arith.constant 0 : i32
        %cond3A_378 = arith.cmpi ne, %convert_element_type3A_376, %cond3A_377 : i32
        scf.if %cond3A_378 {
          %dma_start3A_379 = arith.constant 3 : i32
          %dma_start3A_380 = arith.constant 0 : i32
          %dma_start3A_381 = tpu.memref_slice %arg9[%rem3A_140, %dma_start3A_379, %dma_start3A_380] : memref<2x8x128xi32, #tpu.memory_space<vmem>> -> memref<1x1x128xi32, #tpu.memory_space<vmem>>
          %dma_start3A_382 = tpu.memref_squeeze %dma_start3A_381 : memref<1x1x128xi32, #tpu.memory_space<vmem>> -> memref<128xi32, #tpu.memory_space<vmem>>
          %dma_start3A_383 = arith.constant 0 : i32
          %dma_start3A_384 = arith.constant 0 : i32
          %dma_start3A_385 = tpu.memref_slice %arg8[%dma_start3A_383, %dma_start3A_384] : memref<10000x64xf32, #tpu.memory_space<hbm>> -> memref<10000x64xf32, #tpu.memory_space<hbm>>
          tpu.enqueue_indirect_dma source(%dma_start3A_385 : memref<10000x64xf32, #tpu.memory_space<hbm>>) target(%arg14 : memref<128x64xf32, #tpu.memory_space<vmem>>) offsets(%dma_start3A_382 : memref<128xi32, #tpu.memory_space<vmem>>) semaphore(%arg20 : memref<!tpu.dma_semaphore, #tpu.memory_space<semaphore_mem>>)
        } else {
        }
      } else {
      }
      %not3A_186 = arith.constant true
      %not3A_187 = arith.xori %lt3A, %not3A_186 : i1
      %convert_element_type3A_188 = arith.extui %not3A_187 : i1 to i32
      %cond3A_189 = arith.constant 0 : i32
      %cond3A_190 = arith.cmpi ne, %convert_element_type3A_188, %cond3A_189 : i32
      scf.if %cond3A_190 {
        %dma_start3A_369 = arith.constant 3 : i32
        %dma_start3A_370 = arith.constant 0 : i32
        %dma_start3A_371 = tpu.memref_slice %arg9[%rem3A_140, %dma_start3A_369, %dma_start3A_370] : memref<2x8x128xi32, #tpu.memory_space<vmem>> -> memref<1x1x128xi32, #tpu.memory_space<vmem>>
        %dma_start3A_372 = tpu.memref_squeeze %dma_start3A_371 : memref<1x1x128xi32, #tpu.memory_space<vmem>> -> memref<128xi32, #tpu.memory_space<vmem>>
        %dma_start3A_373 = arith.constant 0 : i32
        %dma_start3A_374 = arith.constant 0 : i32
        %dma_start3A_375 = tpu.memref_slice %arg15[%dma_start3A_373, %dma_start3A_374] : memref<10000x64xf32, #tpu.memory_space<vmem_shared>> -> memref<10000x64xf32, #tpu.memory_space<vmem_shared>>
        tpu.enqueue_indirect_dma source(%dma_start3A_375 : memref<10000x64xf32, #tpu.memory_space<vmem_shared>>) target(%arg14 : memref<128x64xf32, #tpu.memory_space<vmem>>) offsets(%dma_start3A_372 : memref<128xi32, #tpu.memory_space<vmem>>) semaphore(%arg20 : memref<!tpu.dma_semaphore, #tpu.memory_space<semaphore_mem>>)
      } else {
      }
      %add3A_191 = arith.constant 1 : i32
      %add3A_192 = arith.addi %scan3A_138, %add3A_191 : i32
      %lt3A_193 = arith.constant 20 : i32
      %lt3A_194 = arith.cmpi slt, %add3A_192, %lt3A_193 : i32
      %convert_element_type3A_195 = arith.extui %lt3A_194 : i1 to i32
      %cond3A_196 = arith.constant 0 : i32
      %cond3A_197 = arith.cmpi ne, %convert_element_type3A_195, %cond3A_196 : i32
      scf.if %cond3A_197 {
        %mul3A_369 = arith.constant 160 : i32
        %mul3A_370 = arith.muli %arg1, %mul3A_369 : i32
        %add3A_371 = arith.constant 1 : i32
        %add3A_372 = arith.addi %scan3A_138, %add3A_371 : i32
        %mul3A_373 = arith.constant 8 : i32
        %mul3A_374 = arith.muli %add3A_372, %mul3A_373 : i32
        %add3A_375 = arith.addi %mul3A_370, %mul3A_374 : i32
        %sub3A = arith.constant 1 : i32
        %sub3A_376 = arith.subi %sub3A, %rem3A_140 : i32
        "tpu.region"() ({
          %run_scoped3A_379 = tpu.sem_alloc : memref<!tpu.dma_semaphore, #tpu.memory_space<semaphore_mem>>
          %dma_start3A_380 = arith.constant 0 : i32
          %dma_start3A_381 = arith.constant 0 : i32
          %dma_start3A_382 = tpu.memref_slice %arg9[%sub3A_376, %dma_start3A_380, %dma_start3A_381] : memref<2x8x128xi32, #tpu.memory_space<vmem>> -> memref<1x8x128xi32, #tpu.memory_space<vmem>>
          %dma_start3A_383 = tpu.memref_squeeze %dma_start3A_382 : memref<1x8x128xi32, #tpu.memory_space<vmem>> -> memref<8x128xi32, #tpu.memory_space<vmem>>
          %dma_start3A_384 = arith.constant 0 : i32
          %dma_start3A_385 = tpu.memref_slice %arg3[%add3A_375, %dma_start3A_384] : memref<2560x128xi32, #tpu.memory_space<hbm>> -> memref<8x128xi32, #tpu.memory_space<hbm>>
          %dma_start3A_386 = arith.constant 0 : i32
          %dma_start3A_387 = arith.constant 0 : i32
          %dma_start3A_388 = tpu.memref_slice %arg9[%sub3A_376, %dma_start3A_386, %dma_start3A_387] : memref<2x8x128xi32, #tpu.memory_space<vmem>> -> memref<1x8x128xi32, #tpu.memory_space<vmem>>
          %dma_start3A_389 = tpu.memref_squeeze %dma_start3A_388 : memref<1x8x128xi32, #tpu.memory_space<vmem>> -> memref<8x128xi32, #tpu.memory_space<vmem>>
          %dma_start3A_390 = arith.constant 0 : i32
          %dma_start3A_391 = tpu.memref_slice %arg3[%add3A_375, %dma_start3A_390] : memref<2560x128xi32, #tpu.memory_space<hbm>> -> memref<8x128xi32, #tpu.memory_space<hbm>>
          tpu.enqueue_dma source(%dma_start3A_391 : memref<8x128xi32, #tpu.memory_space<hbm>>) target(%dma_start3A_389 : memref<8x128xi32, #tpu.memory_space<vmem>>) target_semaphore(%run_scoped3A_379 : memref<!tpu.dma_semaphore, #tpu.memory_space<semaphore_mem>>)
          %dma_wait3A_392 = arith.constant 0 : i32
          %dma_wait3A_393 = arith.constant 0 : i32
          %dma_wait3A_394 = tpu.memref_slice %arg9[%sub3A_376, %dma_wait3A_392, %dma_wait3A_393] : memref<2x8x128xi32, #tpu.memory_space<vmem>> -> memref<1x8x128xi32, #tpu.memory_space<vmem>>
          %dma_wait3A_395 = tpu.memref_squeeze %dma_wait3A_394 : memref<1x8x128xi32, #tpu.memory_space<vmem>> -> memref<8x128xi32, #tpu.memory_space<vmem>>
          %dma_wait3A_396 = arith.constant 0 : i32
          %dma_wait3A_397 = tpu.memref_slice %arg3[%add3A_375, %dma_wait3A_396] : memref<2560x128xi32, #tpu.memory_space<hbm>> -> memref<8x128xi32, #tpu.memory_space<hbm>>
          %dma_wait3A_398 = arith.constant 0 : i32
          %dma_wait3A_399 = arith.constant 0 : i32
          %dma_wait3A_400 = tpu.memref_slice %arg9[%sub3A_376, %dma_wait3A_398, %dma_wait3A_399] : memref<2x8x128xi32, #tpu.memory_space<vmem>> -> memref<1x8x128xi32, #tpu.memory_space<vmem>>
          %dma_wait3A_401 = tpu.memref_squeeze %dma_wait3A_400 : memref<1x8x128xi32, #tpu.memory_space<vmem>> -> memref<8x128xi32, #tpu.memory_space<vmem>>
          %dma_wait3A_402 = arith.constant 0 : i32
          %dma_wait3A_403 = tpu.memref_slice %arg3[%add3A_375, %dma_wait3A_402] : memref<2560x128xi32, #tpu.memory_space<hbm>> -> memref<8x128xi32, #tpu.memory_space<hbm>>
          tpu.wait_dma2 semaphore(%run_scoped3A_379 : memref<!tpu.dma_semaphore, #tpu.memory_space<semaphore_mem>>) src(%dma_wait3A_403 : memref<8x128xi32, #tpu.memory_space<hbm>>) dst(%dma_wait3A_401 : memref<8x128xi32, #tpu.memory_space<vmem>>)
          tpu.yield
        }) : () -> ()
        %sub3A_377 = arith.constant 1 : i32
        %sub3A_378 = arith.subi %sub3A_377, %rem3A_140 : i32
        "tpu.region"() ({
          %run_scoped3A_379 = tpu.sem_alloc : memref<!tpu.dma_semaphore, #tpu.memory_space<semaphore_mem>>
          %dma_start3A_380 = arith.constant 0 : i32
          %dma_start3A_381 = arith.constant 0 : i32
          %dma_start3A_382 = tpu.memref_slice %arg10[%sub3A_378, %dma_start3A_380, %dma_start3A_381] : memref<2x8x128xi32, #tpu.memory_space<vmem>> -> memref<1x8x128xi32, #tpu.memory_space<vmem>>
          %dma_start3A_383 = tpu.memref_squeeze %dma_start3A_382 : memref<1x8x128xi32, #tpu.memory_space<vmem>> -> memref<8x128xi32, #tpu.memory_space<vmem>>
          %dma_start3A_384 = arith.constant 0 : i32
          %dma_start3A_385 = tpu.memref_slice %arg4[%add3A_375, %dma_start3A_384] : memref<2560x128xi32, #tpu.memory_space<hbm>> -> memref<8x128xi32, #tpu.memory_space<hbm>>
          %dma_start3A_386 = arith.constant 0 : i32
          %dma_start3A_387 = arith.constant 0 : i32
          %dma_start3A_388 = tpu.memref_slice %arg10[%sub3A_378, %dma_start3A_386, %dma_start3A_387] : memref<2x8x128xi32, #tpu.memory_space<vmem>> -> memref<1x8x128xi32, #tpu.memory_space<vmem>>
          %dma_start3A_389 = tpu.memref_squeeze %dma_start3A_388 : memref<1x8x128xi32, #tpu.memory_space<vmem>> -> memref<8x128xi32, #tpu.memory_space<vmem>>
          %dma_start3A_390 = arith.constant 0 : i32
          %dma_start3A_391 = tpu.memref_slice %arg4[%add3A_375, %dma_start3A_390] : memref<2560x128xi32, #tpu.memory_space<hbm>> -> memref<8x128xi32, #tpu.memory_space<hbm>>
          tpu.enqueue_dma source(%dma_start3A_391 : memref<8x128xi32, #tpu.memory_space<hbm>>) target(%dma_start3A_389 : memref<8x128xi32, #tpu.memory_space<vmem>>) target_semaphore(%run_scoped3A_379 : memref<!tpu.dma_semaphore, #tpu.memory_space<semaphore_mem>>)
          %dma_wait3A_392 = arith.constant 0 : i32
          %dma_wait3A_393 = arith.constant 0 : i32
          %dma_wait3A_394 = tpu.memref_slice %arg10[%sub3A_378, %dma_wait3A_392, %dma_wait3A_393] : memref<2x8x128xi32, #tpu.memory_space<vmem>> -> memref<1x8x128xi32, #tpu.memory_space<vmem>>
          %dma_wait3A_395 = tpu.memref_squeeze %dma_wait3A_394 : memref<1x8x128xi32, #tpu.memory_space<vmem>> -> memref<8x128xi32, #tpu.memory_space<vmem>>
          %dma_wait3A_396 = arith.constant 0 : i32
          %dma_wait3A_397 = tpu.memref_slice %arg4[%add3A_375, %dma_wait3A_396] : memref<2560x128xi32, #tpu.memory_space<hbm>> -> memref<8x128xi32, #tpu.memory_space<hbm>>
          %dma_wait3A_398 = arith.constant 0 : i32
          %dma_wait3A_399 = arith.constant 0 : i32
          %dma_wait3A_400 = tpu.memref_slice %arg10[%sub3A_378, %dma_wait3A_398, %dma_wait3A_399] : memref<2x8x128xi32, #tpu.memory_space<vmem>> -> memref<1x8x128xi32, #tpu.memory_space<vmem>>
          %dma_wait3A_401 = tpu.memref_squeeze %dma_wait3A_400 : memref<1x8x128xi32, #tpu.memory_space<vmem>> -> memref<8x128xi32, #tpu.memory_space<vmem>>
          %dma_wait3A_402 = arith.constant 0 : i32
          %dma_wait3A_403 = tpu.memref_slice %arg4[%add3A_375, %dma_wait3A_402] : memref<2560x128xi32, #tpu.memory_space<hbm>> -> memref<8x128xi32, #tpu.memory_space<hbm>>
          tpu.wait_dma2 semaphore(%run_scoped3A_379 : memref<!tpu.dma_semaphore, #tpu.memory_space<semaphore_mem>>) src(%dma_wait3A_403 : memref<8x128xi32, #tpu.memory_space<hbm>>) dst(%dma_wait3A_401 : memref<8x128xi32, #tpu.memory_space<vmem>>)
          tpu.yield
        }) : () -> ()
      } else {
      }
      %dma_wait3A_198 = arith.constant 0 : i32
      %dma_wait3A_199 = arith.constant 0 : i32
      %dma_wait3A_200 = tpu.memref_slice %arg9[%rem3A_140, %dma_wait3A_198, %dma_wait3A_199] : memref<2x8x128xi32, #tpu.memory_space<vmem>> -> memref<1x1x128xi32, #tpu.memory_space<vmem>>
      %dma_wait3A_201 = tpu.memref_squeeze %dma_wait3A_200 : memref<1x1x128xi32, #tpu.memory_space<vmem>> -> memref<128xi32, #tpu.memory_space<vmem>>
      %dma_wait3A_202 = arith.constant 0 : i32
      %dma_wait3A_203 = arith.constant 0 : i32
      %dma_wait3A_204 = tpu.memref_slice %arg15[%dma_wait3A_202, %dma_wait3A_203] : memref<10000x64xf32, #tpu.memory_space<vmem_shared>> -> memref<10000x64xf32, #tpu.memory_space<vmem_shared>>
      tpu.wait_indirect_dma semaphore(%arg17 : memref<!tpu.dma_semaphore, #tpu.memory_space<semaphore_mem>>) src(%dma_wait3A_204 : memref<10000x64xf32, #tpu.memory_space<vmem_shared>>) dst(%arg11 : memref<128x64xf32, #tpu.memory_space<vmem>>)
      %dma_start3A = arith.constant 0 : i32
      %dma_start3A_205 = arith.constant 0 : i32
      %dma_start3A_206 = tpu.memref_slice %arg10[%rem3A_140, %dma_start3A, %dma_start3A_205] : memref<2x8x128xi32, #tpu.memory_space<vmem>> -> memref<1x1x128xi32, #tpu.memory_space<vmem>>
      %dma_start3A_207 = tpu.memref_squeeze %dma_start3A_206 : memref<1x1x128xi32, #tpu.memory_space<vmem>> -> memref<128xi32, #tpu.memory_space<vmem>>
      %dma_start3A_208 = arith.constant 0 : i32
      %dma_start3A_209 = arith.constant 0 : i32
      %dma_start3A_210 = tpu.memref_slice %arg16[%dma_start3A_208, %dma_start3A_209] : memref<10240x64xf32, #tpu.memory_space<vmem_shared>> -> memref<10240x64xf32, #tpu.memory_space<vmem_shared>>
      tpu.enqueue_indirect_dma source(%arg11 : memref<128x64xf32, #tpu.memory_space<vmem>>) target(%dma_start3A_210 : memref<10240x64xf32, #tpu.memory_space<vmem_shared>>) offsets(%dma_start3A_207 : memref<128xi32, #tpu.memory_space<vmem>>) semaphore(%arg21 : memref<!tpu.dma_semaphore, #tpu.memory_space<semaphore_mem>>) {add = true}
      %dma_wait3A_211 = arith.constant 1 : i32
      %dma_wait3A_212 = arith.constant 0 : i32
      %dma_wait3A_213 = tpu.memref_slice %arg9[%rem3A_140, %dma_wait3A_211, %dma_wait3A_212] : memref<2x8x128xi32, #tpu.memory_space<vmem>> -> memref<1x1x128xi32, #tpu.memory_space<vmem>>
      %dma_wait3A_214 = tpu.memref_squeeze %dma_wait3A_213 : memref<1x1x128xi32, #tpu.memory_space<vmem>> -> memref<128xi32, #tpu.memory_space<vmem>>
      %dma_wait3A_215 = arith.constant 0 : i32
      %dma_wait3A_216 = arith.constant 0 : i32
      %dma_wait3A_217 = tpu.memref_slice %arg15[%dma_wait3A_215, %dma_wait3A_216] : memref<10000x64xf32, #tpu.memory_space<vmem_shared>> -> memref<10000x64xf32, #tpu.memory_space<vmem_shared>>
      tpu.wait_indirect_dma semaphore(%arg18 : memref<!tpu.dma_semaphore, #tpu.memory_space<semaphore_mem>>) src(%dma_wait3A_217 : memref<10000x64xf32, #tpu.memory_space<vmem_shared>>) dst(%arg12 : memref<128x64xf32, #tpu.memory_space<vmem>>)
      %dma_start3A_218 = arith.constant 1 : i32
      %dma_start3A_219 = arith.constant 0 : i32
      %dma_start3A_220 = tpu.memref_slice %arg10[%rem3A_140, %dma_start3A_218, %dma_start3A_219] : memref<2x8x128xi32, #tpu.memory_space<vmem>> -> memref<1x1x128xi32, #tpu.memory_space<vmem>>
      %dma_start3A_221 = tpu.memref_squeeze %dma_start3A_220 : memref<1x1x128xi32, #tpu.memory_space<vmem>> -> memref<128xi32, #tpu.memory_space<vmem>>
      %dma_start3A_222 = arith.constant 0 : i32
      %dma_start3A_223 = arith.constant 0 : i32
      %dma_start3A_224 = tpu.memref_slice %arg16[%dma_start3A_222, %dma_start3A_223] : memref<10240x64xf32, #tpu.memory_space<vmem_shared>> -> memref<10240x64xf32, #tpu.memory_space<vmem_shared>>
      tpu.enqueue_indirect_dma source(%arg12 : memref<128x64xf32, #tpu.memory_space<vmem>>) target(%dma_start3A_224 : memref<10240x64xf32, #tpu.memory_space<vmem_shared>>) offsets(%dma_start3A_221 : memref<128xi32, #tpu.memory_space<vmem>>) semaphore(%arg22 : memref<!tpu.dma_semaphore, #tpu.memory_space<semaphore_mem>>) {add = true}
      %dma_wait3A_225 = arith.constant 2 : i32
      %dma_wait3A_226 = arith.constant 0 : i32
      %dma_wait3A_227 = tpu.memref_slice %arg9[%rem3A_140, %dma_wait3A_225, %dma_wait3A_226] : memref<2x8x128xi32, #tpu.memory_space<vmem>> -> memref<1x1x128xi32, #tpu.memory_space<vmem>>
      %dma_wait3A_228 = tpu.memref_squeeze %dma_wait3A_227 : memref<1x1x128xi32, #tpu.memory_space<vmem>> -> memref<128xi32, #tpu.memory_space<vmem>>
      %dma_wait3A_229 = arith.constant 0 : i32
      %dma_wait3A_230 = arith.constant 0 : i32
      %dma_wait3A_231 = tpu.memref_slice %arg15[%dma_wait3A_229, %dma_wait3A_230] : memref<10000x64xf32, #tpu.memory_space<vmem_shared>> -> memref<10000x64xf32, #tpu.memory_space<vmem_shared>>
      tpu.wait_indirect_dma semaphore(%arg19 : memref<!tpu.dma_semaphore, #tpu.memory_space<semaphore_mem>>) src(%dma_wait3A_231 : memref<10000x64xf32, #tpu.memory_space<vmem_shared>>) dst(%arg13 : memref<128x64xf32, #tpu.memory_space<vmem>>)
      %dma_start3A_232 = arith.constant 2 : i32
      %dma_start3A_233 = arith.constant 0 : i32
      %dma_start3A_234 = tpu.memref_slice %arg10[%rem3A_140, %dma_start3A_232, %dma_start3A_233] : memref<2x8x128xi32, #tpu.memory_space<vmem>> -> memref<1x1x128xi32, #tpu.memory_space<vmem>>
      %dma_start3A_235 = tpu.memref_squeeze %dma_start3A_234 : memref<1x1x128xi32, #tpu.memory_space<vmem>> -> memref<128xi32, #tpu.memory_space<vmem>>
      %dma_start3A_236 = arith.constant 0 : i32
      %dma_start3A_237 = arith.constant 0 : i32
      %dma_start3A_238 = tpu.memref_slice %arg16[%dma_start3A_236, %dma_start3A_237] : memref<10240x64xf32, #tpu.memory_space<vmem_shared>> -> memref<10240x64xf32, #tpu.memory_space<vmem_shared>>
      tpu.enqueue_indirect_dma source(%arg13 : memref<128x64xf32, #tpu.memory_space<vmem>>) target(%dma_start3A_238 : memref<10240x64xf32, #tpu.memory_space<vmem_shared>>) offsets(%dma_start3A_235 : memref<128xi32, #tpu.memory_space<vmem>>) semaphore(%arg23 : memref<!tpu.dma_semaphore, #tpu.memory_space<semaphore_mem>>) {add = true}
      %dma_wait3A_239 = arith.constant 3 : i32
      %dma_wait3A_240 = arith.constant 0 : i32
      %dma_wait3A_241 = tpu.memref_slice %arg9[%rem3A_140, %dma_wait3A_239, %dma_wait3A_240] : memref<2x8x128xi32, #tpu.memory_space<vmem>> -> memref<1x1x128xi32, #tpu.memory_space<vmem>>
      %dma_wait3A_242 = tpu.memref_squeeze %dma_wait3A_241 : memref<1x1x128xi32, #tpu.memory_space<vmem>> -> memref<128xi32, #tpu.memory_space<vmem>>
      %dma_wait3A_243 = arith.constant 0 : i32
      %dma_wait3A_244 = arith.constant 0 : i32
      %dma_wait3A_245 = tpu.memref_slice %arg15[%dma_wait3A_243, %dma_wait3A_244] : memref<10000x64xf32, #tpu.memory_space<vmem_shared>> -> memref<10000x64xf32, #tpu.memory_space<vmem_shared>>
      tpu.wait_indirect_dma semaphore(%arg20 : memref<!tpu.dma_semaphore, #tpu.memory_space<semaphore_mem>>) src(%dma_wait3A_245 : memref<10000x64xf32, #tpu.memory_space<vmem_shared>>) dst(%arg14 : memref<128x64xf32, #tpu.memory_space<vmem>>)
      %dma_start3A_246 = arith.constant 3 : i32
      %dma_start3A_247 = arith.constant 0 : i32
      %dma_start3A_248 = tpu.memref_slice %arg10[%rem3A_140, %dma_start3A_246, %dma_start3A_247] : memref<2x8x128xi32, #tpu.memory_space<vmem>> -> memref<1x1x128xi32, #tpu.memory_space<vmem>>
      %dma_start3A_249 = tpu.memref_squeeze %dma_start3A_248 : memref<1x1x128xi32, #tpu.memory_space<vmem>> -> memref<128xi32, #tpu.memory_space<vmem>>
      %dma_start3A_250 = arith.constant 0 : i32
      %dma_start3A_251 = arith.constant 0 : i32
      %dma_start3A_252 = tpu.memref_slice %arg16[%dma_start3A_250, %dma_start3A_251] : memref<10240x64xf32, #tpu.memory_space<vmem_shared>> -> memref<10240x64xf32, #tpu.memory_space<vmem_shared>>
      tpu.enqueue_indirect_dma source(%arg14 : memref<128x64xf32, #tpu.memory_space<vmem>>) target(%dma_start3A_252 : memref<10240x64xf32, #tpu.memory_space<vmem_shared>>) offsets(%dma_start3A_249 : memref<128xi32, #tpu.memory_space<vmem>>) semaphore(%arg24 : memref<!tpu.dma_semaphore, #tpu.memory_space<semaphore_mem>>) {add = true}
      %dma_wait3A_253 = arith.constant 0 : i32
      %dma_wait3A_254 = arith.constant 0 : i32
      %dma_wait3A_255 = tpu.memref_slice %arg10[%rem3A_140, %dma_wait3A_253, %dma_wait3A_254] : memref<2x8x128xi32, #tpu.memory_space<vmem>> -> memref<1x1x128xi32, #tpu.memory_space<vmem>>
      %dma_wait3A_256 = tpu.memref_squeeze %dma_wait3A_255 : memref<1x1x128xi32, #tpu.memory_space<vmem>> -> memref<128xi32, #tpu.memory_space<vmem>>
      %dma_wait3A_257 = arith.constant 0 : i32
      %dma_wait3A_258 = arith.constant 0 : i32
      %dma_wait3A_259 = tpu.memref_slice %arg16[%dma_wait3A_257, %dma_wait3A_258] : memref<10240x64xf32, #tpu.memory_space<vmem_shared>> -> memref<10240x64xf32, #tpu.memory_space<vmem_shared>>
      tpu.wait_indirect_dma semaphore(%arg21 : memref<!tpu.dma_semaphore, #tpu.memory_space<semaphore_mem>>) src(%arg11 : memref<128x64xf32, #tpu.memory_space<vmem>>) dst(%dma_wait3A_259 : memref<10240x64xf32, #tpu.memory_space<vmem_shared>>)
      %convert_element_type3A_260 = arith.extui %lt3A : i1 to i32
      %cond3A_261 = arith.constant 0 : i32
      %cond3A_262 = arith.cmpi ne, %convert_element_type3A_260, %cond3A_261 : i32
      scf.if %cond3A_262 {
        %eq3A_369 = arith.constant 0 : i32
        %eq3A_370 = arith.cmpi eq, %arg0, %eq3A_369 : i32
        %convert_element_type3A_371 = arith.extui %eq3A_370 : i1 to i32
        %cond3A_372 = arith.constant 0 : i32
        %cond3A_373 = arith.cmpi ne, %convert_element_type3A_371, %cond3A_372 : i32
        scf.if %cond3A_373 {
          %dma_start3A_379 = arith.constant 4 : i32
          %dma_start3A_380 = arith.constant 0 : i32
          %dma_start3A_381 = tpu.memref_slice %arg9[%rem3A_140, %dma_start3A_379, %dma_start3A_380] : memref<2x8x128xi32, #tpu.memory_space<vmem>> -> memref<1x1x128xi32, #tpu.memory_space<vmem>>
          %dma_start3A_382 = tpu.memref_squeeze %dma_start3A_381 : memref<1x1x128xi32, #tpu.memory_space<vmem>> -> memref<128xi32, #tpu.memory_space<vmem>>
          %dma_start3A_383 = arith.constant 0 : i32
          %dma_start3A_384 = arith.constant 0 : i32
          %dma_start3A_385 = tpu.memref_slice %arg7[%dma_start3A_383, %dma_start3A_384] : memref<10000x64xf32, #tpu.memory_space<hbm>> -> memref<10000x64xf32, #tpu.memory_space<hbm>>
          tpu.enqueue_indirect_dma source(%dma_start3A_385 : memref<10000x64xf32, #tpu.memory_space<hbm>>) target(%arg11 : memref<128x64xf32, #tpu.memory_space<vmem>>) offsets(%dma_start3A_382 : memref<128xi32, #tpu.memory_space<vmem>>) semaphore(%arg17 : memref<!tpu.dma_semaphore, #tpu.memory_space<semaphore_mem>>)
        } else {
        }
        %eq3A_374 = arith.constant 1 : i32
        %eq3A_375 = arith.cmpi eq, %arg0, %eq3A_374 : i32
        %convert_element_type3A_376 = arith.extui %eq3A_375 : i1 to i32
        %cond3A_377 = arith.constant 0 : i32
        %cond3A_378 = arith.cmpi ne, %convert_element_type3A_376, %cond3A_377 : i32
        scf.if %cond3A_378 {
          %dma_start3A_379 = arith.constant 4 : i32
          %dma_start3A_380 = arith.constant 0 : i32
          %dma_start3A_381 = tpu.memref_slice %arg9[%rem3A_140, %dma_start3A_379, %dma_start3A_380] : memref<2x8x128xi32, #tpu.memory_space<vmem>> -> memref<1x1x128xi32, #tpu.memory_space<vmem>>
          %dma_start3A_382 = tpu.memref_squeeze %dma_start3A_381 : memref<1x1x128xi32, #tpu.memory_space<vmem>> -> memref<128xi32, #tpu.memory_space<vmem>>
          %dma_start3A_383 = arith.constant 0 : i32
          %dma_start3A_384 = arith.constant 0 : i32
          %dma_start3A_385 = tpu.memref_slice %arg8[%dma_start3A_383, %dma_start3A_384] : memref<10000x64xf32, #tpu.memory_space<hbm>> -> memref<10000x64xf32, #tpu.memory_space<hbm>>
          tpu.enqueue_indirect_dma source(%dma_start3A_385 : memref<10000x64xf32, #tpu.memory_space<hbm>>) target(%arg11 : memref<128x64xf32, #tpu.memory_space<vmem>>) offsets(%dma_start3A_382 : memref<128xi32, #tpu.memory_space<vmem>>) semaphore(%arg17 : memref<!tpu.dma_semaphore, #tpu.memory_space<semaphore_mem>>)
        } else {
        }
      } else {
      }
      %not3A_263 = arith.constant true
      %not3A_264 = arith.xori %lt3A, %not3A_263 : i1
      %convert_element_type3A_265 = arith.extui %not3A_264 : i1 to i32
      %cond3A_266 = arith.constant 0 : i32
      %cond3A_267 = arith.cmpi ne, %convert_element_type3A_265, %cond3A_266 : i32
      scf.if %cond3A_267 {
        %dma_start3A_369 = arith.constant 4 : i32
        %dma_start3A_370 = arith.constant 0 : i32
        %dma_start3A_371 = tpu.memref_slice %arg9[%rem3A_140, %dma_start3A_369, %dma_start3A_370] : memref<2x8x128xi32, #tpu.memory_space<vmem>> -> memref<1x1x128xi32, #tpu.memory_space<vmem>>
        %dma_start3A_372 = tpu.memref_squeeze %dma_start3A_371 : memref<1x1x128xi32, #tpu.memory_space<vmem>> -> memref<128xi32, #tpu.memory_space<vmem>>
        %dma_start3A_373 = arith.constant 0 : i32
        %dma_start3A_374 = arith.constant 0 : i32
        %dma_start3A_375 = tpu.memref_slice %arg15[%dma_start3A_373, %dma_start3A_374] : memref<10000x64xf32, #tpu.memory_space<vmem_shared>> -> memref<10000x64xf32, #tpu.memory_space<vmem_shared>>
        tpu.enqueue_indirect_dma source(%dma_start3A_375 : memref<10000x64xf32, #tpu.memory_space<vmem_shared>>) target(%arg11 : memref<128x64xf32, #tpu.memory_space<vmem>>) offsets(%dma_start3A_372 : memref<128xi32, #tpu.memory_space<vmem>>) semaphore(%arg17 : memref<!tpu.dma_semaphore, #tpu.memory_space<semaphore_mem>>)
      } else {
      }
      %dma_wait3A_268 = arith.constant 1 : i32
      %dma_wait3A_269 = arith.constant 0 : i32
      %dma_wait3A_270 = tpu.memref_slice %arg10[%rem3A_140, %dma_wait3A_268, %dma_wait3A_269] : memref<2x8x128xi32, #tpu.memory_space<vmem>> -> memref<1x1x128xi32, #tpu.memory_space<vmem>>
      %dma_wait3A_271 = tpu.memref_squeeze %dma_wait3A_270 : memref<1x1x128xi32, #tpu.memory_space<vmem>> -> memref<128xi32, #tpu.memory_space<vmem>>
      %dma_wait3A_272 = arith.constant 0 : i32
      %dma_wait3A_273 = arith.constant 0 : i32
      %dma_wait3A_274 = tpu.memref_slice %arg16[%dma_wait3A_272, %dma_wait3A_273] : memref<10240x64xf32, #tpu.memory_space<vmem_shared>> -> memref<10240x64xf32, #tpu.memory_space<vmem_shared>>
      tpu.wait_indirect_dma semaphore(%arg22 : memref<!tpu.dma_semaphore, #tpu.memory_space<semaphore_mem>>) src(%arg12 : memref<128x64xf32, #tpu.memory_space<vmem>>) dst(%dma_wait3A_274 : memref<10240x64xf32, #tpu.memory_space<vmem_shared>>)
      %convert_element_type3A_275 = arith.extui %lt3A : i1 to i32
      %cond3A_276 = arith.constant 0 : i32
      %cond3A_277 = arith.cmpi ne, %convert_element_type3A_275, %cond3A_276 : i32
      scf.if %cond3A_277 {
        %eq3A_369 = arith.constant 0 : i32
        %eq3A_370 = arith.cmpi eq, %arg0, %eq3A_369 : i32
        %convert_element_type3A_371 = arith.extui %eq3A_370 : i1 to i32
        %cond3A_372 = arith.constant 0 : i32
        %cond3A_373 = arith.cmpi ne, %convert_element_type3A_371, %cond3A_372 : i32
        scf.if %cond3A_373 {
          %dma_start3A_379 = arith.constant 5 : i32
          %dma_start3A_380 = arith.constant 0 : i32
          %dma_start3A_381 = tpu.memref_slice %arg9[%rem3A_140, %dma_start3A_379, %dma_start3A_380] : memref<2x8x128xi32, #tpu.memory_space<vmem>> -> memref<1x1x128xi32, #tpu.memory_space<vmem>>
          %dma_start3A_382 = tpu.memref_squeeze %dma_start3A_381 : memref<1x1x128xi32, #tpu.memory_space<vmem>> -> memref<128xi32, #tpu.memory_space<vmem>>
          %dma_start3A_383 = arith.constant 0 : i32
          %dma_start3A_384 = arith.constant 0 : i32
          %dma_start3A_385 = tpu.memref_slice %arg7[%dma_start3A_383, %dma_start3A_384] : memref<10000x64xf32, #tpu.memory_space<hbm>> -> memref<10000x64xf32, #tpu.memory_space<hbm>>
          tpu.enqueue_indirect_dma source(%dma_start3A_385 : memref<10000x64xf32, #tpu.memory_space<hbm>>) target(%arg12 : memref<128x64xf32, #tpu.memory_space<vmem>>) offsets(%dma_start3A_382 : memref<128xi32, #tpu.memory_space<vmem>>) semaphore(%arg18 : memref<!tpu.dma_semaphore, #tpu.memory_space<semaphore_mem>>)
        } else {
        }
        %eq3A_374 = arith.constant 1 : i32
        %eq3A_375 = arith.cmpi eq, %arg0, %eq3A_374 : i32
        %convert_element_type3A_376 = arith.extui %eq3A_375 : i1 to i32
        %cond3A_377 = arith.constant 0 : i32
        %cond3A_378 = arith.cmpi ne, %convert_element_type3A_376, %cond3A_377 : i32
        scf.if %cond3A_378 {
          %dma_start3A_379 = arith.constant 5 : i32
          %dma_start3A_380 = arith.constant 0 : i32
          %dma_start3A_381 = tpu.memref_slice %arg9[%rem3A_140, %dma_start3A_379, %dma_start3A_380] : memref<2x8x128xi32, #tpu.memory_space<vmem>> -> memref<1x1x128xi32, #tpu.memory_space<vmem>>
          %dma_start3A_382 = tpu.memref_squeeze %dma_start3A_381 : memref<1x1x128xi32, #tpu.memory_space<vmem>> -> memref<128xi32, #tpu.memory_space<vmem>>
          %dma_start3A_383 = arith.constant 0 : i32
          %dma_start3A_384 = arith.constant 0 : i32
          %dma_start3A_385 = tpu.memref_slice %arg8[%dma_start3A_383, %dma_start3A_384] : memref<10000x64xf32, #tpu.memory_space<hbm>> -> memref<10000x64xf32, #tpu.memory_space<hbm>>
          tpu.enqueue_indirect_dma source(%dma_start3A_385 : memref<10000x64xf32, #tpu.memory_space<hbm>>) target(%arg12 : memref<128x64xf32, #tpu.memory_space<vmem>>) offsets(%dma_start3A_382 : memref<128xi32, #tpu.memory_space<vmem>>) semaphore(%arg18 : memref<!tpu.dma_semaphore, #tpu.memory_space<semaphore_mem>>)
        } else {
        }
      } else {
      }
      %not3A_278 = arith.constant true
      %not3A_279 = arith.xori %lt3A, %not3A_278 : i1
      %convert_element_type3A_280 = arith.extui %not3A_279 : i1 to i32
      %cond3A_281 = arith.constant 0 : i32
      %cond3A_282 = arith.cmpi ne, %convert_element_type3A_280, %cond3A_281 : i32
      scf.if %cond3A_282 {
        %dma_start3A_369 = arith.constant 5 : i32
        %dma_start3A_370 = arith.constant 0 : i32
        %dma_start3A_371 = tpu.memref_slice %arg9[%rem3A_140, %dma_start3A_369, %dma_start3A_370] : memref<2x8x128xi32, #tpu.memory_space<vmem>> -> memref<1x1x128xi32, #tpu.memory_space<vmem>>
        %dma_start3A_372 = tpu.memref_squeeze %dma_start3A_371 : memref<1x1x128xi32, #tpu.memory_space<vmem>> -> memref<128xi32, #tpu.memory_space<vmem>>
        %dma_start3A_373 = arith.constant 0 : i32
        %dma_start3A_374 = arith.constant 0 : i32
        %dma_start3A_375 = tpu.memref_slice %arg15[%dma_start3A_373, %dma_start3A_374] : memref<10000x64xf32, #tpu.memory_space<vmem_shared>> -> memref<10000x64xf32, #tpu.memory_space<vmem_shared>>
        tpu.enqueue_indirect_dma source(%dma_start3A_375 : memref<10000x64xf32, #tpu.memory_space<vmem_shared>>) target(%arg12 : memref<128x64xf32, #tpu.memory_space<vmem>>) offsets(%dma_start3A_372 : memref<128xi32, #tpu.memory_space<vmem>>) semaphore(%arg18 : memref<!tpu.dma_semaphore, #tpu.memory_space<semaphore_mem>>)
      } else {
      }
      %dma_wait3A_283 = arith.constant 2 : i32
      %dma_wait3A_284 = arith.constant 0 : i32
      %dma_wait3A_285 = tpu.memref_slice %arg10[%rem3A_140, %dma_wait3A_283, %dma_wait3A_284] : memref<2x8x128xi32, #tpu.memory_space<vmem>> -> memref<1x1x128xi32, #tpu.memory_space<vmem>>
      %dma_wait3A_286 = tpu.memref_squeeze %dma_wait3A_285 : memref<1x1x128xi32, #tpu.memory_space<vmem>> -> memref<128xi32, #tpu.memory_space<vmem>>
      %dma_wait3A_287 = arith.constant 0 : i32
      %dma_wait3A_288 = arith.constant 0 : i32
      %dma_wait3A_289 = tpu.memref_slice %arg16[%dma_wait3A_287, %dma_wait3A_288] : memref<10240x64xf32, #tpu.memory_space<vmem_shared>> -> memref<10240x64xf32, #tpu.memory_space<vmem_shared>>
      tpu.wait_indirect_dma semaphore(%arg23 : memref<!tpu.dma_semaphore, #tpu.memory_space<semaphore_mem>>) src(%arg13 : memref<128x64xf32, #tpu.memory_space<vmem>>) dst(%dma_wait3A_289 : memref<10240x64xf32, #tpu.memory_space<vmem_shared>>)
      %convert_element_type3A_290 = arith.extui %lt3A : i1 to i32
      %cond3A_291 = arith.constant 0 : i32
      %cond3A_292 = arith.cmpi ne, %convert_element_type3A_290, %cond3A_291 : i32
      scf.if %cond3A_292 {
        %eq3A_369 = arith.constant 0 : i32
        %eq3A_370 = arith.cmpi eq, %arg0, %eq3A_369 : i32
        %convert_element_type3A_371 = arith.extui %eq3A_370 : i1 to i32
        %cond3A_372 = arith.constant 0 : i32
        %cond3A_373 = arith.cmpi ne, %convert_element_type3A_371, %cond3A_372 : i32
        scf.if %cond3A_373 {
          %dma_start3A_379 = arith.constant 6 : i32
          %dma_start3A_380 = arith.constant 0 : i32
          %dma_start3A_381 = tpu.memref_slice %arg9[%rem3A_140, %dma_start3A_379, %dma_start3A_380] : memref<2x8x128xi32, #tpu.memory_space<vmem>> -> memref<1x1x128xi32, #tpu.memory_space<vmem>>
          %dma_start3A_382 = tpu.memref_squeeze %dma_start3A_381 : memref<1x1x128xi32, #tpu.memory_space<vmem>> -> memref<128xi32, #tpu.memory_space<vmem>>
          %dma_start3A_383 = arith.constant 0 : i32
          %dma_start3A_384 = arith.constant 0 : i32
          %dma_start3A_385 = tpu.memref_slice %arg7[%dma_start3A_383, %dma_start3A_384] : memref<10000x64xf32, #tpu.memory_space<hbm>> -> memref<10000x64xf32, #tpu.memory_space<hbm>>
          tpu.enqueue_indirect_dma source(%dma_start3A_385 : memref<10000x64xf32, #tpu.memory_space<hbm>>) target(%arg13 : memref<128x64xf32, #tpu.memory_space<vmem>>) offsets(%dma_start3A_382 : memref<128xi32, #tpu.memory_space<vmem>>) semaphore(%arg19 : memref<!tpu.dma_semaphore, #tpu.memory_space<semaphore_mem>>)
        } else {
        }
        %eq3A_374 = arith.constant 1 : i32
        %eq3A_375 = arith.cmpi eq, %arg0, %eq3A_374 : i32
        %convert_element_type3A_376 = arith.extui %eq3A_375 : i1 to i32
        %cond3A_377 = arith.constant 0 : i32
        %cond3A_378 = arith.cmpi ne, %convert_element_type3A_376, %cond3A_377 : i32
        scf.if %cond3A_378 {
          %dma_start3A_379 = arith.constant 6 : i32
          %dma_start3A_380 = arith.constant 0 : i32
          %dma_start3A_381 = tpu.memref_slice %arg9[%rem3A_140, %dma_start3A_379, %dma_start3A_380] : memref<2x8x128xi32, #tpu.memory_space<vmem>> -> memref<1x1x128xi32, #tpu.memory_space<vmem>>
          %dma_start3A_382 = tpu.memref_squeeze %dma_start3A_381 : memref<1x1x128xi32, #tpu.memory_space<vmem>> -> memref<128xi32, #tpu.memory_space<vmem>>
          %dma_start3A_383 = arith.constant 0 : i32
          %dma_start3A_384 = arith.constant 0 : i32
          %dma_start3A_385 = tpu.memref_slice %arg8[%dma_start3A_383, %dma_start3A_384] : memref<10000x64xf32, #tpu.memory_space<hbm>> -> memref<10000x64xf32, #tpu.memory_space<hbm>>
          tpu.enqueue_indirect_dma source(%dma_start3A_385 : memref<10000x64xf32, #tpu.memory_space<hbm>>) target(%arg13 : memref<128x64xf32, #tpu.memory_space<vmem>>) offsets(%dma_start3A_382 : memref<128xi32, #tpu.memory_space<vmem>>) semaphore(%arg19 : memref<!tpu.dma_semaphore, #tpu.memory_space<semaphore_mem>>)
        } else {
        }
      } else {
      }
      %not3A_293 = arith.constant true
      %not3A_294 = arith.xori %lt3A, %not3A_293 : i1
      %convert_element_type3A_295 = arith.extui %not3A_294 : i1 to i32
      %cond3A_296 = arith.constant 0 : i32
      %cond3A_297 = arith.cmpi ne, %convert_element_type3A_295, %cond3A_296 : i32
      scf.if %cond3A_297 {
        %dma_start3A_369 = arith.constant 6 : i32
        %dma_start3A_370 = arith.constant 0 : i32
        %dma_start3A_371 = tpu.memref_slice %arg9[%rem3A_140, %dma_start3A_369, %dma_start3A_370] : memref<2x8x128xi32, #tpu.memory_space<vmem>> -> memref<1x1x128xi32, #tpu.memory_space<vmem>>
        %dma_start3A_372 = tpu.memref_squeeze %dma_start3A_371 : memref<1x1x128xi32, #tpu.memory_space<vmem>> -> memref<128xi32, #tpu.memory_space<vmem>>
        %dma_start3A_373 = arith.constant 0 : i32
        %dma_start3A_374 = arith.constant 0 : i32
        %dma_start3A_375 = tpu.memref_slice %arg15[%dma_start3A_373, %dma_start3A_374] : memref<10000x64xf32, #tpu.memory_space<vmem_shared>> -> memref<10000x64xf32, #tpu.memory_space<vmem_shared>>
        tpu.enqueue_indirect_dma source(%dma_start3A_375 : memref<10000x64xf32, #tpu.memory_space<vmem_shared>>) target(%arg13 : memref<128x64xf32, #tpu.memory_space<vmem>>) offsets(%dma_start3A_372 : memref<128xi32, #tpu.memory_space<vmem>>) semaphore(%arg19 : memref<!tpu.dma_semaphore, #tpu.memory_space<semaphore_mem>>)
      } else {
      }
      %dma_wait3A_298 = arith.constant 3 : i32
      %dma_wait3A_299 = arith.constant 0 : i32
      %dma_wait3A_300 = tpu.memref_slice %arg10[%rem3A_140, %dma_wait3A_298, %dma_wait3A_299] : memref<2x8x128xi32, #tpu.memory_space<vmem>> -> memref<1x1x128xi32, #tpu.memory_space<vmem>>
      %dma_wait3A_301 = tpu.memref_squeeze %dma_wait3A_300 : memref<1x1x128xi32, #tpu.memory_space<vmem>> -> memref<128xi32, #tpu.memory_space<vmem>>
      %dma_wait3A_302 = arith.constant 0 : i32
      %dma_wait3A_303 = arith.constant 0 : i32
      %dma_wait3A_304 = tpu.memref_slice %arg16[%dma_wait3A_302, %dma_wait3A_303] : memref<10240x64xf32, #tpu.memory_space<vmem_shared>> -> memref<10240x64xf32, #tpu.memory_space<vmem_shared>>
      tpu.wait_indirect_dma semaphore(%arg24 : memref<!tpu.dma_semaphore, #tpu.memory_space<semaphore_mem>>) src(%arg14 : memref<128x64xf32, #tpu.memory_space<vmem>>) dst(%dma_wait3A_304 : memref<10240x64xf32, #tpu.memory_space<vmem_shared>>)
      %convert_element_type3A_305 = arith.extui %lt3A : i1 to i32
      %cond3A_306 = arith.constant 0 : i32
      %cond3A_307 = arith.cmpi ne, %convert_element_type3A_305, %cond3A_306 : i32
      scf.if %cond3A_307 {
        %eq3A_369 = arith.constant 0 : i32
        %eq3A_370 = arith.cmpi eq, %arg0, %eq3A_369 : i32
        %convert_element_type3A_371 = arith.extui %eq3A_370 : i1 to i32
        %cond3A_372 = arith.constant 0 : i32
        %cond3A_373 = arith.cmpi ne, %convert_element_type3A_371, %cond3A_372 : i32
        scf.if %cond3A_373 {
          %dma_start3A_379 = arith.constant 7 : i32
          %dma_start3A_380 = arith.constant 0 : i32
          %dma_start3A_381 = tpu.memref_slice %arg9[%rem3A_140, %dma_start3A_379, %dma_start3A_380] : memref<2x8x128xi32, #tpu.memory_space<vmem>> -> memref<1x1x128xi32, #tpu.memory_space<vmem>>
          %dma_start3A_382 = tpu.memref_squeeze %dma_start3A_381 : memref<1x1x128xi32, #tpu.memory_space<vmem>> -> memref<128xi32, #tpu.memory_space<vmem>>
          %dma_start3A_383 = arith.constant 0 : i32
          %dma_start3A_384 = arith.constant 0 : i32
          %dma_start3A_385 = tpu.memref_slice %arg7[%dma_start3A_383, %dma_start3A_384] : memref<10000x64xf32, #tpu.memory_space<hbm>> -> memref<10000x64xf32, #tpu.memory_space<hbm>>
          tpu.enqueue_indirect_dma source(%dma_start3A_385 : memref<10000x64xf32, #tpu.memory_space<hbm>>) target(%arg14 : memref<128x64xf32, #tpu.memory_space<vmem>>) offsets(%dma_start3A_382 : memref<128xi32, #tpu.memory_space<vmem>>) semaphore(%arg20 : memref<!tpu.dma_semaphore, #tpu.memory_space<semaphore_mem>>)
        } else {
        }
        %eq3A_374 = arith.constant 1 : i32
        %eq3A_375 = arith.cmpi eq, %arg0, %eq3A_374 : i32
        %convert_element_type3A_376 = arith.extui %eq3A_375 : i1 to i32
        %cond3A_377 = arith.constant 0 : i32
        %cond3A_378 = arith.cmpi ne, %convert_element_type3A_376, %cond3A_377 : i32
        scf.if %cond3A_378 {
          %dma_start3A_379 = arith.constant 7 : i32
          %dma_start3A_380 = arith.constant 0 : i32
          %dma_start3A_381 = tpu.memref_slice %arg9[%rem3A_140, %dma_start3A_379, %dma_start3A_380] : memref<2x8x128xi32, #tpu.memory_space<vmem>> -> memref<1x1x128xi32, #tpu.memory_space<vmem>>
          %dma_start3A_382 = tpu.memref_squeeze %dma_start3A_381 : memref<1x1x128xi32, #tpu.memory_space<vmem>> -> memref<128xi32, #tpu.memory_space<vmem>>
          %dma_start3A_383 = arith.constant 0 : i32
          %dma_start3A_384 = arith.constant 0 : i32
          %dma_start3A_385 = tpu.memref_slice %arg8[%dma_start3A_383, %dma_start3A_384] : memref<10000x64xf32, #tpu.memory_space<hbm>> -> memref<10000x64xf32, #tpu.memory_space<hbm>>
          tpu.enqueue_indirect_dma source(%dma_start3A_385 : memref<10000x64xf32, #tpu.memory_space<hbm>>) target(%arg14 : memref<128x64xf32, #tpu.memory_space<vmem>>) offsets(%dma_start3A_382 : memref<128xi32, #tpu.memory_space<vmem>>) semaphore(%arg20 : memref<!tpu.dma_semaphore, #tpu.memory_space<semaphore_mem>>)
        } else {
        }
      } else {
      }
      %not3A_308 = arith.constant true
      %not3A_309 = arith.xori %lt3A, %not3A_308 : i1
      %convert_element_type3A_310 = arith.extui %not3A_309 : i1 to i32
      %cond3A_311 = arith.constant 0 : i32
      %cond3A_312 = arith.cmpi ne, %convert_element_type3A_310, %cond3A_311 : i32
      scf.if %cond3A_312 {
        %dma_start3A_369 = arith.constant 7 : i32
        %dma_start3A_370 = arith.constant 0 : i32
        %dma_start3A_371 = tpu.memref_slice %arg9[%rem3A_140, %dma_start3A_369, %dma_start3A_370] : memref<2x8x128xi32, #tpu.memory_space<vmem>> -> memref<1x1x128xi32, #tpu.memory_space<vmem>>
        %dma_start3A_372 = tpu.memref_squeeze %dma_start3A_371 : memref<1x1x128xi32, #tpu.memory_space<vmem>> -> memref<128xi32, #tpu.memory_space<vmem>>
        %dma_start3A_373 = arith.constant 0 : i32
        %dma_start3A_374 = arith.constant 0 : i32
        %dma_start3A_375 = tpu.memref_slice %arg15[%dma_start3A_373, %dma_start3A_374] : memref<10000x64xf32, #tpu.memory_space<vmem_shared>> -> memref<10000x64xf32, #tpu.memory_space<vmem_shared>>
        tpu.enqueue_indirect_dma source(%dma_start3A_375 : memref<10000x64xf32, #tpu.memory_space<vmem_shared>>) target(%arg14 : memref<128x64xf32, #tpu.memory_space<vmem>>) offsets(%dma_start3A_372 : memref<128xi32, #tpu.memory_space<vmem>>) semaphore(%arg20 : memref<!tpu.dma_semaphore, #tpu.memory_space<semaphore_mem>>)
      } else {
      }
      %dma_wait3A_313 = arith.constant 4 : i32
      %dma_wait3A_314 = arith.constant 0 : i32
      %dma_wait3A_315 = tpu.memref_slice %arg9[%rem3A_140, %dma_wait3A_313, %dma_wait3A_314] : memref<2x8x128xi32, #tpu.memory_space<vmem>> -> memref<1x1x128xi32, #tpu.memory_space<vmem>>
      %dma_wait3A_316 = tpu.memref_squeeze %dma_wait3A_315 : memref<1x1x128xi32, #tpu.memory_space<vmem>> -> memref<128xi32, #tpu.memory_space<vmem>>
      %dma_wait3A_317 = arith.constant 0 : i32
      %dma_wait3A_318 = arith.constant 0 : i32
      %dma_wait3A_319 = tpu.memref_slice %arg15[%dma_wait3A_317, %dma_wait3A_318] : memref<10000x64xf32, #tpu.memory_space<vmem_shared>> -> memref<10000x64xf32, #tpu.memory_space<vmem_shared>>
      tpu.wait_indirect_dma semaphore(%arg17 : memref<!tpu.dma_semaphore, #tpu.memory_space<semaphore_mem>>) src(%dma_wait3A_319 : memref<10000x64xf32, #tpu.memory_space<vmem_shared>>) dst(%arg11 : memref<128x64xf32, #tpu.memory_space<vmem>>)
      %dma_start3A_320 = arith.constant 4 : i32
      %dma_start3A_321 = arith.constant 0 : i32
      %dma_start3A_322 = tpu.memref_slice %arg10[%rem3A_140, %dma_start3A_320, %dma_start3A_321] : memref<2x8x128xi32, #tpu.memory_space<vmem>> -> memref<1x1x128xi32, #tpu.memory_space<vmem>>
      %dma_start3A_323 = tpu.memref_squeeze %dma_start3A_322 : memref<1x1x128xi32, #tpu.memory_space<vmem>> -> memref<128xi32, #tpu.memory_space<vmem>>
      %dma_start3A_324 = arith.constant 0 : i32
      %dma_start3A_325 = arith.constant 0 : i32
      %dma_start3A_326 = tpu.memref_slice %arg16[%dma_start3A_324, %dma_start3A_325] : memref<10240x64xf32, #tpu.memory_space<vmem_shared>> -> memref<10240x64xf32, #tpu.memory_space<vmem_shared>>
      tpu.enqueue_indirect_dma source(%arg11 : memref<128x64xf32, #tpu.memory_space<vmem>>) target(%dma_start3A_326 : memref<10240x64xf32, #tpu.memory_space<vmem_shared>>) offsets(%dma_start3A_323 : memref<128xi32, #tpu.memory_space<vmem>>) semaphore(%arg21 : memref<!tpu.dma_semaphore, #tpu.memory_space<semaphore_mem>>) {add = true}
      %dma_wait3A_327 = arith.constant 5 : i32
      %dma_wait3A_328 = arith.constant 0 : i32
      %dma_wait3A_329 = tpu.memref_slice %arg9[%rem3A_140, %dma_wait3A_327, %dma_wait3A_328] : memref<2x8x128xi32, #tpu.memory_space<vmem>> -> memref<1x1x128xi32, #tpu.memory_space<vmem>>
      %dma_wait3A_330 = tpu.memref_squeeze %dma_wait3A_329 : memref<1x1x128xi32, #tpu.memory_space<vmem>> -> memref<128xi32, #tpu.memory_space<vmem>>
      %dma_wait3A_331 = arith.constant 0 : i32
      %dma_wait3A_332 = arith.constant 0 : i32
      %dma_wait3A_333 = tpu.memref_slice %arg15[%dma_wait3A_331, %dma_wait3A_332] : memref<10000x64xf32, #tpu.memory_space<vmem_shared>> -> memref<10000x64xf32, #tpu.memory_space<vmem_shared>>
      tpu.wait_indirect_dma semaphore(%arg18 : memref<!tpu.dma_semaphore, #tpu.memory_space<semaphore_mem>>) src(%dma_wait3A_333 : memref<10000x64xf32, #tpu.memory_space<vmem_shared>>) dst(%arg12 : memref<128x64xf32, #tpu.memory_space<vmem>>)
      %dma_start3A_334 = arith.constant 5 : i32
      %dma_start3A_335 = arith.constant 0 : i32
      %dma_start3A_336 = tpu.memref_slice %arg10[%rem3A_140, %dma_start3A_334, %dma_start3A_335] : memref<2x8x128xi32, #tpu.memory_space<vmem>> -> memref<1x1x128xi32, #tpu.memory_space<vmem>>
      %dma_start3A_337 = tpu.memref_squeeze %dma_start3A_336 : memref<1x1x128xi32, #tpu.memory_space<vmem>> -> memref<128xi32, #tpu.memory_space<vmem>>
      %dma_start3A_338 = arith.constant 0 : i32
      %dma_start3A_339 = arith.constant 0 : i32
      %dma_start3A_340 = tpu.memref_slice %arg16[%dma_start3A_338, %dma_start3A_339] : memref<10240x64xf32, #tpu.memory_space<vmem_shared>> -> memref<10240x64xf32, #tpu.memory_space<vmem_shared>>
      tpu.enqueue_indirect_dma source(%arg12 : memref<128x64xf32, #tpu.memory_space<vmem>>) target(%dma_start3A_340 : memref<10240x64xf32, #tpu.memory_space<vmem_shared>>) offsets(%dma_start3A_337 : memref<128xi32, #tpu.memory_space<vmem>>) semaphore(%arg22 : memref<!tpu.dma_semaphore, #tpu.memory_space<semaphore_mem>>) {add = true}
      %dma_wait3A_341 = arith.constant 6 : i32
      %dma_wait3A_342 = arith.constant 0 : i32
      %dma_wait3A_343 = tpu.memref_slice %arg9[%rem3A_140, %dma_wait3A_341, %dma_wait3A_342] : memref<2x8x128xi32, #tpu.memory_space<vmem>> -> memref<1x1x128xi32, #tpu.memory_space<vmem>>
      %dma_wait3A_344 = tpu.memref_squeeze %dma_wait3A_343 : memref<1x1x128xi32, #tpu.memory_space<vmem>> -> memref<128xi32, #tpu.memory_space<vmem>>
      %dma_wait3A_345 = arith.constant 0 : i32
      %dma_wait3A_346 = arith.constant 0 : i32
      %dma_wait3A_347 = tpu.memref_slice %arg15[%dma_wait3A_345, %dma_wait3A_346] : memref<10000x64xf32, #tpu.memory_space<vmem_shared>> -> memref<10000x64xf32, #tpu.memory_space<vmem_shared>>
      tpu.wait_indirect_dma semaphore(%arg19 : memref<!tpu.dma_semaphore, #tpu.memory_space<semaphore_mem>>) src(%dma_wait3A_347 : memref<10000x64xf32, #tpu.memory_space<vmem_shared>>) dst(%arg13 : memref<128x64xf32, #tpu.memory_space<vmem>>)
      %dma_start3A_348 = arith.constant 6 : i32
      %dma_start3A_349 = arith.constant 0 : i32
      %dma_start3A_350 = tpu.memref_slice %arg10[%rem3A_140, %dma_start3A_348, %dma_start3A_349] : memref<2x8x128xi32, #tpu.memory_space<vmem>> -> memref<1x1x128xi32, #tpu.memory_space<vmem>>
      %dma_start3A_351 = tpu.memref_squeeze %dma_start3A_350 : memref<1x1x128xi32, #tpu.memory_space<vmem>> -> memref<128xi32, #tpu.memory_space<vmem>>
      %dma_start3A_352 = arith.constant 0 : i32
      %dma_start3A_353 = arith.constant 0 : i32
      %dma_start3A_354 = tpu.memref_slice %arg16[%dma_start3A_352, %dma_start3A_353] : memref<10240x64xf32, #tpu.memory_space<vmem_shared>> -> memref<10240x64xf32, #tpu.memory_space<vmem_shared>>
      tpu.enqueue_indirect_dma source(%arg13 : memref<128x64xf32, #tpu.memory_space<vmem>>) target(%dma_start3A_354 : memref<10240x64xf32, #tpu.memory_space<vmem_shared>>) offsets(%dma_start3A_351 : memref<128xi32, #tpu.memory_space<vmem>>) semaphore(%arg23 : memref<!tpu.dma_semaphore, #tpu.memory_space<semaphore_mem>>) {add = true}
      %dma_wait3A_355 = arith.constant 7 : i32
      %dma_wait3A_356 = arith.constant 0 : i32
      %dma_wait3A_357 = tpu.memref_slice %arg9[%rem3A_140, %dma_wait3A_355, %dma_wait3A_356] : memref<2x8x128xi32, #tpu.memory_space<vmem>> -> memref<1x1x128xi32, #tpu.memory_space<vmem>>
      %dma_wait3A_358 = tpu.memref_squeeze %dma_wait3A_357 : memref<1x1x128xi32, #tpu.memory_space<vmem>> -> memref<128xi32, #tpu.memory_space<vmem>>
      %dma_wait3A_359 = arith.constant 0 : i32
      %dma_wait3A_360 = arith.constant 0 : i32
      %dma_wait3A_361 = tpu.memref_slice %arg15[%dma_wait3A_359, %dma_wait3A_360] : memref<10000x64xf32, #tpu.memory_space<vmem_shared>> -> memref<10000x64xf32, #tpu.memory_space<vmem_shared>>
      tpu.wait_indirect_dma semaphore(%arg20 : memref<!tpu.dma_semaphore, #tpu.memory_space<semaphore_mem>>) src(%dma_wait3A_361 : memref<10000x64xf32, #tpu.memory_space<vmem_shared>>) dst(%arg14 : memref<128x64xf32, #tpu.memory_space<vmem>>)
      %dma_start3A_362 = arith.constant 7 : i32
      %dma_start3A_363 = arith.constant 0 : i32
      %dma_start3A_364 = tpu.memref_slice %arg10[%rem3A_140, %dma_start3A_362, %dma_start3A_363] : memref<2x8x128xi32, #tpu.memory_space<vmem>> -> memref<1x1x128xi32, #tpu.memory_space<vmem>>
      %dma_start3A_365 = tpu.memref_squeeze %dma_start3A_364 : memref<1x1x128xi32, #tpu.memory_space<vmem>> -> memref<128xi32, #tpu.memory_space<vmem>>
      %dma_start3A_366 = arith.constant 0 : i32
      %dma_start3A_367 = arith.constant 0 : i32
      %dma_start3A_368 = tpu.memref_slice %arg16[%dma_start3A_366, %dma_start3A_367] : memref<10240x64xf32, #tpu.memory_space<vmem_shared>> -> memref<10240x64xf32, #tpu.memory_space<vmem_shared>>
      tpu.enqueue_indirect_dma source(%arg14 : memref<128x64xf32, #tpu.memory_space<vmem>>) target(%dma_start3A_368 : memref<10240x64xf32, #tpu.memory_space<vmem_shared>>) offsets(%dma_start3A_365 : memref<128xi32, #tpu.memory_space<vmem>>) semaphore(%arg24 : memref<!tpu.dma_semaphore, #tpu.memory_space<semaphore_mem>>) {add = true}
    }
    %scan3A_37 = arith.constant 20 : i32
    %rem3A = arith.constant 19 : i32
    %rem3A_38 = arith.constant 2 : i32
    %rem3A_39 = arith.remsi %rem3A, %rem3A_38 : i32
    %dma_wait3A = arith.constant 4 : i32
    %dma_wait3A_40 = arith.constant 0 : i32
    %dma_wait3A_41 = tpu.memref_slice %arg10[%rem3A_39, %dma_wait3A, %dma_wait3A_40] : memref<2x8x128xi32, #tpu.memory_space<vmem>> -> memref<1x1x128xi32, #tpu.memory_space<vmem>>
    %dma_wait3A_42 = tpu.memref_squeeze %dma_wait3A_41 : memref<1x1x128xi32, #tpu.memory_space<vmem>> -> memref<128xi32, #tpu.memory_space<vmem>>
    %dma_wait3A_43 = arith.constant 0 : i32
    %dma_wait3A_44 = arith.constant 0 : i32
    %dma_wait3A_45 = tpu.memref_slice %arg16[%dma_wait3A_43, %dma_wait3A_44] : memref<10240x64xf32, #tpu.memory_space<vmem_shared>> -> memref<10240x64xf32, #tpu.memory_space<vmem_shared>>
    tpu.wait_indirect_dma semaphore(%arg21 : memref<!tpu.dma_semaphore, #tpu.memory_space<semaphore_mem>>) src(%arg11 : memref<128x64xf32, #tpu.memory_space<vmem>>) dst(%dma_wait3A_45 : memref<10240x64xf32, #tpu.memory_space<vmem_shared>>)
    %dma_wait3A_46 = arith.constant 5 : i32
    %dma_wait3A_47 = arith.constant 0 : i32
    %dma_wait3A_48 = tpu.memref_slice %arg10[%rem3A_39, %dma_wait3A_46, %dma_wait3A_47] : memref<2x8x128xi32, #tpu.memory_space<vmem>> -> memref<1x1x128xi32, #tpu.memory_space<vmem>>
    %dma_wait3A_49 = tpu.memref_squeeze %dma_wait3A_48 : memref<1x1x128xi32, #tpu.memory_space<vmem>> -> memref<128xi32, #tpu.memory_space<vmem>>
    %dma_wait3A_50 = arith.constant 0 : i32
    %dma_wait3A_51 = arith.constant 0 : i32
    %dma_wait3A_52 = tpu.memref_slice %arg16[%dma_wait3A_50, %dma_wait3A_51] : memref<10240x64xf32, #tpu.memory_space<vmem_shared>> -> memref<10240x64xf32, #tpu.memory_space<vmem_shared>>
    tpu.wait_indirect_dma semaphore(%arg22 : memref<!tpu.dma_semaphore, #tpu.memory_space<semaphore_mem>>) src(%arg12 : memref<128x64xf32, #tpu.memory_space<vmem>>) dst(%dma_wait3A_52 : memref<10240x64xf32, #tpu.memory_space<vmem_shared>>)
    %dma_wait3A_53 = arith.constant 6 : i32
    %dma_wait3A_54 = arith.constant 0 : i32
    %dma_wait3A_55 = tpu.memref_slice %arg10[%rem3A_39, %dma_wait3A_53, %dma_wait3A_54] : memref<2x8x128xi32, #tpu.memory_space<vmem>> -> memref<1x1x128xi32, #tpu.memory_space<vmem>>
    %dma_wait3A_56 = tpu.memref_squeeze %dma_wait3A_55 : memref<1x1x128xi32, #tpu.memory_space<vmem>> -> memref<128xi32, #tpu.memory_space<vmem>>
    %dma_wait3A_57 = arith.constant 0 : i32
    %dma_wait3A_58 = arith.constant 0 : i32
    %dma_wait3A_59 = tpu.memref_slice %arg16[%dma_wait3A_57, %dma_wait3A_58] : memref<10240x64xf32, #tpu.memory_space<vmem_shared>> -> memref<10240x64xf32, #tpu.memory_space<vmem_shared>>
    tpu.wait_indirect_dma semaphore(%arg23 : memref<!tpu.dma_semaphore, #tpu.memory_space<semaphore_mem>>) src(%arg13 : memref<128x64xf32, #tpu.memory_space<vmem>>) dst(%dma_wait3A_59 : memref<10240x64xf32, #tpu.memory_space<vmem_shared>>)
    %dma_wait3A_60 = arith.constant 7 : i32
    %dma_wait3A_61 = arith.constant 0 : i32
    %dma_wait3A_62 = tpu.memref_slice %arg10[%rem3A_39, %dma_wait3A_60, %dma_wait3A_61] : memref<2x8x128xi32, #tpu.memory_space<vmem>> -> memref<1x1x128xi32, #tpu.memory_space<vmem>>
    %dma_wait3A_63 = tpu.memref_squeeze %dma_wait3A_62 : memref<1x1x128xi32, #tpu.memory_space<vmem>> -> memref<128xi32, #tpu.memory_space<vmem>>
    %dma_wait3A_64 = arith.constant 0 : i32
    %dma_wait3A_65 = arith.constant 0 : i32
    %dma_wait3A_66 = tpu.memref_slice %arg16[%dma_wait3A_64, %dma_wait3A_65] : memref<10240x64xf32, #tpu.memory_space<vmem_shared>> -> memref<10240x64xf32, #tpu.memory_space<vmem_shared>>
    tpu.wait_indirect_dma semaphore(%arg24 : memref<!tpu.dma_semaphore, #tpu.memory_space<semaphore_mem>>) src(%arg14 : memref<128x64xf32, #tpu.memory_space<vmem>>) dst(%dma_wait3A_66 : memref<10240x64xf32, #tpu.memory_space<vmem_shared>>)
    %barrier3A_67 = arith.constant 0 : index
    tpu.barrier barrier_id(%barrier3A_67)
    "tpu.trace_stop"() : () -> ()
    "tpu.trace_start"() <{level = 10 : i32, message = "acc_writeout"}> : () -> ()
    %mul3A_68 = arith.constant 625 : i32
    %mul3A_69 = arith.muli %arg1, %mul3A_68 : i32
    %add3A_70 = arith.constant 0 : i32
    %add3A_71 = arith.addi %mul3A_69, %add3A_70 : i32
    %eq3A_72 = arith.constant 0 : i32
    %eq3A_73 = arith.cmpi eq, %arg0, %eq3A_72 : i32
    %convert_element_type3A_74 = arith.extui %eq3A_73 : i1 to i32
    %cond3A_75 = arith.constant 0 : i32
    %cond3A_76 = arith.cmpi ne, %convert_element_type3A_74, %cond3A_75 : i32
    scf.if %cond3A_76 {
      "tpu.region"() ({
        %run_scoped3A_138 = tpu.sem_alloc : memref<!tpu.dma_semaphore, #tpu.memory_space<semaphore_mem>>
        %dma_start3A = arith.constant 0 : i32
        %dma_start3A_139 = tpu.memref_slice %arg6[%add3A_71, %dma_start3A] : memref<10000x128xf32, #tpu.memory_space<hbm>> -> memref<125x64xf32, #tpu.memory_space<hbm>>
        %dma_start3A_140 = arith.constant 0 : i32
        %dma_start3A_141 = tpu.memref_slice %arg16[%add3A_71, %dma_start3A_140] : memref<10240x64xf32, #tpu.memory_space<vmem_shared>> -> memref<125x64xf32, #tpu.memory_space<vmem_shared>>
        tpu.enqueue_dma source(%dma_start3A_141 : memref<125x64xf32, #tpu.memory_space<vmem_shared>>) target(%dma_start3A_139 : memref<125x64xf32, #tpu.memory_space<hbm>>) target_semaphore(%run_scoped3A_138 : memref<!tpu.dma_semaphore, #tpu.memory_space<semaphore_mem>>)
        %dma_wait3A_142 = arith.constant 0 : i32
        %dma_wait3A_143 = tpu.memref_slice %arg6[%add3A_71, %dma_wait3A_142] : memref<10000x128xf32, #tpu.memory_space<hbm>> -> memref<125x64xf32, #tpu.memory_space<hbm>>
        %dma_wait3A_144 = arith.constant 0 : i32
        %dma_wait3A_145 = tpu.memref_slice %arg16[%add3A_71, %dma_wait3A_144] : memref<10240x64xf32, #tpu.memory_space<vmem_shared>> -> memref<125x64xf32, #tpu.memory_space<vmem_shared>>
        tpu.wait_dma2 semaphore(%run_scoped3A_138 : memref<!tpu.dma_semaphore, #tpu.memory_space<semaphore_mem>>) src(%dma_wait3A_145 : memref<125x64xf32, #tpu.memory_space<vmem_shared>>) dst(%dma_wait3A_143 : memref<125x64xf32, #tpu.memory_space<hbm>>)
        tpu.yield
      }) : () -> ()
    } else {
    }
    %eq3A_77 = arith.constant 1 : i32
    %eq3A_78 = arith.cmpi eq, %arg0, %eq3A_77 : i32
    %convert_element_type3A_79 = arith.extui %eq3A_78 : i1 to i32
    %cond3A_80 = arith.constant 0 : i32
    %cond3A_81 = arith.cmpi ne, %convert_element_type3A_79, %cond3A_80 : i32
    scf.if %cond3A_81 {
      "tpu.region"() ({
        %run_scoped3A_138 = tpu.sem_alloc : memref<!tpu.dma_semaphore, #tpu.memory_space<semaphore_mem>>
        %dma_start3A = arith.constant 64 : i32
        %dma_start3A_139 = tpu.memref_slice %arg6[%add3A_71, %dma_start3A] : memref<10000x128xf32, #tpu.memory_space<hbm>> -> memref<125x64xf32, #tpu.memory_space<hbm>>
        %dma_start3A_140 = arith.constant 0 : i32
        %dma_start3A_141 = tpu.memref_slice %arg16[%add3A_71, %dma_start3A_140] : memref<10240x64xf32, #tpu.memory_space<vmem_shared>> -> memref<125x64xf32, #tpu.memory_space<vmem_shared>>
        tpu.enqueue_dma source(%dma_start3A_141 : memref<125x64xf32, #tpu.memory_space<vmem_shared>>) target(%dma_start3A_139 : memref<125x64xf32, #tpu.memory_space<hbm>>) target_semaphore(%run_scoped3A_138 : memref<!tpu.dma_semaphore, #tpu.memory_space<semaphore_mem>>)
        %dma_wait3A_142 = arith.constant 64 : i32
        %dma_wait3A_143 = tpu.memref_slice %arg6[%add3A_71, %dma_wait3A_142] : memref<10000x128xf32, #tpu.memory_space<hbm>> -> memref<125x64xf32, #tpu.memory_space<hbm>>
        %dma_wait3A_144 = arith.constant 0 : i32
        %dma_wait3A_145 = tpu.memref_slice %arg16[%add3A_71, %dma_wait3A_144] : memref<10240x64xf32, #tpu.memory_space<vmem_shared>> -> memref<125x64xf32, #tpu.memory_space<vmem_shared>>
        tpu.wait_dma2 semaphore(%run_scoped3A_138 : memref<!tpu.dma_semaphore, #tpu.memory_space<semaphore_mem>>) src(%dma_wait3A_145 : memref<125x64xf32, #tpu.memory_space<vmem_shared>>) dst(%dma_wait3A_143 : memref<125x64xf32, #tpu.memory_space<hbm>>)
        tpu.yield
      }) : () -> ()
    } else {
    }
    %mul3A_82 = arith.constant 625 : i32
    %mul3A_83 = arith.muli %arg1, %mul3A_82 : i32
    %add3A_84 = arith.constant 125 : i32
    %add3A_85 = arith.addi %mul3A_83, %add3A_84 : i32
    %eq3A_86 = arith.constant 0 : i32
    %eq3A_87 = arith.cmpi eq, %arg0, %eq3A_86 : i32
    %convert_element_type3A_88 = arith.extui %eq3A_87 : i1 to i32
    %cond3A_89 = arith.constant 0 : i32
    %cond3A_90 = arith.cmpi ne, %convert_element_type3A_88, %cond3A_89 : i32
    scf.if %cond3A_90 {
      "tpu.region"() ({
        %run_scoped3A_138 = tpu.sem_alloc : memref<!tpu.dma_semaphore, #tpu.memory_space<semaphore_mem>>
        %dma_start3A = arith.constant 0 : i32
        %dma_start3A_139 = tpu.memref_slice %arg6[%add3A_85, %dma_start3A] : memref<10000x128xf32, #tpu.memory_space<hbm>> -> memref<125x64xf32, #tpu.memory_space<hbm>>
        %dma_start3A_140 = arith.constant 0 : i32
        %dma_start3A_141 = tpu.memref_slice %arg16[%add3A_85, %dma_start3A_140] : memref<10240x64xf32, #tpu.memory_space<vmem_shared>> -> memref<125x64xf32, #tpu.memory_space<vmem_shared>>
        tpu.enqueue_dma source(%dma_start3A_141 : memref<125x64xf32, #tpu.memory_space<vmem_shared>>) target(%dma_start3A_139 : memref<125x64xf32, #tpu.memory_space<hbm>>) target_semaphore(%run_scoped3A_138 : memref<!tpu.dma_semaphore, #tpu.memory_space<semaphore_mem>>)
        %dma_wait3A_142 = arith.constant 0 : i32
        %dma_wait3A_143 = tpu.memref_slice %arg6[%add3A_85, %dma_wait3A_142] : memref<10000x128xf32, #tpu.memory_space<hbm>> -> memref<125x64xf32, #tpu.memory_space<hbm>>
        %dma_wait3A_144 = arith.constant 0 : i32
        %dma_wait3A_145 = tpu.memref_slice %arg16[%add3A_85, %dma_wait3A_144] : memref<10240x64xf32, #tpu.memory_space<vmem_shared>> -> memref<125x64xf32, #tpu.memory_space<vmem_shared>>
        tpu.wait_dma2 semaphore(%run_scoped3A_138 : memref<!tpu.dma_semaphore, #tpu.memory_space<semaphore_mem>>) src(%dma_wait3A_145 : memref<125x64xf32, #tpu.memory_space<vmem_shared>>) dst(%dma_wait3A_143 : memref<125x64xf32, #tpu.memory_space<hbm>>)
        tpu.yield
      }) : () -> ()
    } else {
    }
    %eq3A_91 = arith.constant 1 : i32
    %eq3A_92 = arith.cmpi eq, %arg0, %eq3A_91 : i32
    %convert_element_type3A_93 = arith.extui %eq3A_92 : i1 to i32
    %cond3A_94 = arith.constant 0 : i32
    %cond3A_95 = arith.cmpi ne, %convert_element_type3A_93, %cond3A_94 : i32
    scf.if %cond3A_95 {
      "tpu.region"() ({
        %run_scoped3A_138 = tpu.sem_alloc : memref<!tpu.dma_semaphore, #tpu.memory_space<semaphore_mem>>
        %dma_start3A = arith.constant 64 : i32
        %dma_start3A_139 = tpu.memref_slice %arg6[%add3A_85, %dma_start3A] : memref<10000x128xf32, #tpu.memory_space<hbm>> -> memref<125x64xf32, #tpu.memory_space<hbm>>
        %dma_start3A_140 = arith.constant 0 : i32
        %dma_start3A_141 = tpu.memref_slice %arg16[%add3A_85, %dma_start3A_140] : memref<10240x64xf32, #tpu.memory_space<vmem_shared>> -> memref<125x64xf32, #tpu.memory_space<vmem_shared>>
        tpu.enqueue_dma source(%dma_start3A_141 : memref<125x64xf32, #tpu.memory_space<vmem_shared>>) target(%dma_start3A_139 : memref<125x64xf32, #tpu.memory_space<hbm>>) target_semaphore(%run_scoped3A_138 : memref<!tpu.dma_semaphore, #tpu.memory_space<semaphore_mem>>)
        %dma_wait3A_142 = arith.constant 64 : i32
        %dma_wait3A_143 = tpu.memref_slice %arg6[%add3A_85, %dma_wait3A_142] : memref<10000x128xf32, #tpu.memory_space<hbm>> -> memref<125x64xf32, #tpu.memory_space<hbm>>
        %dma_wait3A_144 = arith.constant 0 : i32
        %dma_wait3A_145 = tpu.memref_slice %arg16[%add3A_85, %dma_wait3A_144] : memref<10240x64xf32, #tpu.memory_space<vmem_shared>> -> memref<125x64xf32, #tpu.memory_space<vmem_shared>>
        tpu.wait_dma2 semaphore(%run_scoped3A_138 : memref<!tpu.dma_semaphore, #tpu.memory_space<semaphore_mem>>) src(%dma_wait3A_145 : memref<125x64xf32, #tpu.memory_space<vmem_shared>>) dst(%dma_wait3A_143 : memref<125x64xf32, #tpu.memory_space<hbm>>)
        tpu.yield
      }) : () -> ()
    } else {
    }
    %mul3A_96 = arith.constant 625 : i32
    %mul3A_97 = arith.muli %arg1, %mul3A_96 : i32
    %add3A_98 = arith.constant 250 : i32
    %add3A_99 = arith.addi %mul3A_97, %add3A_98 : i32
    %eq3A_100 = arith.constant 0 : i32
    %eq3A_101 = arith.cmpi eq, %arg0, %eq3A_100 : i32
    %convert_element_type3A_102 = arith.extui %eq3A_101 : i1 to i32
    %cond3A_103 = arith.constant 0 : i32
    %cond3A_104 = arith.cmpi ne, %convert_element_type3A_102, %cond3A_103 : i32
    scf.if %cond3A_104 {
      "tpu.region"() ({
        %run_scoped3A_138 = tpu.sem_alloc : memref<!tpu.dma_semaphore, #tpu.memory_space<semaphore_mem>>
        %dma_start3A = arith.constant 0 : i32
        %dma_start3A_139 = tpu.memref_slice %arg6[%add3A_99, %dma_start3A] : memref<10000x128xf32, #tpu.memory_space<hbm>> -> memref<125x64xf32, #tpu.memory_space<hbm>>
        %dma_start3A_140 = arith.constant 0 : i32
        %dma_start3A_141 = tpu.memref_slice %arg16[%add3A_99, %dma_start3A_140] : memref<10240x64xf32, #tpu.memory_space<vmem_shared>> -> memref<125x64xf32, #tpu.memory_space<vmem_shared>>
        tpu.enqueue_dma source(%dma_start3A_141 : memref<125x64xf32, #tpu.memory_space<vmem_shared>>) target(%dma_start3A_139 : memref<125x64xf32, #tpu.memory_space<hbm>>) target_semaphore(%run_scoped3A_138 : memref<!tpu.dma_semaphore, #tpu.memory_space<semaphore_mem>>)
        %dma_wait3A_142 = arith.constant 0 : i32
        %dma_wait3A_143 = tpu.memref_slice %arg6[%add3A_99, %dma_wait3A_142] : memref<10000x128xf32, #tpu.memory_space<hbm>> -> memref<125x64xf32, #tpu.memory_space<hbm>>
        %dma_wait3A_144 = arith.constant 0 : i32
        %dma_wait3A_145 = tpu.memref_slice %arg16[%add3A_99, %dma_wait3A_144] : memref<10240x64xf32, #tpu.memory_space<vmem_shared>> -> memref<125x64xf32, #tpu.memory_space<vmem_shared>>
        tpu.wait_dma2 semaphore(%run_scoped3A_138 : memref<!tpu.dma_semaphore, #tpu.memory_space<semaphore_mem>>) src(%dma_wait3A_145 : memref<125x64xf32, #tpu.memory_space<vmem_shared>>) dst(%dma_wait3A_143 : memref<125x64xf32, #tpu.memory_space<hbm>>)
        tpu.yield
      }) : () -> ()
    } else {
    }
    %eq3A_105 = arith.constant 1 : i32
    %eq3A_106 = arith.cmpi eq, %arg0, %eq3A_105 : i32
    %convert_element_type3A_107 = arith.extui %eq3A_106 : i1 to i32
    %cond3A_108 = arith.constant 0 : i32
    %cond3A_109 = arith.cmpi ne, %convert_element_type3A_107, %cond3A_108 : i32
    scf.if %cond3A_109 {
      "tpu.region"() ({
        %run_scoped3A_138 = tpu.sem_alloc : memref<!tpu.dma_semaphore, #tpu.memory_space<semaphore_mem>>
        %dma_start3A = arith.constant 64 : i32
        %dma_start3A_139 = tpu.memref_slice %arg6[%add3A_99, %dma_start3A] : memref<10000x128xf32, #tpu.memory_space<hbm>> -> memref<125x64xf32, #tpu.memory_space<hbm>>
        %dma_start3A_140 = arith.constant 0 : i32
        %dma_start3A_141 = tpu.memref_slice %arg16[%add3A_99, %dma_start3A_140] : memref<10240x64xf32, #tpu.memory_space<vmem_shared>> -> memref<125x64xf32, #tpu.memory_space<vmem_shared>>
        tpu.enqueue_dma source(%dma_start3A_141 : memref<125x64xf32, #tpu.memory_space<vmem_shared>>) target(%dma_start3A_139 : memref<125x64xf32, #tpu.memory_space<hbm>>) target_semaphore(%run_scoped3A_138 : memref<!tpu.dma_semaphore, #tpu.memory_space<semaphore_mem>>)
        %dma_wait3A_142 = arith.constant 64 : i32
        %dma_wait3A_143 = tpu.memref_slice %arg6[%add3A_99, %dma_wait3A_142] : memref<10000x128xf32, #tpu.memory_space<hbm>> -> memref<125x64xf32, #tpu.memory_space<hbm>>
        %dma_wait3A_144 = arith.constant 0 : i32
        %dma_wait3A_145 = tpu.memref_slice %arg16[%add3A_99, %dma_wait3A_144] : memref<10240x64xf32, #tpu.memory_space<vmem_shared>> -> memref<125x64xf32, #tpu.memory_space<vmem_shared>>
        tpu.wait_dma2 semaphore(%run_scoped3A_138 : memref<!tpu.dma_semaphore, #tpu.memory_space<semaphore_mem>>) src(%dma_wait3A_145 : memref<125x64xf32, #tpu.memory_space<vmem_shared>>) dst(%dma_wait3A_143 : memref<125x64xf32, #tpu.memory_space<hbm>>)
        tpu.yield
      }) : () -> ()
    } else {
    }
    %mul3A_110 = arith.constant 625 : i32
    %mul3A_111 = arith.muli %arg1, %mul3A_110 : i32
    %add3A_112 = arith.constant 375 : i32
    %add3A_113 = arith.addi %mul3A_111, %add3A_112 : i32
    %eq3A_114 = arith.constant 0 : i32
    %eq3A_115 = arith.cmpi eq, %arg0, %eq3A_114 : i32
    %convert_element_type3A_116 = arith.extui %eq3A_115 : i1 to i32
    %cond3A_117 = arith.constant 0 : i32
    %cond3A_118 = arith.cmpi ne, %convert_element_type3A_116, %cond3A_117 : i32
    scf.if %cond3A_118 {
      "tpu.region"() ({
        %run_scoped3A_138 = tpu.sem_alloc : memref<!tpu.dma_semaphore, #tpu.memory_space<semaphore_mem>>
        %dma_start3A = arith.constant 0 : i32
        %dma_start3A_139 = tpu.memref_slice %arg6[%add3A_113, %dma_start3A] : memref<10000x128xf32, #tpu.memory_space<hbm>> -> memref<125x64xf32, #tpu.memory_space<hbm>>
        %dma_start3A_140 = arith.constant 0 : i32
        %dma_start3A_141 = tpu.memref_slice %arg16[%add3A_113, %dma_start3A_140] : memref<10240x64xf32, #tpu.memory_space<vmem_shared>> -> memref<125x64xf32, #tpu.memory_space<vmem_shared>>
        tpu.enqueue_dma source(%dma_start3A_141 : memref<125x64xf32, #tpu.memory_space<vmem_shared>>) target(%dma_start3A_139 : memref<125x64xf32, #tpu.memory_space<hbm>>) target_semaphore(%run_scoped3A_138 : memref<!tpu.dma_semaphore, #tpu.memory_space<semaphore_mem>>)
        %dma_wait3A_142 = arith.constant 0 : i32
        %dma_wait3A_143 = tpu.memref_slice %arg6[%add3A_113, %dma_wait3A_142] : memref<10000x128xf32, #tpu.memory_space<hbm>> -> memref<125x64xf32, #tpu.memory_space<hbm>>
        %dma_wait3A_144 = arith.constant 0 : i32
        %dma_wait3A_145 = tpu.memref_slice %arg16[%add3A_113, %dma_wait3A_144] : memref<10240x64xf32, #tpu.memory_space<vmem_shared>> -> memref<125x64xf32, #tpu.memory_space<vmem_shared>>
        tpu.wait_dma2 semaphore(%run_scoped3A_138 : memref<!tpu.dma_semaphore, #tpu.memory_space<semaphore_mem>>) src(%dma_wait3A_145 : memref<125x64xf32, #tpu.memory_space<vmem_shared>>) dst(%dma_wait3A_143 : memref<125x64xf32, #tpu.memory_space<hbm>>)
        tpu.yield
      }) : () -> ()
    } else {
    }
    %eq3A_119 = arith.constant 1 : i32
    %eq3A_120 = arith.cmpi eq, %arg0, %eq3A_119 : i32
    %convert_element_type3A_121 = arith.extui %eq3A_120 : i1 to i32
    %cond3A_122 = arith.constant 0 : i32
    %cond3A_123 = arith.cmpi ne, %convert_element_type3A_121, %cond3A_122 : i32
    scf.if %cond3A_123 {
      "tpu.region"() ({
        %run_scoped3A_138 = tpu.sem_alloc : memref<!tpu.dma_semaphore, #tpu.memory_space<semaphore_mem>>
        %dma_start3A = arith.constant 64 : i32
        %dma_start3A_139 = tpu.memref_slice %arg6[%add3A_113, %dma_start3A] : memref<10000x128xf32, #tpu.memory_space<hbm>> -> memref<125x64xf32, #tpu.memory_space<hbm>>
        %dma_start3A_140 = arith.constant 0 : i32
        %dma_start3A_141 = tpu.memref_slice %arg16[%add3A_113, %dma_start3A_140] : memref<10240x64xf32, #tpu.memory_space<vmem_shared>> -> memref<125x64xf32, #tpu.memory_space<vmem_shared>>
        tpu.enqueue_dma source(%dma_start3A_141 : memref<125x64xf32, #tpu.memory_space<vmem_shared>>) target(%dma_start3A_139 : memref<125x64xf32, #tpu.memory_space<hbm>>) target_semaphore(%run_scoped3A_138 : memref<!tpu.dma_semaphore, #tpu.memory_space<semaphore_mem>>)
        %dma_wait3A_142 = arith.constant 64 : i32
        %dma_wait3A_143 = tpu.memref_slice %arg6[%add3A_113, %dma_wait3A_142] : memref<10000x128xf32, #tpu.memory_space<hbm>> -> memref<125x64xf32, #tpu.memory_space<hbm>>
        %dma_wait3A_144 = arith.constant 0 : i32
        %dma_wait3A_145 = tpu.memref_slice %arg16[%add3A_113, %dma_wait3A_144] : memref<10240x64xf32, #tpu.memory_space<vmem_shared>> -> memref<125x64xf32, #tpu.memory_space<vmem_shared>>
        tpu.wait_dma2 semaphore(%run_scoped3A_138 : memref<!tpu.dma_semaphore, #tpu.memory_space<semaphore_mem>>) src(%dma_wait3A_145 : memref<125x64xf32, #tpu.memory_space<vmem_shared>>) dst(%dma_wait3A_143 : memref<125x64xf32, #tpu.memory_space<hbm>>)
        tpu.yield
      }) : () -> ()
    } else {
    }
    %mul3A_124 = arith.constant 625 : i32
    %mul3A_125 = arith.muli %arg1, %mul3A_124 : i32
    %add3A_126 = arith.constant 500 : i32
    %add3A_127 = arith.addi %mul3A_125, %add3A_126 : i32
    %eq3A_128 = arith.constant 0 : i32
    %eq3A_129 = arith.cmpi eq, %arg0, %eq3A_128 : i32
    %convert_element_type3A_130 = arith.extui %eq3A_129 : i1 to i32
    %cond3A_131 = arith.constant 0 : i32
    %cond3A_132 = arith.cmpi ne, %convert_element_type3A_130, %cond3A_131 : i32
    scf.if %cond3A_132 {
      "tpu.region"() ({
        %run_scoped3A_138 = tpu.sem_alloc : memref<!tpu.dma_semaphore, #tpu.memory_space<semaphore_mem>>
        %dma_start3A = arith.constant 0 : i32
        %dma_start3A_139 = tpu.memref_slice %arg6[%add3A_127, %dma_start3A] : memref<10000x128xf32, #tpu.memory_space<hbm>> -> memref<125x64xf32, #tpu.memory_space<hbm>>
        %dma_start3A_140 = arith.constant 0 : i32
        %dma_start3A_141 = tpu.memref_slice %arg16[%add3A_127, %dma_start3A_140] : memref<10240x64xf32, #tpu.memory_space<vmem_shared>> -> memref<125x64xf32, #tpu.memory_space<vmem_shared>>
        tpu.enqueue_dma source(%dma_start3A_141 : memref<125x64xf32, #tpu.memory_space<vmem_shared>>) target(%dma_start3A_139 : memref<125x64xf32, #tpu.memory_space<hbm>>) target_semaphore(%run_scoped3A_138 : memref<!tpu.dma_semaphore, #tpu.memory_space<semaphore_mem>>)
        %dma_wait3A_142 = arith.constant 0 : i32
        %dma_wait3A_143 = tpu.memref_slice %arg6[%add3A_127, %dma_wait3A_142] : memref<10000x128xf32, #tpu.memory_space<hbm>> -> memref<125x64xf32, #tpu.memory_space<hbm>>
        %dma_wait3A_144 = arith.constant 0 : i32
        %dma_wait3A_145 = tpu.memref_slice %arg16[%add3A_127, %dma_wait3A_144] : memref<10240x64xf32, #tpu.memory_space<vmem_shared>> -> memref<125x64xf32, #tpu.memory_space<vmem_shared>>
        tpu.wait_dma2 semaphore(%run_scoped3A_138 : memref<!tpu.dma_semaphore, #tpu.memory_space<semaphore_mem>>) src(%dma_wait3A_145 : memref<125x64xf32, #tpu.memory_space<vmem_shared>>) dst(%dma_wait3A_143 : memref<125x64xf32, #tpu.memory_space<hbm>>)
        tpu.yield
      }) : () -> ()
    } else {
    }
    %eq3A_133 = arith.constant 1 : i32
    %eq3A_134 = arith.cmpi eq, %arg0, %eq3A_133 : i32
    %convert_element_type3A_135 = arith.extui %eq3A_134 : i1 to i32
    %cond3A_136 = arith.constant 0 : i32
    %cond3A_137 = arith.cmpi ne, %convert_element_type3A_135, %cond3A_136 : i32
    scf.if %cond3A_137 {
      "tpu.region"() ({
        %run_scoped3A_138 = tpu.sem_alloc : memref<!tpu.dma_semaphore, #tpu.memory_space<semaphore_mem>>
        %dma_start3A = arith.constant 64 : i32
        %dma_start3A_139 = tpu.memref_slice %arg6[%add3A_127, %dma_start3A] : memref<10000x128xf32, #tpu.memory_space<hbm>> -> memref<125x64xf32, #tpu.memory_space<hbm>>
        %dma_start3A_140 = arith.constant 0 : i32
        %dma_start3A_141 = tpu.memref_slice %arg16[%add3A_127, %dma_start3A_140] : memref<10240x64xf32, #tpu.memory_space<vmem_shared>> -> memref<125x64xf32, #tpu.memory_space<vmem_shared>>
        tpu.enqueue_dma source(%dma_start3A_141 : memref<125x64xf32, #tpu.memory_space<vmem_shared>>) target(%dma_start3A_139 : memref<125x64xf32, #tpu.memory_space<hbm>>) target_semaphore(%run_scoped3A_138 : memref<!tpu.dma_semaphore, #tpu.memory_space<semaphore_mem>>)
        %dma_wait3A_142 = arith.constant 64 : i32
        %dma_wait3A_143 = tpu.memref_slice %arg6[%add3A_127, %dma_wait3A_142] : memref<10000x128xf32, #tpu.memory_space<hbm>> -> memref<125x64xf32, #tpu.memory_space<hbm>>
        %dma_wait3A_144 = arith.constant 0 : i32
        %dma_wait3A_145 = tpu.memref_slice %arg16[%add3A_127, %dma_wait3A_144] : memref<10240x64xf32, #tpu.memory_space<vmem_shared>> -> memref<125x64xf32, #tpu.memory_space<vmem_shared>>
        tpu.wait_dma2 semaphore(%run_scoped3A_138 : memref<!tpu.dma_semaphore, #tpu.memory_space<semaphore_mem>>) src(%dma_wait3A_145 : memref<125x64xf32, #tpu.memory_space<vmem_shared>>) dst(%dma_wait3A_143 : memref<125x64xf32, #tpu.memory_space<hbm>>)
        tpu.yield
      }) : () -> ()
    } else {
    }
    "tpu.trace_stop"() : () -> ()
    return
  }
}

module attributes {stable_mosaic.version = 14 : i64} {
  func.func @_mm_body(%arg0: i32, %arg1: memref<2000x128xf32, #tpu.memory_space<vmem>>, %arg2: memref<128x128xf32, #tpu.memory_space<vmem>>, %arg3: memref<2000x128xf32, #tpu.memory_space<vmem>>) attributes {dimension_semantics = [#tpu.dimension_semantics<arbitrary>], iteration_bounds = array<i64: 5>, scalar_prefetch = 0 : i64, scratch_operands = 0 : i64, tpu.core_type = #tpu.core_type<tc>, window_params = [{transform_indices = @transform_0, window_bounds = array<i64: 2000, 128>}, {pipeline_mode = #tpu.pipeline_mode<synchronous>, transform_indices = @transform_1, window_bounds = array<i64: 128, 128>}, {transform_indices = @transform_2, window_bounds = array<i64: 2000, 128>}]} {
    %get3A = arith.constant 0 : index
    %get3A_0 = arith.constant 0 : index
    %get3A_1 = vector.load %arg1[%get3A, %get3A_0] : memref<2000x128xf32, #tpu.memory_space<vmem>>, vector<2000x128xf32>
    %get3A_2 = arith.constant 0 : index
    %get3A_3 = arith.constant 0 : index
    %get3A_4 = vector.load %arg2[%get3A_2, %get3A_3] : memref<128x128xf32, #tpu.memory_space<vmem>>, vector<128x128xf32>
    %dot_general3A = arith.constant dense<0.000000e+00> : vector<2000x128xf32>
    %dot_general3A_5 = tpu.matmul %get3A_1, %get3A_4, %dot_general3A {dimension_numbers = #tpu.dot_dimension_numbers<[1], [0], [0], [1], [0, 0, 1, 1], [], []>, transpose_lhs_hint = false} : vector<2000x128xf32>, vector<128x128xf32>, vector<2000x128xf32> -> vector<2000x128xf32>
    %swap3A = arith.constant 0 : index
    %swap3A_6 = arith.constant 0 : index
    %swap3A_7 = vector.load %arg3[%swap3A, %swap3A_6] : memref<2000x128xf32, #tpu.memory_space<vmem>>, vector<2000x128xf32>
    tpu.vector_store %arg3[%swap3A, %swap3A_6], %dot_general3A_5 {strides = array<i32>} : memref<2000x128xf32, #tpu.memory_space<vmem>>, vector<2000x128xf32>,
    return
  }
  func.func @transform_0(%arg0: i32) -> (i32, i32) {
    %c0_i32 = arith.constant 0 : i32
    %c0_i32_0 = arith.constant 0 : i32
    return %arg0, %c0_i32 : i32, i32
  }
  func.func @transform_1(%arg0: i32) -> (i32, i32) {
    %c0_i32 = arith.constant 0 : i32
    %c0_i32_0 = arith.constant 0 : i32
    %c0_i32_1 = arith.constant 0 : i32
    return %c0_i32, %c0_i32_0 : i32, i32
  }
  func.func @transform_2(%arg0: i32) -> (i32, i32) {
    %c0_i32 = arith.constant 0 : i32
    %c0_i32_0 = arith.constant 0 : i32
    return %arg0, %c0_i32 : i32, i32
  }
}

module attributes {stable_mosaic.version = 14 : i64} {
  func.func @_scale1_body(%arg0: i32, %arg1: memref<2000x128xf32, #tpu.memory_space<vmem>>, %arg2: memref<2000x128xf32, #tpu.memory_space<vmem>>, %arg3: memref<2000x1xf32, #tpu.memory_space<vmem>>, %arg4: memref<2000x128xf32, #tpu.memory_space<vmem>>) attributes {dimension_semantics = [#tpu.dimension_semantics<arbitrary>], iteration_bounds = array<i64: 5>, scalar_prefetch = 0 : i64, scratch_operands = 0 : i64, tpu.core_type = #tpu.core_type<tc>, window_params = [{transform_indices = @transform_0, window_bounds = array<i64: 2000, 128>}, {transform_indices = @transform_1, window_bounds = array<i64: 2000, 128>}, {transform_indices = @transform_2, window_bounds = array<i64: 2000, 1>}, {transform_indices = @transform_3, window_bounds = array<i64: 2000, 128>}]} {
    %get3A = arith.constant 0 : index
    %get3A_0 = arith.constant 0 : index
    %get3A_1 = vector.load %arg1[%get3A, %get3A_0] : memref<2000x128xf32, #tpu.memory_space<vmem>>, vector<2000x128xf32>
    %slice3A = vector.extract_strided_slice %get3A_1 {offsets = [0, 0], sizes = [2000, 1], strides = [1, 1]} : vector<2000x128xf32> to vector<2000x1xf32>
    %slice3A_2 = vector.extract_strided_slice %get3A_1 {offsets = [0, 16], sizes = [2000, 1], strides = [1, 1]} : vector<2000x128xf32> to vector<2000x1xf32>
    %add3A = arith.addf %slice3A, %slice3A_2 : vector<2000x1xf32>
    %add3A_3 = arith.constant 1.000000e+00 : f32
    %add3A_4 = vector.broadcast %add3A_3 : f32 to vector<2000x1xf32>
    %add3A_5 = arith.addf %add3A, %add3A_4 : vector<2000x1xf32>
    %rsqrt3A = math.rsqrt %add3A_5 : vector<2000x1xf32>
    %swap3A = arith.constant 0 : index
    %swap3A_6 = arith.constant 0 : index
    %swap3A_7 = vector.load %arg3[%swap3A, %swap3A_6] : memref<2000x1xf32, #tpu.memory_space<vmem>>, vector<2000x1xf32>
    tpu.vector_store %arg3[%swap3A, %swap3A_6], %rsqrt3A {strides = array<i32>} : memref<2000x1xf32, #tpu.memory_space<vmem>>, vector<2000x1xf32>,
    %get3A_8 = arith.constant 0 : index
    %get3A_9 = arith.constant 0 : index
    %get3A_10 = vector.load %arg2[%get3A_8, %get3A_9] : memref<2000x128xf32, #tpu.memory_space<vmem>>, vector<2000x128xf32>
    %mul3A = vector.broadcast %rsqrt3A : vector<2000x1xf32> to vector<2000x128xf32>
    %mul3A_11 = arith.mulf %get3A_10, %mul3A : vector<2000x128xf32>
    %swap3A_12 = arith.constant 0 : index
    %swap3A_13 = arith.constant 0 : index
    %swap3A_14 = vector.load %arg4[%swap3A_12, %swap3A_13] : memref<2000x128xf32, #tpu.memory_space<vmem>>, vector<2000x128xf32>
    tpu.vector_store %arg4[%swap3A_12, %swap3A_13], %mul3A_11 {strides = array<i32>} : memref<2000x128xf32, #tpu.memory_space<vmem>>, vector<2000x128xf32>,
    return
  }
  func.func @transform_0(%arg0: i32) -> (i32, i32) {
    %c0_i32 = arith.constant 0 : i32
    %c0_i32_0 = arith.constant 0 : i32
    return %arg0, %c0_i32 : i32, i32
  }
  func.func @transform_1(%arg0: i32) -> (i32, i32) {
    %c0_i32 = arith.constant 0 : i32
    %c0_i32_0 = arith.constant 0 : i32
    return %arg0, %c0_i32 : i32, i32
  }
  func.func @transform_2(%arg0: i32) -> (i32, i32) {
    %c0_i32 = arith.constant 0 : i32
    %c0_i32_0 = arith.constant 0 : i32
    return %arg0, %c0_i32 : i32, i32
  }
  func.func @transform_3(%arg0: i32) -> (i32, i32) {
    %c0_i32 = arith.constant 0 : i32
    %c0_i32_0 = arith.constant 0 : i32
    return %arg0, %c0_i32 : i32, i32
  }
}

module attributes {stable_mosaic.version = 14 : i64} {
  func.func @_layer2_body(%arg0: i32, %arg1: memref<2000x128xf32, #tpu.memory_space<vmem>>, %arg2: memref<2000x128xf32, #tpu.memory_space<vmem>>, %arg3: memref<2000x1xf32, #tpu.memory_space<vmem>>, %arg4: memref<1x128xf32, #tpu.memory_space<vmem>>, %arg5: memref<128x64xf32, #tpu.memory_space<vmem>>, %arg6: memref<2000x128xf32, #tpu.memory_space<vmem>>) attributes {dimension_semantics = [#tpu.dimension_semantics<arbitrary>], iteration_bounds = array<i64: 5>, scalar_prefetch = 0 : i64, scratch_operands = 0 : i64, tpu.core_type = #tpu.core_type<tc>, window_params = [{transform_indices = @transform_0, window_bounds = array<i64: 2000, 128>}, {transform_indices = @transform_1, window_bounds = array<i64: 2000, 128>}, {transform_indices = @transform_2, window_bounds = array<i64: 2000, 1>}, {pipeline_mode = #tpu.pipeline_mode<synchronous>, transform_indices = @transform_3, window_bounds = array<i64: 1, 128>}, {pipeline_mode = #tpu.pipeline_mode<synchronous>, transform_indices = @transform_4, window_bounds = array<i64: 128, 64>}, {transform_indices = @transform_5, window_bounds = array<i64: 2000, 128>}]} {
    %get3A = arith.constant 0 : index
    %get3A_0 = arith.constant 0 : index
    %get3A_1 = vector.load %arg3[%get3A, %get3A_0] : memref<2000x1xf32, #tpu.memory_space<vmem>>, vector<2000x1xf32>
    %get3A_2 = arith.constant 0 : index
    %get3A_3 = arith.constant 0 : index
    %get3A_4 = vector.load %arg1[%get3A_2, %get3A_3] : memref<2000x128xf32, #tpu.memory_space<vmem>>, vector<2000x128xf32>
    %mul3A = vector.broadcast %get3A_1 : vector<2000x1xf32> to vector<2000x128xf32>
    %mul3A_5 = arith.mulf %mul3A, %get3A_4 : vector<2000x128xf32>
    %mul3A_6 = arith.mulf %get3A_1, %get3A_1 : vector<2000x1xf32>
    %get3A_7 = arith.constant 0 : index
    %get3A_8 = arith.constant 0 : index
    %get3A_9 = vector.load %arg2[%get3A_7, %get3A_8] : memref<2000x128xf32, #tpu.memory_space<vmem>>, vector<2000x128xf32>
    %mul3A_10 = vector.broadcast %mul3A_6 : vector<2000x1xf32> to vector<2000x128xf32>
    %mul3A_11 = arith.mulf %mul3A_10, %get3A_9 : vector<2000x128xf32>
    %add3A = arith.addf %mul3A_5, %mul3A_11 : vector<2000x128xf32>
    %get3A_12 = arith.constant 0 : index
    %get3A_13 = arith.constant 0 : index
    %get3A_14 = vector.load %arg4[%get3A_12, %get3A_13] : memref<1x128xf32, #tpu.memory_space<vmem>>, vector<1x128xf32>
    %add3A_15 = vector.broadcast %get3A_14 : vector<1x128xf32> to vector<2000x128xf32>
    %add3A_16 = arith.addf %add3A, %add3A_15 : vector<2000x128xf32>
    %max3A = arith.constant 0.000000e+00 : f32
    %max3A_17 = vector.broadcast %max3A : f32 to vector<2000x128xf32>
    %max3A_18 = arith.maximumf %add3A_16, %max3A_17 : vector<2000x128xf32>
    %get3A_19 = arith.constant 0 : index
    %get3A_20 = arith.constant 0 : index
    %get3A_21 = vector.load %arg5[%get3A_19, %get3A_20] : memref<128x64xf32, #tpu.memory_space<vmem>>, vector<128x64xf32>
    %dot_general3A = arith.constant dense<0.000000e+00> : vector<2000x64xf32>
    %dot_general3A_22 = tpu.matmul %max3A_18, %get3A_21, %dot_general3A {dimension_numbers = #tpu.dot_dimension_numbers<[1], [0], [0], [1], [0, 0, 1, 1], [], []>, transpose_lhs_hint = false} : vector<2000x128xf32>, vector<128x64xf32>, vector<2000x64xf32> -> vector<2000x64xf32>
    %mul3A_23 = vector.broadcast %get3A_1 : vector<2000x1xf32> to vector<2000x64xf32>
    %mul3A_24 = arith.mulf %mul3A_23, %dot_general3A_22 : vector<2000x64xf32>
    %broadcast_in_dim3A = arith.constant 0.000000e+00 : f32
    %broadcast_in_dim3A_25 = vector.broadcast %broadcast_in_dim3A : f32 to vector<2000x64xf32>
    %concatenate3A = tpu.concatenate %mul3A_24, %broadcast_in_dim3A_25 in 1 : vector<2000x64xf32>, vector<2000x64xf32> -> vector<2000x128xf32>
    %swap3A = arith.constant 0 : index
    %swap3A_26 = arith.constant 0 : index
    %swap3A_27 = vector.load %arg6[%swap3A, %swap3A_26] : memref<2000x128xf32, #tpu.memory_space<vmem>>, vector<2000x128xf32>
    tpu.vector_store %arg6[%swap3A, %swap3A_26], %concatenate3A {strides = array<i32>} : memref<2000x128xf32, #tpu.memory_space<vmem>>, vector<2000x128xf32>,
    return
  }
  func.func @transform_0(%arg0: i32) -> (i32, i32) {
    %c0_i32 = arith.constant 0 : i32
    %c0_i32_0 = arith.constant 0 : i32
    return %arg0, %c0_i32 : i32, i32
  }
  func.func @transform_1(%arg0: i32) -> (i32, i32) {
    %c0_i32 = arith.constant 0 : i32
    %c0_i32_0 = arith.constant 0 : i32
    return %arg0, %c0_i32 : i32, i32
  }
  func.func @transform_2(%arg0: i32) -> (i32, i32) {
    %c0_i32 = arith.constant 0 : i32
    %c0_i32_0 = arith.constant 0 : i32
    return %arg0, %c0_i32 : i32, i32
  }
  func.func @transform_3(%arg0: i32) -> (i32, i32) {
    %c0_i32 = arith.constant 0 : i32
    %c0_i32_0 = arith.constant 0 : i32
    %c0_i32_1 = arith.constant 0 : i32
    return %c0_i32, %c0_i32_0 : i32, i32
  }
  func.func @transform_4(%arg0: i32) -> (i32, i32) {
    %c0_i32 = arith.constant 0 : i32
    %c0_i32_0 = arith.constant 0 : i32
    %c0_i32_1 = arith.constant 0 : i32
    return %c0_i32, %c0_i32_0 : i32, i32
  }
  func.func @transform_5(%arg0: i32) -> (i32, i32) {
    %c0_i32 = arith.constant 0 : i32
    %c0_i32_0 = arith.constant 0 : i32
    return %arg0, %c0_i32 : i32, i32
  }
}

module attributes {stable_mosaic.version = 14 : i64} {
  func.func @_final_body(%arg0: i32, %arg1: memref<2000x128xf32, #tpu.memory_space<vmem>>, %arg2: memref<2000x128xf32, #tpu.memory_space<vmem>>, %arg3: memref<2000x1xf32, #tpu.memory_space<vmem>>, %arg4: memref<1x64xf32, #tpu.memory_space<vmem>>, %arg5: memref<2000x64xf32, #tpu.memory_space<vmem>>) attributes {dimension_semantics = [#tpu.dimension_semantics<arbitrary>], iteration_bounds = array<i64: 5>, scalar_prefetch = 0 : i64, scratch_operands = 0 : i64, tpu.core_type = #tpu.core_type<tc>, window_params = [{transform_indices = @transform_0, window_bounds = array<i64: 2000, 128>}, {transform_indices = @transform_1, window_bounds = array<i64: 2000, 128>}, {transform_indices = @transform_2, window_bounds = array<i64: 2000, 1>}, {pipeline_mode = #tpu.pipeline_mode<synchronous>, transform_indices = @transform_3, window_bounds = array<i64: 1, 64>}, {transform_indices = @transform_4, window_bounds = array<i64: 2000, 64>}]} {
    %get3A = arith.constant 0 : index
    %get3A_0 = arith.constant 0 : index
    %get3A_1 = vector.load %arg3[%get3A, %get3A_0] : memref<2000x1xf32, #tpu.memory_space<vmem>>, vector<2000x1xf32>
    %get3A_2 = arith.constant 0 : index
    %get3A_3 = arith.constant 0 : index
    %get3A_4 = vector.load %arg1[%get3A_2, %get3A_3] : memref<2000x128xf32, #tpu.memory_space<vmem>>, vector<2000x128xf32>
    %slice3A = vector.extract_strided_slice %get3A_4 {offsets = [0, 0], sizes = [2000, 64], strides = [1, 1]} : vector<2000x128xf32> to vector<2000x64xf32>
    %get3A_5 = arith.constant 0 : index
    %get3A_6 = arith.constant 0 : index
    %get3A_7 = vector.load %arg2[%get3A_5, %get3A_6] : memref<2000x128xf32, #tpu.memory_space<vmem>>, vector<2000x128xf32>
    %slice3A_8 = vector.extract_strided_slice %get3A_7 {offsets = [0, 0], sizes = [2000, 64], strides = [1, 1]} : vector<2000x128xf32> to vector<2000x64xf32>
    %add3A = arith.addf %slice3A, %slice3A_8 : vector<2000x64xf32>
    %mul3A = vector.broadcast %get3A_1 : vector<2000x1xf32> to vector<2000x64xf32>
    %mul3A_9 = arith.mulf %mul3A, %add3A : vector<2000x64xf32>
    %get3A_10 = arith.constant 0 : index
    %get3A_11 = arith.constant 0 : index
    %get3A_12 = vector.load %arg4[%get3A_10, %get3A_11] : memref<1x64xf32, #tpu.memory_space<vmem>>, vector<1x64xf32>
    %add3A_13 = vector.broadcast %get3A_12 : vector<1x64xf32> to vector<2000x64xf32>
    %add3A_14 = arith.addf %mul3A_9, %add3A_13 : vector<2000x64xf32>
    %reduce_max3A = arith.constant dense<0xFF800000> : vector<2000xf32>
    %reduce_max3A_15 = vector.multi_reduction <maximumf>, %add3A_14, %reduce_max3A [1] : vector<2000x64xf32> to vector<2000xf32>
    %broadcast_in_dim3A = vector.shape_cast %reduce_max3A_15 : vector<2000xf32> to vector<2000x1xf32>
    %sub3A = vector.broadcast %broadcast_in_dim3A : vector<2000x1xf32> to vector<2000x64xf32>
    %sub3A_16 = arith.subf %add3A_14, %sub3A : vector<2000x64xf32>
    %exp3A = math.exp %sub3A_16 : vector<2000x64xf32>
    %reduce_sum3A = arith.constant dense<0.000000e+00> : vector<2000xf32>
    %reduce_sum3A_17 = vector.multi_reduction <add>, %exp3A, %reduce_sum3A [1] : vector<2000x64xf32> to vector<2000xf32>
    %broadcast_in_dim3A_18 = vector.shape_cast %reduce_sum3A_17 : vector<2000xf32> to vector<2000x1xf32>
    %log3A = math.log %broadcast_in_dim3A_18 : vector<2000x1xf32>
    %add3A_19 = arith.addf %log3A, %broadcast_in_dim3A : vector<2000x1xf32>
    %sub3A_20 = vector.broadcast %add3A_19 : vector<2000x1xf32> to vector<2000x64xf32>
    %sub3A_21 = arith.subf %add3A_14, %sub3A_20 : vector<2000x64xf32>
    %swap3A = arith.constant 0 : index
    %swap3A_22 = arith.constant 0 : index
    %swap3A_23 = vector.load %arg5[%swap3A, %swap3A_22] : memref<2000x64xf32, #tpu.memory_space<vmem>>, vector<2000x64xf32>
    tpu.vector_store %arg5[%swap3A, %swap3A_22], %sub3A_21 {strides = array<i32>} : memref<2000x64xf32, #tpu.memory_space<vmem>>, vector<2000x64xf32>,
    return
  }
  func.func @transform_0(%arg0: i32) -> (i32, i32) {
    %c0_i32 = arith.constant 0 : i32
    %c0_i32_0 = arith.constant 0 : i32
    return %arg0, %c0_i32 : i32, i32
  }
  func.func @transform_1(%arg0: i32) -> (i32, i32) {
    %c0_i32 = arith.constant 0 : i32
    %c0_i32_0 = arith.constant 0 : i32
    return %arg0, %c0_i32 : i32, i32
  }
  func.func @transform_2(%arg0: i32) -> (i32, i32) {
    %c0_i32 = arith.constant 0 : i32
    %c0_i32_0 = arith.constant 0 : i32
    return %arg0, %c0_i32 : i32, i32
  }
  func.func @transform_3(%arg0: i32) -> (i32, i32) {
    %c0_i32 = arith.constant 0 : i32
    %c0_i32_0 = arith.constant 0 : i32
    %c0_i32_1 = arith.constant 0 : i32
    return %c0_i32, %c0_i32_0 : i32, i32
  }
  func.func @transform_4(%arg0: i32) -> (i32, i32) {
    %c0_i32 = arith.constant 0 : i32
    %c0_i32_0 = arith.constant 0 : i32
    return %arg0, %c0_i32 : i32, i32
  }
}

</mosaic_0001>

<sc_bundles>
// kernel: kernel.12.cloned.1.call-start
scs
__scs_entry_jumppad:
0x0: {  	(pc) =	sbr.rel $0x88, $3  }
0x1: {  	(tag) =	ssettag $0x0;
	lr =	simm.s32 $0x1  }
0x2: {  	[smem:$0x3F9B] =	sst lr;
	_ =	strace $0xD0000000  }
0x3: {  	_ = 	snop  }
0x4: {  	_ = 	snop  }
0x5: {  	_ = 	snop  }
0x6: {  	_ = 	snop  }
0x7: {  	_ = 	snop  }
__scs_overlays_trampoline_lowered:
0x8: {  	[smem:$0x3FAA] =	sst s0  }
0x9: {  	[smem:$0x3FAB] =	sst s1  }
0xa: {  	[smem:$0x3FAC] =	sst s2  }
0xb: {  	[smem:$0x3FAD] =	sst s3  }
0xc: {  	[smem:$0x3FAE] =	sst s4  }
0xd: {  	[smem:$0x3FAF] =	sst s5  }
0xe: {  	[smem:$0x3FB0] =	sst s6  }
0xf: {  	[smem:$0x3FB1] =	sst s7  }
0x10: {  	[smem:$0x3FB2] =	sst s8  }
0x11: {  	[smem:$0x3FB3] =	sst s9;
	s0 =	simm.s32 @!p0 $0x0  }
0x12: {  	s1 =	sld [smem:$0x3F99];
	s0 =	simm.s32 @p0 $0x1  }
0x13: {  	[smem:$0x3FB4] =	sst s0;
	s0 =	simm.s32 @!p1 $0x0  }
0x14: {  	s2 =	sld [smem:$0x3F98];
	s0 =	simm.s32 @p1 $0x1  }
0x15: {  	[smem:$0x3FB5] =	sst s0;
	s0 =	simm.s32 @!p2 $0x0  }
0x16: {  	s3 =	sld [smem:$0x3FDB];
	s0 =	simm.s32 @p2 $0x1  }
0x17: {  	s4 =	simm.s32 $0x1BF5;
	[smem:$0x3FB7] =	sst s0  }
0x18: {  	s0 =	sld [smem:$0x3F9A];
	_ =	swait.ge [sflag:s4], $0x0  }
0x19: {  	s7 =	sld [smem:$0x3F9B]  }
0x1a: {  	s8 =	sadd.s32 $0xFFFFE003, lr  }
0x1b: {  	s9 =	sadd.s32 $0xFFFFFEF7, lr;
	s5 =	simm.s32 $0xFFFFFFFF;
	p2 =	slt.u32 s8, $0xFFFFF086  }
0x1c: {  	p1 =	slt.u32 s9, $0xF7A;
	s5 =	simm.s32 @!p2 $0x0  }
0x1d: {  	s5 =	simm.s32 @p1 $0x1;
	p0 =	seq.s32 s7, s2  }
0x1e: {  	s7 =	smul.u32 @!p0 $0xF7A, s2;
	p2 =	seq.s32 @!p0 s5, $0x0  }
0x1f: {  	s9 =	smul.u32 $0xF7A, s1;
	s8 =	simm.s32 @!p0 $0x1BF5;
	p2 =	por !p2, p0  }
0x20: {  	[sflag:s8] =	ssyncset.s32 @!p0 $0xFFFFF086;
	s6 =	sadd.s32 @!p0 s3, s7;
	s7 =	simm.s32 @!p0 $0x108  }
0x21: {  	s3 =	sadd.s32 s3, s9;
	s6 =	sadd.s32 @!p0 $0x88, s6;
	s7 =	simm.s32 @p2 $0x1082  }
0x22: {  	[simem:s7], [sflag:s8] =	dma.local @!p0 [hbm:s6], $0xF7A  }
0x23: {  	s9 =	sor.u32 $0xD0000000, s2;
	s6 =	simm.s32 $0x108;
	_ =	swait.ge @!p0 [sflag:s8], $0x0  }
0x24: {  	s3 =	sadd.s32 $0x88, s3;
	s6 =	simm.s32 @!p1 $0x1082;
	[sflag:s4] =	ssyncset.s32 $0xFFFFF086  }
0x25: {  	[simem:s6], [sflag:s4] =	dma.local [hbm:s3], $0xF7A  }
0x26: {  	[smem:$0x3F9B] =	sst s1;
	(tag) =	ssettag s2;
	_ =	strace s9  }
0x27: {  	s1 =	sld [smem:$0x3FAB]  }
0x28: {  	s2 =	sld [smem:$0x3FAC]  }
0x29: {  	s4 =	sld [smem:$0x3FAE]  }
0x2a: {  	p0 =	seq.s32 s5, $0x0;
	s5 =	sld [smem:$0x3FAF]  }
0x2b: {  	s6 =	sld [smem:$0x3FB0]  }
0x2c: {  	s7 =	sld [smem:$0x3FB1]  }
0x2d: {  	s3 =	simm.s32 $0x108;
	s8 =	sld [smem:$0x3FB2]  }
0x2e: {  	s3 =	simm.s32 @!p0 $0x1082;
	s9 =	sld [smem:$0x3FB3]  }
0x2f: {  	lr =	sadd.s32 s0, s3;
	s0 =	sld [smem:$0x3FAA]  }
0x30: {  	s3 =	sld [smem:$0x3FAD]  }
0x31: {  	[smem:$0x3FB6] =	sst s10  }
0x32: {  	s10 =	sld [smem:$0x3FB4];
	_ =	sdelay $0x3  }
0x33: {  	p0 =	seq.s32 s10, $0x1;
	s10 =	sld [smem:$0x3FB6];
	_ =	sdelay $0x3  }
0x34: {  	[smem:$0x3FB6] =	sst s10  }
0x35: {  	s10 =	sld [smem:$0x3FB5];
	_ =	sdelay $0x3  }
0x36: {  	p1 =	seq.s32 s10, $0x1;
	s10 =	sld [smem:$0x3FB6];
	_ =	sdelay $0x3  }
0x37: {  	[smem:$0x3FB6] =	sst s10  }
0x38: {  	s10 =	sld [smem:$0x3FB7]  }
0x39: {  	_ = 	snop;
	(pc) =	sbr.ind lr, $3  }
0x3a: {  	_ = 	snop  }
0x3b: {  	_ = 	snop  }
0x3c: {  	p2 =	seq.s32 s10, $0x1;
	s10 =	sld [smem:$0x3FB6]  }
0x3d: {  	_ =	shalt  }
0x3e: {  	_ =	shalt  }
0x3f: {  	_ =	shalt  }
0x40: {  	_ =	shalt  }
0x41: {  	_ =	shalt  }
0x42: {  	_ =	shalt  }
0x43: {  	_ =	shalt  }
0x44: {  	_ =	shalt  }
0x45: {  	_ =	shalt  }
0x46: {  	_ =	shalt  }
0x47: {  	_ =	shalt  }
0x48: {  	_ =	shalt  }
0x49: {  	_ =	shalt  }
0x4a: {  	_ =	shalt  }
0x4b: {  	_ =	shalt  }
0x4c: {  	_ =	shalt  }
0x4d: {  	_ =	shalt  }
0x4e: {  	_ =	shalt  }
0x4f: {  	_ =	shalt  }
0x50: {  	_ =	shalt  }
0x51: {  	_ =	shalt  }
0x52: {  	_ =	shalt  }
0x53: {  	_ =	shalt  }
0x54: {  	_ =	shalt  }
0x55: {  	_ =	shalt  }
0x56: {  	_ =	shalt  }
0x57: {  	_ =	shalt  }
0x58: {  	_ =	shalt  }
0x59: {  	_ =	shalt  }
0x5a: {  	_ =	shalt  }
0x5b: {  	_ =	shalt  }
0x5c: {  	_ =	shalt  }
0x5d: {  	_ =	shalt  }
0x5e: {  	_ =	shalt  }
0x5f: {  	_ =	shalt  }
0x60: {  	_ =	shalt  }
0x61: {  	_ =	shalt  }
0x62: {  	_ =	shalt  }
0x63: {  	_ =	shalt  }
0x64: {  	_ =	shalt  }
0x65: {  	_ =	shalt  }
0x66: {  	_ =	shalt  }
0x67: {  	_ =	shalt  }
0x68: {  	_ =	shalt  }
0x69: {  	_ =	shalt  }
0x6a: {  	_ =	shalt  }
0x6b: {  	_ =	shalt  }
0x6c: {  	_ =	shalt  }
0x6d: {  	_ =	shalt  }
0x6e: {  	_ =	shalt  }
0x6f: {  	_ =	shalt  }
0x70: {  	_ =	shalt  }
0x71: {  	_ =	shalt  }
0x72: {  	_ =	shalt  }
0x73: {  	_ =	shalt  }
0x74: {  	_ =	shalt  }
0x75: {  	_ =	shalt  }
0x76: {  	_ =	shalt  }
0x77: {  	_ =	shalt  }
0x78: {  	_ =	shalt  }
0x79: {  	_ =	shalt  }
0x7a: {  	_ =	shalt  }
0x7b: {  	_ =	shalt  }
0x7c: {  	_ =	shalt  }
0x7d: {  	_ =	shalt  }
0x7e: {  	_ =	shalt  }
0x7f: {  	_ =	shalt  }
0x80: {  	_ =	shalt  }
0x81: {  	_ =	shalt  }
0x82: {  	_ =	shalt  }
0x83: {  	_ =	shalt  }
0x84: {  	_ =	shalt  }
0x85: {  	_ =	shalt  }
0x86: {  	_ =	shalt  }
0x87: {  	_ =	shalt  }
.Lfunc_end0:
.L_simem_size_0:
called_computation.1_lowered:
.L_overlay_start_0:
0x88: {  	s2 =	sld [smem:$0x3FD9]  }
0x89: {  	s3 =	sld [smem:$0x3FFE];
	_ =	sdelay $0x1  }
0x8a: {  	s1 =	srdreg.scid  }
0x8b: {  	s0 =	sand.u32 $0x1, s1  }
0x8c: {  	s17 =	sshll.u32 s0, $0xA;
	s2 =	sadd.s32 s3, s2  }
0x8d: {  	s2 =	sadd.s32 s2, s17  }
0x8e: {  	[smem:$0x3FC2] =	sst s2  }
0x8f: {  	_ = 	snop  }
0x90: {  	s2 =	sld [smem:$0x3FD0];
	(tm) =	ssettm $0x1  }
0x91: {  	s18 =	sld [smem:$0x3FFB];
	_ =	sdelay $0x3  }
0x92: {  	_ =	strace s18  }
0x93: {  	s3 =	sld [smem:$0x3FFC];
	_ =	sdelay $0x3  }
0x94: {  	_ =	strace s3  }
0x95: {  	s3 =	sld [smem:$0x3FFD];
	_ =	sdelay $0x3  }
0x96: {  	_ =	strace s3  }
0x97: {  	_ =	strace $0x8FFFFFFF  }
0x98: {  	s19 =	sld [smem:$0x3FDB];
	_ =	sdelay $0x1  }
0x99: {  	s4 =	simm.s32 $_scs_section_size  }
0x9a: {  	s5 =	simm.s32 $_size__tile_overlayer_lowered;
	s6 =	simm.s32 $_tile_overlayer_lowered  }
0x9b: {  	s22 =	simm.s32 $0x1BFF;
	s21 =	sshll.u32 s6, $0x1;
	s3 =	sadd.s32 s4, s19  }
0x9c: {  	s7 =	simm.s32 $0x0;
	s20 =	sshll.u32 s5, $0x1;
	s5 =	sadd.s32 s21, s3  }
0x9d: {  	[timem:s7], [sflag:s22] =	dma.local [hbm:s5], s20  }
0x9e: {  	_ =	swait.ge [sflag:s22], s20  }
0x9f: {  	s4 =	ssub.s32 $0x0, s20;
	[sflag:s22] =	ssyncset.done $0x0  }
0xa0: {  	[sflag:s22] =	ssyncadd.s32 s4;
	_ =	sdelay $0x1  }
0xa1: {  	s23 =	simm.s32 $0x1B8B  }
0xa2: {  	_ =	swait.ge [sflag:s23], $0x1  }
0xa3: {  	[sflag:s23] =	ssyncset.done $0x0  }
0xa4: {  	s25 =	simm.s32 $0x1B8E;
	s24 =	sld [smem:$0x3FFE];
	[sflag:s23] =	ssyncadd.s32 $0xFFFFFFFF  }
0xa5: {  	s26 =	simm.s32 $execute0_lowered;
	[smem:$0x3FD2] =	sst s25  }
0xa6: {  	s5 =	sshll.u32 s26, $0x1;
	_ =	strace $0x80000049;
	[dreg:$0x1] =	wrdreg $0xFFFFFFFF  }
0xa7: {  	s28 =	simm.s32 $_size_execute0_lowered;
	s3 =	sadd.s32 s3, s5;
	[dreg:$0x0] =	wrdreg $0x0  }
0xa8: {  	s5 =	sshll.u32 s28, $0x1;
	[dreg:$0x2] =	wrdreg s3  }
0xa9: {  	[dreg:$0x3] =	wrdreg s5  }
0xaa: {  	[dreg:$0x4] =	wrdreg $0xC0  }
0xab: {  	_ =	task [dreg:s7], $0x5FFFF  }
0xac: {  	[dreg:$0x1] =	wrdreg $0xFFFFFFFF  }
0xad: {  	[dreg:$0x0] =	wrdreg $0x60  }
0xae: {  	[dreg:$0x2] =	wrdreg s24  }
0xaf: {  	[dreg:$0x3] =	wrdreg s2  }
0xb0: {  	[dreg:$0x4] =	wrdreg $0x90000  }
0xb1: {  	[dreg:$0x5] =	wrdreg $0x12C400  }
0xb2: {  	[dreg:$0x6] =	wrdreg $0x9  }
0xb3: {  	_ =	task.clear_ibuf [dreg:s7], $0x7FFFF;
	_ =	strace $0x90000049  }
0xb4: {  	s29 =	simm.s32 $0x9;
	_ =	strace $0x8000004E  }
0xb5: {  	_ =	swait.ge [sflag:s29], $0x1  }
0xb6: {  	[sflag:s29] =	ssyncadd.s32 $0xFFFFFFFF  }
0xb7: {  	_ =	strace $0x9000004E  }
0xb8: {  	_ =	sfence  }
0xb9: {  	s30 =	sld [smem:$0x0];
	_ =	sdelay $0x2  }
0xba: {  	s31 =	sshll.u32 s1, $0xD;
	s1 =	sshrl.u32 s1, $0x2  }
0xbb: {  	s3 =	sand.u32 $0x4000, s31;
	s1 =	sadd.s32 s1, s30  }
0xbc: {  	s0 =	sor.u32 s3, s0;
	s1 =	sshll.u32 s1, $0x11  }
0xbd: {  	s0 =	sor.u32 s1, s0  }
0xbe: {  	s0 =	sadd.s32 $0x8F2B, s0  }
0xbf: {  	[sflag:s0] =	ssyncadd.remote.s32 $0x1  }
0xc0: {  	_ =	sfence.sel $0xFFFF  }
0xc1: {  	[dreg:$0x0] =	wrdreg $0xFFFFFFFF;
	(pc) =	sbr.abs _section_cstart, $3  }
0xc2: {  	[dreg:$0x1] =	wrdreg $0xFFFFFFFF  }
0xc3: {  	_ =	task.clear_ibuf [dreg:s7], $0x2FFFF;
	_ =	strace $0x9FFFFFFF  }
0xc4: {  	(tm) =	ssettm $0x7FFFFFFF  }
0xc5: {  	_ =	shalt  }
tec
execute0_lowered:
.L_overlay_start_1:
0x0: {  	(tag) =	ssettag $0x1  }
0x1: {  	s0 =	rddreg [dreg:$0x0]  }
0x2: {  	s1 =	rddreg [dreg:$0x1]  }
0x3: {  	s3 =	rddreg [dreg:$0x2]  }
0x4: {  	s4 =	rddreg [dreg:$0x3];
	s12 =	stileid.u32  }
0x5: {  	s2 =	simm.s32 $0x0;
	s5 =	srdreg.scid;
	s7 =	smul.u32 $0xA00, s12  }
0x6: {  	[smem:$0x7FF] =	sst s2;
	s6 =	sadd.s32 $0x3E400, s0;
	s10 =	smul.u32 $0x2710, s12  }
0x7: {  	s11 =	sand.u32 $0x1, s5;
	s20 =	sadd.s32 $0x3E800, s0;
	s19 =	smul.u32 $0x28000, s12  }
0x8: {  	s22 =	smul.u32 $0x271, s12;
	_ =	strace $0x8000004A;
	[dreg:$0x9] =	wrdreg s6  }
0x9: {  	s5 =	sshll.u32 s11, $0x3;
	s8 =	ssub.s32 $0x2, s11;
	[dreg:$0x8] =	wrdreg s11  }
0xa: {  	p0 =	seq.s32 s11, $0x0;
	s2 =	sadd.s32 s7, s0;
	s7 =	smul.u32 $0x9C40, s12  }
0xb: {  	s5 =	sadd.s32 s5, s0;
	s9 =	sshrl.u32 s8, $0x1;
	s6 =	sshrl.u32 s19, $0x2  }
0xc: {  	s13 =	sadd.s32 $0x7D, s22;
	s14 =	sadd.s32 $0xFA, s22;
	s23 =	sadd.s32 $0x177, s22  }
0xd: {  	s19 =	smov.u32 s20;
	s11 =	sadd.s32 $0x1F4, s22;
	s9 =	ssub.s32 s8, s9  }
0xe: {  	s19 =	smov.u32 @p0 s1;
	s1 =	simm.s32 $0xF;
	s30 =	sadd.s32 $0x3080, s2  }
0xf: {  	s25 =	sadd.s32 s10, s5;
	s8 =	sadd.s32 $0x34400, s2;
	[dreg:$0x6] =	wrdreg s30  }
0x10: {  	s5 =	sadd.s32 $0x52200, s5;
	s1 =	simm.s32 @!p0 $0x5;
	[dreg:$0x11] =	wrdreg s8  }
0x11: {  	s16 =	sshll.u32 s13, $0x4;
	s10 =	sadd.s32 s5, s10;
	[dreg:$0x5] =	wrdreg s1  }
0x12: {  	s17 =	sshll.u32 s14, $0x4;
	s26 =	sadd.s32 s5, s16;
	[dreg:$0xb] =	wrdreg s10  }
0x13: {  	s18 =	sshll.u32 s23, $0x4;
	s28 =	sadd.s32 s5, s17;
	[dreg:$0xc] =	wrdreg s26  }
0x14: {  	s24 =	sshll.u32 s11, $0x4;
	s29 =	sadd.s32 s5, s18;
	[dreg:$0xd] =	wrdreg s28  }
0x15: {  	s5 =	sadd.s32 s5, s24;
	[dreg:$0xe] =	wrdreg s29  }
0x16: {  	s21 =	sadd.s32 s7, s3;
	s0 =	smax.u32 s9, $0x1;
	[dreg:$0xf] =	wrdreg s5  }
0x17: {  	s7 =	sshrl.u32 s7, $0x3;
	s18 =	sadd.s32 $0xD000, s25;
	[dreg:$0x13] =	wrdreg s0  }
0x18: {  	s31 =	simm.s32 $0x7000;
	s7 =	sadd.s32 s19, s7;
	[dreg:$0x14] =	wrdreg s18  }
0x19: {  	s12 =	smul.u32 $0x27100, s12;
	s19 =	sshrl.u32 s21, $0x3;
	[dreg:$0xa] =	wrdreg s7  }
0x1a: {  	s13 =	sshll.u32 s13, $0x6;
	s1 =	sadd.s32 s6, s4;
	[dreg:$0x15] =	wrdreg s19  }
0x1b: {  	s14 =	sshll.u32 s14, $0x6;
	s7 =	sadd.s32 $0x34480, s2;
	[dreg:$0x10] =	wrdreg s1  }
0x1c: {  	s5 =	sadd.s32 s13, s4;
	s2 =	sadd.s32 $0x3000, s2;
	[dreg:$0x7] =	wrdreg s7  }
0x1d: {  	s6 =	sadd.s32 s14, s4;
	s22 =	sshrl.u32 s5, $0x3;
	[dreg:$0x12] =	wrdreg s2  }
0x1e: {  	s15 =	sshll.u32 s23, $0x6;
	s23 =	sshrl.u32 s6, $0x3;
	[dreg:$0x17] =	wrdreg s22  }
0x1f: {  	s17 =	sshll.u32 s11, $0x6;
	s26 =	sadd.s32 $0x2000, s1;
	[dreg:$0x18] =	wrdreg s23  }
0x20: {  	s10 =	sshrl.u32 s12, $0x2;
	s28 =	sadd.s32 $0x4000, s1;
	[dreg:$0x1b] =	wrdreg s26  }
0x21: {  	s12 =	sadd.s32 s10, s4;
	s29 =	sadd.s32 $0x6000, s1;
	[dreg:$0x1c] =	wrdreg s28  }
0x22: {  	s10 =	sadd.s32 s17, s4;
	s30 =	sadd.s32 $0x8000, s1;
	[dreg:$0x1d] =	wrdreg s29  }
0x23: {  	s5 =	simm.s32 $0x8;
	s21 =	sshrl.u32 s12, $0x3;
	[dreg:$0x1e] =	wrdreg s30  }
0x24: {  	s7 =	sadd.s32 s15, s4;
	s25 =	sshrl.u32 s10, $0x3;
	[dreg:$0x16] =	wrdreg s21  }
0x25: {  	s6 =	simm.s32 $0x10;
	s24 =	sshrl.u32 s7, $0x3;
	[dreg:$0x1a] =	wrdreg s25  }
0x26: {  	s1 =	simm.s32 $0x0;
	s7 =	simm.s32 $0x9;
	[dreg:$0x19] =	wrdreg s24  }
.LBB2_1:
0x27: {  	[dreg:$0x1f] =	wrdreg s1  }
0x28: {  	s0 =	stileid.u32;
	_ =	strace $0x8000004B  }
0x29: {  	s0 =	sshll.u32 s0, $0x6;
	s13 =	rddreg [dreg:$0x14]  }
0x2a: {  	s11 =	simm.s32 $0x1;
	s12 =	sor.u32 $0x1C09, s0;
	s2 =	rddreg [dreg:$0x15]  }
0x2b: {  	[spmem:s2@s5], [sflag:s12] =	dma.strided [hbm:s13@s6], $0x1388, s11, $0x8   }
0x2c: {  	_ =	swait.ge [sflag:s7], $0x1388  }
0x2d: {  	[sflag:s7] =	ssyncset.done $0x0;
	s14 =	rddreg [dreg:$0xa]  }
0x2e: {  	[smem:$0x7FD] =	sst s12;
	[sflag:s7] =	ssyncadd.s32 $0xFFFFEC78  }
0x2f: {  	[hbm:s14], [sflag:s12] =	dma.local [spmem:s2], $0x1388  }
0x30: {  	_ =	swait.ge [sflag:s7], $0x1388  }
0x31: {  	s15 =	simm.s32 $0x0;
	[sflag:s7] =	ssyncset.done $0x0  }
0x32: {  	s17 =	simm.s32 $0x1000;
	s16 =	rddreg [dreg:$0x9];
	[sflag:s7] =	ssyncadd.s32 $0xFFFFEC78  }
0x33: {  	[tilespmem:s17], [sflag:$0x9] =	stream.linear.gather [hbm4b:s16+s15], $0x2000, $0x200038;
	[tilespmem:$0x1CC40] =	vst v63  }
0x34: {  	_ =	swait.ge [sflag:s7], $0x2000  }
0x35: {  	[sflag:s7] =	ssyncset.done $0x0  }
0x36: {  	s18 =	rddreg [dreg:$0x10];
	[sflag:s7] =	ssyncadd.s32 $0xFFFFE000  }
0x37: {  	[spmem:s18] =	stream.linear.scatter [tilespmem:s17], [sflag:$0x9], $0x2000, $0x200038;
	[tilespmem:$0x1CC40] =	vst v63  }
0x38: {  	_ =	swait.ge [sflag:s7], $0x2000  }
0x39: {  	[sflag:s7] =	ssyncset.done $0x0  }
0x3a: {  	s19 =	rddreg [dreg:$0x1b];
	[sflag:s7] =	ssyncadd.s32 $0xFFFFE000  }
0x3b: {  	[spmem:s19] =	stream.linear.scatter [tilespmem:s17], [sflag:$0x9], $0x2000, $0x200038;
	[tilespmem:$0x1CC40] =	vst v63  }
0x3c: {  	_ =	swait.ge [sflag:s7], $0x2000  }
0x3d: {  	[sflag:s7] =	ssyncset.done $0x0  }
0x3e: {  	s21 =	rddreg [dreg:$0x1c];
	[sflag:s7] =	ssyncadd.s32 $0xFFFFE000  }
0x3f: {  	[spmem:s21] =	stream.linear.scatter [tilespmem:s17], [sflag:$0x9], $0x2000, $0x200038;
	[tilespmem:$0x1CC40] =	vst v63  }
0x40: {  	_ =	swait.ge [sflag:s7], $0x2000  }
0x41: {  	[sflag:s7] =	ssyncset.done $0x0  }
0x42: {  	s22 =	rddreg [dreg:$0x1d];
	[sflag:s7] =	ssyncadd.s32 $0xFFFFE000  }
0x43: {  	[spmem:s22] =	stream.linear.scatter [tilespmem:s17], [sflag:$0x9], $0x2000, $0x200038;
	[tilespmem:$0x1CC40] =	vst v63  }
0x44: {  	_ =	swait.ge [sflag:s7], $0x2000  }
0x45: {  	[sflag:s7] =	ssyncset.done $0x0  }
0x46: {  	s23 =	rddreg [dreg:$0x1e];
	[sflag:s7] =	ssyncadd.s32 $0xFFFFE000  }
0x47: {  	[spmem:s23] =	stream.linear.scatter [tilespmem:s17], [sflag:$0x9], $0x2000, $0x200038;
	[tilespmem:$0x1CC40] =	vst v63  }
0x48: {  	_ =	swait.ge [sflag:s7], $0x2000  }
0x49: {  	[sflag:s7] =	ssyncset.done $0x0  }
0x4a: {  	s24 =	rddreg [dreg:$0x11];
	[sflag:s7] =	ssyncadd.s32 $0xFFFFE000  }
0x4b: {  	[tilespmem:s15], [sflag:$0x9] =	stream.linear.gather [hbm4b:s24+s15], $0x400, $0x200038;
	[tilespmem:$0x1CC40] =	vst v63  }
0x4c: {  	_ =	swait.ge [sflag:s7], $0x400  }
0x4d: {  	[sflag:s7] =	ssyncset.done $0x0  }
0x4e: {  	s26 =	simm.s32 $0x800;
	s25 =	rddreg [dreg:$0x12];
	[sflag:s7] =	ssyncadd.s32 $0xFFFFFC00  }
0x4f: {  	[tilespmem:s26], [sflag:$0x9] =	stream.linear.gather [hbm4b:s25+s15], $0x400, $0x200038;
	[tilespmem:$0x1CC40] =	vst v63  }
0x50: {  	_ =	swait.ge [sflag:s7], $0x400  }
0x51: {  	[sflag:s7] =	ssyncset.done $0x0  }
0x52: {  	[sflag:s7] =	ssyncadd.s32 $0xFFFFFC00  }
0x53: {  	[bflag:$0x0] =	sbarrier.arrive $0xFFFF  }
0x54: {  	p3 =	por $0x1, $0x1;
	_ =	strace $0x9000004B  }
0x55: {  	s0 =	simm.s32 @!p3 $0x5;
	_ =	strace $0x8000004C  }
0x56: {  	s14 =	sand.u32 $0x1, s15;
	_ =	swait.ge @!p3 [sflag:s0], $0x2000  }
0x57: {  	s6 =	simm.s32 @!p3 $0x6;
	s21 =	sshll.u32 s14, $0xA;
	s29 =	rddreg [dreg:$0x5]  }
0x58: {  	[sflag:s0] =	ssyncset.done @!p3 $0x0;
	s2 =	rddreg [dreg:$0x8];
	p1 =	sle.u32 s29, $0x0  }
0x59: {  	[sflag:s0] =	ssyncadd.s32 @!p3 $0xFFFFE000;
	s7 =	simm.s32 @p1 $0x80;
	p0 =	sne.s32 @!p1 s2, $0x0  }
0x5a: {  	s19 =	simm.s32 @p1 $0x1000;
	s4 =	rddreg [dreg:$0x2];
	p2 =	por !p0, p1  }
0x5b: {  	[tilespmem:s19], [sflag:$0x1] =	stream.indirect.gather @p1 [spmem:s4], $0x40, s21, s7, $0x2000b8;
	[tilespmem:$0x1CC40] =	vst v63  }
0x5c: {  	p0 =	por p0, p1;
	s2 =	simm.s32 @!p2 $0x80;
	s12 =	simm.s32 @!p2 $0x1000  }
0x5d: {  	[tilespmem:s12], [sflag:$0x1] =	stream.indirect.gather @!p2 [hbm4b:s20+s2], $0x40, s21, s2, $0x2000b8;
	[tilespmem:$0x1CC40] =	vst v63  }
0x5e: {  	s3 =	rddreg [dreg:$0x1];
	s0 =	simm.s32 @!p0 $0x80;
	s5 =	simm.s32 @!p0 $0x1000  }
0x5f: {  	[tilespmem:s5], [sflag:$0x1] =	stream.indirect.gather @!p0 [hbm4b:s3+s0], $0x40, s21, s0, $0x2000b8;
	[tilespmem:$0x1CC40] =	vst v63  }
0x60: {  	_ =	swait.ge @!p3 [sflag:s6], $0x2000  }
0x61: {  	[sflag:s6] =	ssyncset.done @!p3 $0x0  }
0x62: {  	s9 =	sadd.s32 $0x80, s21;
	s22 =	simm.s32 @p1 $0x3000;
	[sflag:s6] =	ssyncadd.s32 @!p3 $0xFFFFE000  }
0x63: {  	[tilespmem:s22], [sflag:$0x2] =	stream.indirect.gather @p1 [spmem:s4], $0x40, s9, s7, $0x2000b8;
	[tilespmem:$0x1CC40] =	vst v63  }
0x64: {  	s8 =	simm.s32 @!p2 $0x3000  }
0x65: {  	[tilespmem:s8], [sflag:$0x2] =	stream.indirect.gather @!p2 [hbm4b:s20+s2], $0x40, s9, s2, $0x2000b8;
	[tilespmem:$0x1CC40] =	vst v63  }
0x66: {  	s1 =	simm.s32 @!p3 $0x7;
	s6 =	simm.s32 @!p0 $0x3000  }
0x67: {  	[tilespmem:s6], [sflag:$0x2] =	stream.indirect.gather @!p0 [hbm4b:s3+s0], $0x40, s9, s0, $0x2000b8;
	[tilespmem:$0x1CC40] =	vst v63  }
0x68: {  	_ =	swait.ge @!p3 [sflag:s1], $0x2000  }
0x69: {  	[sflag:s1] =	ssyncset.done @!p3 $0x0  }
0x6a: {  	s24 =	sadd.s32 $0x100, s21;
	s23 =	simm.s32 @p1 $0x5000;
	[sflag:s1] =	ssyncadd.s32 @!p3 $0xFFFFE000  }
0x6b: {  	[tilespmem:s23], [sflag:$0x3] =	stream.indirect.gather @p1 [spmem:s4], $0x40, s24, s7, $0x2000b8;
	[tilespmem:$0x1CC40] =	vst v63  }
0x6c: {  	s15 =	simm.s32 @!p2 $0x5000  }
0x6d: {  	[tilespmem:s15], [sflag:$0x3] =	stream.indirect.gather @!p2 [hbm4b:s20+s2], $0x40, s24, s2, $0x2000b8;
	[tilespmem:$0x1CC40] =	vst v63  }
0x6e: {  	s25 =	simm.s32 @!p3 $0x8;
	s9 =	simm.s32 @!p0 $0x5000  }
0x6f: {  	[tilespmem:s9], [sflag:$0x3] =	stream.indirect.gather @!p0 [hbm4b:s3+s0], $0x40, s24, s0, $0x2000b8;
	[tilespmem:$0x1CC40] =	vst v63  }
0x70: {  	_ =	swait.ge @!p3 [sflag:s25], $0x2000  }
0x71: {  	[sflag:s25] =	ssyncset.done @!p3 $0x0  }
0x72: {  	s26 =	sadd.s32 $0x180, s21;
	[sflag:s25] =	ssyncadd.s32 @!p3 $0xFFFFE000;
	s25 =	simm.s32 @p1 $0x7000  }
0x73: {  	[tilespmem:s25], [sflag:$0x4] =	stream.indirect.gather @p1 [spmem:s4], $0x40, s26, s7, $0x2000b8;
	[tilespmem:$0x1CC40] =	vst v63  }
0x74: {  	s21 =	simm.s32 @!p2 $0x7000;
	s28 =	rddreg [dreg:$0x7];
	p3 =	por $0x0, $0x0  }
0x75: {  	[tilespmem:s21], [sflag:$0x4] =	stream.indirect.gather @!p2 [hbm4b:s20+s2], $0x40, s26, s2, $0x2000b8;
	[tilespmem:$0x1CC40] =	vst v63  }
0x76: {  	s24 =	sshll.u32 @!p3 s14, $0xA;
	s14 =	simm.s32 @!p0 $0x7000;
	s29 =	simm.s32 @!p3 $0x9  }
0x77: {  	[tilespmem:s14], [sflag:$0x4] =	stream.indirect.gather @!p0 [hbm4b:s3+s0], $0x40, s26, s0, $0x2000b8;
	[tilespmem:$0x1CC40] =	vst v63  }
0x78: {  	s28 =	sadd.s32 @!p3 $0x0, s28;
	s30 =	simm.s32 @!p3 $0x0;
	s26 =	sxor.u32 @!p3 $0x400, s24  }
0x79: {  	[tilespmem:s26], [sflag:$0x9] =	stream.linear.gather @!p3 [hbm4b:s28+s30], $0x400, $0x200038;
	[tilespmem:$0x1CC40] =	vst v63  }
0x7a: {  	_ =	swait.ge @!p3 [sflag:s29], $0x400  }
0x7b: {  	s26 =	rddreg [dreg:$0x6];
	[sflag:s29] =	ssyncset.done @!p3 $0x0  }
0x7c: {  	s28 =	sxor.u32 @!p3 $0xC00, s24;
	[sflag:s29] =	ssyncadd.s32 @!p3 $0xFFFFFC00;
	s26 =	sadd.s32 @!p3 $0x0, s26  }
0x7d: {  	[tilespmem:s28], [sflag:$0x9] =	stream.linear.gather @!p3 [hbm4b:s26+s30], $0x400, $0x200038;
	[tilespmem:$0x1CC40] =	vst v63  }
0x7e: {  	_ =	swait.ge @!p3 [sflag:s29], $0x400  }
0x7f: {  	[sflag:s29] =	ssyncset.done @!p3 $0x0  }
0x80: {  	[sflag:s29] =	ssyncadd.s32 @!p3 $0xFFFFFC00  }
0x81: {  	_ =	swait.ge [sflag:s11], $0x2000  }
0x82: {  	[sflag:s11] =	ssyncset.done $0x0  }
0x83: {  	s13 =	simm.s32 $0x2;
	s24 =	simm.s32 @p3 $0x400;
	[sflag:s11] =	ssyncadd.s32 $0xFFFFE000  }
0x84: {  	s18 =	simm.s32 $0x80;
	s30 =	sor.u32 $0x800, s24;
	s10 =	rddreg [dreg:$0x3]  }
0x85: {  	[spmem:s10] =	stream.indirect.scatter.add.f32 [tilespmem:s17], [sflag:$0x5], $0x40, s30, s18, $0x2000b8;
	[tilespmem:$0x1CC40] =	vst v63  }
0x86: {  	_ =	swait.ge [sflag:s13], $0x2000  }
0x87: {  	[sflag:s13] =	ssyncset.done $0x0  }
0x88: {  	s16 =	simm.s32 $0x3000;
	s1 =	sadd.s32 $0x880, s24;
	[sflag:s13] =	ssyncadd.s32 $0xFFFFE000  }
0x89: {  	[spmem:s10] =	stream.indirect.scatter.add.f32 [tilespmem:s16], [sflag:$0x6], $0x40, s1, s18, $0x2000b8;
	[tilespmem:$0x1CC40] =	vst v63  }
0x8a: {  	s1 =	simm.s32 $0x3  }
0x8b: {  	_ =	swait.ge [sflag:s1], $0x2000  }
0x8c: {  	[sflag:s1] =	ssyncset.done $0x0  }
0x8d: {  	s28 =	simm.s32 $0x5000;
	s29 =	sadd.s32 $0x900, s24;
	[sflag:s1] =	ssyncadd.s32 $0xFFFFE000  }
0x8e: {  	[spmem:s10] =	stream.indirect.scatter.add.f32 [tilespmem:s28], [sflag:$0x7], $0x40, s29, s18, $0x2000b8;
	[tilespmem:$0x1CC40] =	vst v63  }
0x8f: {  	s29 =	simm.s32 $0x4  }
0x90: {  	_ =	swait.ge [sflag:s29], $0x2000  }
0x91: {  	[sflag:s29] =	ssyncset.done $0x0  }
0x92: {  	s30 =	sadd.s32 $0x980, s24;
	[sflag:s29] =	ssyncadd.s32 $0xFFFFE000  }
0x93: {  	[spmem:s10] =	stream.indirect.scatter.add.f32 [tilespmem:s31], [sflag:$0x8], $0x40, s30, s18, $0x2000b8;
	[tilespmem:$0x1CC40] =	vst v63  }
0x94: {  	s31 =	simm.s32 $0x5  }
0x95: {  	_ =	swait.ge [sflag:s31], $0x2000  }
0x96: {  	[sflag:s31] =	ssyncset.done $0x0  }
0x97: {  	s26 =	sadd.s32 $0x200, s24;
	[sflag:s31] =	ssyncadd.s32 $0xFFFFE000  }
0x98: {  	[tilespmem:s19], [sflag:$0x1] =	stream.indirect.gather @p1 [spmem:s4], $0x40, s26, s7, $0x2000b8;
	[tilespmem:$0x1CC40] =	vst v63  }
0x99: {  	s19 =	simm.s32 @p1 $0x6  }
0x9a: {  	_ =	swait.ge @p1 [sflag:s19], $0x2000  }
0x9b: {  	[sflag:s19] =	ssyncset.done @p1 $0x0  }
0x9c: {  	[sflag:s19] =	ssyncadd.s32 @p1 $0xFFFFE000;
	s19 =	sadd.s32 @p1 $0x280, s24  }
0x9d: {  	[tilespmem:s22], [sflag:$0x2] =	stream.indirect.gather @p1 [spmem:s4], $0x40, s19, s7, $0x2000b8;
	[tilespmem:$0x1CC40] =	vst v63  }
0x9e: {  	s19 =	simm.s32 @p1 $0x7  }
0x9f: {  	_ =	swait.ge @p1 [sflag:s19], $0x2000  }
0xa0: {  	[sflag:s19] =	ssyncset.done @p1 $0x0  }
0xa1: {  	[sflag:s19] =	ssyncadd.s32 @p1 $0xFFFFE000;
	s19 =	sadd.s32 @p1 $0x300, s24  }
0xa2: {  	[tilespmem:s23], [sflag:$0x3] =	stream.indirect.gather @p1 [spmem:s4], $0x40, s19, s7, $0x2000b8;
	[tilespmem:$0x1CC40] =	vst v63  }
0xa3: {  	s19 =	simm.s32 @p1 $0x8  }
0xa4: {  	_ =	swait.ge @p1 [sflag:s19], $0x2000  }
0xa5: {  	[sflag:s19] =	ssyncset.done @p1 $0x0  }
0xa6: {  	[sflag:s19] =	ssyncadd.s32 @p1 $0xFFFFE000;
	s19 =	sadd.s32 @p1 $0x380, s24  }
0xa7: {  	[tilespmem:s25], [sflag:$0x4] =	stream.indirect.gather @p1 [spmem:s4], $0x40, s19, s7, $0x2000b8;
	[tilespmem:$0x1CC40] =	vst v63  }
0xa8: {  	s7 =	simm.s32 @!p2 $0x6  }
0xa9: {  	[tilespmem:s12], [sflag:$0x1] =	stream.indirect.gather @!p2 [hbm4b:s20+s2], $0x40, s26, s2, $0x2000b8;
	[tilespmem:$0x1CC40] =	vst v63  }
0xaa: {  	_ =	swait.ge @!p2 [sflag:s7], $0x2000  }
0xab: {  	[sflag:s7] =	ssyncset.done @!p2 $0x0  }
0xac: {  	s12 =	simm.s32 @!p2 $0x7;
	[sflag:s7] =	ssyncadd.s32 @!p2 $0xFFFFE000;
	s7 =	sadd.s32 @!p1 $0x280, s24  }
0xad: {  	[tilespmem:s8], [sflag:$0x2] =	stream.indirect.gather @!p2 [hbm4b:s20+s2], $0x40, s7, s2, $0x2000b8;
	[tilespmem:$0x1CC40] =	vst v63  }
0xae: {  	_ =	swait.ge @!p2 [sflag:s12], $0x2000  }
0xaf: {  	[sflag:s12] =	ssyncset.done @!p2 $0x0  }
0xb0: {  	s4 =	simm.s32 @!p2 $0x8;
	[sflag:s12] =	ssyncadd.s32 @!p2 $0xFFFFE000;
	s12 =	sadd.s32 @!p1 $0x300, s24  }
0xb1: {  	[tilespmem:s15], [sflag:$0x3] =	stream.indirect.gather @!p2 [hbm4b:s20+s2], $0x40, s12, s2, $0x2000b8;
	[tilespmem:$0x1CC40] =	vst v63  }
0xb2: {  	_ =	swait.ge @!p2 [sflag:s4], $0x2000  }
0xb3: {  	[sflag:s4] =	ssyncset.done @!p2 $0x0  }
0xb4: {  	[sflag:s4] =	ssyncadd.s32 @!p2 $0xFFFFE000;
	s4 =	sadd.s32 @!p1 $0x380, s24  }
0xb5: {  	[tilespmem:s21], [sflag:$0x4] =	stream.indirect.gather @!p2 [hbm4b:s20+s2], $0x40, s4, s2, $0x2000b8;
	[tilespmem:$0x1CC40] =	vst v63  }
0xb6: {  	s2 =	simm.s32 @!p0 $0x6  }
0xb7: {  	[tilespmem:s5], [sflag:$0x1] =	stream.indirect.gather @!p0 [hbm4b:s3+s0], $0x40, s26, s0, $0x2000b8;
	[tilespmem:$0x1CC40] =	vst v63  }
0xb8: {  	_ =	swait.ge @!p0 [sflag:s2], $0x2000  }
0xb9: {  	[sflag:s2] =	ssyncset.done @!p0 $0x0  }
0xba: {  	[sflag:s2] =	ssyncadd.s32 @!p0 $0xFFFFE000;
	s2 =	simm.s32 @!p0 $0x7  }
0xbb: {  	[tilespmem:s6], [sflag:$0x2] =	stream.indirect.gather @!p0 [hbm4b:s3+s0], $0x40, s7, s0, $0x2000b8;
	[tilespmem:$0x1CC40] =	vst v63  }
0xbc: {  	_ =	swait.ge @!p0 [sflag:s2], $0x2000  }
0xbd: {  	[sflag:s2] =	ssyncset.done @!p0 $0x0  }
0xbe: {  	[sflag:s2] =	ssyncadd.s32 @!p0 $0xFFFFE000;
	s2 =	simm.s32 @!p0 $0x8  }
0xbf: {  	[tilespmem:s9], [sflag:$0x3] =	stream.indirect.gather @!p0 [hbm4b:s3+s0], $0x40, s12, s0, $0x2000b8;
	[tilespmem:$0x1CC40] =	vst v63  }
0xc0: {  	_ =	swait.ge @!p0 [sflag:s2], $0x2000  }
0xc1: {  	[sflag:s2] =	ssyncset.done @!p0 $0x0  }
0xc2: {  	[sflag:s2] =	ssyncadd.s32 @!p0 $0xFFFFE000  }
0xc3: {  	[tilespmem:s14], [sflag:$0x4] =	stream.indirect.gather @!p0 [hbm4b:s3+s0], $0x40, s4, s0, $0x2000b8;
	[tilespmem:$0x1CC40] =	vst v63  }
0xc4: {  	_ =	swait.ge [sflag:s11], $0x2000  }
0xc5: {  	[sflag:s11] =	ssyncset.done $0x0  }
0xc6: {  	s26 =	sadd.s32 $0xA00, s24;
	[sflag:s11] =	ssyncadd.s32 $0xFFFFE000  }
0xc7: {  	[spmem:s10] =	stream.indirect.scatter.add.f32 [tilespmem:s17], [sflag:$0x5], $0x40, s26, s18, $0x2000b8;
	[tilespmem:$0x1CC40] =	vst v63  }
0xc8: {  	_ =	swait.ge [sflag:s13], $0x2000  }
0xc9: {  	[sflag:s13] =	ssyncset.done $0x0  }
0xca: {  	s30 =	sadd.s32 $0xA80, s24;
	[sflag:s13] =	ssyncadd.s32 $0xFFFFE000  }
0xcb: {  	[spmem:s10] =	stream.indirect.scatter.add.f32 [tilespmem:s16], [sflag:$0x6], $0x40, s30, s18, $0x2000b8;
	[tilespmem:$0x1CC40] =	vst v63  }
0xcc: {  	_ =	swait.ge [sflag:s1], $0x2000  }
0xcd: {  	[sflag:s1] =	ssyncset.done $0x0  }
0xce: {  	s31 =	sadd.s32 $0xB00, s24;
	s25 =	simm.s32 $0x80;
	[sflag:s1] =	ssyncadd.s32 $0xFFFFE000  }
0xcf: {  	[spmem:s10] =	stream.indirect.scatter.add.f32 [tilespmem:s28], [sflag:$0x7], $0x40, s31, s18, $0x2000b8;
	[tilespmem:$0x1CC40] =	vst v63  }
0xd0: {  	s26 =	simm.s32 $0x1;
	s28 =	simm.s32 $0x100;
	_ =	swait.ge [sflag:s29], $0x2000  }
.LBB2_2:
0xd1: {  	s15 =	simm.s32 $0x4  }
0xd2: {  	p5 =	seq.s32 s25, $0x0;
	[sflag:s15] =	ssyncset.done $0x0  }
0xd3: {  	s2 =	sadd.s32 $0xB80, s24;
	s8 =	simm.s32 $0x80;
	[sflag:s15] =	ssyncadd.s32 $0xFFFFE000  }
0xd4: {  	s19 =	simm.s32 $0x7000;
	s0 =	simm.s32 @!p5 $0x5;
	s10 =	rddreg [dreg:$0x3]  }
0xd5: {  	[spmem:s10] =	stream.indirect.scatter.add.f32 [tilespmem:s19], [sflag:$0x8], $0x40, s2, s8, $0x2000b8;
	[tilespmem:$0x1CC40] =	vst v63  }
0xd6: {  	_ =	swait.ge @!p5 [sflag:s0], $0x2000  }
0xd7: {  	s31 =	rddreg [dreg:$0x5]  }
0xd8: {  	s5 =	sand.u32 $0x1, s26;
	[sflag:s0] =	ssyncset.done @!p5 $0x0;
	p2 =	sge.u32 s26, s31  }
0xd9: {  	s2 =	rddreg [dreg:$0x8];
	[sflag:s0] =	ssyncadd.s32 @!p5 $0xFFFFE000;
	s21 =	simm.s32 @p2 $0x80  }
0xda: {  	s23 =	simm.s32 @p2 $0x1000;
	p1 =	sne.s32 @!p2 s2, $0x0;
	s4 =	rddreg [dreg:$0x2]  }
0xdb: {  	s2 =	sshll.u32 s5, $0xA;
	s3 =	rddreg [dreg:$0x1];
	p3 =	por !p1, p2  }
0xdc: {  	[tilespmem:s23], [sflag:$0x1] =	stream.indirect.gather @p2 [spmem:s4], $0x40, s2, s21, $0x2000b8;
	[tilespmem:$0x1CC40] =	vst v63  }
0xdd: {  	p1 =	por p1, p2;
	s30 =	simm.s32 @!p3 $0x80;
	s0 =	simm.s32 @!p3 $0x1000  }
0xde: {  	[tilespmem:s0], [sflag:$0x1] =	stream.indirect.gather @!p3 [hbm4b:s20+s30], $0x40, s2, s30, $0x2000b8;
	[tilespmem:$0x1CC40] =	vst v63  }
0xdf: {  	s29 =	simm.s32 @!p1 $0x80;
	s1 =	simm.s32 @!p1 $0x1000;
	s0 =	simm.s32 @!p5 $0x6  }
0xe0: {  	[tilespmem:s1], [sflag:$0x1] =	stream.indirect.gather @!p1 [hbm4b:s3+s29], $0x40, s2, s29, $0x2000b8;
	[tilespmem:$0x1CC40] =	vst v63  }
0xe1: {  	p4 =	seq.s32 s25, $0x980;
	_ =	swait.ge @!p5 [sflag:s0], $0x2000  }
0xe2: {  	s24 =	sshll.u32 @!p4 s5, $0xA;
	[sflag:s0] =	ssyncset.done @!p5 $0x0  }
0xe3: {  	s7 =	simm.s32 @p2 $0x3000;
	s5 =	sadd.s32 $0x80, s2;
	[sflag:s0] =	ssyncadd.s32 @!p5 $0xFFFFE000  }
0xe4: {  	[tilespmem:s7], [sflag:$0x2] =	stream.indirect.gather @p2 [spmem:s4], $0x40, s5, s21, $0x2000b8;
	[tilespmem:$0x1CC40] =	vst v63  }
0xe5: {  	s0 =	simm.s32 @!p3 $0x3000  }
0xe6: {  	[tilespmem:s0], [sflag:$0x2] =	stream.indirect.gather @!p3 [hbm4b:s20+s30], $0x40, s5, s30, $0x2000b8;
	[tilespmem:$0x1CC40] =	vst v63  }
0xe7: {  	s6 =	simm.s32 @!p5 $0x7;
	s1 =	simm.s32 @!p1 $0x3000  }
0xe8: {  	[tilespmem:s1], [sflag:$0x2] =	stream.indirect.gather @!p1 [hbm4b:s3+s29], $0x40, s5, s29, $0x2000b8;
	[tilespmem:$0x1CC40] =	vst v63  }
0xe9: {  	_ =	swait.ge @!p5 [sflag:s6], $0x2000  }
0xea: {  	[sflag:s6] =	ssyncset.done @!p5 $0x0  }
0xeb: {  	s9 =	simm.s32 @p2 $0x5000;
	[sflag:s6] =	ssyncadd.s32 @!p5 $0xFFFFE000;
	s6 =	sadd.s32 $0x100, s2  }
0xec: {  	[tilespmem:s9], [sflag:$0x3] =	stream.indirect.gather @p2 [spmem:s4], $0x40, s6, s21, $0x2000b8;
	[tilespmem:$0x1CC40] =	vst v63  }
0xed: {  	s22 =	simm.s32 @!p3 $0x5000  }
0xee: {  	[tilespmem:s22], [sflag:$0x3] =	stream.indirect.gather @!p3 [hbm4b:s20+s30], $0x40, s6, s30, $0x2000b8;
	[tilespmem:$0x1CC40] =	vst v63  }
0xef: {  	s14 =	simm.s32 @!p5 $0x8;
	s1 =	simm.s32 @!p1 $0x5000  }
0xf0: {  	[tilespmem:s1], [sflag:$0x3] =	stream.indirect.gather @!p1 [hbm4b:s3+s29], $0x40, s6, s29, $0x2000b8;
	[tilespmem:$0x1CC40] =	vst v63  }
0xf1: {  	_ =	swait.ge @!p5 [sflag:s14], $0x2000  }
0xf2: {  	[sflag:s14] =	ssyncset.done @!p5 $0x0  }
0xf3: {  	s17 =	sadd.s32 $0x180, s2;
	[sflag:s14] =	ssyncadd.s32 @!p5 $0xFFFFE000;
	s14 =	simm.s32 @p2 $0x7000  }
0xf4: {  	[tilespmem:s14], [sflag:$0x4] =	stream.indirect.gather @p2 [spmem:s4], $0x40, s17, s21, $0x2000b8;
	[tilespmem:$0x1CC40] =	vst v63  }
0xf5: {  	s6 =	simm.s32 @!p3 $0x7000  }
0xf6: {  	[tilespmem:s6], [sflag:$0x4] =	stream.indirect.gather @!p3 [hbm4b:s20+s30], $0x40, s17, s30, $0x2000b8;
	[tilespmem:$0x1CC40] =	vst v63  }
0xf7: {  	s11 =	simm.s32 @!p4 $0x0;
	s5 =	simm.s32 @!p1 $0x7000;
	s18 =	rddreg [dreg:$0x7]  }
0xf8: {  	[tilespmem:s5], [sflag:$0x4] =	stream.indirect.gather @!p1 [hbm4b:s3+s29], $0x40, s17, s29, $0x2000b8;
	[tilespmem:$0x1CC40] =	vst v63  }
0xf9: {  	s31 =	simm.s32 @!p4 $0x9;
	s18 =	sadd.s32 @!p4 s25, s18;
	s17 =	sxor.u32 @!p4 $0x400, s24  }
0xfa: {  	[tilespmem:s17], [sflag:$0x9] =	stream.linear.gather @!p4 [hbm4b:s18+s11], $0x400, $0x200038;
	[tilespmem:$0x1CC40] =	vst v63  }
0xfb: {  	_ =	swait.ge @!p4 [sflag:s31], $0x400  }
0xfc: {  	s17 =	rddreg [dreg:$0x6];
	[sflag:s31] =	ssyncset.done @!p4 $0x0  }
0xfd: {  	s18 =	sxor.u32 @!p4 $0xC00, s24;
	[sflag:s31] =	ssyncadd.s32 @!p4 $0xFFFFFC00;
	s17 =	sadd.s32 @!p4 s25, s17  }
0xfe: {  	[tilespmem:s18], [sflag:$0x9] =	stream.linear.gather @!p4 [hbm4b:s17+s11], $0x400, $0x200038;
	[tilespmem:$0x1CC40] =	vst v63  }
0xff: {  	_ =	swait.ge @!p4 [sflag:s31], $0x400  }
0x100: {  	[sflag:s31] =	ssyncset.done @!p4 $0x0  }
0x101: {  	s18 =	simm.s32 $0x1;
	[sflag:s31] =	ssyncadd.s32 @!p4 $0xFFFFFC00  }
0x102: {  	_ =	swait.ge [sflag:s18], $0x2000  }
0x103: {  	s13 =	simm.s32 $0x2;
	s24 =	simm.s32 @p4 $0x400;
	[sflag:s18] =	ssyncset.done $0x0  }
0x104: {  	s1 =	sor.u32 $0x800, s24;
	s31 =	simm.s32 $0x1000;
	[sflag:s18] =	ssyncadd.s32 $0xFFFFE000  }
0x105: {  	[spmem:s10] =	stream.indirect.scatter.add.f32 [tilespmem:s31], [sflag:$0x5], $0x40, s1, s8, $0x2000b8;
	[tilespmem:$0x1CC40] =	vst v63  }
0x106: {  	_ =	swait.ge [sflag:s13], $0x2000  }
0x107: {  	s16 =	simm.s32 $0x3000;
	[sflag:s13] =	ssyncset.done $0x0  }
0x108: {  	s2 =	sadd.s32 $0x880, s24;
	s1 =	simm.s32 $0x3;
	[sflag:s13] =	ssyncadd.s32 $0xFFFFE000  }
0x109: {  	[spmem:s10] =	stream.indirect.scatter.add.f32 [tilespmem:s16], [sflag:$0x6], $0x40, s2, s8, $0x2000b8;
	[tilespmem:$0x1CC40] =	vst v63  }
0x10a: {  	s12 =	smov.u32 s28;
	_ =	swait.ge [sflag:s1], $0x2000  }
0x10b: {  	s25 =	smov.u32 s12;
	[sflag:s1] =	ssyncset.done $0x0  }
0x10c: {  	s12 =	sadd.s32 $0x900, s24;
	s2 =	simm.s32 $0x5000;
	[sflag:s1] =	ssyncadd.s32 $0xFFFFE000  }
0x10d: {  	[spmem:s10] =	stream.indirect.scatter.add.f32 [tilespmem:s2], [sflag:$0x7], $0x40, s12, s8, $0x2000b8;
	[tilespmem:$0x1CC40] =	vst v63  }
0x10e: {  	_ =	swait.ge [sflag:s15], $0x2000  }
0x10f: {  	[sflag:s15] =	ssyncset.done $0x0  }
0x110: {  	s17 =	sadd.s32 $0x980, s24;
	[sflag:s15] =	ssyncadd.s32 $0xFFFFE000  }
0x111: {  	[spmem:s10] =	stream.indirect.scatter.add.f32 [tilespmem:s19], [sflag:$0x8], $0x40, s17, s8, $0x2000b8;
	[tilespmem:$0x1CC40] =	vst v63  }
0x112: {  	s19 =	simm.s32 $0x5  }
0x113: {  	_ =	swait.ge [sflag:s19], $0x2000  }
0x114: {  	[sflag:s19] =	ssyncset.done $0x0  }
0x115: {  	s11 =	simm.s32 @p2 $0x6;
	s12 =	sadd.s32 $0x200, s24;
	[sflag:s19] =	ssyncadd.s32 $0xFFFFE000  }
0x116: {  	[tilespmem:s23], [sflag:$0x1] =	stream.indirect.gather @p2 [spmem:s4], $0x40, s12, s21, $0x2000b8;
	[tilespmem:$0x1CC40] =	vst v63  }
0x117: {  	_ =	swait.ge @p2 [sflag:s11], $0x2000  }
0x118: {  	[sflag:s11] =	ssyncset.done @p2 $0x0  }
0x119: {  	s17 =	simm.s32 @p2 $0x7;
	[sflag:s11] =	ssyncadd.s32 @p2 $0xFFFFE000;
	s11 =	sadd.s32 @p2 $0x280, s24  }
0x11a: {  	[tilespmem:s7], [sflag:$0x2] =	stream.indirect.gather @p2 [spmem:s4], $0x40, s11, s21, $0x2000b8;
	[tilespmem:$0x1CC40] =	vst v63  }
0x11b: {  	_ =	swait.ge @p2 [sflag:s17], $0x2000  }
0x11c: {  	[sflag:s17] =	ssyncset.done @p2 $0x0  }
0x11d: {  	s7 =	sadd.s32 @p2 $0x300, s24;
	s11 =	simm.s32 @p2 $0x8;
	[sflag:s17] =	ssyncadd.s32 @p2 $0xFFFFE000  }
0x11e: {  	[tilespmem:s9], [sflag:$0x3] =	stream.indirect.gather @p2 [spmem:s4], $0x40, s7, s21, $0x2000b8;
	[tilespmem:$0x1CC40] =	vst v63  }
0x11f: {  	_ =	swait.ge @p2 [sflag:s11], $0x2000  }
0x120: {  	[sflag:s11] =	ssyncset.done @p2 $0x0  }
0x121: {  	s7 =	sadd.s32 @p2 $0x380, s24;
	[sflag:s11] =	ssyncadd.s32 @p2 $0xFFFFE000  }
0x122: {  	[tilespmem:s14], [sflag:$0x4] =	stream.indirect.gather @p2 [spmem:s4], $0x40, s7, s21, $0x2000b8;
	[tilespmem:$0x1CC40] =	vst v63  }
0x123: {  	s7 =	simm.s32 @!p3 $0x6;
	s4 =	simm.s32 @!p3 $0x1000  }
0x124: {  	[tilespmem:s4], [sflag:$0x1] =	stream.indirect.gather @!p3 [hbm4b:s20+s30], $0x40, s12, s30, $0x2000b8;
	[tilespmem:$0x1CC40] =	vst v63  }
0x125: {  	_ =	swait.ge @!p3 [sflag:s7], $0x2000  }
0x126: {  	[sflag:s7] =	ssyncset.done @!p3 $0x0  }
0x127: {  	s9 =	sadd.s32 @!p2 $0x280, s24;
	[sflag:s7] =	ssyncadd.s32 @!p3 $0xFFFFE000;
	s7 =	simm.s32 @!p3 $0x7  }
0x128: {  	[tilespmem:s0], [sflag:$0x2] =	stream.indirect.gather @!p3 [hbm4b:s20+s30], $0x40, s9, s30, $0x2000b8;
	[tilespmem:$0x1CC40] =	vst v63  }
0x129: {  	_ =	swait.ge @!p3 [sflag:s7], $0x2000  }
0x12a: {  	[sflag:s7] =	ssyncset.done @!p3 $0x0  }
0x12b: {  	s0 =	sadd.s32 @!p2 $0x300, s24;
	[sflag:s7] =	ssyncadd.s32 @!p3 $0xFFFFE000;
	s7 =	simm.s32 @!p3 $0x8  }
0x12c: {  	[tilespmem:s22], [sflag:$0x3] =	stream.indirect.gather @!p3 [hbm4b:s20+s30], $0x40, s0, s30, $0x2000b8;
	[tilespmem:$0x1CC40] =	vst v63  }
0x12d: {  	_ =	swait.ge @!p3 [sflag:s7], $0x2000  }
0x12e: {  	[sflag:s7] =	ssyncset.done @!p3 $0x0  }
0x12f: {  	s11 =	sadd.s32 @!p2 $0x380, s24;
	[sflag:s7] =	ssyncadd.s32 @!p3 $0xFFFFE000  }
0x130: {  	[tilespmem:s6], [sflag:$0x4] =	stream.indirect.gather @!p3 [hbm4b:s20+s30], $0x40, s11, s30, $0x2000b8;
	[tilespmem:$0x1CC40] =	vst v63  }
0x131: {  	s4 =	simm.s32 @!p1 $0x1000;
	s6 =	simm.s32 @!p1 $0x6  }
0x132: {  	[tilespmem:s4], [sflag:$0x1] =	stream.indirect.gather @!p1 [hbm4b:s3+s29], $0x40, s12, s29, $0x2000b8;
	[tilespmem:$0x1CC40] =	vst v63  }
0x133: {  	_ =	swait.ge @!p1 [sflag:s6], $0x2000  }
0x134: {  	[sflag:s6] =	ssyncset.done @!p1 $0x0  }
0x135: {  	s4 =	simm.s32 @!p1 $0x3000;
	[sflag:s6] =	ssyncadd.s32 @!p1 $0xFFFFE000;
	s6 =	simm.s32 @!p1 $0x7  }
0x136: {  	[tilespmem:s4], [sflag:$0x2] =	stream.indirect.gather @!p1 [hbm4b:s3+s29], $0x40, s9, s29, $0x2000b8;
	[tilespmem:$0x1CC40] =	vst v63  }
0x137: {  	_ =	swait.ge @!p1 [sflag:s6], $0x2000  }
0x138: {  	[sflag:s6] =	ssyncset.done @!p1 $0x0  }
0x139: {  	s4 =	simm.s32 @!p1 $0x5000;
	[sflag:s6] =	ssyncadd.s32 @!p1 $0xFFFFE000;
	s6 =	simm.s32 @!p1 $0x8  }
0x13a: {  	[tilespmem:s4], [sflag:$0x3] =	stream.indirect.gather @!p1 [hbm4b:s3+s29], $0x40, s0, s29, $0x2000b8;
	[tilespmem:$0x1CC40] =	vst v63  }
0x13b: {  	_ =	swait.ge @!p1 [sflag:s6], $0x2000  }
0x13c: {  	[sflag:s6] =	ssyncset.done @!p1 $0x0  }
0x13d: {  	[sflag:s6] =	ssyncadd.s32 @!p1 $0xFFFFE000  }
0x13e: {  	[tilespmem:s5], [sflag:$0x4] =	stream.indirect.gather @!p1 [hbm4b:s3+s29], $0x40, s11, s29, $0x2000b8;
	[tilespmem:$0x1CC40] =	vst v63  }
0x13f: {  	_ =	swait.ge [sflag:s18], $0x2000  }
0x140: {  	[sflag:s18] =	ssyncset.done $0x0  }
0x141: {  	s29 =	sadd.s32 $0xA00, s24;
	[sflag:s18] =	ssyncadd.s32 $0xFFFFE000  }
0x142: {  	[spmem:s10] =	stream.indirect.scatter.add.f32 [tilespmem:s31], [sflag:$0x5], $0x40, s29, s8, $0x2000b8;
	[tilespmem:$0x1CC40] =	vst v63  }
0x143: {  	_ =	swait.ge [sflag:s13], $0x2000  }
0x144: {  	s28 =	sadd.s32 $0x80, s28;
	[sflag:s13] =	ssyncset.done $0x0  }
0x145: {  	p0 =	sne.s32 s28, $0xA00;
	s30 =	sadd.s32 $0xA80, s24;
	[sflag:s13] =	ssyncadd.s32 $0xFFFFE000  }
0x146: {  	[spmem:s10] =	stream.indirect.scatter.add.f32 [tilespmem:s16], [sflag:$0x6], $0x40, s30, s8, $0x2000b8;
	[tilespmem:$0x1CC40] =	vst v63  }
.Ltmp0:
0x147: {  	_ =	swait.ge [sflag:s1], $0x2000;
	(pc) =	sbr.rel @p0 .LBB2_2-.Ltmp0, $4  }
0x148: {  	[sflag:s1] =	ssyncset.done $0x0  }
0x149: {  	s31 =	sadd.s32 $0xB00, s24;
	[sflag:s1] =	ssyncadd.s32 $0xFFFFE000  }
0x14a: {  	[spmem:s10] =	stream.indirect.scatter.add.f32 [tilespmem:s2], [sflag:$0x7], $0x40, s31, s8, $0x2000b8;
	[tilespmem:$0x1CC40] =	vst v63  }
0x14b: {  	s26 =	sadd.s32 $0x1, s26;
	_ =	swait.ge [sflag:s15], $0x2000  }
0x14c: {  	s15 =	simm.s32 $0x4  }
0x14d: {  	p3 =	seq.s32 s25, $0x0;
	[sflag:s15] =	ssyncset.done $0x0  }
0x14e: {  	s2 =	sadd.s32 $0xB80, s24;
	s8 =	simm.s32 $0x80;
	[sflag:s15] =	ssyncadd.s32 $0xFFFFE000  }
0x14f: {  	s1 =	simm.s32 $0x7000;
	s0 =	simm.s32 @!p3 $0x5;
	s10 =	rddreg [dreg:$0x3]  }
0x150: {  	[spmem:s10] =	stream.indirect.scatter.add.f32 [tilespmem:s1], [sflag:$0x8], $0x40, s2, s8, $0x2000b8;
	[tilespmem:$0x1CC40] =	vst v63  }
0x151: {  	s6 =	sand.u32 $0x1, s26;
	_ =	swait.ge @!p3 [sflag:s0], $0x2000  }
0x152: {  	s11 =	sshll.u32 s6, $0xA;
	s7 =	simm.s32 @!p3 $0x6;
	s28 =	rddreg [dreg:$0x5]  }
0x153: {  	[sflag:s0] =	ssyncset.done @!p3 $0x0;
	s2 =	rddreg [dreg:$0x8];
	p1 =	sge.u32 s26, s28  }
0x154: {  	[sflag:s0] =	ssyncadd.s32 @!p3 $0xFFFFE000;
	s9 =	simm.s32 @p1 $0x80;
	p0 =	sne.s32 @!p1 s2, $0x0  }
0x155: {  	s30 =	simm.s32 @p1 $0x1000;
	s4 =	rddreg [dreg:$0x2];
	p2 =	por !p0, p1  }
0x156: {  	[tilespmem:s30], [sflag:$0x1] =	stream.indirect.gather @p1 [spmem:s4], $0x40, s11, s9, $0x2000b8;
	[tilespmem:$0x1CC40] =	vst v63  }
0x157: {  	p0 =	por p0, p1;
	s2 =	simm.s32 @!p2 $0x80;
	s14 =	simm.s32 @!p2 $0x1000  }
0x158: {  	[tilespmem:s14], [sflag:$0x1] =	stream.indirect.gather @!p2 [hbm4b:s20+s2], $0x40, s11, s2, $0x2000b8;
	[tilespmem:$0x1CC40] =	vst v63  }
0x159: {  	s3 =	rddreg [dreg:$0x1];
	s0 =	simm.s32 @!p0 $0x80;
	s31 =	simm.s32 @!p0 $0x1000  }
0x15a: {  	[tilespmem:s31], [sflag:$0x1] =	stream.indirect.gather @!p0 [hbm4b:s3+s0], $0x40, s11, s0, $0x2000b8;
	[tilespmem:$0x1CC40] =	vst v63  }
0x15b: {  	_ =	swait.ge @!p3 [sflag:s7], $0x2000  }
0x15c: {  	[sflag:s7] =	ssyncset.done @!p3 $0x0  }
0x15d: {  	s12 =	sadd.s32 $0x80, s11;
	s23 =	simm.s32 @p1 $0x3000;
	[sflag:s7] =	ssyncadd.s32 @!p3 $0xFFFFE000  }
0x15e: {  	[tilespmem:s23], [sflag:$0x2] =	stream.indirect.gather @p1 [spmem:s4], $0x40, s12, s9, $0x2000b8;
	[tilespmem:$0x1CC40] =	vst v63  }
0x15f: {  	s19 =	simm.s32 @!p2 $0x3000  }
0x160: {  	[tilespmem:s19], [sflag:$0x2] =	stream.indirect.gather @!p2 [hbm4b:s20+s2], $0x40, s12, s2, $0x2000b8;
	[tilespmem:$0x1CC40] =	vst v63  }
0x161: {  	s1 =	simm.s32 @!p3 $0x7;
	s7 =	simm.s32 @!p0 $0x3000  }
0x162: {  	[tilespmem:s7], [sflag:$0x2] =	stream.indirect.gather @!p0 [hbm4b:s3+s0], $0x40, s12, s0, $0x2000b8;
	[tilespmem:$0x1CC40] =	vst v63  }
0x163: {  	_ =	swait.ge @!p3 [sflag:s1], $0x2000  }
0x164: {  	[sflag:s1] =	ssyncset.done @!p3 $0x0  }
0x165: {  	s24 =	simm.s32 @p1 $0x5000;
	[sflag:s1] =	ssyncadd.s32 @!p3 $0xFFFFE000;
	s1 =	sadd.s32 $0x100, s11  }
0x166: {  	[tilespmem:s24], [sflag:$0x3] =	stream.indirect.gather @p1 [spmem:s4], $0x40, s1, s9, $0x2000b8;
	[tilespmem:$0x1CC40] =	vst v63  }
0x167: {  	s21 =	simm.s32 @!p2 $0x5000  }
0x168: {  	[tilespmem:s21], [sflag:$0x3] =	stream.indirect.gather @!p2 [hbm4b:s20+s2], $0x40, s1, s2, $0x2000b8;
	[tilespmem:$0x1CC40] =	vst v63  }
0x169: {  	s17 =	simm.s32 @!p3 $0x8;
	s12 =	simm.s32 @!p0 $0x5000  }
0x16a: {  	[tilespmem:s12], [sflag:$0x3] =	stream.indirect.gather @!p0 [hbm4b:s3+s0], $0x40, s1, s0, $0x2000b8;
	[tilespmem:$0x1CC40] =	vst v63  }
0x16b: {  	_ =	swait.ge @!p3 [sflag:s17], $0x2000  }
0x16c: {  	[sflag:s17] =	ssyncset.done @!p3 $0x0  }
0x16d: {  	s26 =	simm.s32 @p1 $0x7000;
	s11 =	sadd.s32 $0x180, s11;
	[sflag:s17] =	ssyncadd.s32 @!p3 $0xFFFFE000  }
0x16e: {  	[tilespmem:s26], [sflag:$0x4] =	stream.indirect.gather @p1 [spmem:s4], $0x40, s11, s9, $0x2000b8;
	[tilespmem:$0x1CC40] =	vst v63  }
0x16f: {  	s22 =	simm.s32 @!p2 $0x7000;
	p3 =	seq.s32 s25, $0x980  }
0x170: {  	[tilespmem:s22], [sflag:$0x4] =	stream.indirect.gather @!p2 [hbm4b:s20+s2], $0x40, s11, s2, $0x2000b8;
	[tilespmem:$0x1CC40] =	vst v63  }
0x171: {  	s28 =	simm.s32 @!p0 $0x7000;
	s17 =	rddreg [dreg:$0x7];
	s6 =	sshll.u32 @!p3 s6, $0xA  }
0x172: {  	[tilespmem:s28], [sflag:$0x4] =	stream.indirect.gather @!p0 [hbm4b:s3+s0], $0x40, s11, s0, $0x2000b8;
	[tilespmem:$0x1CC40] =	vst v63  }
0x173: {  	s17 =	sadd.s32 @!p3 s25, s17;
	s18 =	simm.s32 @!p3 $0x0;
	s11 =	sxor.u32 @!p3 $0x400, s6  }
0x174: {  	[tilespmem:s11], [sflag:$0x9] =	stream.linear.gather @!p3 [hbm4b:s17+s18], $0x400, $0x200038;
	[tilespmem:$0x1CC40] =	vst v63  }
0x175: {  	s11 =	simm.s32 @!p3 $0x9  }
0x176: {  	_ =	swait.ge @!p3 [sflag:s11], $0x400  }
0x177: {  	s17 =	rddreg [dreg:$0x6];
	[sflag:s11] =	ssyncset.done @!p3 $0x0  }
0x178: {  	[sflag:s11] =	ssyncadd.s32 @!p3 $0xFFFFFC00;
	s17 =	sadd.s32 @!p3 s25, s17;
	s25 =	sxor.u32 @!p3 $0xC00, s6  }
0x179: {  	[tilespmem:s25], [sflag:$0x9] =	stream.linear.gather @!p3 [hbm4b:s17+s18], $0x400, $0x200038;
	[tilespmem:$0x1CC40] =	vst v63  }
0x17a: {  	_ =	swait.ge @!p3 [sflag:s11], $0x400  }
0x17b: {  	[sflag:s11] =	ssyncset.done @!p3 $0x0  }
0x17c: {  	s18 =	simm.s32 $0x1;
	[sflag:s11] =	ssyncadd.s32 @!p3 $0xFFFFFC00  }
0x17d: {  	_ =	swait.ge [sflag:s18], $0x2000  }
0x17e: {  	s13 =	simm.s32 $0x2;
	s6 =	simm.s32 @p3 $0x400;
	[sflag:s18] =	ssyncset.done $0x0  }
0x17f: {  	s29 =	sor.u32 $0x800, s6;
	s25 =	simm.s32 $0x1000;
	[sflag:s18] =	ssyncadd.s32 $0xFFFFE000  }
0x180: {  	[spmem:s10] =	stream.indirect.scatter.add.f32 [tilespmem:s25], [sflag:$0x5], $0x40, s29, s8, $0x2000b8;
	[tilespmem:$0x1CC40] =	vst v63  }
0x181: {  	_ =	swait.ge [sflag:s13], $0x2000  }
0x182: {  	[sflag:s13] =	ssyncset.done $0x0  }
0x183: {  	s16 =	simm.s32 $0x3000;
	s1 =	sadd.s32 $0x880, s6;
	[sflag:s13] =	ssyncadd.s32 $0xFFFFE000  }
0x184: {  	[spmem:s10] =	stream.indirect.scatter.add.f32 [tilespmem:s16], [sflag:$0x6], $0x40, s1, s8, $0x2000b8;
	[tilespmem:$0x1CC40] =	vst v63  }
0x185: {  	s1 =	simm.s32 $0x3  }
0x186: {  	_ =	swait.ge [sflag:s1], $0x2000  }
0x187: {  	[sflag:s1] =	ssyncset.done $0x0  }
0x188: {  	s17 =	sadd.s32 $0x900, s6;
	s29 =	simm.s32 $0x5000;
	[sflag:s1] =	ssyncadd.s32 $0xFFFFE000  }
0x189: {  	[spmem:s10] =	stream.indirect.scatter.add.f32 [tilespmem:s29], [sflag:$0x7], $0x40, s17, s8, $0x2000b8;
	[tilespmem:$0x1CC40] =	vst v63  }
0x18a: {  	_ =	swait.ge [sflag:s15], $0x2000  }
0x18b: {  	[sflag:s15] =	ssyncset.done $0x0  }
0x18c: {  	s5 =	simm.s32 $0x7000;
	s17 =	sadd.s32 $0x980, s6;
	[sflag:s15] =	ssyncadd.s32 $0xFFFFE000  }
0x18d: {  	[spmem:s10] =	stream.indirect.scatter.add.f32 [tilespmem:s5], [sflag:$0x8], $0x40, s17, s8, $0x2000b8;
	[tilespmem:$0x1CC40] =	vst v63  }
0x18e: {  	s5 =	simm.s32 $0x5  }
0x18f: {  	_ =	swait.ge [sflag:s5], $0x2000  }
0x190: {  	[sflag:s5] =	ssyncset.done $0x0  }
0x191: {  	s11 =	sadd.s32 $0x200, s6;
	s17 =	simm.s32 @p1 $0x6;
	[sflag:s5] =	ssyncadd.s32 $0xFFFFE000  }
0x192: {  	[tilespmem:s30], [sflag:$0x1] =	stream.indirect.gather @p1 [spmem:s4], $0x40, s11, s9, $0x2000b8;
	[tilespmem:$0x1CC40] =	vst v63  }
0x193: {  	_ =	swait.ge @p1 [sflag:s17], $0x2000  }
0x194: {  	[sflag:s17] =	ssyncset.done @p1 $0x0  }
0x195: {  	[sflag:s17] =	ssyncadd.s32 @p1 $0xFFFFE000;
	s17 =	sadd.s32 @p1 $0x280, s6  }
0x196: {  	[tilespmem:s23], [sflag:$0x2] =	stream.indirect.gather @p1 [spmem:s4], $0x40, s17, s9, $0x2000b8;
	[tilespmem:$0x1CC40] =	vst v63  }
0x197: {  	s17 =	simm.s32 @p1 $0x7  }
0x198: {  	_ =	swait.ge @p1 [sflag:s17], $0x2000  }
0x199: {  	[sflag:s17] =	ssyncset.done @p1 $0x0  }
0x19a: {  	[sflag:s17] =	ssyncadd.s32 @p1 $0xFFFFE000;
	s17 =	sadd.s32 @p1 $0x300, s6  }
0x19b: {  	[tilespmem:s24], [sflag:$0x3] =	stream.indirect.gather @p1 [spmem:s4], $0x40, s17, s9, $0x2000b8;
	[tilespmem:$0x1CC40] =	vst v63  }
0x19c: {  	s17 =	simm.s32 @p1 $0x8  }
0x19d: {  	_ =	swait.ge @p1 [sflag:s17], $0x2000  }
0x19e: {  	[sflag:s17] =	ssyncset.done @p1 $0x0  }
0x19f: {  	[sflag:s17] =	ssyncadd.s32 @p1 $0xFFFFE000;
	s17 =	sadd.s32 @p1 $0x380, s6  }
0x1a0: {  	[tilespmem:s26], [sflag:$0x4] =	stream.indirect.gather @p1 [spmem:s4], $0x40, s17, s9, $0x2000b8;
	[tilespmem:$0x1CC40] =	vst v63  }
0x1a1: {  	s9 =	simm.s32 @!p2 $0x6  }
0x1a2: {  	[tilespmem:s14], [sflag:$0x1] =	stream.indirect.gather @!p2 [hbm4b:s20+s2], $0x40, s11, s2, $0x2000b8;
	[tilespmem:$0x1CC40] =	vst v63  }
0x1a3: {  	_ =	swait.ge @!p2 [sflag:s9], $0x2000  }
0x1a4: {  	[sflag:s9] =	ssyncset.done @!p2 $0x0  }
0x1a5: {  	s14 =	simm.s32 @!p2 $0x7;
	[sflag:s9] =	ssyncadd.s32 @!p2 $0xFFFFE000;
	s9 =	sadd.s32 @!p1 $0x280, s6  }
0x1a6: {  	[tilespmem:s19], [sflag:$0x2] =	stream.indirect.gather @!p2 [hbm4b:s20+s2], $0x40, s9, s2, $0x2000b8;
	[tilespmem:$0x1CC40] =	vst v63  }
0x1a7: {  	_ =	swait.ge @!p2 [sflag:s14], $0x2000  }
0x1a8: {  	[sflag:s14] =	ssyncset.done @!p2 $0x0  }
0x1a9: {  	s17 =	simm.s32 @!p2 $0x8;
	[sflag:s14] =	ssyncadd.s32 @!p2 $0xFFFFE000;
	s14 =	sadd.s32 @!p1 $0x300, s6  }
0x1aa: {  	[tilespmem:s21], [sflag:$0x3] =	stream.indirect.gather @!p2 [hbm4b:s20+s2], $0x40, s14, s2, $0x2000b8;
	[tilespmem:$0x1CC40] =	vst v63  }
0x1ab: {  	_ =	swait.ge @!p2 [sflag:s17], $0x2000  }
0x1ac: {  	[sflag:s17] =	ssyncset.done @!p2 $0x0  }
0x1ad: {  	[sflag:s17] =	ssyncadd.s32 @!p2 $0xFFFFE000;
	s17 =	sadd.s32 @!p1 $0x380, s6  }
0x1ae: {  	[tilespmem:s22], [sflag:$0x4] =	stream.indirect.gather @!p2 [hbm4b:s20+s2], $0x40, s17, s2, $0x2000b8;
	[tilespmem:$0x1CC40] =	vst v63  }
0x1af: {  	s2 =	simm.s32 @!p0 $0x6  }
0x1b0: {  	[tilespmem:s31], [sflag:$0x1] =	stream.indirect.gather @!p0 [hbm4b:s3+s0], $0x40, s11, s0, $0x2000b8;
	[tilespmem:$0x1CC40] =	vst v63  }
0x1b1: {  	_ =	swait.ge @!p0 [sflag:s2], $0x2000  }
0x1b2: {  	[sflag:s2] =	ssyncset.done @!p0 $0x0  }
0x1b3: {  	[sflag:s2] =	ssyncadd.s32 @!p0 $0xFFFFE000;
	s2 =	simm.s32 @!p0 $0x7  }
0x1b4: {  	[tilespmem:s7], [sflag:$0x2] =	stream.indirect.gather @!p0 [hbm4b:s3+s0], $0x40, s9, s0, $0x2000b8;
	[tilespmem:$0x1CC40] =	vst v63  }
0x1b5: {  	_ =	swait.ge @!p0 [sflag:s2], $0x2000  }
0x1b6: {  	[sflag:s2] =	ssyncset.done @!p0 $0x0  }
0x1b7: {  	[sflag:s2] =	ssyncadd.s32 @!p0 $0xFFFFE000;
	s2 =	simm.s32 @!p0 $0x8  }
0x1b8: {  	[tilespmem:s12], [sflag:$0x3] =	stream.indirect.gather @!p0 [hbm4b:s3+s0], $0x40, s14, s0, $0x2000b8;
	[tilespmem:$0x1CC40] =	vst v63  }
0x1b9: {  	_ =	swait.ge @!p0 [sflag:s2], $0x2000  }
0x1ba: {  	[sflag:s2] =	ssyncset.done @!p0 $0x0  }
0x1bb: {  	[sflag:s2] =	ssyncadd.s32 @!p0 $0xFFFFE000  }
0x1bc: {  	[tilespmem:s28], [sflag:$0x4] =	stream.indirect.gather @!p0 [hbm4b:s3+s0], $0x40, s17, s0, $0x2000b8;
	[tilespmem:$0x1CC40] =	vst v63  }
0x1bd: {  	_ =	swait.ge [sflag:s18], $0x2000  }
0x1be: {  	[sflag:s18] =	ssyncset.done $0x0  }
0x1bf: {  	s4 =	sadd.s32 $0xA00, s6;
	[sflag:s18] =	ssyncadd.s32 $0xFFFFE000  }
0x1c0: {  	[spmem:s10] =	stream.indirect.scatter.add.f32 [tilespmem:s25], [sflag:$0x5], $0x40, s4, s8, $0x2000b8;
	[tilespmem:$0x1CC40] =	vst v63  }
0x1c1: {  	_ =	swait.ge [sflag:s13], $0x2000  }
0x1c2: {  	[sflag:s13] =	ssyncset.done $0x0  }
0x1c3: {  	s7 =	sadd.s32 $0xA80, s6;
	[sflag:s13] =	ssyncadd.s32 $0xFFFFE000  }
0x1c4: {  	[spmem:s10] =	stream.indirect.scatter.add.f32 [tilespmem:s16], [sflag:$0x6], $0x40, s7, s8, $0x2000b8;
	[tilespmem:$0x1CC40] =	vst v63  }
0x1c5: {  	_ =	swait.ge [sflag:s1], $0x2000  }
0x1c6: {  	[sflag:s1] =	ssyncset.done $0x0  }
0x1c7: {  	s9 =	sadd.s32 $0xB00, s6;
	[sflag:s1] =	ssyncadd.s32 $0xFFFFE000  }
0x1c8: {  	[spmem:s10] =	stream.indirect.scatter.add.f32 [tilespmem:s29], [sflag:$0x7], $0x40, s9, s8, $0x2000b8;
	[tilespmem:$0x1CC40] =	vst v63  }
0x1c9: {  	_ =	swait.ge [sflag:s15], $0x2000  }
0x1ca: {  	[sflag:s15] =	ssyncset.done $0x0  }
0x1cb: {  	s11 =	sadd.s32 $0xB80, s6;
	s12 =	simm.s32 $0x7000;
	[sflag:s15] =	ssyncadd.s32 $0xFFFFE000  }
0x1cc: {  	[spmem:s10] =	stream.indirect.scatter.add.f32 [tilespmem:s12], [sflag:$0x8], $0x40, s11, s8, $0x2000b8;
	[tilespmem:$0x1CC40] =	vst v63  }
0x1cd: {  	_ =	swait.ge [sflag:s5], $0x2000  }
0x1ce: {  	[sflag:s5] =	ssyncset.done $0x0  }
0x1cf: {  	s13 =	simm.s32 $0x6;
	[sflag:s5] =	ssyncadd.s32 $0xFFFFE000  }
0x1d0: {  	_ =	swait.ge [sflag:s13], $0x2000  }
0x1d1: {  	[sflag:s13] =	ssyncset.done $0x0  }
0x1d2: {  	s14 =	simm.s32 $0x7;
	[sflag:s13] =	ssyncadd.s32 $0xFFFFE000  }
0x1d3: {  	_ =	swait.ge [sflag:s14], $0x2000  }
0x1d4: {  	[sflag:s14] =	ssyncset.done $0x0  }
0x1d5: {  	s5 =	simm.s32 $0x8;
	[sflag:s14] =	ssyncadd.s32 $0xFFFFE000  }
0x1d6: {  	_ =	swait.ge [sflag:s5], $0x2000  }
0x1d7: {  	[sflag:s5] =	ssyncset.done $0x0  }
0x1d8: {  	[sflag:s5] =	ssyncadd.s32 $0xFFFFE000  }
0x1d9: {  	[bflag:$0x0] =	sbarrier.arrive $0xFFFF  }
0x1da: {  	_ =	strace $0x9000004C  }
0x1db: {  	_ =	strace $0x8000004D  }
0x1dc: {  	s17 =	sld [smem:$0x7FD]  }
0x1dd: {  	s15 =	rddreg [dreg:$0xb]  }
0x1de: {  	s6 =	simm.s32 $0x10;
	s7 =	simm.s32 $0x9;
	s16 =	rddreg [dreg:$0x16]  }
0x1df: {  	[hbm:s15@s6], [sflag:s17] =	dma.strided [spmem:s16@s5], $0x3E8, s18, $0x8   }
0x1e0: {  	_ =	swait.ge [sflag:s7], $0x3E8  }
0x1e1: {  	[sflag:s7] =	ssyncset.done $0x0;
	s19 =	rddreg [dreg:$0xc]  }
0x1e2: {  	s21 =	rddreg [dreg:$0x17];
	[sflag:s7] =	ssyncadd.s32 $0xFFFFFC18  }
0x1e3: {  	[hbm:s19@s6], [sflag:s17] =	dma.strided [spmem:s21@s5], $0x3E8, s18, $0x8   }
0x1e4: {  	_ =	swait.ge [sflag:s7], $0x3E8  }
0x1e5: {  	[sflag:s7] =	ssyncset.done $0x0;
	s22 =	rddreg [dreg:$0xd]  }
0x1e6: {  	s23 =	rddreg [dreg:$0x18];
	[sflag:s7] =	ssyncadd.s32 $0xFFFFFC18  }
0x1e7: {  	[hbm:s22@s6], [sflag:s17] =	dma.strided [spmem:s23@s5], $0x3E8, s18, $0x8   }
0x1e8: {  	_ =	swait.ge [sflag:s7], $0x3E8  }
0x1e9: {  	[sflag:s7] =	ssyncset.done $0x0;
	s24 =	rddreg [dreg:$0xe]  }
0x1ea: {  	s25 =	rddreg [dreg:$0x19];
	[sflag:s7] =	ssyncadd.s32 $0xFFFFFC18  }
0x1eb: {  	[hbm:s24@s6], [sflag:s17] =	dma.strided [spmem:s25@s5], $0x3E8, s18, $0x8   }
0x1ec: {  	_ =	swait.ge [sflag:s7], $0x3E8  }
0x1ed: {  	[sflag:s7] =	ssyncset.done $0x0;
	s26 =	rddreg [dreg:$0xf]  }
0x1ee: {  	s28 =	rddreg [dreg:$0x1a];
	[sflag:s7] =	ssyncadd.s32 $0xFFFFFC18  }
0x1ef: {  	[hbm:s26@s6], [sflag:s17] =	dma.strided [spmem:s28@s5], $0x3E8, s18, $0x8   }
0x1f0: {  	_ =	swait.ge [sflag:s7], $0x3E8  }
0x1f1: {  	s29 =	rddreg [dreg:$0x1f]  }
0x1f2: {  	s30 =	rddreg [dreg:$0x13];
	s1 =	sadd.s32 $0x1, s29  }
0x1f3: {  	p0 =	sne.s32 s1, s30  }
.Ltmp1:
0x1f4: {  	_ = 	snop;
	(pc) =	sbr.rel @p0 .LBB2_1-.Ltmp1, $4  }
0x1f5: {  	_ = 	snop  }
0x1f6: {  	[sflag:s7] =	ssyncset.done $0x0  }
0x1f7: {  	[sflag:s7] =	ssyncadd.s32 $0xFFFFFC18  }
0x1f8: {  	s31 =	simm.s32 $0x7000;
	_ =	strace $0x9000004D  }
0x1f9: {  	_ =	sfence.sel $0x180000  }
0x1fa: {  	[bflag:$0x0] =	sbarrier.arrive $0xFFFF  }
0x1fb: {  	_ =	strace $0x9000004A  }
0x1fc: {  	s0 =	stileid.u32;
	[bflag:$0x2] =	sbarrier.arrive $0xFFFF  }
0x1fd: {  	p0 =	sne.s32 s0, $0x0;
	s0 =	rddreg [dreg:$0x4]  }
0x1fe: {  	s0 =	sadd.s32 @!p0 $0x100000, s0  }
0x1ff: {  	[sflag:s0] =	ssyncadd.tile.s32 @!p0 $0x1;
	_ =	shalt  }
.Lfunc_end2:
_tile_overlayer_lowered:
.L_overlay_start_2:
0x200: {  	(tag) =	ssettag $0x2  }
0x201: {  	s0 =	rddreg [dreg:$0x0];
	s2 =	stileid.u32  }
0x202: {  	s1 =	rddreg [dreg:$0x1];
	p0 =	sne.s32 s2, $0x0  }
0x203: {  	s3 =	rddreg [dreg:$0x2];
	[bflag:$0x3] =	sbarrier.arrive $0xFFFF;
	s2 =	simm.s32 @!p0 $0x1C09  }
0x204: {  	[timem:s3], [sflag:s2] =	dma.local @!p0 [hbm:s0], s1  }
0x205: {  	s0 =	simm.s32 @!p0 $0x9  }
0x206: {  	_ =	swait.ge @!p0 [sflag:s0], s1  }
0x207: {  	s1 =	ssub.s32 @!p0 $0x0, s1;
	[sflag:s0] =	ssyncset.done @!p0 $0x0  }
0x208: {  	[sflag:s0] =	ssyncadd.s32 @!p0 s1  }
0x209: {  	[bflag:$0x3] =	sbarrier.arrive $0xFFFF  }
0x20a: {  	_ =	shalt  }

// kernel: kernel.15.cloned.1.call-start
scs
__scs_entry_jumppad:
0x0: {  	(pc) =	sbr.rel $0x88, $3  }
0x1: {  	(tag) =	ssettag $0x0;
	lr =	simm.s32 $0x1  }
0x2: {  	[smem:$0x3F9B] =	sst lr;
	_ =	strace $0xD0000000  }
0x3: {  	_ = 	snop  }
0x4: {  	_ = 	snop  }
0x5: {  	_ = 	snop  }
0x6: {  	_ = 	snop  }
0x7: {  	_ = 	snop  }
__scs_overlays_trampoline_lowered:
0x8: {  	[smem:$0x3FAA] =	sst s0  }
0x9: {  	[smem:$0x3FAB] =	sst s1  }
0xa: {  	[smem:$0x3FAC] =	sst s2  }
0xb: {  	[smem:$0x3FAD] =	sst s3  }
0xc: {  	[smem:$0x3FAE] =	sst s4  }
0xd: {  	[smem:$0x3FAF] =	sst s5  }
0xe: {  	[smem:$0x3FB0] =	sst s6  }
0xf: {  	[smem:$0x3FB1] =	sst s7  }
0x10: {  	[smem:$0x3FB2] =	sst s8  }
0x11: {  	[smem:$0x3FB3] =	sst s9;
	s0 =	simm.s32 @!p0 $0x0  }
0x12: {  	s1 =	sld [smem:$0x3F99];
	s0 =	simm.s32 @p0 $0x1  }
0x13: {  	[smem:$0x3FB4] =	sst s0;
	s0 =	simm.s32 @!p1 $0x0  }
0x14: {  	s2 =	sld [smem:$0x3F98];
	s0 =	simm.s32 @p1 $0x1  }
0x15: {  	[smem:$0x3FB5] =	sst s0;
	s0 =	simm.s32 @!p2 $0x0  }
0x16: {  	s3 =	sld [smem:$0x3FDB];
	s0 =	simm.s32 @p2 $0x1  }
0x17: {  	s4 =	simm.s32 $0x1BF5;
	[smem:$0x3FB7] =	sst s0  }
0x18: {  	s0 =	sld [smem:$0x3F9A];
	_ =	swait.ge [sflag:s4], $0x0  }
0x19: {  	s7 =	sld [smem:$0x3F9B]  }
0x1a: {  	s8 =	sadd.s32 $0xFFFFE003, lr  }
0x1b: {  	s9 =	sadd.s32 $0xFFFFFEF7, lr;
	s5 =	simm.s32 $0xFFFFFFFF;
	p2 =	slt.u32 s8, $0xFFFFF086  }
0x1c: {  	p1 =	slt.u32 s9, $0xF7A;
	s5 =	simm.s32 @!p2 $0x0  }
0x1d: {  	s5 =	simm.s32 @p1 $0x1;
	p0 =	seq.s32 s7, s2  }
0x1e: {  	s7 =	smul.u32 @!p0 $0xF7A, s2;
	p2 =	seq.s32 @!p0 s5, $0x0  }
0x1f: {  	s9 =	smul.u32 $0xF7A, s1;
	s8 =	simm.s32 @!p0 $0x1BF5;
	p2 =	por !p2, p0  }
0x20: {  	[sflag:s8] =	ssyncset.s32 @!p0 $0xFFFFF086;
	s6 =	sadd.s32 @!p0 s3, s7;
	s7 =	simm.s32 @!p0 $0x108  }
0x21: {  	s3 =	sadd.s32 s3, s9;
	s6 =	sadd.s32 @!p0 $0x88, s6;
	s7 =	simm.s32 @p2 $0x1082  }
0x22: {  	[simem:s7], [sflag:s8] =	dma.local @!p0 [hbm:s6], $0xF7A  }
0x23: {  	s9 =	sor.u32 $0xD0000000, s2;
	s6 =	simm.s32 $0x108;
	_ =	swait.ge @!p0 [sflag:s8], $0x0  }
0x24: {  	s3 =	sadd.s32 $0x88, s3;
	s6 =	simm.s32 @!p1 $0x1082;
	[sflag:s4] =	ssyncset.s32 $0xFFFFF086  }
0x25: {  	[simem:s6], [sflag:s4] =	dma.local [hbm:s3], $0xF7A  }
0x26: {  	[smem:$0x3F9B] =	sst s1;
	(tag) =	ssettag s2;
	_ =	strace s9  }
0x27: {  	s1 =	sld [smem:$0x3FAB]  }
0x28: {  	s2 =	sld [smem:$0x3FAC]  }
0x29: {  	s4 =	sld [smem:$0x3FAE]  }
0x2a: {  	p0 =	seq.s32 s5, $0x0;
	s5 =	sld [smem:$0x3FAF]  }
0x2b: {  	s6 =	sld [smem:$0x3FB0]  }
0x2c: {  	s7 =	sld [smem:$0x3FB1]  }
0x2d: {  	s3 =	simm.s32 $0x108;
	s8 =	sld [smem:$0x3FB2]  }
0x2e: {  	s3 =	simm.s32 @!p0 $0x1082;
	s9 =	sld [smem:$0x3FB3]  }
0x2f: {  	lr =	sadd.s32 s0, s3;
	s0 =	sld [smem:$0x3FAA]  }
0x30: {  	s3 =	sld [smem:$0x3FAD]  }
0x31: {  	[smem:$0x3FB6] =	sst s10  }
0x32: {  	s10 =	sld [smem:$0x3FB4];
	_ =	sdelay $0x3  }
0x33: {  	p0 =	seq.s32 s10, $0x1;
	s10 =	sld [smem:$0x3FB6];
	_ =	sdelay $0x3  }
0x34: {  	[smem:$0x3FB6] =	sst s10  }
0x35: {  	s10 =	sld [smem:$0x3FB5];
	_ =	sdelay $0x3  }
0x36: {  	p1 =	seq.s32 s10, $0x1;
	s10 =	sld [smem:$0x3FB6];
	_ =	sdelay $0x3  }
0x37: {  	[smem:$0x3FB6] =	sst s10  }
0x38: {  	s10 =	sld [smem:$0x3FB7]  }
0x39: {  	_ = 	snop;
	(pc) =	sbr.ind lr, $3  }
0x3a: {  	_ = 	snop  }
0x3b: {  	_ = 	snop  }
0x3c: {  	p2 =	seq.s32 s10, $0x1;
	s10 =	sld [smem:$0x3FB6]  }
0x3d: {  	_ =	shalt  }
0x3e: {  	_ =	shalt  }
0x3f: {  	_ =	shalt  }
0x40: {  	_ =	shalt  }
0x41: {  	_ =	shalt  }
0x42: {  	_ =	shalt  }
0x43: {  	_ =	shalt  }
0x44: {  	_ =	shalt  }
0x45: {  	_ =	shalt  }
0x46: {  	_ =	shalt  }
0x47: {  	_ =	shalt  }
0x48: {  	_ =	shalt  }
0x49: {  	_ =	shalt  }
0x4a: {  	_ =	shalt  }
0x4b: {  	_ =	shalt  }
0x4c: {  	_ =	shalt  }
0x4d: {  	_ =	shalt  }
0x4e: {  	_ =	shalt  }
0x4f: {  	_ =	shalt  }
0x50: {  	_ =	shalt  }
0x51: {  	_ =	shalt  }
0x52: {  	_ =	shalt  }
0x53: {  	_ =	shalt  }
0x54: {  	_ =	shalt  }
0x55: {  	_ =	shalt  }
0x56: {  	_ =	shalt  }
0x57: {  	_ =	shalt  }
0x58: {  	_ =	shalt  }
0x59: {  	_ =	shalt  }
0x5a: {  	_ =	shalt  }
0x5b: {  	_ =	shalt  }
0x5c: {  	_ =	shalt  }
0x5d: {  	_ =	shalt  }
0x5e: {  	_ =	shalt  }
0x5f: {  	_ =	shalt  }
0x60: {  	_ =	shalt  }
0x61: {  	_ =	shalt  }
0x62: {  	_ =	shalt  }
0x63: {  	_ =	shalt  }
0x64: {  	_ =	shalt  }
0x65: {  	_ =	shalt  }
0x66: {  	_ =	shalt  }
0x67: {  	_ =	shalt  }
0x68: {  	_ =	shalt  }
0x69: {  	_ =	shalt  }
0x6a: {  	_ =	shalt  }
0x6b: {  	_ =	shalt  }
0x6c: {  	_ =	shalt  }
0x6d: {  	_ =	shalt  }
0x6e: {  	_ =	shalt  }
0x6f: {  	_ =	shalt  }
0x70: {  	_ =	shalt  }
0x71: {  	_ =	shalt  }
0x72: {  	_ =	shalt  }
0x73: {  	_ =	shalt  }
0x74: {  	_ =	shalt  }
0x75: {  	_ =	shalt  }
0x76: {  	_ =	shalt  }
0x77: {  	_ =	shalt  }
0x78: {  	_ =	shalt  }
0x79: {  	_ =	shalt  }
0x7a: {  	_ =	shalt  }
0x7b: {  	_ =	shalt  }
0x7c: {  	_ =	shalt  }
0x7d: {  	_ =	shalt  }
0x7e: {  	_ =	shalt  }
0x7f: {  	_ =	shalt  }
0x80: {  	_ =	shalt  }
0x81: {  	_ =	shalt  }
0x82: {  	_ =	shalt  }
0x83: {  	_ =	shalt  }
0x84: {  	_ =	shalt  }
0x85: {  	_ =	shalt  }
0x86: {  	_ =	shalt  }
0x87: {  	_ =	shalt  }
.Lfunc_end0:
.L_simem_size_0:
called_computation.2_lowered:
.L_overlay_start_0:
0x88: {  	s2 =	sld [smem:$0x3FD9]  }
0x89: {  	s3 =	sld [smem:$0x3FFE];
	_ =	sdelay $0x1  }
0x8a: {  	s1 =	srdreg.scid  }
0x8b: {  	s0 =	sand.u32 $0x1, s1  }
0x8c: {  	s17 =	sshll.u32 s0, $0xA;
	s2 =	sadd.s32 s3, s2  }
0x8d: {  	s2 =	sadd.s32 s2, s17  }
0x8e: {  	[smem:$0x3FC2] =	sst s2  }
0x8f: {  	_ = 	snop  }
0x90: {  	s2 =	sld [smem:$0x3FD0];
	(tm) =	ssettm $0x1  }
0x91: {  	s18 =	sld [smem:$0x3FFB];
	_ =	sdelay $0x3  }
0x92: {  	_ =	strace s18  }
0x93: {  	s3 =	sld [smem:$0x3FFC];
	_ =	sdelay $0x3  }
0x94: {  	_ =	strace s3  }
0x95: {  	s3 =	sld [smem:$0x3FFD];
	_ =	sdelay $0x3  }
0x96: {  	_ =	strace s3  }
0x97: {  	_ =	strace $0x8FFFFFFF  }
0x98: {  	s19 =	sld [smem:$0x3FDB];
	_ =	sdelay $0x1  }
0x99: {  	s4 =	simm.s32 $_scs_section_size  }
0x9a: {  	s5 =	simm.s32 $_size__tile_overlayer_lowered;
	s6 =	simm.s32 $_tile_overlayer_lowered  }
0x9b: {  	s22 =	simm.s32 $0x1BFF;
	s21 =	sshll.u32 s6, $0x1;
	s3 =	sadd.s32 s4, s19  }
0x9c: {  	s7 =	simm.s32 $0x0;
	s20 =	sshll.u32 s5, $0x1;
	s5 =	sadd.s32 s21, s3  }
0x9d: {  	[timem:s7], [sflag:s22] =	dma.local [hbm:s5], s20  }
0x9e: {  	_ =	swait.ge [sflag:s22], s20  }
0x9f: {  	s4 =	ssub.s32 $0x0, s20;
	[sflag:s22] =	ssyncset.done $0x0  }
0xa0: {  	[sflag:s22] =	ssyncadd.s32 s4;
	_ =	sdelay $0x1  }
0xa1: {  	s23 =	simm.s32 $0x1B8B  }
0xa2: {  	_ =	swait.ge [sflag:s23], $0x1  }
0xa3: {  	[sflag:s23] =	ssyncset.done $0x0  }
0xa4: {  	s25 =	simm.s32 $0x1B8E;
	s24 =	sld [smem:$0x3FFE];
	[sflag:s23] =	ssyncadd.s32 $0xFFFFFFFF  }
0xa5: {  	s26 =	simm.s32 $execute0_lowered;
	[smem:$0x3FD2] =	sst s25  }
0xa6: {  	s5 =	sshll.u32 s26, $0x1;
	_ =	strace $0x8000004F;
	[dreg:$0x1] =	wrdreg $0xFFFFFFFF  }
0xa7: {  	s28 =	simm.s32 $_size_execute0_lowered;
	s3 =	sadd.s32 s3, s5;
	[dreg:$0x0] =	wrdreg $0x0  }
0xa8: {  	s5 =	sshll.u32 s28, $0x1;
	[dreg:$0x2] =	wrdreg s3  }
0xa9: {  	[dreg:$0x3] =	wrdreg s5  }
0xaa: {  	[dreg:$0x4] =	wrdreg $0xC0  }
0xab: {  	_ =	task [dreg:s7], $0x5FFFF  }
0xac: {  	[dreg:$0x1] =	wrdreg $0xFFFFFFFF  }
0xad: {  	[dreg:$0x0] =	wrdreg $0x60  }
0xae: {  	[dreg:$0x2] =	wrdreg s24  }
0xaf: {  	[dreg:$0x3] =	wrdreg s2  }
0xb0: {  	[dreg:$0x4] =	wrdreg $0x50000  }
0xb1: {  	[dreg:$0x5] =	wrdreg $0x9E200  }
0xb2: {  	[dreg:$0x6] =	wrdreg $0x9  }
0xb3: {  	_ =	task.clear_ibuf [dreg:s7], $0x7FFFF;
	_ =	strace $0x9000004F  }
0xb4: {  	s29 =	simm.s32 $0x9;
	_ =	strace $0x80000054  }
0xb5: {  	_ =	swait.ge [sflag:s29], $0x1  }
0xb6: {  	[sflag:s29] =	ssyncadd.s32 $0xFFFFFFFF  }
0xb7: {  	_ =	strace $0x90000054  }
0xb8: {  	_ =	sfence  }
0xb9: {  	s30 =	sld [smem:$0x0];
	_ =	sdelay $0x2  }
0xba: {  	s31 =	sshll.u32 s1, $0xD;
	s1 =	sshrl.u32 s1, $0x2  }
0xbb: {  	s3 =	sand.u32 $0x4000, s31;
	s1 =	sadd.s32 s1, s30  }
0xbc: {  	s0 =	sor.u32 s3, s0;
	s1 =	sshll.u32 s1, $0x11  }
0xbd: {  	s0 =	sor.u32 s1, s0  }
0xbe: {  	s0 =	sadd.s32 $0x8F2B, s0  }
0xbf: {  	[sflag:s0] =	ssyncadd.remote.s32 $0x1  }
0xc0: {  	_ =	sfence.sel $0xFFFF  }
0xc1: {  	[dreg:$0x0] =	wrdreg $0xFFFFFFFF;
	(pc) =	sbr.abs _section_cstart, $3  }
0xc2: {  	[dreg:$0x1] =	wrdreg $0xFFFFFFFF  }
0xc3: {  	_ =	task.clear_ibuf [dreg:s7], $0x2FFFF;
	_ =	strace $0x9FFFFFFF  }
0xc4: {  	(tm) =	ssettm $0x7FFFFFFF  }
0xc5: {  	_ =	shalt  }
tec
execute0_lowered:
.L_overlay_start_1:
0x0: {  	(tag) =	ssettag $0x1  }
0x1: {  	s0 =	rddreg [dreg:$0x0]  }
0x2: {  	s1 =	rddreg [dreg:$0x1]  }
0x3: {  	s3 =	rddreg [dreg:$0x2];
	s12 =	stileid.u32  }
0x4: {  	s4 =	rddreg [dreg:$0x3];
	s2 =	simm.s32 $0x0;
	s7 =	smul.u32 $0xA00, s12  }
0x5: {  	s5 =	srdreg.scid;
	s20 =	simm.s32 $0xF;
	s10 =	smul.u32 $0x2710, s12  }
0x6: {  	[smem:$0x7FF] =	sst s2;
	s6 =	sadd.s32 $0x3E400, s0;
	s21 =	smul.u32 $0x14000, s12  }
0x7: {  	s11 =	sand.u32 $0x1, s5;
	s18 =	sadd.s32 $0x3E600, s0;
	s23 =	smul.u32 $0x271, s12  }
0x8: {  	_ =	strace $0x80000050;
	[dreg:$0x9] =	wrdreg s6;
	s5 =	sshll.u32 s11, $0x2  }
0x9: {  	s8 =	ssub.s32 $0x2, s11;
	[dreg:$0x8] =	wrdreg s11;
	p0 =	seq.s32 s11, $0x0  }
0xa: {  	s19 =	smov.u32 s18;
	s2 =	sadd.s32 s7, s0;
	s7 =	smul.u32 $0x4E20, s12  }
0xb: {  	s5 =	sadd.s32 s5, s0;
	s9 =	sshrl.u32 s8, $0x1;
	s13 =	sadd.s32 $0x7D, s23  }
0xc: {  	s14 =	sadd.s32 $0xFA, s23;
	s15 =	sadd.s32 $0x177, s23;
	s11 =	sadd.s32 $0x1F4, s23  }
0xd: {  	s19 =	smov.u32 @p0 s1;
	s20 =	simm.s32 @!p0 $0x5;
	s9 =	ssub.s32 s8, s9  }
0xe: {  	[dreg:$0x5] =	wrdreg s20;
	s26 =	sadd.s32 s10, s5;
	s1 =	sadd.s32 $0x3080, s2  }
0xf: {  	s5 =	sadd.s32 $0x48400, s5;
	s8 =	sadd.s32 $0x34400, s2;
	[dreg:$0x6] =	wrdreg s1  }
0x10: {  	s16 =	sshll.u32 s13, $0x4;
	s10 =	sadd.s32 s5, s10;
	[dreg:$0x11] =	wrdreg s8  }
0x11: {  	s17 =	sshll.u32 s14, $0x4;
	s28 =	sadd.s32 s5, s16;
	[dreg:$0xb] =	wrdreg s10  }
0x12: {  	s24 =	sshll.u32 s15, $0x4;
	s29 =	sadd.s32 s5, s17;
	[dreg:$0xc] =	wrdreg s28  }
0x13: {  	s25 =	sshll.u32 s11, $0x4;
	s30 =	sadd.s32 s5, s24;
	[dreg:$0xd] =	wrdreg s29  }
0x14: {  	s6 =	sshrl.u32 s21, $0x2;
	s5 =	sadd.s32 s5, s25;
	[dreg:$0xe] =	wrdreg s30  }
0x15: {  	s22 =	sadd.s32 s7, s3;
	s0 =	smax.u32 s9, $0x1;
	[dreg:$0xf] =	wrdreg s5  }
0x16: {  	s7 =	sshrl.u32 s7, $0x3;
	s3 =	sadd.s32 s6, s4;
	[dreg:$0x13] =	wrdreg s0  }
0x17: {  	s7 =	sadd.s32 s19, s7;
	[dreg:$0x10] =	wrdreg s3  }
0x18: {  	s14 =	sshll.u32 s14, $0x5;
	s19 =	sadd.s32 $0xD000, s26;
	[dreg:$0xa] =	wrdreg s7  }
0x19: {  	s6 =	sadd.s32 s14, s4;
	s20 =	sshrl.u32 s22, $0x3;
	[dreg:$0x14] =	wrdreg s19  }
0x1a: {  	s31 =	simm.s32 $0x4000;
	s23 =	sshrl.u32 s6, $0x3;
	[dreg:$0x15] =	wrdreg s20  }
0x1b: {  	s12 =	smul.u32 $0x13880, s12;
	s26 =	sadd.s32 $0x1000, s3;
	[dreg:$0x18] =	wrdreg s23  }
0x1c: {  	s13 =	sshll.u32 s13, $0x5;
	s28 =	sadd.s32 $0x2000, s3;
	[dreg:$0x1b] =	wrdreg s26  }
0x1d: {  	s15 =	sshll.u32 s15, $0x5;
	s29 =	sadd.s32 $0x3000, s3;
	[dreg:$0x1c] =	wrdreg s28  }
0x1e: {  	s17 =	sshll.u32 s11, $0x5;
	s30 =	sadd.s32 $0x4000, s3;
	[dreg:$0x1d] =	wrdreg s29  }
0x1f: {  	s10 =	sshrl.u32 s12, $0x2;
	s7 =	sadd.s32 $0x34480, s2;
	[dreg:$0x1e] =	wrdreg s30  }
0x20: {  	s5 =	sadd.s32 s13, s4;
	s2 =	sadd.s32 $0x3000, s2;
	[dreg:$0x7] =	wrdreg s7  }
0x21: {  	s12 =	sadd.s32 s10, s4;
	s22 =	sshrl.u32 s5, $0x3;
	[dreg:$0x12] =	wrdreg s2  }
0x22: {  	s10 =	sadd.s32 s17, s4;
	s21 =	sshrl.u32 s12, $0x3;
	[dreg:$0x17] =	wrdreg s22  }
0x23: {  	s7 =	sadd.s32 s15, s4;
	s25 =	sshrl.u32 s10, $0x3;
	[dreg:$0x16] =	wrdreg s21  }
0x24: {  	s1 =	simm.s32 $0x0;
	s24 =	sshrl.u32 s7, $0x3;
	[dreg:$0x1a] =	wrdreg s25  }
0x25: {  	s6 =	simm.s32 $0x9;
	s5 =	simm.s32 $0x10;
	[dreg:$0x19] =	wrdreg s24  }
.LBB2_1:
0x26: {  	[dreg:$0x1f] =	wrdreg s1  }
0x27: {  	s0 =	stileid.u32;
	_ =	strace $0x80000051  }
0x28: {  	s16 =	simm.s32 $0x1;
	s2 =	sshll.u32 s0, $0x6;
	s12 =	rddreg [dreg:$0x14]  }
0x29: {  	s11 =	simm.s32 $0x4;
	s10 =	sor.u32 $0x1C09, s2;
	s13 =	rddreg [dreg:$0x15]  }
0x2a: {  	[spmem:s13@s11], [sflag:s10] =	dma.strided [hbm:s12@s5], $0x9C4, s16, $0x4   }
0x2b: {  	_ =	swait.ge [sflag:s6], $0x9C4  }
0x2c: {  	[sflag:s6] =	ssyncset.done $0x0;
	s14 =	rddreg [dreg:$0xa]  }
0x2d: {  	[smem:$0x7FD] =	sst s10;
	[sflag:s6] =	ssyncadd.s32 $0xFFFFF63C  }
0x2e: {  	[hbm:s14], [sflag:s10] =	dma.local [spmem:s13], $0x9C4  }
0x2f: {  	_ =	swait.ge [sflag:s6], $0x9C4  }
0x30: {  	s15 =	simm.s32 $0x0;
	[sflag:s6] =	ssyncset.done $0x0  }
0x31: {  	s17 =	simm.s32 $0x1000;
	s19 =	rddreg [dreg:$0x9];
	[sflag:s6] =	ssyncadd.s32 $0xFFFFF63C  }
0x32: {  	[tilespmem:s17], [sflag:$0x9] =	stream.linear.gather [hbm4b:s19+s15], $0x1000, $0x200038;
	[tilespmem:$0xEE20] =	vst v63  }
0x33: {  	_ =	swait.ge [sflag:s6], $0x1000  }
0x34: {  	[sflag:s6] =	ssyncset.done $0x0  }
0x35: {  	s20 =	rddreg [dreg:$0x10];
	[sflag:s6] =	ssyncadd.s32 $0xFFFFF000  }
0x36: {  	[spmem:s20] =	stream.linear.scatter [tilespmem:s17], [sflag:$0x9], $0x1000, $0x200038;
	[tilespmem:$0xEE20] =	vst v63  }
0x37: {  	_ =	swait.ge [sflag:s6], $0x1000  }
0x38: {  	[sflag:s6] =	ssyncset.done $0x0  }
0x39: {  	s21 =	rddreg [dreg:$0x1b];
	[sflag:s6] =	ssyncadd.s32 $0xFFFFF000  }
0x3a: {  	[spmem:s21] =	stream.linear.scatter [tilespmem:s17], [sflag:$0x9], $0x1000, $0x200038;
	[tilespmem:$0xEE20] =	vst v63  }
0x3b: {  	_ =	swait.ge [sflag:s6], $0x1000  }
0x3c: {  	[sflag:s6] =	ssyncset.done $0x0  }
0x3d: {  	s22 =	rddreg [dreg:$0x1c];
	[sflag:s6] =	ssyncadd.s32 $0xFFFFF000  }
0x3e: {  	[spmem:s22] =	stream.linear.scatter [tilespmem:s17], [sflag:$0x9], $0x1000, $0x200038;
	[tilespmem:$0xEE20] =	vst v63  }
0x3f: {  	_ =	swait.ge [sflag:s6], $0x1000  }
0x40: {  	[sflag:s6] =	ssyncset.done $0x0  }
0x41: {  	s23 =	rddreg [dreg:$0x1d];
	[sflag:s6] =	ssyncadd.s32 $0xFFFFF000  }
0x42: {  	[spmem:s23] =	stream.linear.scatter [tilespmem:s17], [sflag:$0x9], $0x1000, $0x200038;
	[tilespmem:$0xEE20] =	vst v63  }
0x43: {  	_ =	swait.ge [sflag:s6], $0x1000  }
0x44: {  	[sflag:s6] =	ssyncset.done $0x0  }
0x45: {  	s24 =	rddreg [dreg:$0x1e];
	[sflag:s6] =	ssyncadd.s32 $0xFFFFF000  }
0x46: {  	[spmem:s24] =	stream.linear.scatter [tilespmem:s17], [sflag:$0x9], $0x1000, $0x200038;
	[tilespmem:$0xEE20] =	vst v63  }
0x47: {  	_ =	swait.ge [sflag:s6], $0x1000  }
0x48: {  	[sflag:s6] =	ssyncset.done $0x0  }
0x49: {  	s25 =	rddreg [dreg:$0x11];
	[sflag:s6] =	ssyncadd.s32 $0xFFFFF000  }
0x4a: {  	[tilespmem:s15], [sflag:$0x9] =	stream.linear.gather [hbm4b:s25+s15], $0x400, $0x200038;
	[tilespmem:$0xEE20] =	vst v63  }
0x4b: {  	_ =	swait.ge [sflag:s6], $0x400  }
0x4c: {  	[sflag:s6] =	ssyncset.done $0x0  }
0x4d: {  	s29 =	simm.s32 $0x800;
	s26 =	rddreg [dreg:$0x12];
	[sflag:s6] =	ssyncadd.s32 $0xFFFFFC00  }
0x4e: {  	[tilespmem:s29], [sflag:$0x9] =	stream.linear.gather [hbm4b:s26+s15], $0x400, $0x200038;
	[tilespmem:$0xEE20] =	vst v63  }
0x4f: {  	_ =	swait.ge [sflag:s6], $0x400  }
0x50: {  	[sflag:s6] =	ssyncset.done $0x0  }
0x51: {  	[sflag:s6] =	ssyncadd.s32 $0xFFFFFC00  }
0x52: {  	[bflag:$0x0] =	sbarrier.arrive $0xFFFF  }
0x53: {  	p3 =	por $0x1, $0x1;
	_ =	strace $0x90000051  }
0x54: {  	s2 =	simm.s32 @!p3 $0x5;
	_ =	strace $0x80000052  }
0x55: {  	s15 =	sand.u32 $0x1, s15;
	_ =	swait.ge @!p3 [sflag:s2], $0x1000  }
0x56: {  	s7 =	simm.s32 @!p3 $0x6;
	s21 =	sshll.u32 s15, $0xA;
	s30 =	rddreg [dreg:$0x5]  }
0x57: {  	[sflag:s2] =	ssyncset.done @!p3 $0x0;
	s0 =	rddreg [dreg:$0x8];
	p1 =	sle.u32 s30, $0x0  }
0x58: {  	[sflag:s2] =	ssyncadd.s32 @!p3 $0xFFFFF000;
	s9 =	simm.s32 @p1 $0x80;
	p0 =	sne.s32 @!p1 s0, $0x0  }
0x59: {  	s19 =	simm.s32 @p1 $0x1000;
	s4 =	rddreg [dreg:$0x2];
	p2 =	por !p0, p1  }
0x5a: {  	[tilespmem:s19], [sflag:$0x1] =	stream.indirect.gather @p1 [spmem:s4], $0x20, s21, s9, $0x2000b8;
	[tilespmem:$0xEE20] =	vst v63  }
0x5b: {  	p0 =	por p0, p1;
	s5 =	simm.s32 @!p2 $0x80;
	s14 =	simm.s32 @!p2 $0x1000  }
0x5c: {  	[tilespmem:s14], [sflag:$0x1] =	stream.indirect.gather @!p2 [hbm4b:s18+s5], $0x20, s21, s5, $0x2000b8;
	[tilespmem:$0xEE20] =	vst v63  }
0x5d: {  	s3 =	rddreg [dreg:$0x1];
	s2 =	simm.s32 @!p0 $0x80;
	s6 =	simm.s32 @!p0 $0x1000  }
0x5e: {  	[tilespmem:s6], [sflag:$0x1] =	stream.indirect.gather @!p0 [hbm4b:s3+s2], $0x20, s21, s2, $0x2000b8;
	[tilespmem:$0xEE20] =	vst v63  }
0x5f: {  	_ =	swait.ge @!p3 [sflag:s7], $0x1000  }
0x60: {  	[sflag:s7] =	ssyncset.done @!p3 $0x0  }
0x61: {  	s12 =	sadd.s32 $0x80, s21;
	s22 =	simm.s32 @p1 $0x2000;
	[sflag:s7] =	ssyncadd.s32 @!p3 $0xFFFFF000  }
0x62: {  	[tilespmem:s22], [sflag:$0x2] =	stream.indirect.gather @p1 [spmem:s4], $0x20, s12, s9, $0x2000b8;
	[tilespmem:$0xEE20] =	vst v63  }
0x63: {  	s8 =	simm.s32 @!p2 $0x2000  }
0x64: {  	[tilespmem:s8], [sflag:$0x2] =	stream.indirect.gather @!p2 [hbm4b:s18+s5], $0x20, s12, s5, $0x2000b8;
	[tilespmem:$0xEE20] =	vst v63  }
0x65: {  	s20 =	simm.s32 @!p3 $0x7;
	s7 =	simm.s32 @!p0 $0x2000  }
0x66: {  	[tilespmem:s7], [sflag:$0x2] =	stream.indirect.gather @!p0 [hbm4b:s3+s2], $0x20, s12, s2, $0x2000b8;
	[tilespmem:$0xEE20] =	vst v63  }
0x67: {  	_ =	swait.ge @!p3 [sflag:s20], $0x1000  }
0x68: {  	[sflag:s20] =	ssyncset.done @!p3 $0x0  }
0x69: {  	s24 =	sadd.s32 $0x100, s21;
	s23 =	simm.s32 @p1 $0x3000;
	[sflag:s20] =	ssyncadd.s32 @!p3 $0xFFFFF000  }
0x6a: {  	[tilespmem:s23], [sflag:$0x3] =	stream.indirect.gather @p1 [spmem:s4], $0x20, s24, s9, $0x2000b8;
	[tilespmem:$0xEE20] =	vst v63  }
0x6b: {  	s20 =	simm.s32 @!p2 $0x3000  }
0x6c: {  	[tilespmem:s20], [sflag:$0x3] =	stream.indirect.gather @!p2 [hbm4b:s18+s5], $0x20, s24, s5, $0x2000b8;
	[tilespmem:$0xEE20] =	vst v63  }
0x6d: {  	s25 =	simm.s32 @!p3 $0x8;
	s12 =	simm.s32 @!p0 $0x3000  }
0x6e: {  	[tilespmem:s12], [sflag:$0x3] =	stream.indirect.gather @!p0 [hbm4b:s3+s2], $0x20, s24, s2, $0x2000b8;
	[tilespmem:$0xEE20] =	vst v63  }
0x6f: {  	_ =	swait.ge @!p3 [sflag:s25], $0x1000  }
0x70: {  	[sflag:s25] =	ssyncset.done @!p3 $0x0  }
0x71: {  	s26 =	sadd.s32 $0x180, s21;
	[sflag:s25] =	ssyncadd.s32 @!p3 $0xFFFFF000;
	s25 =	simm.s32 @p1 $0x4000  }
0x72: {  	[tilespmem:s25], [sflag:$0x4] =	stream.indirect.gather @p1 [spmem:s4], $0x20, s26, s9, $0x2000b8;
	[tilespmem:$0xEE20] =	vst v63  }
0x73: {  	s21 =	simm.s32 @!p2 $0x4000;
	s28 =	rddreg [dreg:$0x7];
	p3 =	por $0x0, $0x0  }
0x74: {  	[tilespmem:s21], [sflag:$0x4] =	stream.indirect.gather @!p2 [hbm4b:s18+s5], $0x20, s26, s5, $0x2000b8;
	[tilespmem:$0xEE20] =	vst v63  }
0x75: {  	s24 =	sshll.u32 @!p3 s15, $0xA;
	s15 =	simm.s32 @!p0 $0x4000;
	s29 =	simm.s32 @!p3 $0x9  }
0x76: {  	[tilespmem:s15], [sflag:$0x4] =	stream.indirect.gather @!p0 [hbm4b:s3+s2], $0x20, s26, s2, $0x2000b8;
	[tilespmem:$0xEE20] =	vst v63  }
0x77: {  	s28 =	sadd.s32 @!p3 $0x0, s28;
	s30 =	simm.s32 @!p3 $0x0;
	s26 =	sxor.u32 @!p3 $0x400, s24  }
0x78: {  	[tilespmem:s26], [sflag:$0x9] =	stream.linear.gather @!p3 [hbm4b:s28+s30], $0x400, $0x200038;
	[tilespmem:$0xEE20] =	vst v63  }
0x79: {  	_ =	swait.ge @!p3 [sflag:s29], $0x400  }
0x7a: {  	s26 =	rddreg [dreg:$0x6];
	[sflag:s29] =	ssyncset.done @!p3 $0x0  }
0x7b: {  	s28 =	sxor.u32 @!p3 $0xC00, s24;
	[sflag:s29] =	ssyncadd.s32 @!p3 $0xFFFFFC00;
	s26 =	sadd.s32 @!p3 $0x0, s26  }
0x7c: {  	[tilespmem:s28], [sflag:$0x9] =	stream.linear.gather @!p3 [hbm4b:s26+s30], $0x400, $0x200038;
	[tilespmem:$0xEE20] =	vst v63  }
0x7d: {  	_ =	swait.ge @!p3 [sflag:s29], $0x400  }
0x7e: {  	[sflag:s29] =	ssyncset.done @!p3 $0x0  }
0x7f: {  	[sflag:s29] =	ssyncadd.s32 @!p3 $0xFFFFFC00  }
0x80: {  	_ =	swait.ge [sflag:s16], $0x1000  }
0x81: {  	[sflag:s16] =	ssyncset.done $0x0  }
0x82: {  	s13 =	simm.s32 $0x80;
	s24 =	simm.s32 @p3 $0x400;
	[sflag:s16] =	ssyncadd.s32 $0xFFFFF000  }
0x83: {  	s0 =	simm.s32 $0x2;
	s1 =	sor.u32 $0x800, s24;
	s10 =	rddreg [dreg:$0x3]  }
0x84: {  	[spmem:s10] =	stream.indirect.scatter.add.f32 [tilespmem:s17], [sflag:$0x5], $0x20, s1, s13, $0x2000b8;
	[tilespmem:$0xEE20] =	vst v63  }
0x85: {  	_ =	swait.ge [sflag:s0], $0x1000  }
0x86: {  	s28 =	simm.s32 $0x3;
	[sflag:s0] =	ssyncset.done $0x0  }
0x87: {  	s29 =	sadd.s32 $0x880, s24;
	s1 =	simm.s32 $0x2000;
	[sflag:s0] =	ssyncadd.s32 $0xFFFFF000  }
0x88: {  	[spmem:s10] =	stream.indirect.scatter.add.f32 [tilespmem:s1], [sflag:$0x6], $0x20, s29, s13, $0x2000b8;
	[tilespmem:$0xEE20] =	vst v63  }
0x89: {  	_ =	swait.ge [sflag:s28], $0x1000  }
0x8a: {  	[sflag:s28] =	ssyncset.done $0x0  }
0x8b: {  	s30 =	sadd.s32 $0x900, s24;
	s29 =	simm.s32 $0x3000;
	[sflag:s28] =	ssyncadd.s32 $0xFFFFF000  }
0x8c: {  	[spmem:s10] =	stream.indirect.scatter.add.f32 [tilespmem:s29], [sflag:$0x7], $0x20, s30, s13, $0x2000b8;
	[tilespmem:$0xEE20] =	vst v63  }
0x8d: {  	_ =	swait.ge [sflag:s11], $0x1000  }
0x8e: {  	[sflag:s11] =	ssyncset.done $0x0  }
0x8f: {  	s30 =	sadd.s32 $0x980, s24;
	[sflag:s11] =	ssyncadd.s32 $0xFFFFF000  }
0x90: {  	[spmem:s10] =	stream.indirect.scatter.add.f32 [tilespmem:s31], [sflag:$0x8], $0x20, s30, s13, $0x2000b8;
	[tilespmem:$0xEE20] =	vst v63  }
0x91: {  	s31 =	simm.s32 $0x5  }
0x92: {  	_ =	swait.ge [sflag:s31], $0x1000  }
0x93: {  	[sflag:s31] =	ssyncset.done $0x0  }
0x94: {  	s26 =	sadd.s32 $0x200, s24;
	[sflag:s31] =	ssyncadd.s32 $0xFFFFF000  }
0x95: {  	[tilespmem:s19], [sflag:$0x1] =	stream.indirect.gather @p1 [spmem:s4], $0x20, s26, s9, $0x2000b8;
	[tilespmem:$0xEE20] =	vst v63  }
0x96: {  	s19 =	simm.s32 @p1 $0x6  }
0x97: {  	_ =	swait.ge @p1 [sflag:s19], $0x1000  }
0x98: {  	[sflag:s19] =	ssyncset.done @p1 $0x0  }
0x99: {  	[sflag:s19] =	ssyncadd.s32 @p1 $0xFFFFF000;
	s19 =	sadd.s32 @p1 $0x280, s24  }
0x9a: {  	[tilespmem:s22], [sflag:$0x2] =	stream.indirect.gather @p1 [spmem:s4], $0x20, s19, s9, $0x2000b8;
	[tilespmem:$0xEE20] =	vst v63  }
0x9b: {  	s19 =	simm.s32 @p1 $0x7  }
0x9c: {  	_ =	swait.ge @p1 [sflag:s19], $0x1000  }
0x9d: {  	[sflag:s19] =	ssyncset.done @p1 $0x0  }
0x9e: {  	[sflag:s19] =	ssyncadd.s32 @p1 $0xFFFFF000;
	s19 =	sadd.s32 @p1 $0x300, s24  }
0x9f: {  	[tilespmem:s23], [sflag:$0x3] =	stream.indirect.gather @p1 [spmem:s4], $0x20, s19, s9, $0x2000b8;
	[tilespmem:$0xEE20] =	vst v63  }
0xa0: {  	s19 =	simm.s32 @p1 $0x8  }
0xa1: {  	_ =	swait.ge @p1 [sflag:s19], $0x1000  }
0xa2: {  	[sflag:s19] =	ssyncset.done @p1 $0x0  }
0xa3: {  	[sflag:s19] =	ssyncadd.s32 @p1 $0xFFFFF000;
	s19 =	sadd.s32 @p1 $0x380, s24  }
0xa4: {  	[tilespmem:s25], [sflag:$0x4] =	stream.indirect.gather @p1 [spmem:s4], $0x20, s19, s9, $0x2000b8;
	[tilespmem:$0xEE20] =	vst v63  }
0xa5: {  	s9 =	simm.s32 @!p2 $0x6  }
0xa6: {  	[tilespmem:s14], [sflag:$0x1] =	stream.indirect.gather @!p2 [hbm4b:s18+s5], $0x20, s26, s5, $0x2000b8;
	[tilespmem:$0xEE20] =	vst v63  }
0xa7: {  	_ =	swait.ge @!p2 [sflag:s9], $0x1000  }
0xa8: {  	[sflag:s9] =	ssyncset.done @!p2 $0x0  }
0xa9: {  	s14 =	simm.s32 @!p2 $0x7;
	[sflag:s9] =	ssyncadd.s32 @!p2 $0xFFFFF000;
	s9 =	sadd.s32 @!p1 $0x280, s24  }
0xaa: {  	[tilespmem:s8], [sflag:$0x2] =	stream.indirect.gather @!p2 [hbm4b:s18+s5], $0x20, s9, s5, $0x2000b8;
	[tilespmem:$0xEE20] =	vst v63  }
0xab: {  	_ =	swait.ge @!p2 [sflag:s14], $0x1000  }
0xac: {  	[sflag:s14] =	ssyncset.done @!p2 $0x0  }
0xad: {  	s4 =	simm.s32 @!p2 $0x8;
	[sflag:s14] =	ssyncadd.s32 @!p2 $0xFFFFF000;
	s14 =	sadd.s32 @!p1 $0x300, s24  }
0xae: {  	[tilespmem:s20], [sflag:$0x3] =	stream.indirect.gather @!p2 [hbm4b:s18+s5], $0x20, s14, s5, $0x2000b8;
	[tilespmem:$0xEE20] =	vst v63  }
0xaf: {  	_ =	swait.ge @!p2 [sflag:s4], $0x1000  }
0xb0: {  	[sflag:s4] =	ssyncset.done @!p2 $0x0  }
0xb1: {  	[sflag:s4] =	ssyncadd.s32 @!p2 $0xFFFFF000;
	s4 =	sadd.s32 @!p1 $0x380, s24  }
0xb2: {  	[tilespmem:s21], [sflag:$0x4] =	stream.indirect.gather @!p2 [hbm4b:s18+s5], $0x20, s4, s5, $0x2000b8;
	[tilespmem:$0xEE20] =	vst v63  }
0xb3: {  	s5 =	simm.s32 @!p0 $0x6  }
0xb4: {  	[tilespmem:s6], [sflag:$0x1] =	stream.indirect.gather @!p0 [hbm4b:s3+s2], $0x20, s26, s2, $0x2000b8;
	[tilespmem:$0xEE20] =	vst v63  }
0xb5: {  	_ =	swait.ge @!p0 [sflag:s5], $0x1000  }
0xb6: {  	[sflag:s5] =	ssyncset.done @!p0 $0x0  }
0xb7: {  	[sflag:s5] =	ssyncadd.s32 @!p0 $0xFFFFF000;
	s5 =	simm.s32 @!p0 $0x7  }
0xb8: {  	[tilespmem:s7], [sflag:$0x2] =	stream.indirect.gather @!p0 [hbm4b:s3+s2], $0x20, s9, s2, $0x2000b8;
	[tilespmem:$0xEE20] =	vst v63  }
0xb9: {  	_ =	swait.ge @!p0 [sflag:s5], $0x1000  }
0xba: {  	[sflag:s5] =	ssyncset.done @!p0 $0x0  }
0xbb: {  	[sflag:s5] =	ssyncadd.s32 @!p0 $0xFFFFF000;
	s5 =	simm.s32 @!p0 $0x8  }
0xbc: {  	[tilespmem:s12], [sflag:$0x3] =	stream.indirect.gather @!p0 [hbm4b:s3+s2], $0x20, s14, s2, $0x2000b8;
	[tilespmem:$0xEE20] =	vst v63  }
0xbd: {  	_ =	swait.ge @!p0 [sflag:s5], $0x1000  }
0xbe: {  	[sflag:s5] =	ssyncset.done @!p0 $0x0  }
0xbf: {  	[sflag:s5] =	ssyncadd.s32 @!p0 $0xFFFFF000  }
0xc0: {  	[tilespmem:s15], [sflag:$0x4] =	stream.indirect.gather @!p0 [hbm4b:s3+s2], $0x20, s4, s2, $0x2000b8;
	[tilespmem:$0xEE20] =	vst v63  }
0xc1: {  	_ =	swait.ge [sflag:s16], $0x1000  }
0xc2: {  	[sflag:s16] =	ssyncset.done $0x0  }
0xc3: {  	s26 =	sadd.s32 $0xA00, s24;
	[sflag:s16] =	ssyncadd.s32 $0xFFFFF000  }
0xc4: {  	[spmem:s10] =	stream.indirect.scatter.add.f32 [tilespmem:s17], [sflag:$0x5], $0x20, s26, s13, $0x2000b8;
	[tilespmem:$0xEE20] =	vst v63  }
0xc5: {  	_ =	swait.ge [sflag:s0], $0x1000  }
0xc6: {  	[sflag:s0] =	ssyncset.done $0x0  }
0xc7: {  	s30 =	sadd.s32 $0xA80, s24;
	[sflag:s0] =	ssyncadd.s32 $0xFFFFF000  }
0xc8: {  	[spmem:s10] =	stream.indirect.scatter.add.f32 [tilespmem:s1], [sflag:$0x6], $0x20, s30, s13, $0x2000b8;
	[tilespmem:$0xEE20] =	vst v63  }
0xc9: {  	_ =	swait.ge [sflag:s28], $0x1000  }
0xca: {  	[sflag:s28] =	ssyncset.done $0x0  }
0xcb: {  	s31 =	sadd.s32 $0xB00, s24;
	s25 =	simm.s32 $0x80;
	[sflag:s28] =	ssyncadd.s32 $0xFFFFF000  }
0xcc: {  	[spmem:s10] =	stream.indirect.scatter.add.f32 [tilespmem:s29], [sflag:$0x7], $0x20, s31, s13, $0x2000b8;
	[tilespmem:$0xEE20] =	vst v63  }
0xcd: {  	s26 =	simm.s32 $0x1;
	s28 =	simm.s32 $0x100;
	_ =	swait.ge [sflag:s11], $0x1000  }
.LBB2_2:
0xce: {  	s11 =	simm.s32 $0x4  }
0xcf: {  	p5 =	seq.s32 s25, $0x0;
	[sflag:s11] =	ssyncset.done $0x0  }
0xd0: {  	s5 =	sadd.s32 $0xB80, s24;
	s1 =	simm.s32 $0x80;
	[sflag:s11] =	ssyncadd.s32 $0xFFFFF000  }
0xd1: {  	s21 =	simm.s32 $0x4000;
	s2 =	simm.s32 @!p5 $0x5;
	s10 =	rddreg [dreg:$0x3]  }
0xd2: {  	[spmem:s10] =	stream.indirect.scatter.add.f32 [tilespmem:s21], [sflag:$0x8], $0x20, s5, s1, $0x2000b8;
	[tilespmem:$0xEE20] =	vst v63  }
0xd3: {  	s6 =	sand.u32 $0x1, s26;
	_ =	swait.ge @!p5 [sflag:s2], $0x1000  }
0xd4: {  	s14 =	sshll.u32 s6, $0xA;
	s4 =	rddreg [dreg:$0x5];
	[sflag:s2] =	ssyncset.done @!p5 $0x0  }
0xd5: {  	s0 =	rddreg [dreg:$0x8];
	p2 =	sge.u32 s26, s4;
	[sflag:s2] =	ssyncadd.s32 @!p5 $0xFFFFF000  }
0xd6: {  	s2 =	simm.s32 @!p5 $0x6;
	s19 =	simm.s32 @p2 $0x80;
	p1 =	sne.s32 @!p2 s0, $0x0  }
0xd7: {  	s23 =	simm.s32 @p2 $0x1000;
	s4 =	rddreg [dreg:$0x2];
	p3 =	por !p1, p2  }
0xd8: {  	[tilespmem:s23], [sflag:$0x1] =	stream.indirect.gather @p2 [spmem:s4], $0x20, s14, s19, $0x2000b8;
	[tilespmem:$0xEE20] =	vst v63  }
0xd9: {  	p1 =	por p1, p2;
	s30 =	simm.s32 @!p3 $0x80;
	s5 =	simm.s32 @!p3 $0x1000  }
0xda: {  	[tilespmem:s5], [sflag:$0x1] =	stream.indirect.gather @!p3 [hbm4b:s18+s30], $0x20, s14, s30, $0x2000b8;
	[tilespmem:$0xEE20] =	vst v63  }
0xdb: {  	s3 =	rddreg [dreg:$0x1];
	s29 =	simm.s32 @!p1 $0x80;
	s0 =	simm.s32 @!p1 $0x1000  }
0xdc: {  	[tilespmem:s0], [sflag:$0x1] =	stream.indirect.gather @!p1 [hbm4b:s3+s29], $0x20, s14, s29, $0x2000b8;
	[tilespmem:$0xEE20] =	vst v63  }
0xdd: {  	p4 =	seq.s32 s25, $0x980;
	_ =	swait.ge @!p5 [sflag:s2], $0x1000  }
0xde: {  	s24 =	sshll.u32 @!p4 s6, $0xA;
	[sflag:s2] =	ssyncset.done @!p5 $0x0  }
0xdf: {  	s6 =	sadd.s32 $0x80, s14;
	s7 =	simm.s32 @p2 $0x2000;
	[sflag:s2] =	ssyncadd.s32 @!p5 $0xFFFFF000  }
0xe0: {  	[tilespmem:s7], [sflag:$0x2] =	stream.indirect.gather @p2 [spmem:s4], $0x20, s6, s19, $0x2000b8;
	[tilespmem:$0xEE20] =	vst v63  }
0xe1: {  	s2 =	simm.s32 @!p3 $0x2000  }
0xe2: {  	[tilespmem:s2], [sflag:$0x2] =	stream.indirect.gather @!p3 [hbm4b:s18+s30], $0x20, s6, s30, $0x2000b8;
	[tilespmem:$0xEE20] =	vst v63  }
0xe3: {  	s9 =	simm.s32 @!p5 $0x7;
	s0 =	simm.s32 @!p1 $0x2000  }
0xe4: {  	[tilespmem:s0], [sflag:$0x2] =	stream.indirect.gather @!p1 [hbm4b:s3+s29], $0x20, s6, s29, $0x2000b8;
	[tilespmem:$0xEE20] =	vst v63  }
0xe5: {  	_ =	swait.ge @!p5 [sflag:s9], $0x1000  }
0xe6: {  	[sflag:s9] =	ssyncset.done @!p5 $0x0  }
0xe7: {  	s6 =	sadd.s32 $0x100, s14;
	[sflag:s9] =	ssyncadd.s32 @!p5 $0xFFFFF000;
	s9 =	simm.s32 @p2 $0x3000  }
0xe8: {  	[tilespmem:s9], [sflag:$0x3] =	stream.indirect.gather @p2 [spmem:s4], $0x20, s6, s19, $0x2000b8;
	[tilespmem:$0xEE20] =	vst v63  }
0xe9: {  	s22 =	simm.s32 @!p3 $0x3000  }
0xea: {  	[tilespmem:s22], [sflag:$0x3] =	stream.indirect.gather @!p3 [hbm4b:s18+s30], $0x20, s6, s30, $0x2000b8;
	[tilespmem:$0xEE20] =	vst v63  }
0xeb: {  	s20 =	simm.s32 @!p5 $0x8;
	s0 =	simm.s32 @!p1 $0x3000  }
0xec: {  	[tilespmem:s0], [sflag:$0x3] =	stream.indirect.gather @!p1 [hbm4b:s3+s29], $0x20, s6, s29, $0x2000b8;
	[tilespmem:$0xEE20] =	vst v63  }
0xed: {  	_ =	swait.ge @!p5 [sflag:s20], $0x1000  }
0xee: {  	[sflag:s20] =	ssyncset.done @!p5 $0x0  }
0xef: {  	s16 =	sadd.s32 $0x180, s14;
	s14 =	simm.s32 @p2 $0x4000;
	[sflag:s20] =	ssyncadd.s32 @!p5 $0xFFFFF000  }
0xf0: {  	[tilespmem:s14], [sflag:$0x4] =	stream.indirect.gather @p2 [spmem:s4], $0x20, s16, s19, $0x2000b8;
	[tilespmem:$0xEE20] =	vst v63  }
0xf1: {  	s20 =	simm.s32 @!p3 $0x4000  }
0xf2: {  	[tilespmem:s20], [sflag:$0x4] =	stream.indirect.gather @!p3 [hbm4b:s18+s30], $0x20, s16, s30, $0x2000b8;
	[tilespmem:$0xEE20] =	vst v63  }
0xf3: {  	s31 =	simm.s32 @!p4 $0x9;
	s0 =	simm.s32 @!p1 $0x4000;
	s17 =	rddreg [dreg:$0x7]  }
0xf4: {  	[tilespmem:s0], [sflag:$0x4] =	stream.indirect.gather @!p1 [hbm4b:s3+s29], $0x20, s16, s29, $0x2000b8;
	[tilespmem:$0xEE20] =	vst v63  }
0xf5: {  	s17 =	sadd.s32 @!p4 s25, s17;
	s16 =	sxor.u32 @!p4 $0x400, s24;
	s0 =	simm.s32 @!p4 $0x0  }
0xf6: {  	[tilespmem:s16], [sflag:$0x9] =	stream.linear.gather @!p4 [hbm4b:s17+s0], $0x400, $0x200038;
	[tilespmem:$0xEE20] =	vst v63  }
0xf7: {  	_ =	swait.ge @!p4 [sflag:s31], $0x400  }
0xf8: {  	s16 =	rddreg [dreg:$0x6];
	[sflag:s31] =	ssyncset.done @!p4 $0x0  }
0xf9: {  	s17 =	sxor.u32 @!p4 $0xC00, s24;
	[sflag:s31] =	ssyncadd.s32 @!p4 $0xFFFFFC00;
	s16 =	sadd.s32 @!p4 s25, s16  }
0xfa: {  	[tilespmem:s17], [sflag:$0x9] =	stream.linear.gather @!p4 [hbm4b:s16+s0], $0x400, $0x200038;
	[tilespmem:$0xEE20] =	vst v63  }
0xfb: {  	_ =	swait.ge @!p4 [sflag:s31], $0x400  }
0xfc: {  	[sflag:s31] =	ssyncset.done @!p4 $0x0  }
0xfd: {  	s17 =	simm.s32 $0x1;
	[sflag:s31] =	ssyncadd.s32 @!p4 $0xFFFFFC00  }
0xfe: {  	_ =	swait.ge [sflag:s17], $0x1000  }
0xff: {  	s13 =	simm.s32 $0x2;
	s24 =	simm.s32 @p4 $0x400;
	[sflag:s17] =	ssyncset.done $0x0  }
0x100: {  	s6 =	sor.u32 $0x800, s24;
	s31 =	simm.s32 $0x1000;
	[sflag:s17] =	ssyncadd.s32 $0xFFFFF000  }
0x101: {  	[spmem:s10] =	stream.indirect.scatter.add.f32 [tilespmem:s31], [sflag:$0x5], $0x20, s6, s1, $0x2000b8;
	[tilespmem:$0xEE20] =	vst v63  }
0x102: {  	_ =	swait.ge [sflag:s13], $0x1000  }
0x103: {  	[sflag:s13] =	ssyncset.done $0x0  }
0x104: {  	s8 =	sadd.s32 $0x880, s24;
	s6 =	simm.s32 $0x2000;
	[sflag:s13] =	ssyncadd.s32 $0xFFFFF000  }
0x105: {  	[spmem:s10] =	stream.indirect.scatter.add.f32 [tilespmem:s6], [sflag:$0x6], $0x20, s8, s1, $0x2000b8;
	[tilespmem:$0xEE20] =	vst v63  }
0x106: {  	s8 =	simm.s32 $0x3  }
0x107: {  	_ =	swait.ge [sflag:s8], $0x1000  }
0x108: {  	s12 =	smov.u32 s28;
	s15 =	simm.s32 $0x3000;
	[sflag:s8] =	ssyncset.done $0x0  }
0x109: {  	s25 =	smov.u32 s12;
	s12 =	sadd.s32 $0x900, s24;
	[sflag:s8] =	ssyncadd.s32 $0xFFFFF000  }
0x10a: {  	[spmem:s10] =	stream.indirect.scatter.add.f32 [tilespmem:s15], [sflag:$0x7], $0x20, s12, s1, $0x2000b8;
	[tilespmem:$0xEE20] =	vst v63  }
0x10b: {  	_ =	swait.ge [sflag:s11], $0x1000  }
0x10c: {  	[sflag:s11] =	ssyncset.done $0x0  }
0x10d: {  	s16 =	sadd.s32 $0x980, s24;
	[sflag:s11] =	ssyncadd.s32 $0xFFFFF000  }
0x10e: {  	[spmem:s10] =	stream.indirect.scatter.add.f32 [tilespmem:s21], [sflag:$0x8], $0x20, s16, s1, $0x2000b8;
	[tilespmem:$0xEE20] =	vst v63  }
0x10f: {  	s21 =	simm.s32 $0x5  }
0x110: {  	_ =	swait.ge [sflag:s21], $0x1000  }
0x111: {  	[sflag:s21] =	ssyncset.done $0x0  }
0x112: {  	s0 =	simm.s32 @p2 $0x6;
	s12 =	sadd.s32 $0x200, s24;
	[sflag:s21] =	ssyncadd.s32 $0xFFFFF000  }
0x113: {  	[tilespmem:s23], [sflag:$0x1] =	stream.indirect.gather @p2 [spmem:s4], $0x20, s12, s19, $0x2000b8;
	[tilespmem:$0xEE20] =	vst v63  }
0x114: {  	_ =	swait.ge @p2 [sflag:s0], $0x1000  }
0x115: {  	[sflag:s0] =	ssyncset.done @p2 $0x0  }
0x116: {  	s16 =	simm.s32 @p2 $0x7;
	[sflag:s0] =	ssyncadd.s32 @p2 $0xFFFFF000;
	s0 =	sadd.s32 @p2 $0x280, s24  }
0x117: {  	[tilespmem:s7], [sflag:$0x2] =	stream.indirect.gather @p2 [spmem:s4], $0x20, s0, s19, $0x2000b8;
	[tilespmem:$0xEE20] =	vst v63  }
0x118: {  	_ =	swait.ge @p2 [sflag:s16], $0x1000  }
0x119: {  	[sflag:s16] =	ssyncset.done @p2 $0x0  }
0x11a: {  	s0 =	sadd.s32 @p2 $0x300, s24;
	s7 =	simm.s32 @p2 $0x8;
	[sflag:s16] =	ssyncadd.s32 @p2 $0xFFFFF000  }
0x11b: {  	[tilespmem:s9], [sflag:$0x3] =	stream.indirect.gather @p2 [spmem:s4], $0x20, s0, s19, $0x2000b8;
	[tilespmem:$0xEE20] =	vst v63  }
0x11c: {  	_ =	swait.ge @p2 [sflag:s7], $0x1000  }
0x11d: {  	[sflag:s7] =	ssyncset.done @p2 $0x0  }
0x11e: {  	s0 =	sadd.s32 @p2 $0x380, s24;
	[sflag:s7] =	ssyncadd.s32 @p2 $0xFFFFF000  }
0x11f: {  	[tilespmem:s14], [sflag:$0x4] =	stream.indirect.gather @p2 [spmem:s4], $0x20, s0, s19, $0x2000b8;
	[tilespmem:$0xEE20] =	vst v63  }
0x120: {  	s0 =	simm.s32 @!p3 $0x6  }
0x121: {  	[tilespmem:s5], [sflag:$0x1] =	stream.indirect.gather @!p3 [hbm4b:s18+s30], $0x20, s12, s30, $0x2000b8;
	[tilespmem:$0xEE20] =	vst v63  }
0x122: {  	_ =	swait.ge @!p3 [sflag:s0], $0x1000  }
0x123: {  	[sflag:s0] =	ssyncset.done @!p3 $0x0  }
0x124: {  	s5 =	sadd.s32 @!p2 $0x280, s24;
	[sflag:s0] =	ssyncadd.s32 @!p3 $0xFFFFF000;
	s0 =	simm.s32 @!p3 $0x7  }
0x125: {  	[tilespmem:s2], [sflag:$0x2] =	stream.indirect.gather @!p3 [hbm4b:s18+s30], $0x20, s5, s30, $0x2000b8;
	[tilespmem:$0xEE20] =	vst v63  }
0x126: {  	_ =	swait.ge @!p3 [sflag:s0], $0x1000  }
0x127: {  	[sflag:s0] =	ssyncset.done @!p3 $0x0  }
0x128: {  	s2 =	sadd.s32 @!p2 $0x300, s24;
	[sflag:s0] =	ssyncadd.s32 @!p3 $0xFFFFF000;
	s0 =	simm.s32 @!p3 $0x8  }
0x129: {  	[tilespmem:s22], [sflag:$0x3] =	stream.indirect.gather @!p3 [hbm4b:s18+s30], $0x20, s2, s30, $0x2000b8;
	[tilespmem:$0xEE20] =	vst v63  }
0x12a: {  	_ =	swait.ge @!p3 [sflag:s0], $0x1000  }
0x12b: {  	[sflag:s0] =	ssyncset.done @!p3 $0x0  }
0x12c: {  	s7 =	sadd.s32 @!p2 $0x380, s24;
	[sflag:s0] =	ssyncadd.s32 @!p3 $0xFFFFF000  }
0x12d: {  	[tilespmem:s20], [sflag:$0x4] =	stream.indirect.gather @!p3 [hbm4b:s18+s30], $0x20, s7, s30, $0x2000b8;
	[tilespmem:$0xEE20] =	vst v63  }
0x12e: {  	s4 =	simm.s32 @!p1 $0x1000;
	s0 =	simm.s32 @!p1 $0x6  }
0x12f: {  	[tilespmem:s4], [sflag:$0x1] =	stream.indirect.gather @!p1 [hbm4b:s3+s29], $0x20, s12, s29, $0x2000b8;
	[tilespmem:$0xEE20] =	vst v63  }
0x130: {  	_ =	swait.ge @!p1 [sflag:s0], $0x1000  }
0x131: {  	[sflag:s0] =	ssyncset.done @!p1 $0x0  }
0x132: {  	s4 =	simm.s32 @!p1 $0x2000;
	[sflag:s0] =	ssyncadd.s32 @!p1 $0xFFFFF000;
	s0 =	simm.s32 @!p1 $0x7  }
0x133: {  	[tilespmem:s4], [sflag:$0x2] =	stream.indirect.gather @!p1 [hbm4b:s3+s29], $0x20, s5, s29, $0x2000b8;
	[tilespmem:$0xEE20] =	vst v63  }
0x134: {  	_ =	swait.ge @!p1 [sflag:s0], $0x1000  }
0x135: {  	[sflag:s0] =	ssyncset.done @!p1 $0x0  }
0x136: {  	s4 =	simm.s32 @!p1 $0x3000;
	[sflag:s0] =	ssyncadd.s32 @!p1 $0xFFFFF000;
	s0 =	simm.s32 @!p1 $0x8  }
0x137: {  	[tilespmem:s4], [sflag:$0x3] =	stream.indirect.gather @!p1 [hbm4b:s3+s29], $0x20, s2, s29, $0x2000b8;
	[tilespmem:$0xEE20] =	vst v63  }
0x138: {  	_ =	swait.ge @!p1 [sflag:s0], $0x1000  }
0x139: {  	[sflag:s0] =	ssyncset.done @!p1 $0x0  }
0x13a: {  	[sflag:s0] =	ssyncadd.s32 @!p1 $0xFFFFF000;
	s0 =	simm.s32 @!p1 $0x4000  }
0x13b: {  	[tilespmem:s0], [sflag:$0x4] =	stream.indirect.gather @!p1 [hbm4b:s3+s29], $0x20, s7, s29, $0x2000b8;
	[tilespmem:$0xEE20] =	vst v63  }
0x13c: {  	_ =	swait.ge [sflag:s17], $0x1000  }
0x13d: {  	[sflag:s17] =	ssyncset.done $0x0  }
0x13e: {  	s29 =	sadd.s32 $0xA00, s24;
	[sflag:s17] =	ssyncadd.s32 $0xFFFFF000  }
0x13f: {  	[spmem:s10] =	stream.indirect.scatter.add.f32 [tilespmem:s31], [sflag:$0x5], $0x20, s29, s1, $0x2000b8;
	[tilespmem:$0xEE20] =	vst v63  }
0x140: {  	_ =	swait.ge [sflag:s13], $0x1000  }
0x141: {  	s28 =	sadd.s32 $0x80, s28;
	[sflag:s13] =	ssyncset.done $0x0  }
0x142: {  	p0 =	sne.s32 s28, $0xA00;
	s30 =	sadd.s32 $0xA80, s24;
	[sflag:s13] =	ssyncadd.s32 $0xFFFFF000  }
0x143: {  	[spmem:s10] =	stream.indirect.scatter.add.f32 [tilespmem:s6], [sflag:$0x6], $0x20, s30, s1, $0x2000b8;
	[tilespmem:$0xEE20] =	vst v63  }
.Ltmp0:
0x144: {  	_ =	swait.ge [sflag:s8], $0x1000;
	(pc) =	sbr.rel @p0 .LBB2_2-.Ltmp0, $4  }
0x145: {  	[sflag:s8] =	ssyncset.done $0x0  }
0x146: {  	s31 =	sadd.s32 $0xB00, s24;
	[sflag:s8] =	ssyncadd.s32 $0xFFFFF000  }
0x147: {  	[spmem:s10] =	stream.indirect.scatter.add.f32 [tilespmem:s15], [sflag:$0x7], $0x20, s31, s1, $0x2000b8;
	[tilespmem:$0xEE20] =	vst v63  }
0x148: {  	s26 =	sadd.s32 $0x1, s26;
	_ =	swait.ge [sflag:s11], $0x1000  }
0x149: {  	s11 =	simm.s32 $0x4  }
0x14a: {  	p3 =	seq.s32 s25, $0x0;
	[sflag:s11] =	ssyncset.done $0x0  }
0x14b: {  	s2 =	sadd.s32 $0xB80, s24;
	s28 =	simm.s32 $0x80;
	[sflag:s11] =	ssyncadd.s32 $0xFFFFF000  }
0x14c: {  	s1 =	simm.s32 $0x4000;
	s0 =	simm.s32 @!p3 $0x5;
	s10 =	rddreg [dreg:$0x3]  }
0x14d: {  	[spmem:s10] =	stream.indirect.scatter.add.f32 [tilespmem:s1], [sflag:$0x8], $0x20, s2, s28, $0x2000b8;
	[tilespmem:$0xEE20] =	vst v63  }
0x14e: {  	s7 =	sand.u32 $0x1, s26;
	_ =	swait.ge @!p3 [sflag:s0], $0x1000  }
0x14f: {  	s9 =	simm.s32 @!p3 $0x6;
	s24 =	rddreg [dreg:$0x5];
	[sflag:s0] =	ssyncset.done @!p3 $0x0  }
0x150: {  	s2 =	rddreg [dreg:$0x8];
	p1 =	sge.u32 s26, s24;
	[sflag:s0] =	ssyncadd.s32 @!p3 $0xFFFFF000  }
0x151: {  	s0 =	sshll.u32 s7, $0xA;
	s12 =	simm.s32 @p1 $0x80;
	p0 =	sne.s32 @!p1 s2, $0x0  }
0x152: {  	s20 =	simm.s32 @p1 $0x1000;
	s4 =	rddreg [dreg:$0x2];
	p2 =	por !p0, p1  }
0x153: {  	[tilespmem:s20], [sflag:$0x1] =	stream.indirect.gather @p1 [spmem:s4], $0x20, s0, s12, $0x2000b8;
	[tilespmem:$0xEE20] =	vst v63  }
0x154: {  	p0 =	por p0, p1;
	s5 =	simm.s32 @!p2 $0x80;
	s15 =	simm.s32 @!p2 $0x1000  }
0x155: {  	[tilespmem:s15], [sflag:$0x1] =	stream.indirect.gather @!p2 [hbm4b:s18+s5], $0x20, s0, s5, $0x2000b8;
	[tilespmem:$0xEE20] =	vst v63  }
0x156: {  	s3 =	rddreg [dreg:$0x1];
	s2 =	simm.s32 @!p0 $0x80;
	s31 =	simm.s32 @!p0 $0x1000  }
0x157: {  	[tilespmem:s31], [sflag:$0x1] =	stream.indirect.gather @!p0 [hbm4b:s3+s2], $0x20, s0, s2, $0x2000b8;
	[tilespmem:$0xEE20] =	vst v63  }
0x158: {  	_ =	swait.ge @!p3 [sflag:s9], $0x1000  }
0x159: {  	[sflag:s9] =	ssyncset.done @!p3 $0x0  }
0x15a: {  	s14 =	sadd.s32 $0x80, s0;
	s23 =	simm.s32 @p1 $0x2000;
	[sflag:s9] =	ssyncadd.s32 @!p3 $0xFFFFF000  }
0x15b: {  	[tilespmem:s23], [sflag:$0x2] =	stream.indirect.gather @p1 [spmem:s4], $0x20, s14, s12, $0x2000b8;
	[tilespmem:$0xEE20] =	vst v63  }
0x15c: {  	s19 =	simm.s32 @!p2 $0x2000  }
0x15d: {  	[tilespmem:s19], [sflag:$0x2] =	stream.indirect.gather @!p2 [hbm4b:s18+s5], $0x20, s14, s5, $0x2000b8;
	[tilespmem:$0xEE20] =	vst v63  }
0x15e: {  	s16 =	simm.s32 @!p3 $0x7;
	s9 =	simm.s32 @!p0 $0x2000  }
0x15f: {  	[tilespmem:s9], [sflag:$0x2] =	stream.indirect.gather @!p0 [hbm4b:s3+s2], $0x20, s14, s2, $0x2000b8;
	[tilespmem:$0xEE20] =	vst v63  }
0x160: {  	_ =	swait.ge @!p3 [sflag:s16], $0x1000  }
0x161: {  	[sflag:s16] =	ssyncset.done @!p3 $0x0  }
0x162: {  	s24 =	simm.s32 @p1 $0x3000;
	[sflag:s16] =	ssyncadd.s32 @!p3 $0xFFFFF000;
	s16 =	sadd.s32 $0x100, s0  }
0x163: {  	[tilespmem:s24], [sflag:$0x3] =	stream.indirect.gather @p1 [spmem:s4], $0x20, s16, s12, $0x2000b8;
	[tilespmem:$0xEE20] =	vst v63  }
0x164: {  	s21 =	simm.s32 @!p2 $0x3000  }
0x165: {  	[tilespmem:s21], [sflag:$0x3] =	stream.indirect.gather @!p2 [hbm4b:s18+s5], $0x20, s16, s5, $0x2000b8;
	[tilespmem:$0xEE20] =	vst v63  }
0x166: {  	s17 =	simm.s32 @!p3 $0x8;
	s14 =	simm.s32 @!p0 $0x3000  }
0x167: {  	[tilespmem:s14], [sflag:$0x3] =	stream.indirect.gather @!p0 [hbm4b:s3+s2], $0x20, s16, s2, $0x2000b8;
	[tilespmem:$0xEE20] =	vst v63  }
0x168: {  	_ =	swait.ge @!p3 [sflag:s17], $0x1000  }
0x169: {  	[sflag:s17] =	ssyncset.done @!p3 $0x0  }
0x16a: {  	s26 =	simm.s32 @p1 $0x4000;
	s0 =	sadd.s32 $0x180, s0;
	[sflag:s17] =	ssyncadd.s32 @!p3 $0xFFFFF000  }
0x16b: {  	[tilespmem:s26], [sflag:$0x4] =	stream.indirect.gather @p1 [spmem:s4], $0x20, s0, s12, $0x2000b8;
	[tilespmem:$0xEE20] =	vst v63  }
0x16c: {  	s22 =	simm.s32 @!p2 $0x4000;
	p3 =	seq.s32 s25, $0x980  }
0x16d: {  	[tilespmem:s22], [sflag:$0x4] =	stream.indirect.gather @!p2 [hbm4b:s18+s5], $0x20, s0, s5, $0x2000b8;
	[tilespmem:$0xEE20] =	vst v63  }
0x16e: {  	s8 =	simm.s32 @!p0 $0x4000;
	s16 =	rddreg [dreg:$0x7];
	s7 =	sshll.u32 @!p3 s7, $0xA  }
0x16f: {  	[tilespmem:s8], [sflag:$0x4] =	stream.indirect.gather @!p0 [hbm4b:s3+s2], $0x20, s0, s2, $0x2000b8;
	[tilespmem:$0xEE20] =	vst v63  }
0x170: {  	s16 =	sadd.s32 @!p3 s25, s16;
	s17 =	simm.s32 @!p3 $0x0;
	s0 =	sxor.u32 @!p3 $0x400, s7  }
0x171: {  	[tilespmem:s0], [sflag:$0x9] =	stream.linear.gather @!p3 [hbm4b:s16+s17], $0x400, $0x200038;
	[tilespmem:$0xEE20] =	vst v63  }
0x172: {  	s0 =	simm.s32 @!p3 $0x9  }
0x173: {  	_ =	swait.ge @!p3 [sflag:s0], $0x400  }
0x174: {  	s16 =	rddreg [dreg:$0x6];
	[sflag:s0] =	ssyncset.done @!p3 $0x0  }
0x175: {  	[sflag:s0] =	ssyncadd.s32 @!p3 $0xFFFFFC00;
	s16 =	sadd.s32 @!p3 s25, s16;
	s25 =	sxor.u32 @!p3 $0xC00, s7  }
0x176: {  	[tilespmem:s25], [sflag:$0x9] =	stream.linear.gather @!p3 [hbm4b:s16+s17], $0x400, $0x200038;
	[tilespmem:$0xEE20] =	vst v63  }
0x177: {  	_ =	swait.ge @!p3 [sflag:s0], $0x400  }
0x178: {  	[sflag:s0] =	ssyncset.done @!p3 $0x0  }
0x179: {  	s17 =	simm.s32 $0x1;
	[sflag:s0] =	ssyncadd.s32 @!p3 $0xFFFFFC00  }
0x17a: {  	_ =	swait.ge [sflag:s17], $0x1000  }
0x17b: {  	s13 =	simm.s32 $0x2;
	s7 =	simm.s32 @p3 $0x400;
	[sflag:s17] =	ssyncset.done $0x0  }
0x17c: {  	s29 =	sor.u32 $0x800, s7;
	s25 =	simm.s32 $0x1000;
	[sflag:s17] =	ssyncadd.s32 $0xFFFFF000  }
0x17d: {  	[spmem:s10] =	stream.indirect.scatter.add.f32 [tilespmem:s25], [sflag:$0x5], $0x20, s29, s28, $0x2000b8;
	[tilespmem:$0xEE20] =	vst v63  }
0x17e: {  	_ =	swait.ge [sflag:s13], $0x1000  }
0x17f: {  	s1 =	simm.s32 $0x2000;
	[sflag:s13] =	ssyncset.done $0x0  }
0x180: {  	s30 =	sadd.s32 $0x880, s7;
	s29 =	simm.s32 $0x3;
	[sflag:s13] =	ssyncadd.s32 $0xFFFFF000  }
0x181: {  	[spmem:s10] =	stream.indirect.scatter.add.f32 [tilespmem:s1], [sflag:$0x6], $0x20, s30, s28, $0x2000b8;
	[tilespmem:$0xEE20] =	vst v63  }
0x182: {  	_ =	swait.ge [sflag:s29], $0x1000  }
0x183: {  	[sflag:s29] =	ssyncset.done $0x0  }
0x184: {  	s16 =	sadd.s32 $0x900, s7;
	s30 =	simm.s32 $0x3000;
	[sflag:s29] =	ssyncadd.s32 $0xFFFFF000  }
0x185: {  	[spmem:s10] =	stream.indirect.scatter.add.f32 [tilespmem:s30], [sflag:$0x7], $0x20, s16, s28, $0x2000b8;
	[tilespmem:$0xEE20] =	vst v63  }
0x186: {  	_ =	swait.ge [sflag:s11], $0x1000  }
0x187: {  	[sflag:s11] =	ssyncset.done $0x0  }
0x188: {  	s6 =	simm.s32 $0x4000;
	s16 =	sadd.s32 $0x980, s7;
	[sflag:s11] =	ssyncadd.s32 $0xFFFFF000  }
0x189: {  	[spmem:s10] =	stream.indirect.scatter.add.f32 [tilespmem:s6], [sflag:$0x8], $0x20, s16, s28, $0x2000b8;
	[tilespmem:$0xEE20] =	vst v63  }
0x18a: {  	s6 =	simm.s32 $0x5  }
0x18b: {  	_ =	swait.ge [sflag:s6], $0x1000  }
0x18c: {  	[sflag:s6] =	ssyncset.done $0x0  }
0x18d: {  	s0 =	sadd.s32 $0x200, s7;
	s16 =	simm.s32 @p1 $0x6;
	[sflag:s6] =	ssyncadd.s32 $0xFFFFF000  }
0x18e: {  	[tilespmem:s20], [sflag:$0x1] =	stream.indirect.gather @p1 [spmem:s4], $0x20, s0, s12, $0x2000b8;
	[tilespmem:$0xEE20] =	vst v63  }
0x18f: {  	_ =	swait.ge @p1 [sflag:s16], $0x1000  }
0x190: {  	[sflag:s16] =	ssyncset.done @p1 $0x0  }
0x191: {  	[sflag:s16] =	ssyncadd.s32 @p1 $0xFFFFF000;
	s16 =	sadd.s32 @p1 $0x280, s7  }
0x192: {  	[tilespmem:s23], [sflag:$0x2] =	stream.indirect.gather @p1 [spmem:s4], $0x20, s16, s12, $0x2000b8;
	[tilespmem:$0xEE20] =	vst v63  }
0x193: {  	s16 =	simm.s32 @p1 $0x7  }
0x194: {  	_ =	swait.ge @p1 [sflag:s16], $0x1000  }
0x195: {  	[sflag:s16] =	ssyncset.done @p1 $0x0  }
0x196: {  	[sflag:s16] =	ssyncadd.s32 @p1 $0xFFFFF000;
	s16 =	sadd.s32 @p1 $0x300, s7  }
0x197: {  	[tilespmem:s24], [sflag:$0x3] =	stream.indirect.gather @p1 [spmem:s4], $0x20, s16, s12, $0x2000b8;
	[tilespmem:$0xEE20] =	vst v63  }
0x198: {  	s16 =	simm.s32 @p1 $0x8  }
0x199: {  	_ =	swait.ge @p1 [sflag:s16], $0x1000  }
0x19a: {  	[sflag:s16] =	ssyncset.done @p1 $0x0  }
0x19b: {  	[sflag:s16] =	ssyncadd.s32 @p1 $0xFFFFF000;
	s16 =	sadd.s32 @p1 $0x380, s7  }
0x19c: {  	[tilespmem:s26], [sflag:$0x4] =	stream.indirect.gather @p1 [spmem:s4], $0x20, s16, s12, $0x2000b8;
	[tilespmem:$0xEE20] =	vst v63  }
0x19d: {  	s12 =	simm.s32 @!p2 $0x6  }
0x19e: {  	[tilespmem:s15], [sflag:$0x1] =	stream.indirect.gather @!p2 [hbm4b:s18+s5], $0x20, s0, s5, $0x2000b8;
	[tilespmem:$0xEE20] =	vst v63  }
0x19f: {  	_ =	swait.ge @!p2 [sflag:s12], $0x1000  }
0x1a0: {  	[sflag:s12] =	ssyncset.done @!p2 $0x0  }
0x1a1: {  	s15 =	simm.s32 @!p2 $0x7;
	[sflag:s12] =	ssyncadd.s32 @!p2 $0xFFFFF000;
	s12 =	sadd.s32 @!p1 $0x280, s7  }
0x1a2: {  	[tilespmem:s19], [sflag:$0x2] =	stream.indirect.gather @!p2 [hbm4b:s18+s5], $0x20, s12, s5, $0x2000b8;
	[tilespmem:$0xEE20] =	vst v63  }
0x1a3: {  	_ =	swait.ge @!p2 [sflag:s15], $0x1000  }
0x1a4: {  	[sflag:s15] =	ssyncset.done @!p2 $0x0  }
0x1a5: {  	s16 =	simm.s32 @!p2 $0x8;
	[sflag:s15] =	ssyncadd.s32 @!p2 $0xFFFFF000;
	s15 =	sadd.s32 @!p1 $0x300, s7  }
0x1a6: {  	[tilespmem:s21], [sflag:$0x3] =	stream.indirect.gather @!p2 [hbm4b:s18+s5], $0x20, s15, s5, $0x2000b8;
	[tilespmem:$0xEE20] =	vst v63  }
0x1a7: {  	_ =	swait.ge @!p2 [sflag:s16], $0x1000  }
0x1a8: {  	[sflag:s16] =	ssyncset.done @!p2 $0x0  }
0x1a9: {  	[sflag:s16] =	ssyncadd.s32 @!p2 $0xFFFFF000;
	s16 =	sadd.s32 @!p1 $0x380, s7  }
0x1aa: {  	[tilespmem:s22], [sflag:$0x4] =	stream.indirect.gather @!p2 [hbm4b:s18+s5], $0x20, s16, s5, $0x2000b8;
	[tilespmem:$0xEE20] =	vst v63  }
0x1ab: {  	_ = 	snop  }
0x1ac: {  	[tilespmem:s31], [sflag:$0x1] =	stream.indirect.gather @!p0 [hbm4b:s3+s2], $0x20, s0, s2, $0x2000b8;
	[tilespmem:$0xEE20] =	vst v63  }
0x1ad: {  	s0 =	simm.s32 @!p0 $0x6  }
0x1ae: {  	_ =	swait.ge @!p0 [sflag:s0], $0x1000  }
0x1af: {  	[sflag:s0] =	ssyncset.done @!p0 $0x0  }
0x1b0: {  	[sflag:s0] =	ssyncadd.s32 @!p0 $0xFFFFF000;
	s0 =	simm.s32 @!p0 $0x7  }
0x1b1: {  	[tilespmem:s9], [sflag:$0x2] =	stream.indirect.gather @!p0 [hbm4b:s3+s2], $0x20, s12, s2, $0x2000b8;
	[tilespmem:$0xEE20] =	vst v63  }
0x1b2: {  	_ =	swait.ge @!p0 [sflag:s0], $0x1000  }
0x1b3: {  	[sflag:s0] =	ssyncset.done @!p0 $0x0  }
0x1b4: {  	[sflag:s0] =	ssyncadd.s32 @!p0 $0xFFFFF000;
	s0 =	simm.s32 @!p0 $0x8  }
0x1b5: {  	[tilespmem:s14], [sflag:$0x3] =	stream.indirect.gather @!p0 [hbm4b:s3+s2], $0x20, s15, s2, $0x2000b8;
	[tilespmem:$0xEE20] =	vst v63  }
0x1b6: {  	_ =	swait.ge @!p0 [sflag:s0], $0x1000  }
0x1b7: {  	[sflag:s0] =	ssyncset.done @!p0 $0x0  }
0x1b8: {  	[sflag:s0] =	ssyncadd.s32 @!p0 $0xFFFFF000  }
0x1b9: {  	[tilespmem:s8], [sflag:$0x4] =	stream.indirect.gather @!p0 [hbm4b:s3+s2], $0x20, s16, s2, $0x2000b8;
	[tilespmem:$0xEE20] =	vst v63  }
0x1ba: {  	_ =	swait.ge [sflag:s17], $0x1000  }
0x1bb: {  	[sflag:s17] =	ssyncset.done $0x0  }
0x1bc: {  	s3 =	sadd.s32 $0xA00, s7;
	[sflag:s17] =	ssyncadd.s32 $0xFFFFF000  }
0x1bd: {  	[spmem:s10] =	stream.indirect.scatter.add.f32 [tilespmem:s25], [sflag:$0x5], $0x20, s3, s28, $0x2000b8;
	[tilespmem:$0xEE20] =	vst v63  }
0x1be: {  	_ =	swait.ge [sflag:s13], $0x1000  }
0x1bf: {  	[sflag:s13] =	ssyncset.done $0x0  }
0x1c0: {  	s4 =	sadd.s32 $0xA80, s7;
	[sflag:s13] =	ssyncadd.s32 $0xFFFFF000  }
0x1c1: {  	[spmem:s10] =	stream.indirect.scatter.add.f32 [tilespmem:s1], [sflag:$0x6], $0x20, s4, s28, $0x2000b8;
	[tilespmem:$0xEE20] =	vst v63  }
0x1c2: {  	_ =	swait.ge [sflag:s29], $0x1000  }
0x1c3: {  	[sflag:s29] =	ssyncset.done $0x0  }
0x1c4: {  	s5 =	sadd.s32 $0xB00, s7;
	[sflag:s29] =	ssyncadd.s32 $0xFFFFF000  }
0x1c5: {  	[spmem:s10] =	stream.indirect.scatter.add.f32 [tilespmem:s30], [sflag:$0x7], $0x20, s5, s28, $0x2000b8;
	[tilespmem:$0xEE20] =	vst v63  }
0x1c6: {  	_ =	swait.ge [sflag:s11], $0x1000  }
0x1c7: {  	[sflag:s11] =	ssyncset.done $0x0  }
0x1c8: {  	s9 =	simm.s32 $0x4000;
	s8 =	sadd.s32 $0xB80, s7;
	[sflag:s11] =	ssyncadd.s32 $0xFFFFF000  }
0x1c9: {  	[spmem:s10] =	stream.indirect.scatter.add.f32 [tilespmem:s9], [sflag:$0x8], $0x20, s8, s28, $0x2000b8;
	[tilespmem:$0xEE20] =	vst v63  }
0x1ca: {  	_ =	swait.ge [sflag:s6], $0x1000  }
0x1cb: {  	[sflag:s6] =	ssyncset.done $0x0  }
0x1cc: {  	s12 =	simm.s32 $0x6;
	[sflag:s6] =	ssyncadd.s32 $0xFFFFF000  }
0x1cd: {  	_ =	swait.ge [sflag:s12], $0x1000  }
0x1ce: {  	[sflag:s12] =	ssyncset.done $0x0  }
0x1cf: {  	s13 =	simm.s32 $0x7;
	[sflag:s12] =	ssyncadd.s32 $0xFFFFF000  }
0x1d0: {  	_ =	swait.ge [sflag:s13], $0x1000  }
0x1d1: {  	[sflag:s13] =	ssyncset.done $0x0  }
0x1d2: {  	s14 =	simm.s32 $0x8;
	[sflag:s13] =	ssyncadd.s32 $0xFFFFF000  }
0x1d3: {  	_ =	swait.ge [sflag:s14], $0x1000  }
0x1d4: {  	[sflag:s14] =	ssyncset.done $0x0  }
0x1d5: {  	[sflag:s14] =	ssyncadd.s32 $0xFFFFF000  }
0x1d6: {  	[bflag:$0x0] =	sbarrier.arrive $0xFFFF  }
0x1d7: {  	_ =	strace $0x90000052  }
0x1d8: {  	_ =	strace $0x80000053  }
0x1d9: {  	s19 =	sld [smem:$0x7FD]  }
0x1da: {  	s15 =	rddreg [dreg:$0xb]  }
0x1db: {  	s5 =	simm.s32 $0x10;
	s6 =	simm.s32 $0x9;
	s16 =	rddreg [dreg:$0x16]  }
0x1dc: {  	[hbm:s15@s5], [sflag:s19] =	dma.strided [spmem:s16@s11], $0x1F4, s17, $0x4   }
0x1dd: {  	_ =	swait.ge [sflag:s6], $0x1F4  }
0x1de: {  	[sflag:s6] =	ssyncset.done $0x0;
	s20 =	rddreg [dreg:$0xc]  }
0x1df: {  	s21 =	rddreg [dreg:$0x17];
	[sflag:s6] =	ssyncadd.s32 $0xFFFFFE0C  }
0x1e0: {  	[hbm:s20@s5], [sflag:s19] =	dma.strided [spmem:s21@s11], $0x1F4, s17, $0x4   }
0x1e1: {  	_ =	swait.ge [sflag:s6], $0x1F4  }
0x1e2: {  	[sflag:s6] =	ssyncset.done $0x0;
	s22 =	rddreg [dreg:$0xd]  }
0x1e3: {  	s23 =	rddreg [dreg:$0x18];
	[sflag:s6] =	ssyncadd.s32 $0xFFFFFE0C  }
0x1e4: {  	[hbm:s22@s5], [sflag:s19] =	dma.strided [spmem:s23@s11], $0x1F4, s17, $0x4   }
0x1e5: {  	_ =	swait.ge [sflag:s6], $0x1F4  }
0x1e6: {  	[sflag:s6] =	ssyncset.done $0x0;
	s24 =	rddreg [dreg:$0xe]  }
0x1e7: {  	s25 =	rddreg [dreg:$0x19];
	[sflag:s6] =	ssyncadd.s32 $0xFFFFFE0C  }
0x1e8: {  	[hbm:s24@s5], [sflag:s19] =	dma.strided [spmem:s25@s11], $0x1F4, s17, $0x4   }
0x1e9: {  	_ =	swait.ge [sflag:s6], $0x1F4  }
0x1ea: {  	[sflag:s6] =	ssyncset.done $0x0;
	s26 =	rddreg [dreg:$0xf]  }
0x1eb: {  	s28 =	rddreg [dreg:$0x1a];
	[sflag:s6] =	ssyncadd.s32 $0xFFFFFE0C  }
0x1ec: {  	[hbm:s26@s5], [sflag:s19] =	dma.strided [spmem:s28@s11], $0x1F4, s17, $0x4   }
0x1ed: {  	_ =	swait.ge [sflag:s6], $0x1F4  }
0x1ee: {  	s29 =	rddreg [dreg:$0x1f]  }
0x1ef: {  	s30 =	rddreg [dreg:$0x13];
	s1 =	sadd.s32 $0x1, s29  }
0x1f0: {  	p0 =	sne.s32 s1, s30  }
.Ltmp1:
0x1f1: {  	_ = 	snop;
	(pc) =	sbr.rel @p0 .LBB2_1-.Ltmp1, $4  }
0x1f2: {  	_ = 	snop  }
0x1f3: {  	[sflag:s6] =	ssyncset.done $0x0  }
0x1f4: {  	[sflag:s6] =	ssyncadd.s32 $0xFFFFFE0C  }
0x1f5: {  	s31 =	simm.s32 $0x4000;
	_ =	strace $0x90000053  }
0x1f6: {  	_ =	sfence.sel $0x180000  }
0x1f7: {  	[bflag:$0x0] =	sbarrier.arrive $0xFFFF  }
0x1f8: {  	_ =	strace $0x90000050  }
0x1f9: {  	s0 =	stileid.u32;
	[bflag:$0x2] =	sbarrier.arrive $0xFFFF  }
0x1fa: {  	p0 =	sne.s32 s0, $0x0;
	s0 =	rddreg [dreg:$0x4]  }
0x1fb: {  	s0 =	sadd.s32 @!p0 $0x100000, s0  }
0x1fc: {  	[sflag:s0] =	ssyncadd.tile.s32 @!p0 $0x1;
	_ =	shalt  }
.Lfunc_end2:
_tile_overlayer_lowered:
.L_overlay_start_2:
0x1fd: {  	(tag) =	ssettag $0x2  }
0x1fe: {  	s0 =	rddreg [dreg:$0x0];
	s2 =	stileid.u32  }
0x1ff: {  	s1 =	rddreg [dreg:$0x1];
	p0 =	sne.s32 s2, $0x0  }
0x200: {  	s3 =	rddreg [dreg:$0x2];
	[bflag:$0x3] =	sbarrier.arrive $0xFFFF;
	s2 =	simm.s32 @!p0 $0x1C09  }
0x201: {  	[timem:s3], [sflag:s2] =	dma.local @!p0 [hbm:s0], s1  }
0x202: {  	s0 =	simm.s32 @!p0 $0x9  }
0x203: {  	_ =	swait.ge @!p0 [sflag:s0], s1  }
0x204: {  	s1 =	ssub.s32 @!p0 $0x0, s1;
	[sflag:s0] =	ssyncset.done @!p0 $0x0  }
0x205: {  	[sflag:s0] =	ssyncadd.s32 @!p0 s1  }
0x206: {  	[bflag:$0x3] =	sbarrier.arrive $0xFFFF  }
0x207: {  	_ =	shalt  }

// kernel: kernel.9.cloned.1.call-start
scs
__scs_entry_jumppad:
0x0: {  	(pc) =	sbr.rel $0x88, $3  }
0x1: {  	(tag) =	ssettag $0x0;
	lr =	simm.s32 $0x1  }
0x2: {  	[smem:$0x3F9B] =	sst lr;
	_ =	strace $0xD0000000  }
0x3: {  	_ = 	snop  }
0x4: {  	_ = 	snop  }
0x5: {  	_ = 	snop  }
0x6: {  	_ = 	snop  }
0x7: {  	_ = 	snop  }
__scs_overlays_trampoline_lowered:
0x8: {  	[smem:$0x3FAA] =	sst s0  }
0x9: {  	[smem:$0x3FAB] =	sst s1  }
0xa: {  	[smem:$0x3FAC] =	sst s2  }
0xb: {  	[smem:$0x3FAD] =	sst s3  }
0xc: {  	[smem:$0x3FAE] =	sst s4  }
0xd: {  	[smem:$0x3FAF] =	sst s5  }
0xe: {  	[smem:$0x3FB0] =	sst s6  }
0xf: {  	[smem:$0x3FB1] =	sst s7  }
0x10: {  	[smem:$0x3FB2] =	sst s8  }
0x11: {  	[smem:$0x3FB3] =	sst s9;
	s0 =	simm.s32 @!p0 $0x0  }
0x12: {  	s1 =	sld [smem:$0x3F99];
	s0 =	simm.s32 @p0 $0x1  }
0x13: {  	[smem:$0x3FB4] =	sst s0;
	s0 =	simm.s32 @!p1 $0x0  }
0x14: {  	s2 =	sld [smem:$0x3F98];
	s0 =	simm.s32 @p1 $0x1  }
0x15: {  	[smem:$0x3FB5] =	sst s0;
	s0 =	simm.s32 @!p2 $0x0  }
0x16: {  	s3 =	sld [smem:$0x3FDB];
	s0 =	simm.s32 @p2 $0x1  }
0x17: {  	s4 =	simm.s32 $0x1BF5;
	[smem:$0x3FB7] =	sst s0  }
0x18: {  	s0 =	sld [smem:$0x3F9A];
	_ =	swait.ge [sflag:s4], $0x0  }
0x19: {  	s7 =	sld [smem:$0x3F9B]  }
0x1a: {  	s8 =	sadd.s32 $0xFFFFE003, lr  }
0x1b: {  	s9 =	sadd.s32 $0xFFFFFEF7, lr;
	s5 =	simm.s32 $0xFFFFFFFF;
	p2 =	slt.u32 s8, $0xFFFFF086  }
0x1c: {  	p1 =	slt.u32 s9, $0xF7A;
	s5 =	simm.s32 @!p2 $0x0  }
0x1d: {  	s5 =	simm.s32 @p1 $0x1;
	p0 =	seq.s32 s7, s2  }
0x1e: {  	s7 =	smul.u32 @!p0 $0xF7A, s2;
	p2 =	seq.s32 @!p0 s5, $0x0  }
0x1f: {  	s9 =	smul.u32 $0xF7A, s1;
	s8 =	simm.s32 @!p0 $0x1BF5;
	p2 =	por !p2, p0  }
0x20: {  	[sflag:s8] =	ssyncset.s32 @!p0 $0xFFFFF086;
	s6 =	sadd.s32 @!p0 s3, s7;
	s7 =	simm.s32 @!p0 $0x108  }
0x21: {  	s3 =	sadd.s32 s3, s9;
	s6 =	sadd.s32 @!p0 $0x88, s6;
	s7 =	simm.s32 @p2 $0x1082  }
0x22: {  	[simem:s7], [sflag:s8] =	dma.local @!p0 [hbm:s6], $0xF7A  }
0x23: {  	s9 =	sor.u32 $0xD0000000, s2;
	s6 =	simm.s32 $0x108;
	_ =	swait.ge @!p0 [sflag:s8], $0x0  }
0x24: {  	s3 =	sadd.s32 $0x88, s3;
	s6 =	simm.s32 @!p1 $0x1082;
	[sflag:s4] =	ssyncset.s32 $0xFFFFF086  }
0x25: {  	[simem:s6], [sflag:s4] =	dma.local [hbm:s3], $0xF7A  }
0x26: {  	[smem:$0x3F9B] =	sst s1;
	(tag) =	ssettag s2;
	_ =	strace s9  }
0x27: {  	s1 =	sld [smem:$0x3FAB]  }
0x28: {  	s2 =	sld [smem:$0x3FAC]  }
0x29: {  	s4 =	sld [smem:$0x3FAE]  }
0x2a: {  	p0 =	seq.s32 s5, $0x0;
	s5 =	sld [smem:$0x3FAF]  }
0x2b: {  	s6 =	sld [smem:$0x3FB0]  }
0x2c: {  	s7 =	sld [smem:$0x3FB1]  }
0x2d: {  	s3 =	simm.s32 $0x108;
	s8 =	sld [smem:$0x3FB2]  }
0x2e: {  	s3 =	simm.s32 @!p0 $0x1082;
	s9 =	sld [smem:$0x3FB3]  }
0x2f: {  	lr =	sadd.s32 s0, s3;
	s0 =	sld [smem:$0x3FAA]  }
0x30: {  	s3 =	sld [smem:$0x3FAD]  }
0x31: {  	[smem:$0x3FB6] =	sst s10  }
0x32: {  	s10 =	sld [smem:$0x3FB4];
	_ =	sdelay $0x3  }
0x33: {  	p0 =	seq.s32 s10, $0x1;
	s10 =	sld [smem:$0x3FB6];
	_ =	sdelay $0x3  }
0x34: {  	[smem:$0x3FB6] =	sst s10  }
0x35: {  	s10 =	sld [smem:$0x3FB5];
	_ =	sdelay $0x3  }
0x36: {  	p1 =	seq.s32 s10, $0x1;
	s10 =	sld [smem:$0x3FB6];
	_ =	sdelay $0x3  }
0x37: {  	[smem:$0x3FB6] =	sst s10  }
0x38: {  	s10 =	sld [smem:$0x3FB7]  }
0x39: {  	_ = 	snop;
	(pc) =	sbr.ind lr, $3  }
0x3a: {  	_ = 	snop  }
0x3b: {  	_ = 	snop  }
0x3c: {  	p2 =	seq.s32 s10, $0x1;
	s10 =	sld [smem:$0x3FB6]  }
0x3d: {  	_ =	shalt  }
0x3e: {  	_ =	shalt  }
0x3f: {  	_ =	shalt  }
0x40: {  	_ =	shalt  }
0x41: {  	_ =	shalt  }
0x42: {  	_ =	shalt  }
0x43: {  	_ =	shalt  }
0x44: {  	_ =	shalt  }
0x45: {  	_ =	shalt  }
0x46: {  	_ =	shalt  }
0x47: {  	_ =	shalt  }
0x48: {  	_ =	shalt  }
0x49: {  	_ =	shalt  }
0x4a: {  	_ =	shalt  }
0x4b: {  	_ =	shalt  }
0x4c: {  	_ =	shalt  }
0x4d: {  	_ =	shalt  }
0x4e: {  	_ =	shalt  }
0x4f: {  	_ =	shalt  }
0x50: {  	_ =	shalt  }
0x51: {  	_ =	shalt  }
0x52: {  	_ =	shalt  }
0x53: {  	_ =	shalt  }
0x54: {  	_ =	shalt  }
0x55: {  	_ =	shalt  }
0x56: {  	_ =	shalt  }
0x57: {  	_ =	shalt  }
0x58: {  	_ =	shalt  }
0x59: {  	_ =	shalt  }
0x5a: {  	_ =	shalt  }
0x5b: {  	_ =	shalt  }
0x5c: {  	_ =	shalt  }
0x5d: {  	_ =	shalt  }
0x5e: {  	_ =	shalt  }
0x5f: {  	_ =	shalt  }
0x60: {  	_ =	shalt  }
0x61: {  	_ =	shalt  }
0x62: {  	_ =	shalt  }
0x63: {  	_ =	shalt  }
0x64: {  	_ =	shalt  }
0x65: {  	_ =	shalt  }
0x66: {  	_ =	shalt  }
0x67: {  	_ =	shalt  }
0x68: {  	_ =	shalt  }
0x69: {  	_ =	shalt  }
0x6a: {  	_ =	shalt  }
0x6b: {  	_ =	shalt  }
0x6c: {  	_ =	shalt  }
0x6d: {  	_ =	shalt  }
0x6e: {  	_ =	shalt  }
0x6f: {  	_ =	shalt  }
0x70: {  	_ =	shalt  }
0x71: {  	_ =	shalt  }
0x72: {  	_ =	shalt  }
0x73: {  	_ =	shalt  }
0x74: {  	_ =	shalt  }
0x75: {  	_ =	shalt  }
0x76: {  	_ =	shalt  }
0x77: {  	_ =	shalt  }
0x78: {  	_ =	shalt  }
0x79: {  	_ =	shalt  }
0x7a: {  	_ =	shalt  }
0x7b: {  	_ =	shalt  }
0x7c: {  	_ =	shalt  }
0x7d: {  	_ =	shalt  }
0x7e: {  	_ =	shalt  }
0x7f: {  	_ =	shalt  }
0x80: {  	_ =	shalt  }
0x81: {  	_ =	shalt  }
0x82: {  	_ =	shalt  }
0x83: {  	_ =	shalt  }
0x84: {  	_ =	shalt  }
0x85: {  	_ =	shalt  }
0x86: {  	_ =	shalt  }
0x87: {  	_ =	shalt  }
.Lfunc_end0:
.L_simem_size_0:
called_computation_lowered:
.L_overlay_start_0:
0x88: {  	s2 =	sld [smem:$0x3FD9]  }
0x89: {  	s3 =	sld [smem:$0x3FFE];
	_ =	sdelay $0x1  }
0x8a: {  	s1 =	srdreg.scid  }
0x8b: {  	s0 =	sand.u32 $0x1, s1  }
0x8c: {  	s17 =	sshll.u32 s0, $0xA;
	s2 =	sadd.s32 s3, s2  }
0x8d: {  	s2 =	sadd.s32 s2, s17  }
0x8e: {  	[smem:$0x3FC2] =	sst s2  }
0x8f: {  	_ = 	snop  }
0x90: {  	s2 =	sld [smem:$0x3FD0];
	(tm) =	ssettm $0x1  }
0x91: {  	s18 =	sld [smem:$0x3FFB];
	_ =	sdelay $0x3  }
0x92: {  	_ =	strace s18  }
0x93: {  	s3 =	sld [smem:$0x3FFC];
	_ =	sdelay $0x3  }
0x94: {  	_ =	strace s3  }
0x95: {  	s3 =	sld [smem:$0x3FFD];
	_ =	sdelay $0x3  }
0x96: {  	_ =	strace s3  }
0x97: {  	_ =	strace $0x8FFFFFFF  }
0x98: {  	s19 =	sld [smem:$0x3FDB];
	_ =	sdelay $0x1  }
0x99: {  	s4 =	simm.s32 $_scs_section_size  }
0x9a: {  	s5 =	simm.s32 $_size__tile_overlayer_lowered;
	s6 =	simm.s32 $_tile_overlayer_lowered  }
0x9b: {  	s22 =	simm.s32 $0x1BFF;
	s21 =	sshll.u32 s6, $0x1;
	s3 =	sadd.s32 s4, s19  }
0x9c: {  	s7 =	simm.s32 $0x0;
	s20 =	sshll.u32 s5, $0x1;
	s5 =	sadd.s32 s21, s3  }
0x9d: {  	[timem:s7], [sflag:s22] =	dma.local [hbm:s5], s20  }
0x9e: {  	_ =	swait.ge [sflag:s22], s20  }
0x9f: {  	s4 =	ssub.s32 $0x0, s20;
	[sflag:s22] =	ssyncset.done $0x0  }
0xa0: {  	[sflag:s22] =	ssyncadd.s32 s4;
	_ =	sdelay $0x1  }
0xa1: {  	s23 =	simm.s32 $0x1B8B  }
0xa2: {  	_ =	swait.ge [sflag:s23], $0x1  }
0xa3: {  	[sflag:s23] =	ssyncset.done $0x0  }
0xa4: {  	s25 =	simm.s32 $0x1B8E;
	s24 =	sld [smem:$0x3FFE];
	[sflag:s23] =	ssyncadd.s32 $0xFFFFFFFF  }
0xa5: {  	s26 =	simm.s32 $execute0_lowered;
	[smem:$0x3FD2] =	sst s25  }
0xa6: {  	s5 =	sshll.u32 s26, $0x1;
	_ =	strace $0x80000046;
	[dreg:$0x1] =	wrdreg $0xFFFFFFFF  }
0xa7: {  	s28 =	simm.s32 $_size_execute0_lowered;
	s3 =	sadd.s32 s3, s5;
	[dreg:$0x0] =	wrdreg $0x0  }
0xa8: {  	s5 =	sshll.u32 s28, $0x1;
	[dreg:$0x2] =	wrdreg s3  }
0xa9: {  	[dreg:$0x3] =	wrdreg s5  }
0xaa: {  	[dreg:$0x4] =	wrdreg $0xC0  }
0xab: {  	_ =	task [dreg:s7], $0x5FFFF  }
0xac: {  	[dreg:$0x1] =	wrdreg $0xFFFFFFFF  }
0xad: {  	[dreg:$0x0] =	wrdreg $0x60  }
0xae: {  	[dreg:$0x2] =	wrdreg s24  }
0xaf: {  	[dreg:$0x3] =	wrdreg s2  }
0xb0: {  	[dreg:$0x4] =	wrdreg $0x38000  }
0xb1: {  	[dreg:$0x5] =	wrdreg $0x9  }
0xb2: {  	_ =	task.clear_ibuf [dreg:s7], $0x6FFFF;
	_ =	strace $0x90000046  }
0xb3: {  	s29 =	simm.s32 $0x9;
	_ =	strace $0x80000048  }
0xb4: {  	_ =	swait.ge [sflag:s29], $0x1  }
0xb5: {  	[sflag:s29] =	ssyncadd.s32 $0xFFFFFFFF  }
0xb6: {  	_ =	strace $0x90000048  }
0xb7: {  	_ =	sfence  }
0xb8: {  	s30 =	sld [smem:$0x0];
	_ =	sdelay $0x2  }
0xb9: {  	s31 =	sshll.u32 s1, $0xD;
	s1 =	sshrl.u32 s1, $0x2  }
0xba: {  	s3 =	sand.u32 $0x4000, s31;
	s1 =	sadd.s32 s1, s30  }
0xbb: {  	s0 =	sor.u32 s3, s0;
	s1 =	sshll.u32 s1, $0x11  }
0xbc: {  	s0 =	sor.u32 s1, s0  }
0xbd: {  	s0 =	sadd.s32 $0x8F2B, s0  }
0xbe: {  	[sflag:s0] =	ssyncadd.remote.s32 $0x1  }
0xbf: {  	_ =	sfence.sel $0xFFFF  }
0xc0: {  	[dreg:$0x0] =	wrdreg $0xFFFFFFFF;
	(pc) =	sbr.abs _section_cstart, $3  }
0xc1: {  	[dreg:$0x1] =	wrdreg $0xFFFFFFFF  }
0xc2: {  	_ =	task.clear_ibuf [dreg:s7], $0x2FFFF;
	_ =	strace $0x9FFFFFFF  }
0xc3: {  	(tm) =	ssettm $0x7FFFFFFF  }
tec
execute0_lowered:
.L_overlay_start_1:
0x0: {  	(tag) =	ssettag $0x1  }
0x1: {  	s6 =	rddreg [dreg:$0x0]  }
0x2: {  	s2 =	rddreg [dreg:$0x1]  }
0x3: {  	s0 =	srdreg.scid;
	s3 =	rddreg [dreg:$0x2]  }
0x4: {  	s4 =	simm.s32 $0x0;
	s20 =	simm.s32 $0x3000;
	s28 =	simm.s32 $0x10  }
0x5: {  	s29 =	simm.s32 $0x2;
	s30 =	simm.s32 $0x0;
	s5 =	sand.u32 $0x1, s0  }
0x6: {  	s0 =	stileid.u32;
	[smem:$0x7FF] =	sst s4;
	s1 =	sshll.u32 s5, $0x4  }
0x7: {  	_ =	strace $0x80000047;
	s8 =	sshll.u32 s5, $0x1;
	s10 =	smul.u32 $0xA000, s0  }
0x8: {  	s9 =	ssub.s32 $0x2, s5;
	s5 =	sadd.s32 $0xD000, s6;
	s14 =	smul.u32 $0x2710, s0  }
0x9: {  	s15 =	smul.u32 $0x9C40, s0;
	s7 =	sor.u32 s0, s1;
	s25 =	sshrl.u32 s9, $0x1  }
0xa: {  	s12 =	sadd.s32 s8, s6;
	s7 =	smul.u32 $0x500, s7;
	s13 =	ssub.s32 s9, s25  }
0xb: {  	s26 =	sshrl.u32 s10, $0x2;
	s15 =	sshrl.u32 s15, $0x2;
	s16 =	sadd.s32 $0x7D0, s14  }
0xc: {  	s31 =	sadd.s32 $0xFA0, s14;
	s17 =	sadd.s32 $0x1770, s14;
	s18 =	sadd.s32 $0x1F40, s14  }
0xd: {  	s19 =	sadd.s32 $0xD200, s12;
	s21 =	sadd.s32 s15, s3;
	s22 =	sadd.s32 s16, s3  }
0xe: {  	s23 =	sadd.s32 s31, s3;
	s24 =	sadd.s32 s17, s3;
	s25 =	sadd.s32 s18, s3  }
0xf: {  	s12 =	smax.u32 s13, $0x1;
	s13 =	sadd.s32 s19, s14;
	s14 =	sadd.s32 s19, s16  }
0x10: {  	s15 =	sadd.s32 s19, s31;
	s16 =	sadd.s32 s19, s17;
	s17 =	sadd.s32 s19, s18  }
0x11: {  	s18 =	simm.s32 $0x1;
	s19 =	simm.s32 $0x2800;
	s7 =	sadd.s32 s7, s6  }
0x12: {  	s21 =	sshrl.u32 s21, $0x3;
	s22 =	sshrl.u32 s22, $0x3;
	s23 =	sshrl.u32 s23, $0x3  }
0x13: {  	s24 =	sshrl.u32 s24, $0x3;
	s6 =	sadd.s32 $0x3000, s7;
	s7 =	sadd.s32 s26, s3  }
0x14: {  	s25 =	sshrl.u32 s25, $0x3;
	s26 =	simm.s32 $0x80;
	s8 =	sadd.s32 $0x800, s7  }
0x15: {  	s9 =	sadd.s32 $0x1000, s7;
	s10 =	sadd.s32 $0x1800, s7;
	s11 =	sadd.s32 $0x2000, s7  }
.LBB2_1:
0x16: {  	[tilespmem:s4], [sflag:$0x1] =	stream.linear.gather [hbm4b:s6+s4], $0x2800, $0x38;
	[tilespmem:$0x6000] =	vst v63  }
0x17: {  	_ =	swait.ge [sflag:s18], $0x2800  }
0x18: {  	[sflag:s18] =	ssyncset.done $0x0  }
0x19: {  	[sflag:s18] =	ssyncadd.s32 $0xFFFFD800  }
0x1a: {  	[tilespmem:s19], [sflag:$0x1] =	stream.linear.gather [hbm4b:s2+s4], $0x800, $0x38;
	[tilespmem:$0x6000] =	vst v63  }
0x1b: {  	_ =	swait.ge [sflag:s18], $0x800  }
0x1c: {  	[sflag:s18] =	ssyncset.done $0x0  }
0x1d: {  	[sflag:s18] =	ssyncadd.s32 $0xFFFFF800  }
0x1e: {  	[tilespmem:s20], [sflag:$0x1] =	stream.linear.gather [hbm4b:s5+s4], $0x800, $0x38;
	[tilespmem:$0x6000] =	vst v63  }
0x1f: {  	_ =	swait.ge [sflag:s18], $0x800  }
0x20: {  	[sflag:s18] =	ssyncset.done $0x0  }
0x21: {  	[sflag:s18] =	ssyncadd.s32 $0xFFFFF800  }
0x22: {  	[spmem:s7] =	stream.linear.scatter [tilespmem:s20], [sflag:$0x1], $0x800, $0x38;
	[tilespmem:$0x6000] =	vst v63  }
0x23: {  	_ =	swait.ge [sflag:s18], $0x800  }
0x24: {  	[sflag:s18] =	ssyncset.done $0x0  }
0x25: {  	[sflag:s18] =	ssyncadd.s32 $0xFFFFF800  }
0x26: {  	[spmem:s8] =	stream.linear.scatter [tilespmem:s20], [sflag:$0x1], $0x800, $0x38;
	[tilespmem:$0x6000] =	vst v63  }
0x27: {  	_ =	swait.ge [sflag:s18], $0x800  }
0x28: {  	[sflag:s18] =	ssyncset.done $0x0  }
0x29: {  	[sflag:s18] =	ssyncadd.s32 $0xFFFFF800  }
0x2a: {  	[spmem:s9] =	stream.linear.scatter [tilespmem:s20], [sflag:$0x1], $0x800, $0x38;
	[tilespmem:$0x6000] =	vst v63  }
0x2b: {  	_ =	swait.ge [sflag:s18], $0x800  }
0x2c: {  	[sflag:s18] =	ssyncset.done $0x0  }
0x2d: {  	[sflag:s18] =	ssyncadd.s32 $0xFFFFF800  }
0x2e: {  	[spmem:s10] =	stream.linear.scatter [tilespmem:s20], [sflag:$0x1], $0x800, $0x38;
	[tilespmem:$0x6000] =	vst v63  }
0x2f: {  	_ =	swait.ge [sflag:s18], $0x800  }
0x30: {  	[sflag:s18] =	ssyncset.done $0x0  }
0x31: {  	[sflag:s18] =	ssyncadd.s32 $0xFFFFF800  }
0x32: {  	[spmem:s11] =	stream.linear.scatter [tilespmem:s20], [sflag:$0x1], $0x800, $0x38;
	[tilespmem:$0x6000] =	vst v63  }
0x33: {  	_ =	swait.ge [sflag:s18], $0x800  }
0x34: {  	[sflag:s18] =	ssyncset.done $0x0  }
0x35: {  	[sflag:s18] =	ssyncadd.s32 $0xFFFFF800  }
0x36: {  	s31 =	simm.s32 $0x0;
	[bflag:$0x0] =	sbarrier.arrive $0xFFFF  }
0x37: {  	[spmem:s3] =	stream.indirect.scatter.add.f32 [tilespmem:s19], [sflag:$0x1], $0x10, s31, s26, $0xb8;
	[tilespmem:$0x6000] =	vst v63  }
0x38: {  	_ =	swait.ge [sflag:s18], $0x800  }
0x39: {  	s31 =	simm.s32 $0x200;
	[sflag:s18] =	ssyncset.done $0x0  }
.LBB2_2:
0x3a: {  	s1 =	sshra.s32 s31, $0x2;
	[sflag:s18] =	ssyncadd.s32 $0xFFFFF800;
	p0 =	sne.s32 s31, $0x9E00  }
0x3b: {  	[spmem:s3] =	stream.indirect.scatter.add.f32 [tilespmem:s19], [sflag:$0x1], $0x10, s1, s26, $0xb8;
	[tilespmem:$0x6000] =	vst v63  }
.Ltmp0:
0x3c: {  	_ = 	snop;
	(pc) =	sbr.rel @p0 .LBB2_2-.Ltmp0, $4  }
0x3d: {  	_ = 	snop  }
0x3e: {  	s31 =	sadd.s32 $0x200, s31  }
0x3f: {  	_ =	swait.ge [sflag:s18], $0x800  }
0x40: {  	[sflag:s18] =	ssyncset.done $0x0  }
0x41: {  	[sflag:s18] =	ssyncadd.s32 $0xFFFFF800;
	s1 =	sshll.u32 s0, $0x6  }
0x42: {  	[bflag:$0x0] =	sbarrier.arrive $0xFFFF;
	s1 =	sor.u32 $0x1C01, s1  }
0x43: {  	[hbm:s13@s28], [sflag:s1] =	dma.strided [spmem:s21@s29], $0xFA, s18, $0x2   }
0x44: {  	_ =	swait.ge [sflag:s18], $0xFA  }
0x45: {  	[sflag:s18] =	ssyncset.done $0x0  }
0x46: {  	[sflag:s18] =	ssyncadd.s32 $0xFFFFFF06  }
0x47: {  	[hbm:s14@s28], [sflag:s1] =	dma.strided [spmem:s22@s29], $0xFA, s18, $0x2   }
0x48: {  	_ =	swait.ge [sflag:s18], $0xFA  }
0x49: {  	[sflag:s18] =	ssyncset.done $0x0  }
0x4a: {  	[sflag:s18] =	ssyncadd.s32 $0xFFFFFF06  }
0x4b: {  	[hbm:s15@s28], [sflag:s1] =	dma.strided [spmem:s23@s29], $0xFA, s18, $0x2   }
0x4c: {  	_ =	swait.ge [sflag:s18], $0xFA  }
0x4d: {  	[sflag:s18] =	ssyncset.done $0x0  }
0x4e: {  	[sflag:s18] =	ssyncadd.s32 $0xFFFFFF06  }
0x4f: {  	[hbm:s16@s28], [sflag:s1] =	dma.strided [spmem:s24@s29], $0xFA, s18, $0x2   }
0x50: {  	s30 =	sadd.s32 $0x1, s30;
	_ =	swait.ge [sflag:s18], $0xFA  }
0x51: {  	p0 =	sne.s32 s30, s12;
	[sflag:s18] =	ssyncset.done $0x0  }
.Ltmp1:
0x52: {  	[sflag:s18] =	ssyncadd.s32 $0xFFFFFF06;
	(pc) =	sbr.rel @p0 .LBB2_1-.Ltmp1, $4  }
0x53: {  	[hbm:s17@s28], [sflag:s1] =	dma.strided [spmem:s25@s29], $0xFA, s18, $0x2   }
0x54: {  	_ =	swait.ge [sflag:s18], $0xFA  }
0x55: {  	[sflag:s18] =	ssyncset.done $0x0  }
0x56: {  	[sflag:s18] =	ssyncadd.s32 $0xFFFFFF06  }
0x57: {  	_ =	sfence.sel $0x180000  }
0x58: {  	[bflag:$0x0] =	sbarrier.arrive $0xFFFF  }
0x59: {  	_ =	strace $0x90000047  }
0x5a: {  	[bflag:$0x2] =	sbarrier.arrive $0xFFFF  }
0x5b: {  	p0 =	sne.s32 s0, $0x0;
	s0 =	rddreg [dreg:$0x3]  }
0x5c: {  	s0 =	sadd.s32 @!p0 $0x100000, s0  }
0x5d: {  	[sflag:s0] =	ssyncadd.tile.s32 @!p0 $0x1;
	_ =	shalt  }
.Lfunc_end2:
_tile_overlayer_lowered:
.L_overlay_start_2:
0x5e: {  	(tag) =	ssettag $0x2  }
0x5f: {  	s0 =	rddreg [dreg:$0x0];
	s2 =	stileid.u32  }
0x60: {  	s1 =	rddreg [dreg:$0x1];
	p0 =	sne.s32 s2, $0x0  }
0x61: {  	s3 =	rddreg [dreg:$0x2];
	[bflag:$0x3] =	sbarrier.arrive $0xFFFF;
	s2 =	simm.s32 @!p0 $0x1C01  }
0x62: {  	[timem:s3], [sflag:s2] =	dma.local @!p0 [hbm:s0], s1  }
0x63: {  	s0 =	simm.s32 @!p0 $0x1  }
0x64: {  	_ =	swait.ge @!p0 [sflag:s0], s1  }
0x65: {  	s1 =	ssub.s32 @!p0 $0x0, s1;
	[sflag:s0] =	ssyncset.done @!p0 $0x0  }
0x66: {  	[sflag:s0] =	ssyncadd.s32 @!p0 s1  }
0x67: {  	[bflag:$0x3] =	sbarrier.arrive $0xFFFF  }
0x68: {  	_ =	shalt  }

</sc_bundles>
